<compile_context>
chip_gen: v7x
topology: tpu7x:2x2x1
jax: 0.10.2.dev20260603
libtpu: 0.0.44.dev20260713+nightly
codegen_flags: <defaults>
</compile_context>

<pallas_src>
import functools

import jax
import jax.numpy as jnp
from jax import lax
from jax.experimental import pallas as pl
from jax.experimental.pallas import tpu as pltpu
from jax.experimental.pallas import tpu_sc as plsc

ROWS = 128
COLS = 100000
LANES = 16

_info = plsc.get_sparse_core_info()
_NC, _NS = _info.num_cores, _info.num_subcores
NWORKERS = _NC * _NS
CW = 232
SC_COLS = NWORKERS * 5 * CW
NBLOCKS = SC_COLS // CW
FULL_J = NBLOCKS // NWORKERS
NRB = ROWS // LANES

TC_START = 36000
TC_BR = 2000

_NEG_INF = float("-inf")
_BIG_I32 = 0x7FFFFFFF


@functools.partial(
    pl.kernel,
    out_type=(
        jax.ShapeDtypeStruct((NWORKERS, ROWS), jnp.float32),
        jax.ShapeDtypeStruct((NWORKERS, ROWS), jnp.int32),
    ),
    mesh=plsc.VectorSubcoreMesh(core_axis_name="c", subcore_axis_name="s"),
    compiler_params=pltpu.CompilerParams(
        needs_layout_passes=False,
        skip_device_barrier=True,
        disable_bounds_checks=True,
        disable_semaphore_checks=True,
    ),
    scratch_types=[
        pltpu.VMEM((CW, ROWS), jnp.float32),
        pltpu.VMEM((CW, ROWS), jnp.float32),
        pltpu.VMEM((ROWS,), jnp.float32),
        pltpu.VMEM((ROWS,), jnp.int32),
        pltpu.VMEM_SHARED((_NS, ROWS), jnp.float32),
        pltpu.VMEM_SHARED((_NS, ROWS), jnp.int32),
        pltpu.SemaphoreType.DMA,
        pltpu.SemaphoreType.DMA,
    ],
)
def _sc_argmax(xt_hbm, oval_hbm, oidx_hbm, buf0, buf1, vbuf, ibuf,
               sh_val, sh_idx, sem0, sem1):
    cid = lax.axis_index("c")
    sid = lax.axis_index("s")
    wid = cid * _NS + sid
    bufs = (buf0, buf1)
    sems = (sem0, sem1)

    def start(j):
        blk = j * NWORKERS + wid
        off = pl.multiple_of(blk * CW, 8)
        return pltpu.async_copy(
            xt_hbm.at[pl.ds(off, CW), :], bufs[j % 2], sems[j % 2]
        )

    copies = {0: start(0), 1: start(1)}

    m = [jnp.full((LANES,), _NEG_INF, jnp.float32) for _ in range(NRB)]
    a = [jnp.zeros((LANES,), jnp.int32) for _ in range(NRB)]

    for j in range(FULL_J):
        buf = bufs[j % 2]
        col0 = (j * NWORKERS + wid) * CW
        copies[j].wait()

        def body(cc, carry, buf=buf, col0=col0):
            mm = list(carry[0])
            aa = list(carry[1])
            col = col0 + cc
            for rb in range(NRB):
                x = buf[cc, pl.ds(rb * LANES, LANES)]
                gt = x > mm[rb]
                mm[rb] = jnp.where(gt, x, mm[rb])
                aa[rb] = jnp.where(gt, col, aa[rb])
            return tuple(mm), tuple(aa)

        m, a = lax.fori_loop(0, CW, body, (tuple(m), tuple(a)))
        m, a = list(m), list(a)
        if j + 2 < FULL_J:
            copies[j + 2] = start(j + 2)

    for rb in range(NRB):
        vbuf[pl.ds(rb * LANES, LANES)] = m[rb]
        ibuf[pl.ds(rb * LANES, LANES)] = a[rb]
    pltpu.sync_copy(vbuf, sh_val.at[sid])
    pltpu.sync_copy(ibuf, sh_idx.at[sid])
    plsc.subcore_barrier()

    @pl.when(sid == 0)
    def _():
        row0 = pl.multiple_of(cid * _NS, 8)
        pltpu.sync_copy(sh_val, oval_hbm.at[pl.ds(row0, _NS), :])
        pltpu.sync_copy(sh_idx, oidx_hbm.at[pl.ds(row0, _NS), :])


TC_HALF = (COLS - TC_START) // 2
TC_STEPS2 = TC_HALF // TC_BR


def _tc_scan_body(x1_ref, x2_ref, val_ref, idx_ref, m1_s, a1_s, m2_s, a2_s):
    i = pl.program_id(0)

    @pl.when(i == 0)
    def _():
        for ms, asc in ((m1_s, a1_s), (m2_s, a2_s)):
            ms[...] = jnp.full((8, ROWS), _NEG_INF, jnp.float32)
            asc[...] = jnp.zeros((8, ROWS), jnp.int32)

    for ref, ms, asc, base in (
        (x1_ref, m1_s, a1_s, TC_START),
        (x2_ref, m2_s, a2_s, TC_START + TC_HALF),
    ):
        bs = base + i * TC_BR
        x = ref[...]
        m = ms[...]
        a = asc[...]
        for k in range(TC_BR // 8):
            xk = x[k * 8:(k + 1) * 8, :]
            gt = xk > m
            m = jnp.maximum(m, xk)
            a = jnp.where(gt, bs + k * 8, a)
        ms[...] = m
        asc[...] = a

    @pl.when(i == TC_STEPS2 - 1)
    def _():
        srow = jax.lax.broadcasted_iota(jnp.int32, (8, ROWS), 0)
        m1 = m1_s[...]
        m2 = m2_s[...]
        gt = m2 > m1
        m = jnp.where(gt, m2, m1)
        a = jnp.where(gt, a2_s[...], a1_s[...])
        best = jnp.max(m, axis=0, keepdims=True)
        cand = jnp.where(m == best, a + srow, _BIG_I32)
        val_ref[...] = best
        idx_ref[...] = jnp.min(cand, axis=0, keepdims=True)


_tc_scan = pl.pallas_call(
    _tc_scan_body,
    grid=(TC_STEPS2,),
    in_specs=[
        pl.BlockSpec((TC_BR, ROWS), lambda i: (TC_START // TC_BR + i, 0)),
        pl.BlockSpec(
            (TC_BR, ROWS), lambda i: ((TC_START + TC_HALF) // TC_BR + i, 0)
        ),
    ],
    out_specs=[
        pl.BlockSpec((1, ROWS), lambda i: (0, 0)),
        pl.BlockSpec((1, ROWS), lambda i: (0, 0)),
    ],
    out_shape=(
        jax.ShapeDtypeStruct((1, ROWS), jnp.float32),
        jax.ShapeDtypeStruct((1, ROWS), jnp.int32),
    ),
    scratch_shapes=[
        pltpu.VMEM((8, ROWS), jnp.float32),
        pltpu.VMEM((8, ROWS), jnp.int32),
        pltpu.VMEM((8, ROWS), jnp.float32),
        pltpu.VMEM((8, ROWS), jnp.int32),
    ],
)


def _merge_body(scv_ref, sci_ref, tcv_ref, tci_ref, out_ref):
    v = scv_ref[...]
    i = sci_ref[...]
    tcv = tcv_ref[...]
    tci = tci_ref[...]
    overall = jnp.maximum(jnp.max(v, axis=0, keepdims=True), tcv)
    cand_sc = jnp.min(
        jnp.where(v == overall, i, _BIG_I32), axis=0, keepdims=True
    )
    cand_tc = jnp.where(tcv == overall, tci, _BIG_I32)
    out_ref[...] = jnp.minimum(cand_sc, cand_tc)


_merge = pl.pallas_call(
    _merge_body,
    out_shape=jax.ShapeDtypeStruct((1, ROWS), jnp.int32),
)


def kernel(m_logits):
    xt = m_logits.T
    scv, sci = _sc_argmax(xt)
    tcv, tci = _tc_scan(xt, xt)
    return _merge(scv, sci, tcv, tci).reshape(ROWS, 1)

# --- scband reference (transcript-rebuilt; emitter-appended) ---
"""Pipeline reference for scband-greedy-head-7799660610029 (READ-ONLY COPY).

The authoritative reference and input builder live on the scoring server;
editing this copy changes nothing except your own understanding.
"""

import jax, jax.numpy as jnp
import numpy as np

def setup_inputs(seed: int = 0) -> dict:
    key = jax.random.key(seed)
    m_logits = jax.random.normal(key, (128, 100000), dtype=jnp.float32)
    return {"m_logits": m_logits}

def reference(m_logits):
    # torch.topk(m_logits.float(), 1) -> (values, indices); module returns indices
    values, token = jax.lax.top_k(m_logits.astype(jnp.float32), 1)
    return token

if __name__ == "__main__":
    import jax
    _d = setup_inputs()
    print(jax.jit(kernel)(*tuple(_d.values())))

</pallas_src>

<mosaic_0001>
#map = affine_map<(d0, d1) -> (0, 0)>
module attributes {stable_mosaic.version = 14 : i64} {
  func.func @_sc_argmax(%arg0: i32, %arg1: i32, %arg2: memref<100000x128xf32, #tpu.memory_space<hbm>>, %arg3: memref<32x128xf32, #tpu.memory_space<hbm>>, %arg4: memref<32x128xi32, #tpu.memory_space<hbm>>, %arg5: memref<232x128xf32, #tpu.memory_space<vmem>>, %arg6: memref<232x128xf32, #tpu.memory_space<vmem>>, %arg7: memref<128xf32, #tpu.memory_space<vmem>>, %arg8: memref<128xi32, #tpu.memory_space<vmem>>, %arg9: memref<16x128xf32, #tpu.memory_space<vmem_shared>>, %arg10: memref<16x128xi32, #tpu.memory_space<vmem_shared>>, %arg11: memref<!tpu.dma_semaphore, #tpu.memory_space<semaphore_mem>>, %arg12: memref<!tpu.dma_semaphore, #tpu.memory_space<semaphore_mem>>) attributes {dimension_semantics = [#tpu.dimension_semantics<core_parallel>, #tpu.dimension_semantics<subcore_parallel>], iteration_bounds = array<i64: 2, 16>, scalar_prefetch = 0 : i64, scratch_operands = 8 : i64, tpu.core_type = #tpu.core_type<sc_vector_subcore>, window_params = [{transform_indices = #map}, {transform_indices = #map}, {transform_indices = #map}]} {
    %mul3A = arith.constant 16 : i32
    %mul3A_0 = arith.muli %arg0, %mul3A : i32
    %add3A = arith.addi %mul3A_0, %arg1 : i32
    %add3A_1 = arith.constant 0 : i32
    %add3A_2 = arith.addi %add3A_1, %add3A : i32
    %mul3A_3 = arith.constant 232 : i32
    %mul3A_4 = arith.muli %add3A_2, %mul3A_3 : i32
    %multiple_of3A = tpu.assume_multiple %mul3A_4, 8 : i32
    %dma_start3A = arith.constant 0 : i32
    %dma_start3A_5 = tpu.memref_slice %arg2[%multiple_of3A, %dma_start3A] : memref<100000x128xf32, #tpu.memory_space<hbm>> -> memref<232x128xf32, #tpu.memory_space<hbm>>
    %dma_start3A_6 = arith.constant 0 : i32
    %dma_start3A_7 = tpu.memref_slice %arg2[%multiple_of3A, %dma_start3A_6] : memref<100000x128xf32, #tpu.memory_space<hbm>> -> memref<232x128xf32, #tpu.memory_space<hbm>>
    tpu.enqueue_dma source(%dma_start3A_7 : memref<232x128xf32, #tpu.memory_space<hbm>>) target(%arg5 : memref<232x128xf32, #tpu.memory_space<vmem>>) target_semaphore(%arg11 : memref<!tpu.dma_semaphore, #tpu.memory_space<semaphore_mem>>)
    %add3A_8 = arith.constant 32 : i32
    %add3A_9 = arith.addi %add3A_8, %add3A : i32
    %mul3A_10 = arith.constant 232 : i32
    %mul3A_11 = arith.muli %add3A_9, %mul3A_10 : i32
    %multiple_of3A_12 = tpu.assume_multiple %mul3A_11, 8 : i32
    %dma_start3A_13 = arith.constant 0 : i32
    %dma_start3A_14 = tpu.memref_slice %arg2[%multiple_of3A_12, %dma_start3A_13] : memref<100000x128xf32, #tpu.memory_space<hbm>> -> memref<232x128xf32, #tpu.memory_space<hbm>>
    %dma_start3A_15 = arith.constant 0 : i32
    %dma_start3A_16 = tpu.memref_slice %arg2[%multiple_of3A_12, %dma_start3A_15] : memref<100000x128xf32, #tpu.memory_space<hbm>> -> memref<232x128xf32, #tpu.memory_space<hbm>>
    tpu.enqueue_dma source(%dma_start3A_16 : memref<232x128xf32, #tpu.memory_space<hbm>>) target(%arg6 : memref<232x128xf32, #tpu.memory_space<vmem>>) target_semaphore(%arg12 : memref<!tpu.dma_semaphore, #tpu.memory_space<semaphore_mem>>)
    %broadcast_in_dim3A = arith.constant 0xFF800000 : f32
    %broadcast_in_dim3A_17 = vector.broadcast %broadcast_in_dim3A : f32 to vector<16xf32>
    %broadcast_in_dim3A_18 = arith.constant 0xFF800000 : f32
    %broadcast_in_dim3A_19 = vector.broadcast %broadcast_in_dim3A_18 : f32 to vector<16xf32>
    %broadcast_in_dim3A_20 = arith.constant 0xFF800000 : f32
    %broadcast_in_dim3A_21 = vector.broadcast %broadcast_in_dim3A_20 : f32 to vector<16xf32>
    %broadcast_in_dim3A_22 = arith.constant 0xFF800000 : f32
    %broadcast_in_dim3A_23 = vector.broadcast %broadcast_in_dim3A_22 : f32 to vector<16xf32>
    %broadcast_in_dim3A_24 = arith.constant 0xFF800000 : f32
    %broadcast_in_dim3A_25 = vector.broadcast %broadcast_in_dim3A_24 : f32 to vector<16xf32>
    %broadcast_in_dim3A_26 = arith.constant 0xFF800000 : f32
    %broadcast_in_dim3A_27 = vector.broadcast %broadcast_in_dim3A_26 : f32 to vector<16xf32>
    %broadcast_in_dim3A_28 = arith.constant 0xFF800000 : f32
    %broadcast_in_dim3A_29 = vector.broadcast %broadcast_in_dim3A_28 : f32 to vector<16xf32>
    %broadcast_in_dim3A_30 = arith.constant 0xFF800000 : f32
    %broadcast_in_dim3A_31 = vector.broadcast %broadcast_in_dim3A_30 : f32 to vector<16xf32>
    %broadcast_in_dim3A_32 = arith.constant 0 : i32
    %broadcast_in_dim3A_33 = vector.broadcast %broadcast_in_dim3A_32 : i32 to vector<16xi32>
    %broadcast_in_dim3A_34 = arith.constant 0 : i32
    %broadcast_in_dim3A_35 = vector.broadcast %broadcast_in_dim3A_34 : i32 to vector<16xi32>
    %broadcast_in_dim3A_36 = arith.constant 0 : i32
    %broadcast_in_dim3A_37 = vector.broadcast %broadcast_in_dim3A_36 : i32 to vector<16xi32>
    %broadcast_in_dim3A_38 = arith.constant 0 : i32
    %broadcast_in_dim3A_39 = vector.broadcast %broadcast_in_dim3A_38 : i32 to vector<16xi32>
    %broadcast_in_dim3A_40 = arith.constant 0 : i32
    %broadcast_in_dim3A_41 = vector.broadcast %broadcast_in_dim3A_40 : i32 to vector<16xi32>
    %broadcast_in_dim3A_42 = arith.constant 0 : i32
    %broadcast_in_dim3A_43 = vector.broadcast %broadcast_in_dim3A_42 : i32 to vector<16xi32>
    %broadcast_in_dim3A_44 = arith.constant 0 : i32
    %broadcast_in_dim3A_45 = vector.broadcast %broadcast_in_dim3A_44 : i32 to vector<16xi32>
    %broadcast_in_dim3A_46 = arith.constant 0 : i32
    %broadcast_in_dim3A_47 = vector.broadcast %broadcast_in_dim3A_46 : i32 to vector<16xi32>
    %add3A_48 = arith.constant 0 : i32
    %add3A_49 = arith.addi %add3A_48, %add3A : i32
    %mul3A_50 = arith.constant 232 : i32
    %mul3A_51 = arith.muli %add3A_49, %mul3A_50 : i32
    %dma_wait3A = arith.constant 0 : i32
    %dma_wait3A_52 = tpu.memref_slice %arg2[%multiple_of3A, %dma_wait3A] : memref<100000x128xf32, #tpu.memory_space<hbm>> -> memref<232x128xf32, #tpu.memory_space<hbm>>
    %dma_wait3A_53 = arith.constant 0 : i32
    %dma_wait3A_54 = tpu.memref_slice %arg2[%multiple_of3A, %dma_wait3A_53] : memref<100000x128xf32, #tpu.memory_space<hbm>> -> memref<232x128xf32, #tpu.memory_space<hbm>>
    tpu.wait_dma2 semaphore(%arg11 : memref<!tpu.dma_semaphore, #tpu.memory_space<semaphore_mem>>) src(%dma_wait3A_54 : memref<232x128xf32, #tpu.memory_space<hbm>>) dst(%arg5 : memref<232x128xf32, #tpu.memory_space<vmem>>)
    %scan3A = arith.constant 0 : i32
    %scan3A_55 = arith.constant 232 : i32
    %scan3A_56 = arith.addi %scan3A, %scan3A_55 : i32
    %scan3A_57 = arith.constant 1 : i32
    %scan3A_58:16 = scf.for %scan3A_176 = %scan3A to %scan3A_56 step %scan3A_57 iter_args(%scan3A_177 = %broadcast_in_dim3A_17, %scan3A_178 = %broadcast_in_dim3A_19, %scan3A_179 = %broadcast_in_dim3A_21, %scan3A_180 = %broadcast_in_dim3A_23, %scan3A_181 = %broadcast_in_dim3A_25, %scan3A_182 = %broadcast_in_dim3A_27, %scan3A_183 = %broadcast_in_dim3A_29, %scan3A_184 = %broadcast_in_dim3A_31, %scan3A_185 = %broadcast_in_dim3A_33, %scan3A_186 = %broadcast_in_dim3A_35, %scan3A_187 = %broadcast_in_dim3A_37, %scan3A_188 = %broadcast_in_dim3A_39, %scan3A_189 = %broadcast_in_dim3A_41, %scan3A_190 = %broadcast_in_dim3A_43, %scan3A_191 = %broadcast_in_dim3A_45, %scan3A_192 = %broadcast_in_dim3A_47) -> (vector<16xf32>, vector<16xf32>, vector<16xf32>, vector<16xf32>, vector<16xf32>, vector<16xf32>, vector<16xf32>, vector<16xf32>, vector<16xi32>, vector<16xi32>, vector<16xi32>, vector<16xi32>, vector<16xi32>, vector<16xi32>, vector<16xi32>, vector<16xi32>)  : i32 {
      %add3A_193 = arith.addi %mul3A_51, %scan3A_176 : i32
      %get3A = arith.index_cast %scan3A_176 : i32 to index
      %get3A_194 = arith.constant 0 : index
      %get3A_195 = tpu.vector_load %arg5[%get3A, %get3A_194] {strides = array<i32>} : memref<232x128xf32, #tpu.memory_space<vmem>>, vector<16xf32>,
      %gt3A = arith.cmpf ogt, %get3A_195, %scan3A_177 : vector<16xf32>
      %select_n3A = arith.select %gt3A, %get3A_195, %scan3A_177 : vector<16xi1>, vector<16xf32>
      %broadcast_in_dim3A_196 = vector.broadcast %add3A_193 : i32 to vector<16xi32>
      %select_n3A_197 = arith.select %gt3A, %broadcast_in_dim3A_196, %scan3A_185 : vector<16xi1>, vector<16xi32>
      %get3A_198 = arith.index_cast %scan3A_176 : i32 to index
      %get3A_199 = arith.constant 16 : index
      %get3A_200 = tpu.vector_load %arg5[%get3A_198, %get3A_199] {strides = array<i32>} : memref<232x128xf32, #tpu.memory_space<vmem>>, vector<16xf32>,
      %gt3A_201 = arith.cmpf ogt, %get3A_200, %scan3A_178 : vector<16xf32>
      %select_n3A_202 = arith.select %gt3A_201, %get3A_200, %scan3A_178 : vector<16xi1>, vector<16xf32>
      %broadcast_in_dim3A_203 = vector.broadcast %add3A_193 : i32 to vector<16xi32>
      %select_n3A_204 = arith.select %gt3A_201, %broadcast_in_dim3A_203, %scan3A_186 : vector<16xi1>, vector<16xi32>
      %get3A_205 = arith.index_cast %scan3A_176 : i32 to index
      %get3A_206 = arith.constant 32 : index
      %get3A_207 = tpu.vector_load %arg5[%get3A_205, %get3A_206] {strides = array<i32>} : memref<232x128xf32, #tpu.memory_space<vmem>>, vector<16xf32>,
      %gt3A_208 = arith.cmpf ogt, %get3A_207, %scan3A_179 : vector<16xf32>
      %select_n3A_209 = arith.select %gt3A_208, %get3A_207, %scan3A_179 : vector<16xi1>, vector<16xf32>
      %broadcast_in_dim3A_210 = vector.broadcast %add3A_193 : i32 to vector<16xi32>
      %select_n3A_211 = arith.select %gt3A_208, %broadcast_in_dim3A_210, %scan3A_187 : vector<16xi1>, vector<16xi32>
      %get3A_212 = arith.index_cast %scan3A_176 : i32 to index
      %get3A_213 = arith.constant 48 : index
      %get3A_214 = tpu.vector_load %arg5[%get3A_212, %get3A_213] {strides = array<i32>} : memref<232x128xf32, #tpu.memory_space<vmem>>, vector<16xf32>,
      %gt3A_215 = arith.cmpf ogt, %get3A_214, %scan3A_180 : vector<16xf32>
      %select_n3A_216 = arith.select %gt3A_215, %get3A_214, %scan3A_180 : vector<16xi1>, vector<16xf32>
      %broadcast_in_dim3A_217 = vector.broadcast %add3A_193 : i32 to vector<16xi32>
      %select_n3A_218 = arith.select %gt3A_215, %broadcast_in_dim3A_217, %scan3A_188 : vector<16xi1>, vector<16xi32>
      %get3A_219 = arith.index_cast %scan3A_176 : i32 to index
      %get3A_220 = arith.constant 64 : index
      %get3A_221 = tpu.vector_load %arg5[%get3A_219, %get3A_220] {strides = array<i32>} : memref<232x128xf32, #tpu.memory_space<vmem>>, vector<16xf32>,
      %gt3A_222 = arith.cmpf ogt, %get3A_221, %scan3A_181 : vector<16xf32>
      %select_n3A_223 = arith.select %gt3A_222, %get3A_221, %scan3A_181 : vector<16xi1>, vector<16xf32>
      %broadcast_in_dim3A_224 = vector.broadcast %add3A_193 : i32 to vector<16xi32>
      %select_n3A_225 = arith.select %gt3A_222, %broadcast_in_dim3A_224, %scan3A_189 : vector<16xi1>, vector<16xi32>
      %get3A_226 = arith.index_cast %scan3A_176 : i32 to index
      %get3A_227 = arith.constant 80 : index
      %get3A_228 = tpu.vector_load %arg5[%get3A_226, %get3A_227] {strides = array<i32>} : memref<232x128xf32, #tpu.memory_space<vmem>>, vector<16xf32>,
      %gt3A_229 = arith.cmpf ogt, %get3A_228, %scan3A_182 : vector<16xf32>
      %select_n3A_230 = arith.select %gt3A_229, %get3A_228, %scan3A_182 : vector<16xi1>, vector<16xf32>
      %broadcast_in_dim3A_231 = vector.broadcast %add3A_193 : i32 to vector<16xi32>
      %select_n3A_232 = arith.select %gt3A_229, %broadcast_in_dim3A_231, %scan3A_190 : vector<16xi1>, vector<16xi32>
      %get3A_233 = arith.index_cast %scan3A_176 : i32 to index
      %get3A_234 = arith.constant 96 : index
      %get3A_235 = tpu.vector_load %arg5[%get3A_233, %get3A_234] {strides = array<i32>} : memref<232x128xf32, #tpu.memory_space<vmem>>, vector<16xf32>,
      %gt3A_236 = arith.cmpf ogt, %get3A_235, %scan3A_183 : vector<16xf32>
      %select_n3A_237 = arith.select %gt3A_236, %get3A_235, %scan3A_183 : vector<16xi1>, vector<16xf32>
      %broadcast_in_dim3A_238 = vector.broadcast %add3A_193 : i32 to vector<16xi32>
      %select_n3A_239 = arith.select %gt3A_236, %broadcast_in_dim3A_238, %scan3A_191 : vector<16xi1>, vector<16xi32>
      %get3A_240 = arith.index_cast %scan3A_176 : i32 to index
      %get3A_241 = arith.constant 112 : index
      %get3A_242 = tpu.vector_load %arg5[%get3A_240, %get3A_241] {strides = array<i32>} : memref<232x128xf32, #tpu.memory_space<vmem>>, vector<16xf32>,
      %gt3A_243 = arith.cmpf ogt, %get3A_242, %scan3A_184 : vector<16xf32>
      %select_n3A_244 = arith.select %gt3A_243, %get3A_242, %scan3A_184 : vector<16xi1>, vector<16xf32>
      %broadcast_in_dim3A_245 = vector.broadcast %add3A_193 : i32 to vector<16xi32>
      %select_n3A_246 = arith.select %gt3A_243, %broadcast_in_dim3A_245, %scan3A_192 : vector<16xi1>, vector<16xi32>
      scf.yield %select_n3A, %select_n3A_202, %select_n3A_209, %select_n3A_216, %select_n3A_223, %select_n3A_230, %select_n3A_237, %select_n3A_244, %select_n3A_197, %select_n3A_204, %select_n3A_211, %select_n3A_218, %select_n3A_225, %select_n3A_232, %select_n3A_239, %select_n3A_246 : vector<16xf32>, vector<16xf32>, vector<16xf32>, vector<16xf32>, vector<16xf32>, vector<16xf32>, vector<16xf32>, vector<16xf32>, vector<16xi32>, vector<16xi32>, vector<16xi32>, vector<16xi32>, vector<16xi32>, vector<16xi32>, vector<16xi32>, vector<16xi32>
    }
    %scan3A_59 = arith.constant 232 : i32
    %add3A_60 = arith.constant 64 : i32
    %add3A_61 = arith.addi %add3A_60, %add3A : i32
    %mul3A_62 = arith.constant 232 : i32
    %mul3A_63 = arith.muli %add3A_61, %mul3A_62 : i32
    %multiple_of3A_64 = tpu.assume_multiple %mul3A_63, 8 : i32
    %dma_start3A_65 = arith.constant 0 : i32
    %dma_start3A_66 = tpu.memref_slice %arg2[%multiple_of3A_64, %dma_start3A_65] : memref<100000x128xf32, #tpu.memory_space<hbm>> -> memref<232x128xf32, #tpu.memory_space<hbm>>
    %dma_start3A_67 = arith.constant 0 : i32
    %dma_start3A_68 = tpu.memref_slice %arg2[%multiple_of3A_64, %dma_start3A_67] : memref<100000x128xf32, #tpu.memory_space<hbm>> -> memref<232x128xf32, #tpu.memory_space<hbm>>
    tpu.enqueue_dma source(%dma_start3A_68 : memref<232x128xf32, #tpu.memory_space<hbm>>) target(%arg5 : memref<232x128xf32, #tpu.memory_space<vmem>>) target_semaphore(%arg11 : memref<!tpu.dma_semaphore, #tpu.memory_space<semaphore_mem>>)
    %add3A_69 = arith.constant 32 : i32
    %add3A_70 = arith.addi %add3A_69, %add3A : i32
    %mul3A_71 = arith.constant 232 : i32
    %mul3A_72 = arith.muli %add3A_70, %mul3A_71 : i32
    %dma_wait3A_73 = arith.constant 0 : i32
    %dma_wait3A_74 = tpu.memref_slice %arg2[%multiple_of3A_12, %dma_wait3A_73] : memref<100000x128xf32, #tpu.memory_space<hbm>> -> memref<232x128xf32, #tpu.memory_space<hbm>>
    %dma_wait3A_75 = arith.constant 0 : i32
    %dma_wait3A_76 = tpu.memref_slice %arg2[%multiple_of3A_12, %dma_wait3A_75] : memref<100000x128xf32, #tpu.memory_space<hbm>> -> memref<232x128xf32, #tpu.memory_space<hbm>>
    tpu.wait_dma2 semaphore(%arg12 : memref<!tpu.dma_semaphore, #tpu.memory_space<semaphore_mem>>) src(%dma_wait3A_76 : memref<232x128xf32, #tpu.memory_space<hbm>>) dst(%arg6 : memref<232x128xf32, #tpu.memory_space<vmem>>)
    %scan3A_77 = arith.constant 0 : i32
    %scan3A_78 = arith.constant 232 : i32
    %scan3A_79 = arith.addi %scan3A_77, %scan3A_78 : i32
    %scan3A_80 = arith.constant 1 : i32
    %scan3A_81:16 = scf.for %scan3A_176 = %scan3A_77 to %scan3A_79 step %scan3A_80 iter_args(%scan3A_177 = %scan3A_58#0, %scan3A_178 = %scan3A_58#1, %scan3A_179 = %scan3A_58#2, %scan3A_180 = %scan3A_58#3, %scan3A_181 = %scan3A_58#4, %scan3A_182 = %scan3A_58#5, %scan3A_183 = %scan3A_58#6, %scan3A_184 = %scan3A_58#7, %scan3A_185 = %scan3A_58#8, %scan3A_186 = %scan3A_58#9, %scan3A_187 = %scan3A_58#10, %scan3A_188 = %scan3A_58#11, %scan3A_189 = %scan3A_58#12, %scan3A_190 = %scan3A_58#13, %scan3A_191 = %scan3A_58#14, %scan3A_192 = %scan3A_58#15) -> (vector<16xf32>, vector<16xf32>, vector<16xf32>, vector<16xf32>, vector<16xf32>, vector<16xf32>, vector<16xf32>, vector<16xf32>, vector<16xi32>, vector<16xi32>, vector<16xi32>, vector<16xi32>, vector<16xi32>, vector<16xi32>, vector<16xi32>, vector<16xi32>)  : i32 {
      %add3A_193 = arith.addi %mul3A_72, %scan3A_176 : i32
      %get3A = arith.index_cast %scan3A_176 : i32 to index
      %get3A_194 = arith.constant 0 : index
      %get3A_195 = tpu.vector_load %arg6[%get3A, %get3A_194] {strides = array<i32>} : memref<232x128xf32, #tpu.memory_space<vmem>>, vector<16xf32>,
      %gt3A = arith.cmpf ogt, %get3A_195, %scan3A_177 : vector<16xf32>
      %select_n3A = arith.select %gt3A, %get3A_195, %scan3A_177 : vector<16xi1>, vector<16xf32>
      %broadcast_in_dim3A_196 = vector.broadcast %add3A_193 : i32 to vector<16xi32>
      %select_n3A_197 = arith.select %gt3A, %broadcast_in_dim3A_196, %scan3A_185 : vector<16xi1>, vector<16xi32>
      %get3A_198 = arith.index_cast %scan3A_176 : i32 to index
      %get3A_199 = arith.constant 16 : index
      %get3A_200 = tpu.vector_load %arg6[%get3A_198, %get3A_199] {strides = array<i32>} : memref<232x128xf32, #tpu.memory_space<vmem>>, vector<16xf32>,
      %gt3A_201 = arith.cmpf ogt, %get3A_200, %scan3A_178 : vector<16xf32>
      %select_n3A_202 = arith.select %gt3A_201, %get3A_200, %scan3A_178 : vector<16xi1>, vector<16xf32>
      %broadcast_in_dim3A_203 = vector.broadcast %add3A_193 : i32 to vector<16xi32>
      %select_n3A_204 = arith.select %gt3A_201, %broadcast_in_dim3A_203, %scan3A_186 : vector<16xi1>, vector<16xi32>
      %get3A_205 = arith.index_cast %scan3A_176 : i32 to index
      %get3A_206 = arith.constant 32 : index
      %get3A_207 = tpu.vector_load %arg6[%get3A_205, %get3A_206] {strides = array<i32>} : memref<232x128xf32, #tpu.memory_space<vmem>>, vector<16xf32>,
      %gt3A_208 = arith.cmpf ogt, %get3A_207, %scan3A_179 : vector<16xf32>
      %select_n3A_209 = arith.select %gt3A_208, %get3A_207, %scan3A_179 : vector<16xi1>, vector<16xf32>
      %broadcast_in_dim3A_210 = vector.broadcast %add3A_193 : i32 to vector<16xi32>
      %select_n3A_211 = arith.select %gt3A_208, %broadcast_in_dim3A_210, %scan3A_187 : vector<16xi1>, vector<16xi32>
      %get3A_212 = arith.index_cast %scan3A_176 : i32 to index
      %get3A_213 = arith.constant 48 : index
      %get3A_214 = tpu.vector_load %arg6[%get3A_212, %get3A_213] {strides = array<i32>} : memref<232x128xf32, #tpu.memory_space<vmem>>, vector<16xf32>,
      %gt3A_215 = arith.cmpf ogt, %get3A_214, %scan3A_180 : vector<16xf32>
      %select_n3A_216 = arith.select %gt3A_215, %get3A_214, %scan3A_180 : vector<16xi1>, vector<16xf32>
      %broadcast_in_dim3A_217 = vector.broadcast %add3A_193 : i32 to vector<16xi32>
      %select_n3A_218 = arith.select %gt3A_215, %broadcast_in_dim3A_217, %scan3A_188 : vector<16xi1>, vector<16xi32>
      %get3A_219 = arith.index_cast %scan3A_176 : i32 to index
      %get3A_220 = arith.constant 64 : index
      %get3A_221 = tpu.vector_load %arg6[%get3A_219, %get3A_220] {strides = array<i32>} : memref<232x128xf32, #tpu.memory_space<vmem>>, vector<16xf32>,
      %gt3A_222 = arith.cmpf ogt, %get3A_221, %scan3A_181 : vector<16xf32>
      %select_n3A_223 = arith.select %gt3A_222, %get3A_221, %scan3A_181 : vector<16xi1>, vector<16xf32>
      %broadcast_in_dim3A_224 = vector.broadcast %add3A_193 : i32 to vector<16xi32>
      %select_n3A_225 = arith.select %gt3A_222, %broadcast_in_dim3A_224, %scan3A_189 : vector<16xi1>, vector<16xi32>
      %get3A_226 = arith.index_cast %scan3A_176 : i32 to index
      %get3A_227 = arith.constant 80 : index
      %get3A_228 = tpu.vector_load %arg6[%get3A_226, %get3A_227] {strides = array<i32>} : memref<232x128xf32, #tpu.memory_space<vmem>>, vector<16xf32>,
      %gt3A_229 = arith.cmpf ogt, %get3A_228, %scan3A_182 : vector<16xf32>
      %select_n3A_230 = arith.select %gt3A_229, %get3A_228, %scan3A_182 : vector<16xi1>, vector<16xf32>
      %broadcast_in_dim3A_231 = vector.broadcast %add3A_193 : i32 to vector<16xi32>
      %select_n3A_232 = arith.select %gt3A_229, %broadcast_in_dim3A_231, %scan3A_190 : vector<16xi1>, vector<16xi32>
      %get3A_233 = arith.index_cast %scan3A_176 : i32 to index
      %get3A_234 = arith.constant 96 : index
      %get3A_235 = tpu.vector_load %arg6[%get3A_233, %get3A_234] {strides = array<i32>} : memref<232x128xf32, #tpu.memory_space<vmem>>, vector<16xf32>,
      %gt3A_236 = arith.cmpf ogt, %get3A_235, %scan3A_183 : vector<16xf32>
      %select_n3A_237 = arith.select %gt3A_236, %get3A_235, %scan3A_183 : vector<16xi1>, vector<16xf32>
      %broadcast_in_dim3A_238 = vector.broadcast %add3A_193 : i32 to vector<16xi32>
      %select_n3A_239 = arith.select %gt3A_236, %broadcast_in_dim3A_238, %scan3A_191 : vector<16xi1>, vector<16xi32>
      %get3A_240 = arith.index_cast %scan3A_176 : i32 to index
      %get3A_241 = arith.constant 112 : index
      %get3A_242 = tpu.vector_load %arg6[%get3A_240, %get3A_241] {strides = array<i32>} : memref<232x128xf32, #tpu.memory_space<vmem>>, vector<16xf32>,
      %gt3A_243 = arith.cmpf ogt, %get3A_242, %scan3A_184 : vector<16xf32>
      %select_n3A_244 = arith.select %gt3A_243, %get3A_242, %scan3A_184 : vector<16xi1>, vector<16xf32>
      %broadcast_in_dim3A_245 = vector.broadcast %add3A_193 : i32 to vector<16xi32>
      %select_n3A_246 = arith.select %gt3A_243, %broadcast_in_dim3A_245, %scan3A_192 : vector<16xi1>, vector<16xi32>
      scf.yield %select_n3A, %select_n3A_202, %select_n3A_209, %select_n3A_216, %select_n3A_223, %select_n3A_230, %select_n3A_237, %select_n3A_244, %select_n3A_197, %select_n3A_204, %select_n3A_211, %select_n3A_218, %select_n3A_225, %select_n3A_232, %select_n3A_239, %select_n3A_246 : vector<16xf32>, vector<16xf32>, vector<16xf32>, vector<16xf32>, vector<16xf32>, vector<16xf32>, vector<16xf32>, vector<16xf32>, vector<16xi32>, vector<16xi32>, vector<16xi32>, vector<16xi32>, vector<16xi32>, vector<16xi32>, vector<16xi32>, vector<16xi32>
    }
    %scan3A_82 = arith.constant 232 : i32
    %add3A_83 = arith.constant 96 : i32
    %add3A_84 = arith.addi %add3A_83, %add3A : i32
    %mul3A_85 = arith.constant 232 : i32
    %mul3A_86 = arith.muli %add3A_84, %mul3A_85 : i32
    %multiple_of3A_87 = tpu.assume_multiple %mul3A_86, 8 : i32
    %dma_start3A_88 = arith.constant 0 : i32
    %dma_start3A_89 = tpu.memref_slice %arg2[%multiple_of3A_87, %dma_start3A_88] : memref<100000x128xf32, #tpu.memory_space<hbm>> -> memref<232x128xf32, #tpu.memory_space<hbm>>
    %dma_start3A_90 = arith.constant 0 : i32
    %dma_start3A_91 = tpu.memref_slice %arg2[%multiple_of3A_87, %dma_start3A_90] : memref<100000x128xf32, #tpu.memory_space<hbm>> -> memref<232x128xf32, #tpu.memory_space<hbm>>
    tpu.enqueue_dma source(%dma_start3A_91 : memref<232x128xf32, #tpu.memory_space<hbm>>) target(%arg6 : memref<232x128xf32, #tpu.memory_space<vmem>>) target_semaphore(%arg12 : memref<!tpu.dma_semaphore, #tpu.memory_space<semaphore_mem>>)
    %add3A_92 = arith.constant 64 : i32
    %add3A_93 = arith.addi %add3A_92, %add3A : i32
    %mul3A_94 = arith.constant 232 : i32
    %mul3A_95 = arith.muli %add3A_93, %mul3A_94 : i32
    %dma_wait3A_96 = arith.constant 0 : i32
    %dma_wait3A_97 = tpu.memref_slice %arg2[%multiple_of3A_64, %dma_wait3A_96] : memref<100000x128xf32, #tpu.memory_space<hbm>> -> memref<232x128xf32, #tpu.memory_space<hbm>>
    %dma_wait3A_98 = arith.constant 0 : i32
    %dma_wait3A_99 = tpu.memref_slice %arg2[%multiple_of3A_64, %dma_wait3A_98] : memref<100000x128xf32, #tpu.memory_space<hbm>> -> memref<232x128xf32, #tpu.memory_space<hbm>>
    tpu.wait_dma2 semaphore(%arg11 : memref<!tpu.dma_semaphore, #tpu.memory_space<semaphore_mem>>) src(%dma_wait3A_99 : memref<232x128xf32, #tpu.memory_space<hbm>>) dst(%arg5 : memref<232x128xf32, #tpu.memory_space<vmem>>)
    %scan3A_100 = arith.constant 0 : i32
    %scan3A_101 = arith.constant 232 : i32
    %scan3A_102 = arith.addi %scan3A_100, %scan3A_101 : i32
    %scan3A_103 = arith.constant 1 : i32
    %scan3A_104:16 = scf.for %scan3A_176 = %scan3A_100 to %scan3A_102 step %scan3A_103 iter_args(%scan3A_177 = %scan3A_81#0, %scan3A_178 = %scan3A_81#1, %scan3A_179 = %scan3A_81#2, %scan3A_180 = %scan3A_81#3, %scan3A_181 = %scan3A_81#4, %scan3A_182 = %scan3A_81#5, %scan3A_183 = %scan3A_81#6, %scan3A_184 = %scan3A_81#7, %scan3A_185 = %scan3A_81#8, %scan3A_186 = %scan3A_81#9, %scan3A_187 = %scan3A_81#10, %scan3A_188 = %scan3A_81#11, %scan3A_189 = %scan3A_81#12, %scan3A_190 = %scan3A_81#13, %scan3A_191 = %scan3A_81#14, %scan3A_192 = %scan3A_81#15) -> (vector<16xf32>, vector<16xf32>, vector<16xf32>, vector<16xf32>, vector<16xf32>, vector<16xf32>, vector<16xf32>, vector<16xf32>, vector<16xi32>, vector<16xi32>, vector<16xi32>, vector<16xi32>, vector<16xi32>, vector<16xi32>, vector<16xi32>, vector<16xi32>)  : i32 {
      %add3A_193 = arith.addi %mul3A_95, %scan3A_176 : i32
      %get3A = arith.index_cast %scan3A_176 : i32 to index
      %get3A_194 = arith.constant 0 : index
      %get3A_195 = tpu.vector_load %arg5[%get3A, %get3A_194] {strides = array<i32>} : memref<232x128xf32, #tpu.memory_space<vmem>>, vector<16xf32>,
      %gt3A = arith.cmpf ogt, %get3A_195, %scan3A_177 : vector<16xf32>
      %select_n3A = arith.select %gt3A, %get3A_195, %scan3A_177 : vector<16xi1>, vector<16xf32>
      %broadcast_in_dim3A_196 = vector.broadcast %add3A_193 : i32 to vector<16xi32>
      %select_n3A_197 = arith.select %gt3A, %broadcast_in_dim3A_196, %scan3A_185 : vector<16xi1>, vector<16xi32>
      %get3A_198 = arith.index_cast %scan3A_176 : i32 to index
      %get3A_199 = arith.constant 16 : index
      %get3A_200 = tpu.vector_load %arg5[%get3A_198, %get3A_199] {strides = array<i32>} : memref<232x128xf32, #tpu.memory_space<vmem>>, vector<16xf32>,
      %gt3A_201 = arith.cmpf ogt, %get3A_200, %scan3A_178 : vector<16xf32>
      %select_n3A_202 = arith.select %gt3A_201, %get3A_200, %scan3A_178 : vector<16xi1>, vector<16xf32>
      %broadcast_in_dim3A_203 = vector.broadcast %add3A_193 : i32 to vector<16xi32>
      %select_n3A_204 = arith.select %gt3A_201, %broadcast_in_dim3A_203, %scan3A_186 : vector<16xi1>, vector<16xi32>
      %get3A_205 = arith.index_cast %scan3A_176 : i32 to index
      %get3A_206 = arith.constant 32 : index
      %get3A_207 = tpu.vector_load %arg5[%get3A_205, %get3A_206] {strides = array<i32>} : memref<232x128xf32, #tpu.memory_space<vmem>>, vector<16xf32>,
      %gt3A_208 = arith.cmpf ogt, %get3A_207, %scan3A_179 : vector<16xf32>
      %select_n3A_209 = arith.select %gt3A_208, %get3A_207, %scan3A_179 : vector<16xi1>, vector<16xf32>
      %broadcast_in_dim3A_210 = vector.broadcast %add3A_193 : i32 to vector<16xi32>
      %select_n3A_211 = arith.select %gt3A_208, %broadcast_in_dim3A_210, %scan3A_187 : vector<16xi1>, vector<16xi32>
      %get3A_212 = arith.index_cast %scan3A_176 : i32 to index
      %get3A_213 = arith.constant 48 : index
      %get3A_214 = tpu.vector_load %arg5[%get3A_212, %get3A_213] {strides = array<i32>} : memref<232x128xf32, #tpu.memory_space<vmem>>, vector<16xf32>,
      %gt3A_215 = arith.cmpf ogt, %get3A_214, %scan3A_180 : vector<16xf32>
      %select_n3A_216 = arith.select %gt3A_215, %get3A_214, %scan3A_180 : vector<16xi1>, vector<16xf32>
      %broadcast_in_dim3A_217 = vector.broadcast %add3A_193 : i32 to vector<16xi32>
      %select_n3A_218 = arith.select %gt3A_215, %broadcast_in_dim3A_217, %scan3A_188 : vector<16xi1>, vector<16xi32>
      %get3A_219 = arith.index_cast %scan3A_176 : i32 to index
      %get3A_220 = arith.constant 64 : index
      %get3A_221 = tpu.vector_load %arg5[%get3A_219, %get3A_220] {strides = array<i32>} : memref<232x128xf32, #tpu.memory_space<vmem>>, vector<16xf32>,
      %gt3A_222 = arith.cmpf ogt, %get3A_221, %scan3A_181 : vector<16xf32>
      %select_n3A_223 = arith.select %gt3A_222, %get3A_221, %scan3A_181 : vector<16xi1>, vector<16xf32>
      %broadcast_in_dim3A_224 = vector.broadcast %add3A_193 : i32 to vector<16xi32>
      %select_n3A_225 = arith.select %gt3A_222, %broadcast_in_dim3A_224, %scan3A_189 : vector<16xi1>, vector<16xi32>
      %get3A_226 = arith.index_cast %scan3A_176 : i32 to index
      %get3A_227 = arith.constant 80 : index
      %get3A_228 = tpu.vector_load %arg5[%get3A_226, %get3A_227] {strides = array<i32>} : memref<232x128xf32, #tpu.memory_space<vmem>>, vector<16xf32>,
      %gt3A_229 = arith.cmpf ogt, %get3A_228, %scan3A_182 : vector<16xf32>
      %select_n3A_230 = arith.select %gt3A_229, %get3A_228, %scan3A_182 : vector<16xi1>, vector<16xf32>
      %broadcast_in_dim3A_231 = vector.broadcast %add3A_193 : i32 to vector<16xi32>
      %select_n3A_232 = arith.select %gt3A_229, %broadcast_in_dim3A_231, %scan3A_190 : vector<16xi1>, vector<16xi32>
      %get3A_233 = arith.index_cast %scan3A_176 : i32 to index
      %get3A_234 = arith.constant 96 : index
      %get3A_235 = tpu.vector_load %arg5[%get3A_233, %get3A_234] {strides = array<i32>} : memref<232x128xf32, #tpu.memory_space<vmem>>, vector<16xf32>,
      %gt3A_236 = arith.cmpf ogt, %get3A_235, %scan3A_183 : vector<16xf32>
      %select_n3A_237 = arith.select %gt3A_236, %get3A_235, %scan3A_183 : vector<16xi1>, vector<16xf32>
      %broadcast_in_dim3A_238 = vector.broadcast %add3A_193 : i32 to vector<16xi32>
      %select_n3A_239 = arith.select %gt3A_236, %broadcast_in_dim3A_238, %scan3A_191 : vector<16xi1>, vector<16xi32>
      %get3A_240 = arith.index_cast %scan3A_176 : i32 to index
      %get3A_241 = arith.constant 112 : index
      %get3A_242 = tpu.vector_load %arg5[%get3A_240, %get3A_241] {strides = array<i32>} : memref<232x128xf32, #tpu.memory_space<vmem>>, vector<16xf32>,
      %gt3A_243 = arith.cmpf ogt, %get3A_242, %scan3A_184 : vector<16xf32>
      %select_n3A_244 = arith.select %gt3A_243, %get3A_242, %scan3A_184 : vector<16xi1>, vector<16xf32>
      %broadcast_in_dim3A_245 = vector.broadcast %add3A_193 : i32 to vector<16xi32>
      %select_n3A_246 = arith.select %gt3A_243, %broadcast_in_dim3A_245, %scan3A_192 : vector<16xi1>, vector<16xi32>
      scf.yield %select_n3A, %select_n3A_202, %select_n3A_209, %select_n3A_216, %select_n3A_223, %select_n3A_230, %select_n3A_237, %select_n3A_244, %select_n3A_197, %select_n3A_204, %select_n3A_211, %select_n3A_218, %select_n3A_225, %select_n3A_232, %select_n3A_239, %select_n3A_246 : vector<16xf32>, vector<16xf32>, vector<16xf32>, vector<16xf32>, vector<16xf32>, vector<16xf32>, vector<16xf32>, vector<16xf32>, vector<16xi32>, vector<16xi32>, vector<16xi32>, vector<16xi32>, vector<16xi32>, vector<16xi32>, vector<16xi32>, vector<16xi32>
    }
    %scan3A_105 = arith.constant 232 : i32
    %add3A_106 = arith.constant 128 : i32
    %add3A_107 = arith.addi %add3A_106, %add3A : i32
    %mul3A_108 = arith.constant 232 : i32
    %mul3A_109 = arith.muli %add3A_107, %mul3A_108 : i32
    %multiple_of3A_110 = tpu.assume_multiple %mul3A_109, 8 : i32
    %dma_start3A_111 = arith.constant 0 : i32
    %dma_start3A_112 = tpu.memref_slice %arg2[%multiple_of3A_110, %dma_start3A_111] : memref<100000x128xf32, #tpu.memory_space<hbm>> -> memref<232x128xf32, #tpu.memory_space<hbm>>
    %dma_start3A_113 = arith.constant 0 : i32
    %dma_start3A_114 = tpu.memref_slice %arg2[%multiple_of3A_110, %dma_start3A_113] : memref<100000x128xf32, #tpu.memory_space<hbm>> -> memref<232x128xf32, #tpu.memory_space<hbm>>
    tpu.enqueue_dma source(%dma_start3A_114 : memref<232x128xf32, #tpu.memory_space<hbm>>) target(%arg5 : memref<232x128xf32, #tpu.memory_space<vmem>>) target_semaphore(%arg11 : memref<!tpu.dma_semaphore, #tpu.memory_space<semaphore_mem>>)
    %add3A_115 = arith.constant 96 : i32
    %add3A_116 = arith.addi %add3A_115, %add3A : i32
    %mul3A_117 = arith.constant 232 : i32
    %mul3A_118 = arith.muli %add3A_116, %mul3A_117 : i32
    %dma_wait3A_119 = arith.constant 0 : i32
    %dma_wait3A_120 = tpu.memref_slice %arg2[%multiple_of3A_87, %dma_wait3A_119] : memref<100000x128xf32, #tpu.memory_space<hbm>> -> memref<232x128xf32, #tpu.memory_space<hbm>>
    %dma_wait3A_121 = arith.constant 0 : i32
    %dma_wait3A_122 = tpu.memref_slice %arg2[%multiple_of3A_87, %dma_wait3A_121] : memref<100000x128xf32, #tpu.memory_space<hbm>> -> memref<232x128xf32, #tpu.memory_space<hbm>>
    tpu.wait_dma2 semaphore(%arg12 : memref<!tpu.dma_semaphore, #tpu.memory_space<semaphore_mem>>) src(%dma_wait3A_122 : memref<232x128xf32, #tpu.memory_space<hbm>>) dst(%arg6 : memref<232x128xf32, #tpu.memory_space<vmem>>)
    %scan3A_123 = arith.constant 0 : i32
    %scan3A_124 = arith.constant 232 : i32
    %scan3A_125 = arith.addi %scan3A_123, %scan3A_124 : i32
    %scan3A_126 = arith.constant 1 : i32
    %scan3A_127:16 = scf.for %scan3A_176 = %scan3A_123 to %scan3A_125 step %scan3A_126 iter_args(%scan3A_177 = %scan3A_104#0, %scan3A_178 = %scan3A_104#1, %scan3A_179 = %scan3A_104#2, %scan3A_180 = %scan3A_104#3, %scan3A_181 = %scan3A_104#4, %scan3A_182 = %scan3A_104#5, %scan3A_183 = %scan3A_104#6, %scan3A_184 = %scan3A_104#7, %scan3A_185 = %scan3A_104#8, %scan3A_186 = %scan3A_104#9, %scan3A_187 = %scan3A_104#10, %scan3A_188 = %scan3A_104#11, %scan3A_189 = %scan3A_104#12, %scan3A_190 = %scan3A_104#13, %scan3A_191 = %scan3A_104#14, %scan3A_192 = %scan3A_104#15) -> (vector<16xf32>, vector<16xf32>, vector<16xf32>, vector<16xf32>, vector<16xf32>, vector<16xf32>, vector<16xf32>, vector<16xf32>, vector<16xi32>, vector<16xi32>, vector<16xi32>, vector<16xi32>, vector<16xi32>, vector<16xi32>, vector<16xi32>, vector<16xi32>)  : i32 {
      %add3A_193 = arith.addi %mul3A_118, %scan3A_176 : i32
      %get3A = arith.index_cast %scan3A_176 : i32 to index
      %get3A_194 = arith.constant 0 : index
      %get3A_195 = tpu.vector_load %arg6[%get3A, %get3A_194] {strides = array<i32>} : memref<232x128xf32, #tpu.memory_space<vmem>>, vector<16xf32>,
      %gt3A = arith.cmpf ogt, %get3A_195, %scan3A_177 : vector<16xf32>
      %select_n3A = arith.select %gt3A, %get3A_195, %scan3A_177 : vector<16xi1>, vector<16xf32>
      %broadcast_in_dim3A_196 = vector.broadcast %add3A_193 : i32 to vector<16xi32>
      %select_n3A_197 = arith.select %gt3A, %broadcast_in_dim3A_196, %scan3A_185 : vector<16xi1>, vector<16xi32>
      %get3A_198 = arith.index_cast %scan3A_176 : i32 to index
      %get3A_199 = arith.constant 16 : index
      %get3A_200 = tpu.vector_load %arg6[%get3A_198, %get3A_199] {strides = array<i32>} : memref<232x128xf32, #tpu.memory_space<vmem>>, vector<16xf32>,
      %gt3A_201 = arith.cmpf ogt, %get3A_200, %scan3A_178 : vector<16xf32>
      %select_n3A_202 = arith.select %gt3A_201, %get3A_200, %scan3A_178 : vector<16xi1>, vector<16xf32>
      %broadcast_in_dim3A_203 = vector.broadcast %add3A_193 : i32 to vector<16xi32>
      %select_n3A_204 = arith.select %gt3A_201, %broadcast_in_dim3A_203, %scan3A_186 : vector<16xi1>, vector<16xi32>
      %get3A_205 = arith.index_cast %scan3A_176 : i32 to index
      %get3A_206 = arith.constant 32 : index
      %get3A_207 = tpu.vector_load %arg6[%get3A_205, %get3A_206] {strides = array<i32>} : memref<232x128xf32, #tpu.memory_space<vmem>>, vector<16xf32>,
      %gt3A_208 = arith.cmpf ogt, %get3A_207, %scan3A_179 : vector<16xf32>
      %select_n3A_209 = arith.select %gt3A_208, %get3A_207, %scan3A_179 : vector<16xi1>, vector<16xf32>
      %broadcast_in_dim3A_210 = vector.broadcast %add3A_193 : i32 to vector<16xi32>
      %select_n3A_211 = arith.select %gt3A_208, %broadcast_in_dim3A_210, %scan3A_187 : vector<16xi1>, vector<16xi32>
      %get3A_212 = arith.index_cast %scan3A_176 : i32 to index
      %get3A_213 = arith.constant 48 : index
      %get3A_214 = tpu.vector_load %arg6[%get3A_212, %get3A_213] {strides = array<i32>} : memref<232x128xf32, #tpu.memory_space<vmem>>, vector<16xf32>,
      %gt3A_215 = arith.cmpf ogt, %get3A_214, %scan3A_180 : vector<16xf32>
      %select_n3A_216 = arith.select %gt3A_215, %get3A_214, %scan3A_180 : vector<16xi1>, vector<16xf32>
      %broadcast_in_dim3A_217 = vector.broadcast %add3A_193 : i32 to vector<16xi32>
      %select_n3A_218 = arith.select %gt3A_215, %broadcast_in_dim3A_217, %scan3A_188 : vector<16xi1>, vector<16xi32>
      %get3A_219 = arith.index_cast %scan3A_176 : i32 to index
      %get3A_220 = arith.constant 64 : index
      %get3A_221 = tpu.vector_load %arg6[%get3A_219, %get3A_220] {strides = array<i32>} : memref<232x128xf32, #tpu.memory_space<vmem>>, vector<16xf32>,
      %gt3A_222 = arith.cmpf ogt, %get3A_221, %scan3A_181 : vector<16xf32>
      %select_n3A_223 = arith.select %gt3A_222, %get3A_221, %scan3A_181 : vector<16xi1>, vector<16xf32>
      %broadcast_in_dim3A_224 = vector.broadcast %add3A_193 : i32 to vector<16xi32>
      %select_n3A_225 = arith.select %gt3A_222, %broadcast_in_dim3A_224, %scan3A_189 : vector<16xi1>, vector<16xi32>
      %get3A_226 = arith.index_cast %scan3A_176 : i32 to index
      %get3A_227 = arith.constant 80 : index
      %get3A_228 = tpu.vector_load %arg6[%get3A_226, %get3A_227] {strides = array<i32>} : memref<232x128xf32, #tpu.memory_space<vmem>>, vector<16xf32>,
      %gt3A_229 = arith.cmpf ogt, %get3A_228, %scan3A_182 : vector<16xf32>
      %select_n3A_230 = arith.select %gt3A_229, %get3A_228, %scan3A_182 : vector<16xi1>, vector<16xf32>
      %broadcast_in_dim3A_231 = vector.broadcast %add3A_193 : i32 to vector<16xi32>
      %select_n3A_232 = arith.select %gt3A_229, %broadcast_in_dim3A_231, %scan3A_190 : vector<16xi1>, vector<16xi32>
      %get3A_233 = arith.index_cast %scan3A_176 : i32 to index
      %get3A_234 = arith.constant 96 : index
      %get3A_235 = tpu.vector_load %arg6[%get3A_233, %get3A_234] {strides = array<i32>} : memref<232x128xf32, #tpu.memory_space<vmem>>, vector<16xf32>,
      %gt3A_236 = arith.cmpf ogt, %get3A_235, %scan3A_183 : vector<16xf32>
      %select_n3A_237 = arith.select %gt3A_236, %get3A_235, %scan3A_183 : vector<16xi1>, vector<16xf32>
      %broadcast_in_dim3A_238 = vector.broadcast %add3A_193 : i32 to vector<16xi32>
      %select_n3A_239 = arith.select %gt3A_236, %broadcast_in_dim3A_238, %scan3A_191 : vector<16xi1>, vector<16xi32>
      %get3A_240 = arith.index_cast %scan3A_176 : i32 to index
      %get3A_241 = arith.constant 112 : index
      %get3A_242 = tpu.vector_load %arg6[%get3A_240, %get3A_241] {strides = array<i32>} : memref<232x128xf32, #tpu.memory_space<vmem>>, vector<16xf32>,
      %gt3A_243 = arith.cmpf ogt, %get3A_242, %scan3A_184 : vector<16xf32>
      %select_n3A_244 = arith.select %gt3A_243, %get3A_242, %scan3A_184 : vector<16xi1>, vector<16xf32>
      %broadcast_in_dim3A_245 = vector.broadcast %add3A_193 : i32 to vector<16xi32>
      %select_n3A_246 = arith.select %gt3A_243, %broadcast_in_dim3A_245, %scan3A_192 : vector<16xi1>, vector<16xi32>
      scf.yield %select_n3A, %select_n3A_202, %select_n3A_209, %select_n3A_216, %select_n3A_223, %select_n3A_230, %select_n3A_237, %select_n3A_244, %select_n3A_197, %select_n3A_204, %select_n3A_211, %select_n3A_218, %select_n3A_225, %select_n3A_232, %select_n3A_239, %select_n3A_246 : vector<16xf32>, vector<16xf32>, vector<16xf32>, vector<16xf32>, vector<16xf32>, vector<16xf32>, vector<16xf32>, vector<16xf32>, vector<16xi32>, vector<16xi32>, vector<16xi32>, vector<16xi32>, vector<16xi32>, vector<16xi32>, vector<16xi32>, vector<16xi32>
    }
    %scan3A_128 = arith.constant 232 : i32
    %add3A_129 = arith.constant 128 : i32
    %add3A_130 = arith.addi %add3A_129, %add3A : i32
    %mul3A_131 = arith.constant 232 : i32
    %mul3A_132 = arith.muli %add3A_130, %mul3A_131 : i32
    %dma_wait3A_133 = arith.constant 0 : i32
    %dma_wait3A_134 = tpu.memref_slice %arg2[%multiple_of3A_110, %dma_wait3A_133] : memref<100000x128xf32, #tpu.memory_space<hbm>> -> memref<232x128xf32, #tpu.memory_space<hbm>>
    %dma_wait3A_135 = arith.constant 0 : i32
    %dma_wait3A_136 = tpu.memref_slice %arg2[%multiple_of3A_110, %dma_wait3A_135] : memref<100000x128xf32, #tpu.memory_space<hbm>> -> memref<232x128xf32, #tpu.memory_space<hbm>>
    tpu.wait_dma2 semaphore(%arg11 : memref<!tpu.dma_semaphore, #tpu.memory_space<semaphore_mem>>) src(%dma_wait3A_136 : memref<232x128xf32, #tpu.memory_space<hbm>>) dst(%arg5 : memref<232x128xf32, #tpu.memory_space<vmem>>)
    %scan3A_137 = arith.constant 0 : i32
    %scan3A_138 = arith.constant 232 : i32
    %scan3A_139 = arith.addi %scan3A_137, %scan3A_138 : i32
    %scan3A_140 = arith.constant 1 : i32
    %scan3A_141:16 = scf.for %scan3A_176 = %scan3A_137 to %scan3A_139 step %scan3A_140 iter_args(%scan3A_177 = %scan3A_127#0, %scan3A_178 = %scan3A_127#1, %scan3A_179 = %scan3A_127#2, %scan3A_180 = %scan3A_127#3, %scan3A_181 = %scan3A_127#4, %scan3A_182 = %scan3A_127#5, %scan3A_183 = %scan3A_127#6, %scan3A_184 = %scan3A_127#7, %scan3A_185 = %scan3A_127#8, %scan3A_186 = %scan3A_127#9, %scan3A_187 = %scan3A_127#10, %scan3A_188 = %scan3A_127#11, %scan3A_189 = %scan3A_127#12, %scan3A_190 = %scan3A_127#13, %scan3A_191 = %scan3A_127#14, %scan3A_192 = %scan3A_127#15) -> (vector<16xf32>, vector<16xf32>, vector<16xf32>, vector<16xf32>, vector<16xf32>, vector<16xf32>, vector<16xf32>, vector<16xf32>, vector<16xi32>, vector<16xi32>, vector<16xi32>, vector<16xi32>, vector<16xi32>, vector<16xi32>, vector<16xi32>, vector<16xi32>)  : i32 {
      %add3A_193 = arith.addi %mul3A_132, %scan3A_176 : i32
      %get3A = arith.index_cast %scan3A_176 : i32 to index
      %get3A_194 = arith.constant 0 : index
      %get3A_195 = tpu.vector_load %arg5[%get3A, %get3A_194] {strides = array<i32>} : memref<232x128xf32, #tpu.memory_space<vmem>>, vector<16xf32>,
      %gt3A = arith.cmpf ogt, %get3A_195, %scan3A_177 : vector<16xf32>
      %select_n3A = arith.select %gt3A, %get3A_195, %scan3A_177 : vector<16xi1>, vector<16xf32>
      %broadcast_in_dim3A_196 = vector.broadcast %add3A_193 : i32 to vector<16xi32>
      %select_n3A_197 = arith.select %gt3A, %broadcast_in_dim3A_196, %scan3A_185 : vector<16xi1>, vector<16xi32>
      %get3A_198 = arith.index_cast %scan3A_176 : i32 to index
      %get3A_199 = arith.constant 16 : index
      %get3A_200 = tpu.vector_load %arg5[%get3A_198, %get3A_199] {strides = array<i32>} : memref<232x128xf32, #tpu.memory_space<vmem>>, vector<16xf32>,
      %gt3A_201 = arith.cmpf ogt, %get3A_200, %scan3A_178 : vector<16xf32>
      %select_n3A_202 = arith.select %gt3A_201, %get3A_200, %scan3A_178 : vector<16xi1>, vector<16xf32>
      %broadcast_in_dim3A_203 = vector.broadcast %add3A_193 : i32 to vector<16xi32>
      %select_n3A_204 = arith.select %gt3A_201, %broadcast_in_dim3A_203, %scan3A_186 : vector<16xi1>, vector<16xi32>
      %get3A_205 = arith.index_cast %scan3A_176 : i32 to index
      %get3A_206 = arith.constant 32 : index
      %get3A_207 = tpu.vector_load %arg5[%get3A_205, %get3A_206] {strides = array<i32>} : memref<232x128xf32, #tpu.memory_space<vmem>>, vector<16xf32>,
      %gt3A_208 = arith.cmpf ogt, %get3A_207, %scan3A_179 : vector<16xf32>
      %select_n3A_209 = arith.select %gt3A_208, %get3A_207, %scan3A_179 : vector<16xi1>, vector<16xf32>
      %broadcast_in_dim3A_210 = vector.broadcast %add3A_193 : i32 to vector<16xi32>
      %select_n3A_211 = arith.select %gt3A_208, %broadcast_in_dim3A_210, %scan3A_187 : vector<16xi1>, vector<16xi32>
      %get3A_212 = arith.index_cast %scan3A_176 : i32 to index
      %get3A_213 = arith.constant 48 : index
      %get3A_214 = tpu.vector_load %arg5[%get3A_212, %get3A_213] {strides = array<i32>} : memref<232x128xf32, #tpu.memory_space<vmem>>, vector<16xf32>,
      %gt3A_215 = arith.cmpf ogt, %get3A_214, %scan3A_180 : vector<16xf32>
      %select_n3A_216 = arith.select %gt3A_215, %get3A_214, %scan3A_180 : vector<16xi1>, vector<16xf32>
      %broadcast_in_dim3A_217 = vector.broadcast %add3A_193 : i32 to vector<16xi32>
      %select_n3A_218 = arith.select %gt3A_215, %broadcast_in_dim3A_217, %scan3A_188 : vector<16xi1>, vector<16xi32>
      %get3A_219 = arith.index_cast %scan3A_176 : i32 to index
      %get3A_220 = arith.constant 64 : index
      %get3A_221 = tpu.vector_load %arg5[%get3A_219, %get3A_220] {strides = array<i32>} : memref<232x128xf32, #tpu.memory_space<vmem>>, vector<16xf32>,
      %gt3A_222 = arith.cmpf ogt, %get3A_221, %scan3A_181 : vector<16xf32>
      %select_n3A_223 = arith.select %gt3A_222, %get3A_221, %scan3A_181 : vector<16xi1>, vector<16xf32>
      %broadcast_in_dim3A_224 = vector.broadcast %add3A_193 : i32 to vector<16xi32>
      %select_n3A_225 = arith.select %gt3A_222, %broadcast_in_dim3A_224, %scan3A_189 : vector<16xi1>, vector<16xi32>
      %get3A_226 = arith.index_cast %scan3A_176 : i32 to index
      %get3A_227 = arith.constant 80 : index
      %get3A_228 = tpu.vector_load %arg5[%get3A_226, %get3A_227] {strides = array<i32>} : memref<232x128xf32, #tpu.memory_space<vmem>>, vector<16xf32>,
      %gt3A_229 = arith.cmpf ogt, %get3A_228, %scan3A_182 : vector<16xf32>
      %select_n3A_230 = arith.select %gt3A_229, %get3A_228, %scan3A_182 : vector<16xi1>, vector<16xf32>
      %broadcast_in_dim3A_231 = vector.broadcast %add3A_193 : i32 to vector<16xi32>
      %select_n3A_232 = arith.select %gt3A_229, %broadcast_in_dim3A_231, %scan3A_190 : vector<16xi1>, vector<16xi32>
      %get3A_233 = arith.index_cast %scan3A_176 : i32 to index
      %get3A_234 = arith.constant 96 : index
      %get3A_235 = tpu.vector_load %arg5[%get3A_233, %get3A_234] {strides = array<i32>} : memref<232x128xf32, #tpu.memory_space<vmem>>, vector<16xf32>,
      %gt3A_236 = arith.cmpf ogt, %get3A_235, %scan3A_183 : vector<16xf32>
      %select_n3A_237 = arith.select %gt3A_236, %get3A_235, %scan3A_183 : vector<16xi1>, vector<16xf32>
      %broadcast_in_dim3A_238 = vector.broadcast %add3A_193 : i32 to vector<16xi32>
      %select_n3A_239 = arith.select %gt3A_236, %broadcast_in_dim3A_238, %scan3A_191 : vector<16xi1>, vector<16xi32>
      %get3A_240 = arith.index_cast %scan3A_176 : i32 to index
      %get3A_241 = arith.constant 112 : index
      %get3A_242 = tpu.vector_load %arg5[%get3A_240, %get3A_241] {strides = array<i32>} : memref<232x128xf32, #tpu.memory_space<vmem>>, vector<16xf32>,
      %gt3A_243 = arith.cmpf ogt, %get3A_242, %scan3A_184 : vector<16xf32>
      %select_n3A_244 = arith.select %gt3A_243, %get3A_242, %scan3A_184 : vector<16xi1>, vector<16xf32>
      %broadcast_in_dim3A_245 = vector.broadcast %add3A_193 : i32 to vector<16xi32>
      %select_n3A_246 = arith.select %gt3A_243, %broadcast_in_dim3A_245, %scan3A_192 : vector<16xi1>, vector<16xi32>
      scf.yield %select_n3A, %select_n3A_202, %select_n3A_209, %select_n3A_216, %select_n3A_223, %select_n3A_230, %select_n3A_237, %select_n3A_244, %select_n3A_197, %select_n3A_204, %select_n3A_211, %select_n3A_218, %select_n3A_225, %select_n3A_232, %select_n3A_239, %select_n3A_246 : vector<16xf32>, vector<16xf32>, vector<16xf32>, vector<16xf32>, vector<16xf32>, vector<16xf32>, vector<16xf32>, vector<16xf32>, vector<16xi32>, vector<16xi32>, vector<16xi32>, vector<16xi32>, vector<16xi32>, vector<16xi32>, vector<16xi32>, vector<16xi32>
    }
    %scan3A_142 = arith.constant 232 : i32
    %swap3A = arith.constant 0 : index
    %swap3A_143 = tpu.vector_load %arg7[%swap3A] {strides = array<i32>} : memref<128xf32, #tpu.memory_space<vmem>>, vector<16xf32>,
    tpu.vector_store %arg7[%swap3A], %scan3A_141#0 {strides = array<i32>} : memref<128xf32, #tpu.memory_space<vmem>>, vector<16xf32>,
    %swap3A_144 = arith.constant 0 : index
    %swap3A_145 = tpu.vector_load %arg8[%swap3A_144] {strides = array<i32>} : memref<128xi32, #tpu.memory_space<vmem>>, vector<16xi32>,
    tpu.vector_store %arg8[%swap3A_144], %scan3A_141#8 {strides = array<i32>} : memref<128xi32, #tpu.memory_space<vmem>>, vector<16xi32>,
    %swap3A_146 = arith.constant 16 : index
    %swap3A_147 = tpu.vector_load %arg7[%swap3A_146] {strides = array<i32>} : memref<128xf32, #tpu.memory_space<vmem>>, vector<16xf32>,
    tpu.vector_store %arg7[%swap3A_146], %scan3A_141#1 {strides = array<i32>} : memref<128xf32, #tpu.memory_space<vmem>>, vector<16xf32>,
    %swap3A_148 = arith.constant 16 : index
    %swap3A_149 = tpu.vector_load %arg8[%swap3A_148] {strides = array<i32>} : memref<128xi32, #tpu.memory_space<vmem>>, vector<16xi32>,
    tpu.vector_store %arg8[%swap3A_148], %scan3A_141#9 {strides = array<i32>} : memref<128xi32, #tpu.memory_space<vmem>>, vector<16xi32>,
    %swap3A_150 = arith.constant 32 : index
    %swap3A_151 = tpu.vector_load %arg7[%swap3A_150] {strides = array<i32>} : memref<128xf32, #tpu.memory_space<vmem>>, vector<16xf32>,
    tpu.vector_store %arg7[%swap3A_150], %scan3A_141#2 {strides = array<i32>} : memref<128xf32, #tpu.memory_space<vmem>>, vector<16xf32>,
    %swap3A_152 = arith.constant 32 : index
    %swap3A_153 = tpu.vector_load %arg8[%swap3A_152] {strides = array<i32>} : memref<128xi32, #tpu.memory_space<vmem>>, vector<16xi32>,
    tpu.vector_store %arg8[%swap3A_152], %scan3A_141#10 {strides = array<i32>} : memref<128xi32, #tpu.memory_space<vmem>>, vector<16xi32>,
    %swap3A_154 = arith.constant 48 : index
    %swap3A_155 = tpu.vector_load %arg7[%swap3A_154] {strides = array<i32>} : memref<128xf32, #tpu.memory_space<vmem>>, vector<16xf32>,
    tpu.vector_store %arg7[%swap3A_154], %scan3A_141#3 {strides = array<i32>} : memref<128xf32, #tpu.memory_space<vmem>>, vector<16xf32>,
    %swap3A_156 = arith.constant 48 : index
    %swap3A_157 = tpu.vector_load %arg8[%swap3A_156] {strides = array<i32>} : memref<128xi32, #tpu.memory_space<vmem>>, vector<16xi32>,
    tpu.vector_store %arg8[%swap3A_156], %scan3A_141#11 {strides = array<i32>} : memref<128xi32, #tpu.memory_space<vmem>>, vector<16xi32>,
    %swap3A_158 = arith.constant 64 : index
    %swap3A_159 = tpu.vector_load %arg7[%swap3A_158] {strides = array<i32>} : memref<128xf32, #tpu.memory_space<vmem>>, vector<16xf32>,
    tpu.vector_store %arg7[%swap3A_158], %scan3A_141#4 {strides = array<i32>} : memref<128xf32, #tpu.memory_space<vmem>>, vector<16xf32>,
    %swap3A_160 = arith.constant 64 : index
    %swap3A_161 = tpu.vector_load %arg8[%swap3A_160] {strides = array<i32>} : memref<128xi32, #tpu.memory_space<vmem>>, vector<16xi32>,
    tpu.vector_store %arg8[%swap3A_160], %scan3A_141#12 {strides = array<i32>} : memref<128xi32, #tpu.memory_space<vmem>>, vector<16xi32>,
    %swap3A_162 = arith.constant 80 : index
    %swap3A_163 = tpu.vector_load %arg7[%swap3A_162] {strides = array<i32>} : memref<128xf32, #tpu.memory_space<vmem>>, vector<16xf32>,
    tpu.vector_store %arg7[%swap3A_162], %scan3A_141#5 {strides = array<i32>} : memref<128xf32, #tpu.memory_space<vmem>>, vector<16xf32>,
    %swap3A_164 = arith.constant 80 : index
    %swap3A_165 = tpu.vector_load %arg8[%swap3A_164] {strides = array<i32>} : memref<128xi32, #tpu.memory_space<vmem>>, vector<16xi32>,
    tpu.vector_store %arg8[%swap3A_164], %scan3A_141#13 {strides = array<i32>} : memref<128xi32, #tpu.memory_space<vmem>>, vector<16xi32>,
    %swap3A_166 = arith.constant 96 : index
    %swap3A_167 = tpu.vector_load %arg7[%swap3A_166] {strides = array<i32>} : memref<128xf32, #tpu.memory_space<vmem>>, vector<16xf32>,
    tpu.vector_store %arg7[%swap3A_166], %scan3A_141#6 {strides = array<i32>} : memref<128xf32, #tpu.memory_space<vmem>>, vector<16xf32>,
    %swap3A_168 = arith.constant 96 : index
    %swap3A_169 = tpu.vector_load %arg8[%swap3A_168] {strides = array<i32>} : memref<128xi32, #tpu.memory_space<vmem>>, vector<16xi32>,
    tpu.vector_store %arg8[%swap3A_168], %scan3A_141#14 {strides = array<i32>} : memref<128xi32, #tpu.memory_space<vmem>>, vector<16xi32>,
    %swap3A_170 = arith.constant 112 : index
    %swap3A_171 = tpu.vector_load %arg7[%swap3A_170] {strides = array<i32>} : memref<128xf32, #tpu.memory_space<vmem>>, vector<16xf32>,
    tpu.vector_store %arg7[%swap3A_170], %scan3A_141#7 {strides = array<i32>} : memref<128xf32, #tpu.memory_space<vmem>>, vector<16xf32>,
    %swap3A_172 = arith.constant 112 : index
    %swap3A_173 = tpu.vector_load %arg8[%swap3A_172] {strides = array<i32>} : memref<128xi32, #tpu.memory_space<vmem>>, vector<16xi32>,
    tpu.vector_store %arg8[%swap3A_172], %scan3A_141#15 {strides = array<i32>} : memref<128xi32, #tpu.memory_space<vmem>>, vector<16xi32>,
    "tpu.region"() ({
      %run_scoped3A = tpu.sem_alloc : memref<!tpu.dma_semaphore, #tpu.memory_space<semaphore_mem>>
      %dma_start3A_176 = arith.constant 0 : i32
      %dma_start3A_177 = tpu.memref_slice %arg9[%arg1, %dma_start3A_176] : memref<16x128xf32, #tpu.memory_space<vmem_shared>> -> memref<1x128xf32, #tpu.memory_space<vmem_shared>>
      %dma_start3A_178 = tpu.memref_squeeze %dma_start3A_177 : memref<1x128xf32, #tpu.memory_space<vmem_shared>> -> memref<128xf32, #tpu.memory_space<vmem_shared>>
      %dma_start3A_179 = arith.constant 0 : i32
      %dma_start3A_180 = tpu.memref_slice %arg9[%arg1, %dma_start3A_179] : memref<16x128xf32, #tpu.memory_space<vmem_shared>> -> memref<1x128xf32, #tpu.memory_space<vmem_shared>>
      %dma_start3A_181 = tpu.memref_squeeze %dma_start3A_180 : memref<1x128xf32, #tpu.memory_space<vmem_shared>> -> memref<128xf32, #tpu.memory_space<vmem_shared>>
      tpu.enqueue_dma source(%arg7 : memref<128xf32, #tpu.memory_space<vmem>>) target(%dma_start3A_181 : memref<128xf32, #tpu.memory_space<vmem_shared>>) target_semaphore(%run_scoped3A : memref<!tpu.dma_semaphore, #tpu.memory_space<semaphore_mem>>)
      %dma_wait3A_182 = arith.constant 0 : i32
      %dma_wait3A_183 = tpu.memref_slice %arg9[%arg1, %dma_wait3A_182] : memref<16x128xf32, #tpu.memory_space<vmem_shared>> -> memref<1x128xf32, #tpu.memory_space<vmem_shared>>
      %dma_wait3A_184 = tpu.memref_squeeze %dma_wait3A_183 : memref<1x128xf32, #tpu.memory_space<vmem_shared>> -> memref<128xf32, #tpu.memory_space<vmem_shared>>
      %dma_wait3A_185 = arith.constant 0 : i32
      %dma_wait3A_186 = tpu.memref_slice %arg9[%arg1, %dma_wait3A_185] : memref<16x128xf32, #tpu.memory_space<vmem_shared>> -> memref<1x128xf32, #tpu.memory_space<vmem_shared>>
      %dma_wait3A_187 = tpu.memref_squeeze %dma_wait3A_186 : memref<1x128xf32, #tpu.memory_space<vmem_shared>> -> memref<128xf32, #tpu.memory_space<vmem_shared>>
      tpu.wait_dma2 semaphore(%run_scoped3A : memref<!tpu.dma_semaphore, #tpu.memory_space<semaphore_mem>>) src(%arg7 : memref<128xf32, #tpu.memory_space<vmem>>) dst(%dma_wait3A_187 : memref<128xf32, #tpu.memory_space<vmem_shared>>)
      tpu.yield
    }) : () -> ()
    "tpu.region"() ({
      %run_scoped3A = tpu.sem_alloc : memref<!tpu.dma_semaphore, #tpu.memory_space<semaphore_mem>>
      %dma_start3A_176 = arith.constant 0 : i32
      %dma_start3A_177 = tpu.memref_slice %arg10[%arg1, %dma_start3A_176] : memref<16x128xi32, #tpu.memory_space<vmem_shared>> -> memref<1x128xi32, #tpu.memory_space<vmem_shared>>
      %dma_start3A_178 = tpu.memref_squeeze %dma_start3A_177 : memref<1x128xi32, #tpu.memory_space<vmem_shared>> -> memref<128xi32, #tpu.memory_space<vmem_shared>>
      %dma_start3A_179 = arith.constant 0 : i32
      %dma_start3A_180 = tpu.memref_slice %arg10[%arg1, %dma_start3A_179] : memref<16x128xi32, #tpu.memory_space<vmem_shared>> -> memref<1x128xi32, #tpu.memory_space<vmem_shared>>
      %dma_start3A_181 = tpu.memref_squeeze %dma_start3A_180 : memref<1x128xi32, #tpu.memory_space<vmem_shared>> -> memref<128xi32, #tpu.memory_space<vmem_shared>>
      tpu.enqueue_dma source(%arg8 : memref<128xi32, #tpu.memory_space<vmem>>) target(%dma_start3A_181 : memref<128xi32, #tpu.memory_space<vmem_shared>>) target_semaphore(%run_scoped3A : memref<!tpu.dma_semaphore, #tpu.memory_space<semaphore_mem>>)
      %dma_wait3A_182 = arith.constant 0 : i32
      %dma_wait3A_183 = tpu.memref_slice %arg10[%arg1, %dma_wait3A_182] : memref<16x128xi32, #tpu.memory_space<vmem_shared>> -> memref<1x128xi32, #tpu.memory_space<vmem_shared>>
      %dma_wait3A_184 = tpu.memref_squeeze %dma_wait3A_183 : memref<1x128xi32, #tpu.memory_space<vmem_shared>> -> memref<128xi32, #tpu.memory_space<vmem_shared>>
      %dma_wait3A_185 = arith.constant 0 : i32
      %dma_wait3A_186 = tpu.memref_slice %arg10[%arg1, %dma_wait3A_185] : memref<16x128xi32, #tpu.memory_space<vmem_shared>> -> memref<1x128xi32, #tpu.memory_space<vmem_shared>>
      %dma_wait3A_187 = tpu.memref_squeeze %dma_wait3A_186 : memref<1x128xi32, #tpu.memory_space<vmem_shared>> -> memref<128xi32, #tpu.memory_space<vmem_shared>>
      tpu.wait_dma2 semaphore(%run_scoped3A : memref<!tpu.dma_semaphore, #tpu.memory_space<semaphore_mem>>) src(%arg8 : memref<128xi32, #tpu.memory_space<vmem>>) dst(%dma_wait3A_187 : memref<128xi32, #tpu.memory_space<vmem_shared>>)
      tpu.yield
    }) : () -> ()
    %barrier3A = arith.constant 0 : index
    tpu.barrier barrier_id(%barrier3A)
    %eq3A = arith.constant 0 : i32
    %eq3A_174 = arith.cmpi eq, %arg1, %eq3A : i32
    %convert_element_type3A = arith.extui %eq3A_174 : i1 to i32
    %cond3A = arith.constant 0 : i32
    %cond3A_175 = arith.cmpi ne, %convert_element_type3A, %cond3A : i32
    scf.if %cond3A_175 {
      %mul3A_176 = arith.constant 16 : i32
      %mul3A_177 = arith.muli %arg0, %mul3A_176 : i32
      %multiple_of3A_178 = tpu.assume_multiple %mul3A_177, 8 : i32
      "tpu.region"() ({
        %run_scoped3A = tpu.sem_alloc : memref<!tpu.dma_semaphore, #tpu.memory_space<semaphore_mem>>
        %dma_start3A_179 = arith.constant 0 : i32
        %dma_start3A_180 = tpu.memref_slice %arg3[%multiple_of3A_178, %dma_start3A_179] : memref<32x128xf32, #tpu.memory_space<hbm>> -> memref<16x128xf32, #tpu.memory_space<hbm>>
        tpu.enqueue_dma source(%arg9 : memref<16x128xf32, #tpu.memory_space<vmem_shared>>) target(%dma_start3A_180 : memref<16x128xf32, #tpu.memory_space<hbm>>) target_semaphore(%run_scoped3A : memref<!tpu.dma_semaphore, #tpu.memory_space<semaphore_mem>>)
        %dma_wait3A_181 = arith.constant 0 : i32
        %dma_wait3A_182 = tpu.memref_slice %arg3[%multiple_of3A_178, %dma_wait3A_181] : memref<32x128xf32, #tpu.memory_space<hbm>> -> memref<16x128xf32, #tpu.memory_space<hbm>>
        tpu.wait_dma2 semaphore(%run_scoped3A : memref<!tpu.dma_semaphore, #tpu.memory_space<semaphore_mem>>) src(%arg9 : memref<16x128xf32, #tpu.memory_space<vmem_shared>>) dst(%dma_wait3A_182 : memref<16x128xf32, #tpu.memory_space<hbm>>)
        tpu.yield
      }) : () -> ()
      "tpu.region"() ({
        %run_scoped3A = tpu.sem_alloc : memref<!tpu.dma_semaphore, #tpu.memory_space<semaphore_mem>>
        %dma_start3A_179 = arith.constant 0 : i32
        %dma_start3A_180 = tpu.memref_slice %arg4[%multiple_of3A_178, %dma_start3A_179] : memref<32x128xi32, #tpu.memory_space<hbm>> -> memref<16x128xi32, #tpu.memory_space<hbm>>
        tpu.enqueue_dma source(%arg10 : memref<16x128xi32, #tpu.memory_space<vmem_shared>>) target(%dma_start3A_180 : memref<16x128xi32, #tpu.memory_space<hbm>>) target_semaphore(%run_scoped3A : memref<!tpu.dma_semaphore, #tpu.memory_space<semaphore_mem>>)
        %dma_wait3A_181 = arith.constant 0 : i32
        %dma_wait3A_182 = tpu.memref_slice %arg4[%multiple_of3A_178, %dma_wait3A_181] : memref<32x128xi32, #tpu.memory_space<hbm>> -> memref<16x128xi32, #tpu.memory_space<hbm>>
        tpu.wait_dma2 semaphore(%run_scoped3A : memref<!tpu.dma_semaphore, #tpu.memory_space<semaphore_mem>>) src(%arg10 : memref<16x128xi32, #tpu.memory_space<vmem_shared>>) dst(%dma_wait3A_182 : memref<16x128xi32, #tpu.memory_space<hbm>>)
        tpu.yield
      }) : () -> ()
    } else {
    }
    return
  }
}

module attributes {stable_mosaic.version = 14 : i64} {
  func.func @_merge_body(%arg0: memref<32x128xf32, #tpu.memory_space<vmem>>, %arg1: memref<32x128xi32, #tpu.memory_space<vmem>>, %arg2: memref<1x128xf32, #tpu.memory_space<vmem>>, %arg3: memref<1x128xi32, #tpu.memory_space<vmem>>, %arg4: memref<1x128xi32, #tpu.memory_space<vmem>>) attributes {dimension_semantics = [], scalar_prefetch = 0 : i64, scratch_operands = 0 : i64, tpu.core_type = #tpu.core_type<tc>} {
    %get3A = arith.constant 0 : index
    %get3A_0 = arith.constant 0 : index
    %get3A_1 = vector.load %arg0[%get3A, %get3A_0] : memref<32x128xf32, #tpu.memory_space<vmem>>, vector<32x128xf32>
    %get3A_2 = arith.constant 0 : index
    %get3A_3 = arith.constant 0 : index
    %get3A_4 = vector.load %arg1[%get3A_2, %get3A_3] : memref<32x128xi32, #tpu.memory_space<vmem>>, vector<32x128xi32>
    %get3A_5 = arith.constant 0 : index
    %get3A_6 = arith.constant 0 : index
    %get3A_7 = vector.load %arg2[%get3A_5, %get3A_6] : memref<1x128xf32, #tpu.memory_space<vmem>>, vector<1x128xf32>
    %get3A_8 = arith.constant 0 : index
    %get3A_9 = arith.constant 0 : index
    %get3A_10 = vector.load %arg3[%get3A_8, %get3A_9] : memref<1x128xi32, #tpu.memory_space<vmem>>, vector<1x128xi32>
    %reduce_max3A = arith.constant dense<0xFF800000> : vector<128xf32>
    %reduce_max3A_11 = vector.multi_reduction <maximumf>, %get3A_1, %reduce_max3A [0] : vector<32x128xf32> to vector<128xf32>
    %broadcast_in_dim3A = vector.shape_cast %reduce_max3A_11 : vector<128xf32> to vector<1x128xf32>
    %max3A = arith.maximumf %broadcast_in_dim3A, %get3A_7 : vector<1x128xf32>
    %eq3A = vector.broadcast %max3A : vector<1x128xf32> to vector<32x128xf32>
    %eq3A_12 = arith.cmpf oeq, %get3A_1, %eq3A : vector<32x128xf32>
    %jit3A = arith.constant 2147483647 : i32
    %broadcast_in_dim3A_13 = vector.broadcast %jit3A : i32 to vector<32x128xi32>
    %select_n3A = arith.select %eq3A_12, %get3A_4, %broadcast_in_dim3A_13 : vector<32x128xi1>, vector<32x128xi32>
    %reduce_min3A = arith.constant dense<2147483647> : vector<128xi32>
    %reduce_min3A_14 = vector.multi_reduction <minsi>, %select_n3A, %reduce_min3A [0] : vector<32x128xi32> to vector<128xi32>
    %broadcast_in_dim3A_15 = vector.shape_cast %reduce_min3A_14 : vector<128xi32> to vector<1x128xi32>
    %eq3A_16 = arith.cmpf oeq, %get3A_7, %max3A : vector<1x128xf32>
    %jit3A_17 = arith.constant 2147483647 : i32
    %broadcast_in_dim3A_18 = vector.broadcast %jit3A_17 : i32 to vector<1x128xi32>
    %select_n3A_19 = arith.select %eq3A_16, %get3A_10, %broadcast_in_dim3A_18 : vector<1x128xi1>, vector<1x128xi32>
    %min3A = arith.minsi %broadcast_in_dim3A_15, %select_n3A_19 : vector<1x128xi32>
    %swap3A = arith.constant 0 : index
    %swap3A_20 = arith.constant 0 : index
    %swap3A_21 = vector.load %arg4[%swap3A, %swap3A_20] : memref<1x128xi32, #tpu.memory_space<vmem>>, vector<1x128xi32>
    tpu.vector_store %arg4[%swap3A, %swap3A_20], %min3A {strides = array<i32>} : memref<1x128xi32, #tpu.memory_space<vmem>>, vector<1x128xi32>,
    return
  }
}

module attributes {stable_mosaic.version = 14 : i64} {
  func.func @_tc_scan_body(%arg0: i32, %arg1: memref<2000x128xf32, #tpu.memory_space<vmem>>, %arg2: memref<2000x128xf32, #tpu.memory_space<vmem>>, %arg3: memref<1x128xf32, #tpu.memory_space<vmem>>, %arg4: memref<1x128xi32, #tpu.memory_space<vmem>>, %arg5: memref<8x128xf32, #tpu.memory_space<vmem>>, %arg6: memref<8x128xi32, #tpu.memory_space<vmem>>, %arg7: memref<8x128xf32, #tpu.memory_space<vmem>>, %arg8: memref<8x128xi32, #tpu.memory_space<vmem>>) attributes {dimension_semantics = [#tpu.dimension_semantics<arbitrary>], iteration_bounds = array<i64: 16>, scalar_prefetch = 0 : i64, scratch_operands = 4 : i64, tpu.core_type = #tpu.core_type<tc>, window_params = [{transform_indices = @transform_0, window_bounds = array<i64: 2000, 128>}, {transform_indices = @transform_1, window_bounds = array<i64: 2000, 128>}, {pipeline_mode = #tpu.pipeline_mode<synchronous>, transform_indices = @transform_2, window_bounds = array<i64: 1, 128>}, {pipeline_mode = #tpu.pipeline_mode<synchronous>, transform_indices = @transform_3, window_bounds = array<i64: 1, 128>}]} {
    %eq3A = arith.constant 0 : i32
    %eq3A_0 = arith.cmpi eq, %arg0, %eq3A : i32
    %convert_element_type3A = arith.extui %eq3A_0 : i1 to i32
    %cond3A = arith.constant 0 : i32
    %cond3A_1 = arith.cmpi ne, %convert_element_type3A, %cond3A : i32
    scf.if %cond3A_1 {
      %broadcast_in_dim3A_3536 = arith.constant 0xFF800000 : f32
      %broadcast_in_dim3A_3537 = vector.broadcast %broadcast_in_dim3A_3536 : f32 to vector<8x128xf32>
      %swap3A_3538 = arith.constant 0 : index
      %swap3A_3539 = arith.constant 0 : index
      %swap3A_3540 = vector.load %arg5[%swap3A_3538, %swap3A_3539] : memref<8x128xf32, #tpu.memory_space<vmem>>, vector<8x128xf32>
      tpu.vector_store %arg5[%swap3A_3538, %swap3A_3539], %broadcast_in_dim3A_3537 {strides = array<i32>} : memref<8x128xf32, #tpu.memory_space<vmem>>, vector<8x128xf32>,
      %broadcast_in_dim3A_3541 = arith.constant 0 : i32
      %broadcast_in_dim3A_3542 = vector.broadcast %broadcast_in_dim3A_3541 : i32 to vector<8x128xi32>
      %swap3A_3543 = arith.constant 0 : index
      %swap3A_3544 = arith.constant 0 : index
      %swap3A_3545 = vector.load %arg6[%swap3A_3543, %swap3A_3544] : memref<8x128xi32, #tpu.memory_space<vmem>>, vector<8x128xi32>
      tpu.vector_store %arg6[%swap3A_3543, %swap3A_3544], %broadcast_in_dim3A_3542 {strides = array<i32>} : memref<8x128xi32, #tpu.memory_space<vmem>>, vector<8x128xi32>,
      %broadcast_in_dim3A_3546 = arith.constant 0xFF800000 : f32
      %broadcast_in_dim3A_3547 = vector.broadcast %broadcast_in_dim3A_3546 : f32 to vector<8x128xf32>
      %swap3A_3548 = arith.constant 0 : index
      %swap3A_3549 = arith.constant 0 : index
      %swap3A_3550 = vector.load %arg7[%swap3A_3548, %swap3A_3549] : memref<8x128xf32, #tpu.memory_space<vmem>>, vector<8x128xf32>
      tpu.vector_store %arg7[%swap3A_3548, %swap3A_3549], %broadcast_in_dim3A_3547 {strides = array<i32>} : memref<8x128xf32, #tpu.memory_space<vmem>>, vector<8x128xf32>,
      %broadcast_in_dim3A_3551 = arith.constant 0 : i32
      %broadcast_in_dim3A_3552 = vector.broadcast %broadcast_in_dim3A_3551 : i32 to vector<8x128xi32>
      %swap3A_3553 = arith.constant 0 : index
      %swap3A_3554 = arith.constant 0 : index
      %swap3A_3555 = vector.load %arg8[%swap3A_3553, %swap3A_3554] : memref<8x128xi32, #tpu.memory_space<vmem>>, vector<8x128xi32>
      tpu.vector_store %arg8[%swap3A_3553, %swap3A_3554], %broadcast_in_dim3A_3552 {strides = array<i32>} : memref<8x128xi32, #tpu.memory_space<vmem>>, vector<8x128xi32>,
    } else {
    }
    %mul3A = arith.constant 2000 : i32
    %mul3A_2 = arith.muli %arg0, %mul3A : i32
    %add3A = arith.constant 36000 : i32
    %add3A_3 = arith.addi %add3A, %mul3A_2 : i32
    %get3A = arith.constant 0 : index
    %get3A_4 = arith.constant 0 : index
    %get3A_5 = vector.load %arg1[%get3A, %get3A_4] : memref<2000x128xf32, #tpu.memory_space<vmem>>, vector<2000x128xf32>
    %get3A_6 = arith.constant 0 : index
    %get3A_7 = arith.constant 0 : index
    %get3A_8 = vector.load %arg5[%get3A_6, %get3A_7] : memref<8x128xf32, #tpu.memory_space<vmem>>, vector<8x128xf32>
    %get3A_9 = arith.constant 0 : index
    %get3A_10 = arith.constant 0 : index
    %get3A_11 = vector.load %arg6[%get3A_9, %get3A_10] : memref<8x128xi32, #tpu.memory_space<vmem>>, vector<8x128xi32>
    %slice3A = vector.extract_strided_slice %get3A_5 {offsets = [0, 0], sizes = [8, 128], strides = [1, 1]} : vector<2000x128xf32> to vector<8x128xf32>
    %gt3A = arith.cmpf ogt, %slice3A, %get3A_8 : vector<8x128xf32>
    %max3A = arith.maximumf %get3A_8, %slice3A : vector<8x128xf32>
    %add3A_12 = arith.constant 0 : i32
    %add3A_13 = arith.addi %add3A_3, %add3A_12 : i32
    %broadcast_in_dim3A = vector.broadcast %add3A_13 : i32 to vector<8x128xi32>
    %select_n3A = arith.select %gt3A, %broadcast_in_dim3A, %get3A_11 : vector<8x128xi1>, vector<8x128xi32>
    %slice3A_14 = vector.extract_strided_slice %get3A_5 {offsets = [8, 0], sizes = [8, 128], strides = [1, 1]} : vector<2000x128xf32> to vector<8x128xf32>
    %gt3A_15 = arith.cmpf ogt, %slice3A_14, %max3A : vector<8x128xf32>
    %max3A_16 = arith.maximumf %max3A, %slice3A_14 : vector<8x128xf32>
    %add3A_17 = arith.constant 8 : i32
    %add3A_18 = arith.addi %add3A_3, %add3A_17 : i32
    %broadcast_in_dim3A_19 = vector.broadcast %add3A_18 : i32 to vector<8x128xi32>
    %select_n3A_20 = arith.select %gt3A_15, %broadcast_in_dim3A_19, %select_n3A : vector<8x128xi1>, vector<8x128xi32>
    %slice3A_21 = vector.extract_strided_slice %get3A_5 {offsets = [16, 0], sizes = [8, 128], strides = [1, 1]} : vector<2000x128xf32> to vector<8x128xf32>
    %gt3A_22 = arith.cmpf ogt, %slice3A_21, %max3A_16 : vector<8x128xf32>
    %max3A_23 = arith.maximumf %max3A_16, %slice3A_21 : vector<8x128xf32>
    %add3A_24 = arith.constant 16 : i32
    %add3A_25 = arith.addi %add3A_3, %add3A_24 : i32
    %broadcast_in_dim3A_26 = vector.broadcast %add3A_25 : i32 to vector<8x128xi32>
    %select_n3A_27 = arith.select %gt3A_22, %broadcast_in_dim3A_26, %select_n3A_20 : vector<8x128xi1>, vector<8x128xi32>
    %slice3A_28 = vector.extract_strided_slice %get3A_5 {offsets = [24, 0], sizes = [8, 128], strides = [1, 1]} : vector<2000x128xf32> to vector<8x128xf32>
    %gt3A_29 = arith.cmpf ogt, %slice3A_28, %max3A_23 : vector<8x128xf32>
    %max3A_30 = arith.maximumf %max3A_23, %slice3A_28 : vector<8x128xf32>
    %add3A_31 = arith.constant 24 : i32
    %add3A_32 = arith.addi %add3A_3, %add3A_31 : i32
    %broadcast_in_dim3A_33 = vector.broadcast %add3A_32 : i32 to vector<8x128xi32>
    %select_n3A_34 = arith.select %gt3A_29, %broadcast_in_dim3A_33, %select_n3A_27 : vector<8x128xi1>, vector<8x128xi32>
    %slice3A_35 = vector.extract_strided_slice %get3A_5 {offsets = [32, 0], sizes = [8, 128], strides = [1, 1]} : vector<2000x128xf32> to vector<8x128xf32>
    %gt3A_36 = arith.cmpf ogt, %slice3A_35, %max3A_30 : vector<8x128xf32>
    %max3A_37 = arith.maximumf %max3A_30, %slice3A_35 : vector<8x128xf32>
    %add3A_38 = arith.constant 32 : i32
    %add3A_39 = arith.addi %add3A_3, %add3A_38 : i32
    %broadcast_in_dim3A_40 = vector.broadcast %add3A_39 : i32 to vector<8x128xi32>
    %select_n3A_41 = arith.select %gt3A_36, %broadcast_in_dim3A_40, %select_n3A_34 : vector<8x128xi1>, vector<8x128xi32>
    %slice3A_42 = vector.extract_strided_slice %get3A_5 {offsets = [40, 0], sizes = [8, 128], strides = [1, 1]} : vector<2000x128xf32> to vector<8x128xf32>
    %gt3A_43 = arith.cmpf ogt, %slice3A_42, %max3A_37 : vector<8x128xf32>
    %max3A_44 = arith.maximumf %max3A_37, %slice3A_42 : vector<8x128xf32>
    %add3A_45 = arith.constant 40 : i32
    %add3A_46 = arith.addi %add3A_3, %add3A_45 : i32
    %broadcast_in_dim3A_47 = vector.broadcast %add3A_46 : i32 to vector<8x128xi32>
    %select_n3A_48 = arith.select %gt3A_43, %broadcast_in_dim3A_47, %select_n3A_41 : vector<8x128xi1>, vector<8x128xi32>
    %slice3A_49 = vector.extract_strided_slice %get3A_5 {offsets = [48, 0], sizes = [8, 128], strides = [1, 1]} : vector<2000x128xf32> to vector<8x128xf32>
    %gt3A_50 = arith.cmpf ogt, %slice3A_49, %max3A_44 : vector<8x128xf32>
    %max3A_51 = arith.maximumf %max3A_44, %slice3A_49 : vector<8x128xf32>
    %add3A_52 = arith.constant 48 : i32
    %add3A_53 = arith.addi %add3A_3, %add3A_52 : i32
    %broadcast_in_dim3A_54 = vector.broadcast %add3A_53 : i32 to vector<8x128xi32>
    %select_n3A_55 = arith.select %gt3A_50, %broadcast_in_dim3A_54, %select_n3A_48 : vector<8x128xi1>, vector<8x128xi32>
    %slice3A_56 = vector.extract_strided_slice %get3A_5 {offsets = [56, 0], sizes = [8, 128], strides = [1, 1]} : vector<2000x128xf32> to vector<8x128xf32>
    %gt3A_57 = arith.cmpf ogt, %slice3A_56, %max3A_51 : vector<8x128xf32>
    %max3A_58 = arith.maximumf %max3A_51, %slice3A_56 : vector<8x128xf32>
    %add3A_59 = arith.constant 56 : i32
    %add3A_60 = arith.addi %add3A_3, %add3A_59 : i32
    %broadcast_in_dim3A_61 = vector.broadcast %add3A_60 : i32 to vector<8x128xi32>
    %select_n3A_62 = arith.select %gt3A_57, %broadcast_in_dim3A_61, %select_n3A_55 : vector<8x128xi1>, vector<8x128xi32>
    %slice3A_63 = vector.extract_strided_slice %get3A_5 {offsets = [64, 0], sizes = [8, 128], strides = [1, 1]} : vector<2000x128xf32> to vector<8x128xf32>
    %gt3A_64 = arith.cmpf ogt, %slice3A_63, %max3A_58 : vector<8x128xf32>
    %max3A_65 = arith.maximumf %max3A_58, %slice3A_63 : vector<8x128xf32>
    %add3A_66 = arith.constant 64 : i32
    %add3A_67 = arith.addi %add3A_3, %add3A_66 : i32
    %broadcast_in_dim3A_68 = vector.broadcast %add3A_67 : i32 to vector<8x128xi32>
    %select_n3A_69 = arith.select %gt3A_64, %broadcast_in_dim3A_68, %select_n3A_62 : vector<8x128xi1>, vector<8x128xi32>
    %slice3A_70 = vector.extract_strided_slice %get3A_5 {offsets = [72, 0], sizes = [8, 128], strides = [1, 1]} : vector<2000x128xf32> to vector<8x128xf32>
    %gt3A_71 = arith.cmpf ogt, %slice3A_70, %max3A_65 : vector<8x128xf32>
    %max3A_72 = arith.maximumf %max3A_65, %slice3A_70 : vector<8x128xf32>
    %add3A_73 = arith.constant 72 : i32
    %add3A_74 = arith.addi %add3A_3, %add3A_73 : i32
    %broadcast_in_dim3A_75 = vector.broadcast %add3A_74 : i32 to vector<8x128xi32>
    %select_n3A_76 = arith.select %gt3A_71, %broadcast_in_dim3A_75, %select_n3A_69 : vector<8x128xi1>, vector<8x128xi32>
    %slice3A_77 = vector.extract_strided_slice %get3A_5 {offsets = [80, 0], sizes = [8, 128], strides = [1, 1]} : vector<2000x128xf32> to vector<8x128xf32>
    %gt3A_78 = arith.cmpf ogt, %slice3A_77, %max3A_72 : vector<8x128xf32>
    %max3A_79 = arith.maximumf %max3A_72, %slice3A_77 : vector<8x128xf32>
    %add3A_80 = arith.constant 80 : i32
    %add3A_81 = arith.addi %add3A_3, %add3A_80 : i32
    %broadcast_in_dim3A_82 = vector.broadcast %add3A_81 : i32 to vector<8x128xi32>
    %select_n3A_83 = arith.select %gt3A_78, %broadcast_in_dim3A_82, %select_n3A_76 : vector<8x128xi1>, vector<8x128xi32>
    %slice3A_84 = vector.extract_strided_slice %get3A_5 {offsets = [88, 0], sizes = [8, 128], strides = [1, 1]} : vector<2000x128xf32> to vector<8x128xf32>
    %gt3A_85 = arith.cmpf ogt, %slice3A_84, %max3A_79 : vector<8x128xf32>
    %max3A_86 = arith.maximumf %max3A_79, %slice3A_84 : vector<8x128xf32>
    %add3A_87 = arith.constant 88 : i32
    %add3A_88 = arith.addi %add3A_3, %add3A_87 : i32
    %broadcast_in_dim3A_89 = vector.broadcast %add3A_88 : i32 to vector<8x128xi32>
    %select_n3A_90 = arith.select %gt3A_85, %broadcast_in_dim3A_89, %select_n3A_83 : vector<8x128xi1>, vector<8x128xi32>
    %slice3A_91 = vector.extract_strided_slice %get3A_5 {offsets = [96, 0], sizes = [8, 128], strides = [1, 1]} : vector<2000x128xf32> to vector<8x128xf32>
    %gt3A_92 = arith.cmpf ogt, %slice3A_91, %max3A_86 : vector<8x128xf32>
    %max3A_93 = arith.maximumf %max3A_86, %slice3A_91 : vector<8x128xf32>
    %add3A_94 = arith.constant 96 : i32
    %add3A_95 = arith.addi %add3A_3, %add3A_94 : i32
    %broadcast_in_dim3A_96 = vector.broadcast %add3A_95 : i32 to vector<8x128xi32>
    %select_n3A_97 = arith.select %gt3A_92, %broadcast_in_dim3A_96, %select_n3A_90 : vector<8x128xi1>, vector<8x128xi32>
    %slice3A_98 = vector.extract_strided_slice %get3A_5 {offsets = [104, 0], sizes = [8, 128], strides = [1, 1]} : vector<2000x128xf32> to vector<8x128xf32>
    %gt3A_99 = arith.cmpf ogt, %slice3A_98, %max3A_93 : vector<8x128xf32>
    %max3A_100 = arith.maximumf %max3A_93, %slice3A_98 : vector<8x128xf32>
    %add3A_101 = arith.constant 104 : i32
    %add3A_102 = arith.addi %add3A_3, %add3A_101 : i32
    %broadcast_in_dim3A_103 = vector.broadcast %add3A_102 : i32 to vector<8x128xi32>
    %select_n3A_104 = arith.select %gt3A_99, %broadcast_in_dim3A_103, %select_n3A_97 : vector<8x128xi1>, vector<8x128xi32>
    %slice3A_105 = vector.extract_strided_slice %get3A_5 {offsets = [112, 0], sizes = [8, 128], strides = [1, 1]} : vector<2000x128xf32> to vector<8x128xf32>
    %gt3A_106 = arith.cmpf ogt, %slice3A_105, %max3A_100 : vector<8x128xf32>
    %max3A_107 = arith.maximumf %max3A_100, %slice3A_105 : vector<8x128xf32>
    %add3A_108 = arith.constant 112 : i32
    %add3A_109 = arith.addi %add3A_3, %add3A_108 : i32
    %broadcast_in_dim3A_110 = vector.broadcast %add3A_109 : i32 to vector<8x128xi32>
    %select_n3A_111 = arith.select %gt3A_106, %broadcast_in_dim3A_110, %select_n3A_104 : vector<8x128xi1>, vector<8x128xi32>
    %slice3A_112 = vector.extract_strided_slice %get3A_5 {offsets = [120, 0], sizes = [8, 128], strides = [1, 1]} : vector<2000x128xf32> to vector<8x128xf32>
    %gt3A_113 = arith.cmpf ogt, %slice3A_112, %max3A_107 : vector<8x128xf32>
    %max3A_114 = arith.maximumf %max3A_107, %slice3A_112 : vector<8x128xf32>
    %add3A_115 = arith.constant 120 : i32
    %add3A_116 = arith.addi %add3A_3, %add3A_115 : i32
    %broadcast_in_dim3A_117 = vector.broadcast %add3A_116 : i32 to vector<8x128xi32>
    %select_n3A_118 = arith.select %gt3A_113, %broadcast_in_dim3A_117, %select_n3A_111 : vector<8x128xi1>, vector<8x128xi32>
    %slice3A_119 = vector.extract_strided_slice %get3A_5 {offsets = [128, 0], sizes = [8, 128], strides = [1, 1]} : vector<2000x128xf32> to vector<8x128xf32>
    %gt3A_120 = arith.cmpf ogt, %slice3A_119, %max3A_114 : vector<8x128xf32>
    %max3A_121 = arith.maximumf %max3A_114, %slice3A_119 : vector<8x128xf32>
    %add3A_122 = arith.constant 128 : i32
    %add3A_123 = arith.addi %add3A_3, %add3A_122 : i32
    %broadcast_in_dim3A_124 = vector.broadcast %add3A_123 : i32 to vector<8x128xi32>
    %select_n3A_125 = arith.select %gt3A_120, %broadcast_in_dim3A_124, %select_n3A_118 : vector<8x128xi1>, vector<8x128xi32>
    %slice3A_126 = vector.extract_strided_slice %get3A_5 {offsets = [136, 0], sizes = [8, 128], strides = [1, 1]} : vector<2000x128xf32> to vector<8x128xf32>
    %gt3A_127 = arith.cmpf ogt, %slice3A_126, %max3A_121 : vector<8x128xf32>
    %max3A_128 = arith.maximumf %max3A_121, %slice3A_126 : vector<8x128xf32>
    %add3A_129 = arith.constant 136 : i32
    %add3A_130 = arith.addi %add3A_3, %add3A_129 : i32
    %broadcast_in_dim3A_131 = vector.broadcast %add3A_130 : i32 to vector<8x128xi32>
    %select_n3A_132 = arith.select %gt3A_127, %broadcast_in_dim3A_131, %select_n3A_125 : vector<8x128xi1>, vector<8x128xi32>
    %slice3A_133 = vector.extract_strided_slice %get3A_5 {offsets = [144, 0], sizes = [8, 128], strides = [1, 1]} : vector<2000x128xf32> to vector<8x128xf32>
    %gt3A_134 = arith.cmpf ogt, %slice3A_133, %max3A_128 : vector<8x128xf32>
    %max3A_135 = arith.maximumf %max3A_128, %slice3A_133 : vector<8x128xf32>
    %add3A_136 = arith.constant 144 : i32
    %add3A_137 = arith.addi %add3A_3, %add3A_136 : i32
    %broadcast_in_dim3A_138 = vector.broadcast %add3A_137 : i32 to vector<8x128xi32>
    %select_n3A_139 = arith.select %gt3A_134, %broadcast_in_dim3A_138, %select_n3A_132 : vector<8x128xi1>, vector<8x128xi32>
    %slice3A_140 = vector.extract_strided_slice %get3A_5 {offsets = [152, 0], sizes = [8, 128], strides = [1, 1]} : vector<2000x128xf32> to vector<8x128xf32>
    %gt3A_141 = arith.cmpf ogt, %slice3A_140, %max3A_135 : vector<8x128xf32>
    %max3A_142 = arith.maximumf %max3A_135, %slice3A_140 : vector<8x128xf32>
    %add3A_143 = arith.constant 152 : i32
    %add3A_144 = arith.addi %add3A_3, %add3A_143 : i32
    %broadcast_in_dim3A_145 = vector.broadcast %add3A_144 : i32 to vector<8x128xi32>
    %select_n3A_146 = arith.select %gt3A_141, %broadcast_in_dim3A_145, %select_n3A_139 : vector<8x128xi1>, vector<8x128xi32>
    %slice3A_147 = vector.extract_strided_slice %get3A_5 {offsets = [160, 0], sizes = [8, 128], strides = [1, 1]} : vector<2000x128xf32> to vector<8x128xf32>
    %gt3A_148 = arith.cmpf ogt, %slice3A_147, %max3A_142 : vector<8x128xf32>
    %max3A_149 = arith.maximumf %max3A_142, %slice3A_147 : vector<8x128xf32>
    %add3A_150 = arith.constant 160 : i32
    %add3A_151 = arith.addi %add3A_3, %add3A_150 : i32
    %broadcast_in_dim3A_152 = vector.broadcast %add3A_151 : i32 to vector<8x128xi32>
    %select_n3A_153 = arith.select %gt3A_148, %broadcast_in_dim3A_152, %select_n3A_146 : vector<8x128xi1>, vector<8x128xi32>
    %slice3A_154 = vector.extract_strided_slice %get3A_5 {offsets = [168, 0], sizes = [8, 128], strides = [1, 1]} : vector<2000x128xf32> to vector<8x128xf32>
    %gt3A_155 = arith.cmpf ogt, %slice3A_154, %max3A_149 : vector<8x128xf32>
    %max3A_156 = arith.maximumf %max3A_149, %slice3A_154 : vector<8x128xf32>
    %add3A_157 = arith.constant 168 : i32
    %add3A_158 = arith.addi %add3A_3, %add3A_157 : i32
    %broadcast_in_dim3A_159 = vector.broadcast %add3A_158 : i32 to vector<8x128xi32>
    %select_n3A_160 = arith.select %gt3A_155, %broadcast_in_dim3A_159, %select_n3A_153 : vector<8x128xi1>, vector<8x128xi32>
    %slice3A_161 = vector.extract_strided_slice %get3A_5 {offsets = [176, 0], sizes = [8, 128], strides = [1, 1]} : vector<2000x128xf32> to vector<8x128xf32>
    %gt3A_162 = arith.cmpf ogt, %slice3A_161, %max3A_156 : vector<8x128xf32>
    %max3A_163 = arith.maximumf %max3A_156, %slice3A_161 : vector<8x128xf32>
    %add3A_164 = arith.constant 176 : i32
    %add3A_165 = arith.addi %add3A_3, %add3A_164 : i32
    %broadcast_in_dim3A_166 = vector.broadcast %add3A_165 : i32 to vector<8x128xi32>
    %select_n3A_167 = arith.select %gt3A_162, %broadcast_in_dim3A_166, %select_n3A_160 : vector<8x128xi1>, vector<8x128xi32>
    %slice3A_168 = vector.extract_strided_slice %get3A_5 {offsets = [184, 0], sizes = [8, 128], strides = [1, 1]} : vector<2000x128xf32> to vector<8x128xf32>
    %gt3A_169 = arith.cmpf ogt, %slice3A_168, %max3A_163 : vector<8x128xf32>
    %max3A_170 = arith.maximumf %max3A_163, %slice3A_168 : vector<8x128xf32>
    %add3A_171 = arith.constant 184 : i32
    %add3A_172 = arith.addi %add3A_3, %add3A_171 : i32
    %broadcast_in_dim3A_173 = vector.broadcast %add3A_172 : i32 to vector<8x128xi32>
    %select_n3A_174 = arith.select %gt3A_169, %broadcast_in_dim3A_173, %select_n3A_167 : vector<8x128xi1>, vector<8x128xi32>
    %slice3A_175 = vector.extract_strided_slice %get3A_5 {offsets = [192, 0], sizes = [8, 128], strides = [1, 1]} : vector<2000x128xf32> to vector<8x128xf32>
    %gt3A_176 = arith.cmpf ogt, %slice3A_175, %max3A_170 : vector<8x128xf32>
    %max3A_177 = arith.maximumf %max3A_170, %slice3A_175 : vector<8x128xf32>
    %add3A_178 = arith.constant 192 : i32
    %add3A_179 = arith.addi %add3A_3, %add3A_178 : i32
    %broadcast_in_dim3A_180 = vector.broadcast %add3A_179 : i32 to vector<8x128xi32>
    %select_n3A_181 = arith.select %gt3A_176, %broadcast_in_dim3A_180, %select_n3A_174 : vector<8x128xi1>, vector<8x128xi32>
    %slice3A_182 = vector.extract_strided_slice %get3A_5 {offsets = [200, 0], sizes = [8, 128], strides = [1, 1]} : vector<2000x128xf32> to vector<8x128xf32>
    %gt3A_183 = arith.cmpf ogt, %slice3A_182, %max3A_177 : vector<8x128xf32>
    %max3A_184 = arith.maximumf %max3A_177, %slice3A_182 : vector<8x128xf32>
    %add3A_185 = arith.constant 200 : i32
    %add3A_186 = arith.addi %add3A_3, %add3A_185 : i32
    %broadcast_in_dim3A_187 = vector.broadcast %add3A_186 : i32 to vector<8x128xi32>
    %select_n3A_188 = arith.select %gt3A_183, %broadcast_in_dim3A_187, %select_n3A_181 : vector<8x128xi1>, vector<8x128xi32>
    %slice3A_189 = vector.extract_strided_slice %get3A_5 {offsets = [208, 0], sizes = [8, 128], strides = [1, 1]} : vector<2000x128xf32> to vector<8x128xf32>
    %gt3A_190 = arith.cmpf ogt, %slice3A_189, %max3A_184 : vector<8x128xf32>
    %max3A_191 = arith.maximumf %max3A_184, %slice3A_189 : vector<8x128xf32>
    %add3A_192 = arith.constant 208 : i32
    %add3A_193 = arith.addi %add3A_3, %add3A_192 : i32
    %broadcast_in_dim3A_194 = vector.broadcast %add3A_193 : i32 to vector<8x128xi32>
    %select_n3A_195 = arith.select %gt3A_190, %broadcast_in_dim3A_194, %select_n3A_188 : vector<8x128xi1>, vector<8x128xi32>
    %slice3A_196 = vector.extract_strided_slice %get3A_5 {offsets = [216, 0], sizes = [8, 128], strides = [1, 1]} : vector<2000x128xf32> to vector<8x128xf32>
    %gt3A_197 = arith.cmpf ogt, %slice3A_196, %max3A_191 : vector<8x128xf32>
    %max3A_198 = arith.maximumf %max3A_191, %slice3A_196 : vector<8x128xf32>
    %add3A_199 = arith.constant 216 : i32
    %add3A_200 = arith.addi %add3A_3, %add3A_199 : i32
    %broadcast_in_dim3A_201 = vector.broadcast %add3A_200 : i32 to vector<8x128xi32>
    %select_n3A_202 = arith.select %gt3A_197, %broadcast_in_dim3A_201, %select_n3A_195 : vector<8x128xi1>, vector<8x128xi32>
    %slice3A_203 = vector.extract_strided_slice %get3A_5 {offsets = [224, 0], sizes = [8, 128], strides = [1, 1]} : vector<2000x128xf32> to vector<8x128xf32>
    %gt3A_204 = arith.cmpf ogt, %slice3A_203, %max3A_198 : vector<8x128xf32>
    %max3A_205 = arith.maximumf %max3A_198, %slice3A_203 : vector<8x128xf32>
    %add3A_206 = arith.constant 224 : i32
    %add3A_207 = arith.addi %add3A_3, %add3A_206 : i32
    %broadcast_in_dim3A_208 = vector.broadcast %add3A_207 : i32 to vector<8x128xi32>
    %select_n3A_209 = arith.select %gt3A_204, %broadcast_in_dim3A_208, %select_n3A_202 : vector<8x128xi1>, vector<8x128xi32>
    %slice3A_210 = vector.extract_strided_slice %get3A_5 {offsets = [232, 0], sizes = [8, 128], strides = [1, 1]} : vector<2000x128xf32> to vector<8x128xf32>
    %gt3A_211 = arith.cmpf ogt, %slice3A_210, %max3A_205 : vector<8x128xf32>
    %max3A_212 = arith.maximumf %max3A_205, %slice3A_210 : vector<8x128xf32>
    %add3A_213 = arith.constant 232 : i32
    %add3A_214 = arith.addi %add3A_3, %add3A_213 : i32
    %broadcast_in_dim3A_215 = vector.broadcast %add3A_214 : i32 to vector<8x128xi32>
    %select_n3A_216 = arith.select %gt3A_211, %broadcast_in_dim3A_215, %select_n3A_209 : vector<8x128xi1>, vector<8x128xi32>
    %slice3A_217 = vector.extract_strided_slice %get3A_5 {offsets = [240, 0], sizes = [8, 128], strides = [1, 1]} : vector<2000x128xf32> to vector<8x128xf32>
    %gt3A_218 = arith.cmpf ogt, %slice3A_217, %max3A_212 : vector<8x128xf32>
    %max3A_219 = arith.maximumf %max3A_212, %slice3A_217 : vector<8x128xf32>
    %add3A_220 = arith.constant 240 : i32
    %add3A_221 = arith.addi %add3A_3, %add3A_220 : i32
    %broadcast_in_dim3A_222 = vector.broadcast %add3A_221 : i32 to vector<8x128xi32>
    %select_n3A_223 = arith.select %gt3A_218, %broadcast_in_dim3A_222, %select_n3A_216 : vector<8x128xi1>, vector<8x128xi32>
    %slice3A_224 = vector.extract_strided_slice %get3A_5 {offsets = [248, 0], sizes = [8, 128], strides = [1, 1]} : vector<2000x128xf32> to vector<8x128xf32>
    %gt3A_225 = arith.cmpf ogt, %slice3A_224, %max3A_219 : vector<8x128xf32>
    %max3A_226 = arith.maximumf %max3A_219, %slice3A_224 : vector<8x128xf32>
    %add3A_227 = arith.constant 248 : i32
    %add3A_228 = arith.addi %add3A_3, %add3A_227 : i32
    %broadcast_in_dim3A_229 = vector.broadcast %add3A_228 : i32 to vector<8x128xi32>
    %select_n3A_230 = arith.select %gt3A_225, %broadcast_in_dim3A_229, %select_n3A_223 : vector<8x128xi1>, vector<8x128xi32>
    %slice3A_231 = vector.extract_strided_slice %get3A_5 {offsets = [256, 0], sizes = [8, 128], strides = [1, 1]} : vector<2000x128xf32> to vector<8x128xf32>
    %gt3A_232 = arith.cmpf ogt, %slice3A_231, %max3A_226 : vector<8x128xf32>
    %max3A_233 = arith.maximumf %max3A_226, %slice3A_231 : vector<8x128xf32>
    %add3A_234 = arith.constant 256 : i32
    %add3A_235 = arith.addi %add3A_3, %add3A_234 : i32
    %broadcast_in_dim3A_236 = vector.broadcast %add3A_235 : i32 to vector<8x128xi32>
    %select_n3A_237 = arith.select %gt3A_232, %broadcast_in_dim3A_236, %select_n3A_230 : vector<8x128xi1>, vector<8x128xi32>
    %slice3A_238 = vector.extract_strided_slice %get3A_5 {offsets = [264, 0], sizes = [8, 128], strides = [1, 1]} : vector<2000x128xf32> to vector<8x128xf32>
    %gt3A_239 = arith.cmpf ogt, %slice3A_238, %max3A_233 : vector<8x128xf32>
    %max3A_240 = arith.maximumf %max3A_233, %slice3A_238 : vector<8x128xf32>
    %add3A_241 = arith.constant 264 : i32
    %add3A_242 = arith.addi %add3A_3, %add3A_241 : i32
    %broadcast_in_dim3A_243 = vector.broadcast %add3A_242 : i32 to vector<8x128xi32>
    %select_n3A_244 = arith.select %gt3A_239, %broadcast_in_dim3A_243, %select_n3A_237 : vector<8x128xi1>, vector<8x128xi32>
    %slice3A_245 = vector.extract_strided_slice %get3A_5 {offsets = [272, 0], sizes = [8, 128], strides = [1, 1]} : vector<2000x128xf32> to vector<8x128xf32>
    %gt3A_246 = arith.cmpf ogt, %slice3A_245, %max3A_240 : vector<8x128xf32>
    %max3A_247 = arith.maximumf %max3A_240, %slice3A_245 : vector<8x128xf32>
    %add3A_248 = arith.constant 272 : i32
    %add3A_249 = arith.addi %add3A_3, %add3A_248 : i32
    %broadcast_in_dim3A_250 = vector.broadcast %add3A_249 : i32 to vector<8x128xi32>
    %select_n3A_251 = arith.select %gt3A_246, %broadcast_in_dim3A_250, %select_n3A_244 : vector<8x128xi1>, vector<8x128xi32>
    %slice3A_252 = vector.extract_strided_slice %get3A_5 {offsets = [280, 0], sizes = [8, 128], strides = [1, 1]} : vector<2000x128xf32> to vector<8x128xf32>
    %gt3A_253 = arith.cmpf ogt, %slice3A_252, %max3A_247 : vector<8x128xf32>
    %max3A_254 = arith.maximumf %max3A_247, %slice3A_252 : vector<8x128xf32>
    %add3A_255 = arith.constant 280 : i32
    %add3A_256 = arith.addi %add3A_3, %add3A_255 : i32
    %broadcast_in_dim3A_257 = vector.broadcast %add3A_256 : i32 to vector<8x128xi32>
    %select_n3A_258 = arith.select %gt3A_253, %broadcast_in_dim3A_257, %select_n3A_251 : vector<8x128xi1>, vector<8x128xi32>
    %slice3A_259 = vector.extract_strided_slice %get3A_5 {offsets = [288, 0], sizes = [8, 128], strides = [1, 1]} : vector<2000x128xf32> to vector<8x128xf32>
    %gt3A_260 = arith.cmpf ogt, %slice3A_259, %max3A_254 : vector<8x128xf32>
    %max3A_261 = arith.maximumf %max3A_254, %slice3A_259 : vector<8x128xf32>
    %add3A_262 = arith.constant 288 : i32
    %add3A_263 = arith.addi %add3A_3, %add3A_262 : i32
    %broadcast_in_dim3A_264 = vector.broadcast %add3A_263 : i32 to vector<8x128xi32>
    %select_n3A_265 = arith.select %gt3A_260, %broadcast_in_dim3A_264, %select_n3A_258 : vector<8x128xi1>, vector<8x128xi32>
    %slice3A_266 = vector.extract_strided_slice %get3A_5 {offsets = [296, 0], sizes = [8, 128], strides = [1, 1]} : vector<2000x128xf32> to vector<8x128xf32>
    %gt3A_267 = arith.cmpf ogt, %slice3A_266, %max3A_261 : vector<8x128xf32>
    %max3A_268 = arith.maximumf %max3A_261, %slice3A_266 : vector<8x128xf32>
    %add3A_269 = arith.constant 296 : i32
    %add3A_270 = arith.addi %add3A_3, %add3A_269 : i32
    %broadcast_in_dim3A_271 = vector.broadcast %add3A_270 : i32 to vector<8x128xi32>
    %select_n3A_272 = arith.select %gt3A_267, %broadcast_in_dim3A_271, %select_n3A_265 : vector<8x128xi1>, vector<8x128xi32>
    %slice3A_273 = vector.extract_strided_slice %get3A_5 {offsets = [304, 0], sizes = [8, 128], strides = [1, 1]} : vector<2000x128xf32> to vector<8x128xf32>
    %gt3A_274 = arith.cmpf ogt, %slice3A_273, %max3A_268 : vector<8x128xf32>
    %max3A_275 = arith.maximumf %max3A_268, %slice3A_273 : vector<8x128xf32>
    %add3A_276 = arith.constant 304 : i32
    %add3A_277 = arith.addi %add3A_3, %add3A_276 : i32
    %broadcast_in_dim3A_278 = vector.broadcast %add3A_277 : i32 to vector<8x128xi32>
    %select_n3A_279 = arith.select %gt3A_274, %broadcast_in_dim3A_278, %select_n3A_272 : vector<8x128xi1>, vector<8x128xi32>
    %slice3A_280 = vector.extract_strided_slice %get3A_5 {offsets = [312, 0], sizes = [8, 128], strides = [1, 1]} : vector<2000x128xf32> to vector<8x128xf32>
    %gt3A_281 = arith.cmpf ogt, %slice3A_280, %max3A_275 : vector<8x128xf32>
    %max3A_282 = arith.maximumf %max3A_275, %slice3A_280 : vector<8x128xf32>
    %add3A_283 = arith.constant 312 : i32
    %add3A_284 = arith.addi %add3A_3, %add3A_283 : i32
    %broadcast_in_dim3A_285 = vector.broadcast %add3A_284 : i32 to vector<8x128xi32>
    %select_n3A_286 = arith.select %gt3A_281, %broadcast_in_dim3A_285, %select_n3A_279 : vector<8x128xi1>, vector<8x128xi32>
    %slice3A_287 = vector.extract_strided_slice %get3A_5 {offsets = [320, 0], sizes = [8, 128], strides = [1, 1]} : vector<2000x128xf32> to vector<8x128xf32>
    %gt3A_288 = arith.cmpf ogt, %slice3A_287, %max3A_282 : vector<8x128xf32>
    %max3A_289 = arith.maximumf %max3A_282, %slice3A_287 : vector<8x128xf32>
    %add3A_290 = arith.constant 320 : i32
    %add3A_291 = arith.addi %add3A_3, %add3A_290 : i32
    %broadcast_in_dim3A_292 = vector.broadcast %add3A_291 : i32 to vector<8x128xi32>
    %select_n3A_293 = arith.select %gt3A_288, %broadcast_in_dim3A_292, %select_n3A_286 : vector<8x128xi1>, vector<8x128xi32>
    %slice3A_294 = vector.extract_strided_slice %get3A_5 {offsets = [328, 0], sizes = [8, 128], strides = [1, 1]} : vector<2000x128xf32> to vector<8x128xf32>
    %gt3A_295 = arith.cmpf ogt, %slice3A_294, %max3A_289 : vector<8x128xf32>
    %max3A_296 = arith.maximumf %max3A_289, %slice3A_294 : vector<8x128xf32>
    %add3A_297 = arith.constant 328 : i32
    %add3A_298 = arith.addi %add3A_3, %add3A_297 : i32
    %broadcast_in_dim3A_299 = vector.broadcast %add3A_298 : i32 to vector<8x128xi32>
    %select_n3A_300 = arith.select %gt3A_295, %broadcast_in_dim3A_299, %select_n3A_293 : vector<8x128xi1>, vector<8x128xi32>
    %slice3A_301 = vector.extract_strided_slice %get3A_5 {offsets = [336, 0], sizes = [8, 128], strides = [1, 1]} : vector<2000x128xf32> to vector<8x128xf32>
    %gt3A_302 = arith.cmpf ogt, %slice3A_301, %max3A_296 : vector<8x128xf32>
    %max3A_303 = arith.maximumf %max3A_296, %slice3A_301 : vector<8x128xf32>
    %add3A_304 = arith.constant 336 : i32
    %add3A_305 = arith.addi %add3A_3, %add3A_304 : i32
    %broadcast_in_dim3A_306 = vector.broadcast %add3A_305 : i32 to vector<8x128xi32>
    %select_n3A_307 = arith.select %gt3A_302, %broadcast_in_dim3A_306, %select_n3A_300 : vector<8x128xi1>, vector<8x128xi32>
    %slice3A_308 = vector.extract_strided_slice %get3A_5 {offsets = [344, 0], sizes = [8, 128], strides = [1, 1]} : vector<2000x128xf32> to vector<8x128xf32>
    %gt3A_309 = arith.cmpf ogt, %slice3A_308, %max3A_303 : vector<8x128xf32>
    %max3A_310 = arith.maximumf %max3A_303, %slice3A_308 : vector<8x128xf32>
    %add3A_311 = arith.constant 344 : i32
    %add3A_312 = arith.addi %add3A_3, %add3A_311 : i32
    %broadcast_in_dim3A_313 = vector.broadcast %add3A_312 : i32 to vector<8x128xi32>
    %select_n3A_314 = arith.select %gt3A_309, %broadcast_in_dim3A_313, %select_n3A_307 : vector<8x128xi1>, vector<8x128xi32>
    %slice3A_315 = vector.extract_strided_slice %get3A_5 {offsets = [352, 0], sizes = [8, 128], strides = [1, 1]} : vector<2000x128xf32> to vector<8x128xf32>
    %gt3A_316 = arith.cmpf ogt, %slice3A_315, %max3A_310 : vector<8x128xf32>
    %max3A_317 = arith.maximumf %max3A_310, %slice3A_315 : vector<8x128xf32>
    %add3A_318 = arith.constant 352 : i32
    %add3A_319 = arith.addi %add3A_3, %add3A_318 : i32
    %broadcast_in_dim3A_320 = vector.broadcast %add3A_319 : i32 to vector<8x128xi32>
    %select_n3A_321 = arith.select %gt3A_316, %broadcast_in_dim3A_320, %select_n3A_314 : vector<8x128xi1>, vector<8x128xi32>
    %slice3A_322 = vector.extract_strided_slice %get3A_5 {offsets = [360, 0], sizes = [8, 128], strides = [1, 1]} : vector<2000x128xf32> to vector<8x128xf32>
    %gt3A_323 = arith.cmpf ogt, %slice3A_322, %max3A_317 : vector<8x128xf32>
    %max3A_324 = arith.maximumf %max3A_317, %slice3A_322 : vector<8x128xf32>
    %add3A_325 = arith.constant 360 : i32
    %add3A_326 = arith.addi %add3A_3, %add3A_325 : i32
    %broadcast_in_dim3A_327 = vector.broadcast %add3A_326 : i32 to vector<8x128xi32>
    %select_n3A_328 = arith.select %gt3A_323, %broadcast_in_dim3A_327, %select_n3A_321 : vector<8x128xi1>, vector<8x128xi32>
    %slice3A_329 = vector.extract_strided_slice %get3A_5 {offsets = [368, 0], sizes = [8, 128], strides = [1, 1]} : vector<2000x128xf32> to vector<8x128xf32>
    %gt3A_330 = arith.cmpf ogt, %slice3A_329, %max3A_324 : vector<8x128xf32>
    %max3A_331 = arith.maximumf %max3A_324, %slice3A_329 : vector<8x128xf32>
    %add3A_332 = arith.constant 368 : i32
    %add3A_333 = arith.addi %add3A_3, %add3A_332 : i32
    %broadcast_in_dim3A_334 = vector.broadcast %add3A_333 : i32 to vector<8x128xi32>
    %select_n3A_335 = arith.select %gt3A_330, %broadcast_in_dim3A_334, %select_n3A_328 : vector<8x128xi1>, vector<8x128xi32>
    %slice3A_336 = vector.extract_strided_slice %get3A_5 {offsets = [376, 0], sizes = [8, 128], strides = [1, 1]} : vector<2000x128xf32> to vector<8x128xf32>
    %gt3A_337 = arith.cmpf ogt, %slice3A_336, %max3A_331 : vector<8x128xf32>
    %max3A_338 = arith.maximumf %max3A_331, %slice3A_336 : vector<8x128xf32>
    %add3A_339 = arith.constant 376 : i32
    %add3A_340 = arith.addi %add3A_3, %add3A_339 : i32
    %broadcast_in_dim3A_341 = vector.broadcast %add3A_340 : i32 to vector<8x128xi32>
    %select_n3A_342 = arith.select %gt3A_337, %broadcast_in_dim3A_341, %select_n3A_335 : vector<8x128xi1>, vector<8x128xi32>
    %slice3A_343 = vector.extract_strided_slice %get3A_5 {offsets = [384, 0], sizes = [8, 128], strides = [1, 1]} : vector<2000x128xf32> to vector<8x128xf32>
    %gt3A_344 = arith.cmpf ogt, %slice3A_343, %max3A_338 : vector<8x128xf32>
    %max3A_345 = arith.maximumf %max3A_338, %slice3A_343 : vector<8x128xf32>
    %add3A_346 = arith.constant 384 : i32
    %add3A_347 = arith.addi %add3A_3, %add3A_346 : i32
    %broadcast_in_dim3A_348 = vector.broadcast %add3A_347 : i32 to vector<8x128xi32>
    %select_n3A_349 = arith.select %gt3A_344, %broadcast_in_dim3A_348, %select_n3A_342 : vector<8x128xi1>, vector<8x128xi32>
    %slice3A_350 = vector.extract_strided_slice %get3A_5 {offsets = [392, 0], sizes = [8, 128], strides = [1, 1]} : vector<2000x128xf32> to vector<8x128xf32>
    %gt3A_351 = arith.cmpf ogt, %slice3A_350, %max3A_345 : vector<8x128xf32>
    %max3A_352 = arith.maximumf %max3A_345, %slice3A_350 : vector<8x128xf32>
    %add3A_353 = arith.constant 392 : i32
    %add3A_354 = arith.addi %add3A_3, %add3A_353 : i32
    %broadcast_in_dim3A_355 = vector.broadcast %add3A_354 : i32 to vector<8x128xi32>
    %select_n3A_356 = arith.select %gt3A_351, %broadcast_in_dim3A_355, %select_n3A_349 : vector<8x128xi1>, vector<8x128xi32>
    %slice3A_357 = vector.extract_strided_slice %get3A_5 {offsets = [400, 0], sizes = [8, 128], strides = [1, 1]} : vector<2000x128xf32> to vector<8x128xf32>
    %gt3A_358 = arith.cmpf ogt, %slice3A_357, %max3A_352 : vector<8x128xf32>
    %max3A_359 = arith.maximumf %max3A_352, %slice3A_357 : vector<8x128xf32>
    %add3A_360 = arith.constant 400 : i32
    %add3A_361 = arith.addi %add3A_3, %add3A_360 : i32
    %broadcast_in_dim3A_362 = vector.broadcast %add3A_361 : i32 to vector<8x128xi32>
    %select_n3A_363 = arith.select %gt3A_358, %broadcast_in_dim3A_362, %select_n3A_356 : vector<8x128xi1>, vector<8x128xi32>
    %slice3A_364 = vector.extract_strided_slice %get3A_5 {offsets = [408, 0], sizes = [8, 128], strides = [1, 1]} : vector<2000x128xf32> to vector<8x128xf32>
    %gt3A_365 = arith.cmpf ogt, %slice3A_364, %max3A_359 : vector<8x128xf32>
    %max3A_366 = arith.maximumf %max3A_359, %slice3A_364 : vector<8x128xf32>
    %add3A_367 = arith.constant 408 : i32
    %add3A_368 = arith.addi %add3A_3, %add3A_367 : i32
    %broadcast_in_dim3A_369 = vector.broadcast %add3A_368 : i32 to vector<8x128xi32>
    %select_n3A_370 = arith.select %gt3A_365, %broadcast_in_dim3A_369, %select_n3A_363 : vector<8x128xi1>, vector<8x128xi32>
    %slice3A_371 = vector.extract_strided_slice %get3A_5 {offsets = [416, 0], sizes = [8, 128], strides = [1, 1]} : vector<2000x128xf32> to vector<8x128xf32>
    %gt3A_372 = arith.cmpf ogt, %slice3A_371, %max3A_366 : vector<8x128xf32>
    %max3A_373 = arith.maximumf %max3A_366, %slice3A_371 : vector<8x128xf32>
    %add3A_374 = arith.constant 416 : i32
    %add3A_375 = arith.addi %add3A_3, %add3A_374 : i32
    %broadcast_in_dim3A_376 = vector.broadcast %add3A_375 : i32 to vector<8x128xi32>
    %select_n3A_377 = arith.select %gt3A_372, %broadcast_in_dim3A_376, %select_n3A_370 : vector<8x128xi1>, vector<8x128xi32>
    %slice3A_378 = vector.extract_strided_slice %get3A_5 {offsets = [424, 0], sizes = [8, 128], strides = [1, 1]} : vector<2000x128xf32> to vector<8x128xf32>
    %gt3A_379 = arith.cmpf ogt, %slice3A_378, %max3A_373 : vector<8x128xf32>
    %max3A_380 = arith.maximumf %max3A_373, %slice3A_378 : vector<8x128xf32>
    %add3A_381 = arith.constant 424 : i32
    %add3A_382 = arith.addi %add3A_3, %add3A_381 : i32
    %broadcast_in_dim3A_383 = vector.broadcast %add3A_382 : i32 to vector<8x128xi32>
    %select_n3A_384 = arith.select %gt3A_379, %broadcast_in_dim3A_383, %select_n3A_377 : vector<8x128xi1>, vector<8x128xi32>
    %slice3A_385 = vector.extract_strided_slice %get3A_5 {offsets = [432, 0], sizes = [8, 128], strides = [1, 1]} : vector<2000x128xf32> to vector<8x128xf32>
    %gt3A_386 = arith.cmpf ogt, %slice3A_385, %max3A_380 : vector<8x128xf32>
    %max3A_387 = arith.maximumf %max3A_380, %slice3A_385 : vector<8x128xf32>
    %add3A_388 = arith.constant 432 : i32
    %add3A_389 = arith.addi %add3A_3, %add3A_388 : i32
    %broadcast_in_dim3A_390 = vector.broadcast %add3A_389 : i32 to vector<8x128xi32>
    %select_n3A_391 = arith.select %gt3A_386, %broadcast_in_dim3A_390, %select_n3A_384 : vector<8x128xi1>, vector<8x128xi32>
    %slice3A_392 = vector.extract_strided_slice %get3A_5 {offsets = [440, 0], sizes = [8, 128], strides = [1, 1]} : vector<2000x128xf32> to vector<8x128xf32>
    %gt3A_393 = arith.cmpf ogt, %slice3A_392, %max3A_387 : vector<8x128xf32>
    %max3A_394 = arith.maximumf %max3A_387, %slice3A_392 : vector<8x128xf32>
    %add3A_395 = arith.constant 440 : i32
    %add3A_396 = arith.addi %add3A_3, %add3A_395 : i32
    %broadcast_in_dim3A_397 = vector.broadcast %add3A_396 : i32 to vector<8x128xi32>
    %select_n3A_398 = arith.select %gt3A_393, %broadcast_in_dim3A_397, %select_n3A_391 : vector<8x128xi1>, vector<8x128xi32>
    %slice3A_399 = vector.extract_strided_slice %get3A_5 {offsets = [448, 0], sizes = [8, 128], strides = [1, 1]} : vector<2000x128xf32> to vector<8x128xf32>
    %gt3A_400 = arith.cmpf ogt, %slice3A_399, %max3A_394 : vector<8x128xf32>
    %max3A_401 = arith.maximumf %max3A_394, %slice3A_399 : vector<8x128xf32>
    %add3A_402 = arith.constant 448 : i32
    %add3A_403 = arith.addi %add3A_3, %add3A_402 : i32
    %broadcast_in_dim3A_404 = vector.broadcast %add3A_403 : i32 to vector<8x128xi32>
    %select_n3A_405 = arith.select %gt3A_400, %broadcast_in_dim3A_404, %select_n3A_398 : vector<8x128xi1>, vector<8x128xi32>
    %slice3A_406 = vector.extract_strided_slice %get3A_5 {offsets = [456, 0], sizes = [8, 128], strides = [1, 1]} : vector<2000x128xf32> to vector<8x128xf32>
    %gt3A_407 = arith.cmpf ogt, %slice3A_406, %max3A_401 : vector<8x128xf32>
    %max3A_408 = arith.maximumf %max3A_401, %slice3A_406 : vector<8x128xf32>
    %add3A_409 = arith.constant 456 : i32
    %add3A_410 = arith.addi %add3A_3, %add3A_409 : i32
    %broadcast_in_dim3A_411 = vector.broadcast %add3A_410 : i32 to vector<8x128xi32>
    %select_n3A_412 = arith.select %gt3A_407, %broadcast_in_dim3A_411, %select_n3A_405 : vector<8x128xi1>, vector<8x128xi32>
    %slice3A_413 = vector.extract_strided_slice %get3A_5 {offsets = [464, 0], sizes = [8, 128], strides = [1, 1]} : vector<2000x128xf32> to vector<8x128xf32>
    %gt3A_414 = arith.cmpf ogt, %slice3A_413, %max3A_408 : vector<8x128xf32>
    %max3A_415 = arith.maximumf %max3A_408, %slice3A_413 : vector<8x128xf32>
    %add3A_416 = arith.constant 464 : i32
    %add3A_417 = arith.addi %add3A_3, %add3A_416 : i32
    %broadcast_in_dim3A_418 = vector.broadcast %add3A_417 : i32 to vector<8x128xi32>
    %select_n3A_419 = arith.select %gt3A_414, %broadcast_in_dim3A_418, %select_n3A_412 : vector<8x128xi1>, vector<8x128xi32>
    %slice3A_420 = vector.extract_strided_slice %get3A_5 {offsets = [472, 0], sizes = [8, 128], strides = [1, 1]} : vector<2000x128xf32> to vector<8x128xf32>
    %gt3A_421 = arith.cmpf ogt, %slice3A_420, %max3A_415 : vector<8x128xf32>
    %max3A_422 = arith.maximumf %max3A_415, %slice3A_420 : vector<8x128xf32>
    %add3A_423 = arith.constant 472 : i32
    %add3A_424 = arith.addi %add3A_3, %add3A_423 : i32
    %broadcast_in_dim3A_425 = vector.broadcast %add3A_424 : i32 to vector<8x128xi32>
    %select_n3A_426 = arith.select %gt3A_421, %broadcast_in_dim3A_425, %select_n3A_419 : vector<8x128xi1>, vector<8x128xi32>
    %slice3A_427 = vector.extract_strided_slice %get3A_5 {offsets = [480, 0], sizes = [8, 128], strides = [1, 1]} : vector<2000x128xf32> to vector<8x128xf32>
    %gt3A_428 = arith.cmpf ogt, %slice3A_427, %max3A_422 : vector<8x128xf32>
    %max3A_429 = arith.maximumf %max3A_422, %slice3A_427 : vector<8x128xf32>
    %add3A_430 = arith.constant 480 : i32
    %add3A_431 = arith.addi %add3A_3, %add3A_430 : i32
    %broadcast_in_dim3A_432 = vector.broadcast %add3A_431 : i32 to vector<8x128xi32>
    %select_n3A_433 = arith.select %gt3A_428, %broadcast_in_dim3A_432, %select_n3A_426 : vector<8x128xi1>, vector<8x128xi32>
    %slice3A_434 = vector.extract_strided_slice %get3A_5 {offsets = [488, 0], sizes = [8, 128], strides = [1, 1]} : vector<2000x128xf32> to vector<8x128xf32>
    %gt3A_435 = arith.cmpf ogt, %slice3A_434, %max3A_429 : vector<8x128xf32>
    %max3A_436 = arith.maximumf %max3A_429, %slice3A_434 : vector<8x128xf32>
    %add3A_437 = arith.constant 488 : i32
    %add3A_438 = arith.addi %add3A_3, %add3A_437 : i32
    %broadcast_in_dim3A_439 = vector.broadcast %add3A_438 : i32 to vector<8x128xi32>
    %select_n3A_440 = arith.select %gt3A_435, %broadcast_in_dim3A_439, %select_n3A_433 : vector<8x128xi1>, vector<8x128xi32>
    %slice3A_441 = vector.extract_strided_slice %get3A_5 {offsets = [496, 0], sizes = [8, 128], strides = [1, 1]} : vector<2000x128xf32> to vector<8x128xf32>
    %gt3A_442 = arith.cmpf ogt, %slice3A_441, %max3A_436 : vector<8x128xf32>
    %max3A_443 = arith.maximumf %max3A_436, %slice3A_441 : vector<8x128xf32>
    %add3A_444 = arith.constant 496 : i32
    %add3A_445 = arith.addi %add3A_3, %add3A_444 : i32
    %broadcast_in_dim3A_446 = vector.broadcast %add3A_445 : i32 to vector<8x128xi32>
    %select_n3A_447 = arith.select %gt3A_442, %broadcast_in_dim3A_446, %select_n3A_440 : vector<8x128xi1>, vector<8x128xi32>
    %slice3A_448 = vector.extract_strided_slice %get3A_5 {offsets = [504, 0], sizes = [8, 128], strides = [1, 1]} : vector<2000x128xf32> to vector<8x128xf32>
    %gt3A_449 = arith.cmpf ogt, %slice3A_448, %max3A_443 : vector<8x128xf32>
    %max3A_450 = arith.maximumf %max3A_443, %slice3A_448 : vector<8x128xf32>
    %add3A_451 = arith.constant 504 : i32
    %add3A_452 = arith.addi %add3A_3, %add3A_451 : i32
    %broadcast_in_dim3A_453 = vector.broadcast %add3A_452 : i32 to vector<8x128xi32>
    %select_n3A_454 = arith.select %gt3A_449, %broadcast_in_dim3A_453, %select_n3A_447 : vector<8x128xi1>, vector<8x128xi32>
    %slice3A_455 = vector.extract_strided_slice %get3A_5 {offsets = [512, 0], sizes = [8, 128], strides = [1, 1]} : vector<2000x128xf32> to vector<8x128xf32>
    %gt3A_456 = arith.cmpf ogt, %slice3A_455, %max3A_450 : vector<8x128xf32>
    %max3A_457 = arith.maximumf %max3A_450, %slice3A_455 : vector<8x128xf32>
    %add3A_458 = arith.constant 512 : i32
    %add3A_459 = arith.addi %add3A_3, %add3A_458 : i32
    %broadcast_in_dim3A_460 = vector.broadcast %add3A_459 : i32 to vector<8x128xi32>
    %select_n3A_461 = arith.select %gt3A_456, %broadcast_in_dim3A_460, %select_n3A_454 : vector<8x128xi1>, vector<8x128xi32>
    %slice3A_462 = vector.extract_strided_slice %get3A_5 {offsets = [520, 0], sizes = [8, 128], strides = [1, 1]} : vector<2000x128xf32> to vector<8x128xf32>
    %gt3A_463 = arith.cmpf ogt, %slice3A_462, %max3A_457 : vector<8x128xf32>
    %max3A_464 = arith.maximumf %max3A_457, %slice3A_462 : vector<8x128xf32>
    %add3A_465 = arith.constant 520 : i32
    %add3A_466 = arith.addi %add3A_3, %add3A_465 : i32
    %broadcast_in_dim3A_467 = vector.broadcast %add3A_466 : i32 to vector<8x128xi32>
    %select_n3A_468 = arith.select %gt3A_463, %broadcast_in_dim3A_467, %select_n3A_461 : vector<8x128xi1>, vector<8x128xi32>
    %slice3A_469 = vector.extract_strided_slice %get3A_5 {offsets = [528, 0], sizes = [8, 128], strides = [1, 1]} : vector<2000x128xf32> to vector<8x128xf32>
    %gt3A_470 = arith.cmpf ogt, %slice3A_469, %max3A_464 : vector<8x128xf32>
    %max3A_471 = arith.maximumf %max3A_464, %slice3A_469 : vector<8x128xf32>
    %add3A_472 = arith.constant 528 : i32
    %add3A_473 = arith.addi %add3A_3, %add3A_472 : i32
    %broadcast_in_dim3A_474 = vector.broadcast %add3A_473 : i32 to vector<8x128xi32>
    %select_n3A_475 = arith.select %gt3A_470, %broadcast_in_dim3A_474, %select_n3A_468 : vector<8x128xi1>, vector<8x128xi32>
    %slice3A_476 = vector.extract_strided_slice %get3A_5 {offsets = [536, 0], sizes = [8, 128], strides = [1, 1]} : vector<2000x128xf32> to vector<8x128xf32>
    %gt3A_477 = arith.cmpf ogt, %slice3A_476, %max3A_471 : vector<8x128xf32>
    %max3A_478 = arith.maximumf %max3A_471, %slice3A_476 : vector<8x128xf32>
    %add3A_479 = arith.constant 536 : i32
    %add3A_480 = arith.addi %add3A_3, %add3A_479 : i32
    %broadcast_in_dim3A_481 = vector.broadcast %add3A_480 : i32 to vector<8x128xi32>
    %select_n3A_482 = arith.select %gt3A_477, %broadcast_in_dim3A_481, %select_n3A_475 : vector<8x128xi1>, vector<8x128xi32>
    %slice3A_483 = vector.extract_strided_slice %get3A_5 {offsets = [544, 0], sizes = [8, 128], strides = [1, 1]} : vector<2000x128xf32> to vector<8x128xf32>
    %gt3A_484 = arith.cmpf ogt, %slice3A_483, %max3A_478 : vector<8x128xf32>
    %max3A_485 = arith.maximumf %max3A_478, %slice3A_483 : vector<8x128xf32>
    %add3A_486 = arith.constant 544 : i32
    %add3A_487 = arith.addi %add3A_3, %add3A_486 : i32
    %broadcast_in_dim3A_488 = vector.broadcast %add3A_487 : i32 to vector<8x128xi32>
    %select_n3A_489 = arith.select %gt3A_484, %broadcast_in_dim3A_488, %select_n3A_482 : vector<8x128xi1>, vector<8x128xi32>
    %slice3A_490 = vector.extract_strided_slice %get3A_5 {offsets = [552, 0], sizes = [8, 128], strides = [1, 1]} : vector<2000x128xf32> to vector<8x128xf32>
    %gt3A_491 = arith.cmpf ogt, %slice3A_490, %max3A_485 : vector<8x128xf32>
    %max3A_492 = arith.maximumf %max3A_485, %slice3A_490 : vector<8x128xf32>
    %add3A_493 = arith.constant 552 : i32
    %add3A_494 = arith.addi %add3A_3, %add3A_493 : i32
    %broadcast_in_dim3A_495 = vector.broadcast %add3A_494 : i32 to vector<8x128xi32>
    %select_n3A_496 = arith.select %gt3A_491, %broadcast_in_dim3A_495, %select_n3A_489 : vector<8x128xi1>, vector<8x128xi32>
    %slice3A_497 = vector.extract_strided_slice %get3A_5 {offsets = [560, 0], sizes = [8, 128], strides = [1, 1]} : vector<2000x128xf32> to vector<8x128xf32>
    %gt3A_498 = arith.cmpf ogt, %slice3A_497, %max3A_492 : vector<8x128xf32>
    %max3A_499 = arith.maximumf %max3A_492, %slice3A_497 : vector<8x128xf32>
    %add3A_500 = arith.constant 560 : i32
    %add3A_501 = arith.addi %add3A_3, %add3A_500 : i32
    %broadcast_in_dim3A_502 = vector.broadcast %add3A_501 : i32 to vector<8x128xi32>
    %select_n3A_503 = arith.select %gt3A_498, %broadcast_in_dim3A_502, %select_n3A_496 : vector<8x128xi1>, vector<8x128xi32>
    %slice3A_504 = vector.extract_strided_slice %get3A_5 {offsets = [568, 0], sizes = [8, 128], strides = [1, 1]} : vector<2000x128xf32> to vector<8x128xf32>
    %gt3A_505 = arith.cmpf ogt, %slice3A_504, %max3A_499 : vector<8x128xf32>
    %max3A_506 = arith.maximumf %max3A_499, %slice3A_504 : vector<8x128xf32>
    %add3A_507 = arith.constant 568 : i32
    %add3A_508 = arith.addi %add3A_3, %add3A_507 : i32
    %broadcast_in_dim3A_509 = vector.broadcast %add3A_508 : i32 to vector<8x128xi32>
    %select_n3A_510 = arith.select %gt3A_505, %broadcast_in_dim3A_509, %select_n3A_503 : vector<8x128xi1>, vector<8x128xi32>
    %slice3A_511 = vector.extract_strided_slice %get3A_5 {offsets = [576, 0], sizes = [8, 128], strides = [1, 1]} : vector<2000x128xf32> to vector<8x128xf32>
    %gt3A_512 = arith.cmpf ogt, %slice3A_511, %max3A_506 : vector<8x128xf32>
    %max3A_513 = arith.maximumf %max3A_506, %slice3A_511 : vector<8x128xf32>
    %add3A_514 = arith.constant 576 : i32
    %add3A_515 = arith.addi %add3A_3, %add3A_514 : i32
    %broadcast_in_dim3A_516 = vector.broadcast %add3A_515 : i32 to vector<8x128xi32>
    %select_n3A_517 = arith.select %gt3A_512, %broadcast_in_dim3A_516, %select_n3A_510 : vector<8x128xi1>, vector<8x128xi32>
    %slice3A_518 = vector.extract_strided_slice %get3A_5 {offsets = [584, 0], sizes = [8, 128], strides = [1, 1]} : vector<2000x128xf32> to vector<8x128xf32>
    %gt3A_519 = arith.cmpf ogt, %slice3A_518, %max3A_513 : vector<8x128xf32>
    %max3A_520 = arith.maximumf %max3A_513, %slice3A_518 : vector<8x128xf32>
    %add3A_521 = arith.constant 584 : i32
    %add3A_522 = arith.addi %add3A_3, %add3A_521 : i32
    %broadcast_in_dim3A_523 = vector.broadcast %add3A_522 : i32 to vector<8x128xi32>
    %select_n3A_524 = arith.select %gt3A_519, %broadcast_in_dim3A_523, %select_n3A_517 : vector<8x128xi1>, vector<8x128xi32>
    %slice3A_525 = vector.extract_strided_slice %get3A_5 {offsets = [592, 0], sizes = [8, 128], strides = [1, 1]} : vector<2000x128xf32> to vector<8x128xf32>
    %gt3A_526 = arith.cmpf ogt, %slice3A_525, %max3A_520 : vector<8x128xf32>
    %max3A_527 = arith.maximumf %max3A_520, %slice3A_525 : vector<8x128xf32>
    %add3A_528 = arith.constant 592 : i32
    %add3A_529 = arith.addi %add3A_3, %add3A_528 : i32
    %broadcast_in_dim3A_530 = vector.broadcast %add3A_529 : i32 to vector<8x128xi32>
    %select_n3A_531 = arith.select %gt3A_526, %broadcast_in_dim3A_530, %select_n3A_524 : vector<8x128xi1>, vector<8x128xi32>
    %slice3A_532 = vector.extract_strided_slice %get3A_5 {offsets = [600, 0], sizes = [8, 128], strides = [1, 1]} : vector<2000x128xf32> to vector<8x128xf32>
    %gt3A_533 = arith.cmpf ogt, %slice3A_532, %max3A_527 : vector<8x128xf32>
    %max3A_534 = arith.maximumf %max3A_527, %slice3A_532 : vector<8x128xf32>
    %add3A_535 = arith.constant 600 : i32
    %add3A_536 = arith.addi %add3A_3, %add3A_535 : i32
    %broadcast_in_dim3A_537 = vector.broadcast %add3A_536 : i32 to vector<8x128xi32>
    %select_n3A_538 = arith.select %gt3A_533, %broadcast_in_dim3A_537, %select_n3A_531 : vector<8x128xi1>, vector<8x128xi32>
    %slice3A_539 = vector.extract_strided_slice %get3A_5 {offsets = [608, 0], sizes = [8, 128], strides = [1, 1]} : vector<2000x128xf32> to vector<8x128xf32>
    %gt3A_540 = arith.cmpf ogt, %slice3A_539, %max3A_534 : vector<8x128xf32>
    %max3A_541 = arith.maximumf %max3A_534, %slice3A_539 : vector<8x128xf32>
    %add3A_542 = arith.constant 608 : i32
    %add3A_543 = arith.addi %add3A_3, %add3A_542 : i32
    %broadcast_in_dim3A_544 = vector.broadcast %add3A_543 : i32 to vector<8x128xi32>
    %select_n3A_545 = arith.select %gt3A_540, %broadcast_in_dim3A_544, %select_n3A_538 : vector<8x128xi1>, vector<8x128xi32>
    %slice3A_546 = vector.extract_strided_slice %get3A_5 {offsets = [616, 0], sizes = [8, 128], strides = [1, 1]} : vector<2000x128xf32> to vector<8x128xf32>
    %gt3A_547 = arith.cmpf ogt, %slice3A_546, %max3A_541 : vector<8x128xf32>
    %max3A_548 = arith.maximumf %max3A_541, %slice3A_546 : vector<8x128xf32>
    %add3A_549 = arith.constant 616 : i32
    %add3A_550 = arith.addi %add3A_3, %add3A_549 : i32
    %broadcast_in_dim3A_551 = vector.broadcast %add3A_550 : i32 to vector<8x128xi32>
    %select_n3A_552 = arith.select %gt3A_547, %broadcast_in_dim3A_551, %select_n3A_545 : vector<8x128xi1>, vector<8x128xi32>
    %slice3A_553 = vector.extract_strided_slice %get3A_5 {offsets = [624, 0], sizes = [8, 128], strides = [1, 1]} : vector<2000x128xf32> to vector<8x128xf32>
    %gt3A_554 = arith.cmpf ogt, %slice3A_553, %max3A_548 : vector<8x128xf32>
    %max3A_555 = arith.maximumf %max3A_548, %slice3A_553 : vector<8x128xf32>
    %add3A_556 = arith.constant 624 : i32
    %add3A_557 = arith.addi %add3A_3, %add3A_556 : i32
    %broadcast_in_dim3A_558 = vector.broadcast %add3A_557 : i32 to vector<8x128xi32>
    %select_n3A_559 = arith.select %gt3A_554, %broadcast_in_dim3A_558, %select_n3A_552 : vector<8x128xi1>, vector<8x128xi32>
    %slice3A_560 = vector.extract_strided_slice %get3A_5 {offsets = [632, 0], sizes = [8, 128], strides = [1, 1]} : vector<2000x128xf32> to vector<8x128xf32>
    %gt3A_561 = arith.cmpf ogt, %slice3A_560, %max3A_555 : vector<8x128xf32>
    %max3A_562 = arith.maximumf %max3A_555, %slice3A_560 : vector<8x128xf32>
    %add3A_563 = arith.constant 632 : i32
    %add3A_564 = arith.addi %add3A_3, %add3A_563 : i32
    %broadcast_in_dim3A_565 = vector.broadcast %add3A_564 : i32 to vector<8x128xi32>
    %select_n3A_566 = arith.select %gt3A_561, %broadcast_in_dim3A_565, %select_n3A_559 : vector<8x128xi1>, vector<8x128xi32>
    %slice3A_567 = vector.extract_strided_slice %get3A_5 {offsets = [640, 0], sizes = [8, 128], strides = [1, 1]} : vector<2000x128xf32> to vector<8x128xf32>
    %gt3A_568 = arith.cmpf ogt, %slice3A_567, %max3A_562 : vector<8x128xf32>
    %max3A_569 = arith.maximumf %max3A_562, %slice3A_567 : vector<8x128xf32>
    %add3A_570 = arith.constant 640 : i32
    %add3A_571 = arith.addi %add3A_3, %add3A_570 : i32
    %broadcast_in_dim3A_572 = vector.broadcast %add3A_571 : i32 to vector<8x128xi32>
    %select_n3A_573 = arith.select %gt3A_568, %broadcast_in_dim3A_572, %select_n3A_566 : vector<8x128xi1>, vector<8x128xi32>
    %slice3A_574 = vector.extract_strided_slice %get3A_5 {offsets = [648, 0], sizes = [8, 128], strides = [1, 1]} : vector<2000x128xf32> to vector<8x128xf32>
    %gt3A_575 = arith.cmpf ogt, %slice3A_574, %max3A_569 : vector<8x128xf32>
    %max3A_576 = arith.maximumf %max3A_569, %slice3A_574 : vector<8x128xf32>
    %add3A_577 = arith.constant 648 : i32
    %add3A_578 = arith.addi %add3A_3, %add3A_577 : i32
    %broadcast_in_dim3A_579 = vector.broadcast %add3A_578 : i32 to vector<8x128xi32>
    %select_n3A_580 = arith.select %gt3A_575, %broadcast_in_dim3A_579, %select_n3A_573 : vector<8x128xi1>, vector<8x128xi32>
    %slice3A_581 = vector.extract_strided_slice %get3A_5 {offsets = [656, 0], sizes = [8, 128], strides = [1, 1]} : vector<2000x128xf32> to vector<8x128xf32>
    %gt3A_582 = arith.cmpf ogt, %slice3A_581, %max3A_576 : vector<8x128xf32>
    %max3A_583 = arith.maximumf %max3A_576, %slice3A_581 : vector<8x128xf32>
    %add3A_584 = arith.constant 656 : i32
    %add3A_585 = arith.addi %add3A_3, %add3A_584 : i32
    %broadcast_in_dim3A_586 = vector.broadcast %add3A_585 : i32 to vector<8x128xi32>
    %select_n3A_587 = arith.select %gt3A_582, %broadcast_in_dim3A_586, %select_n3A_580 : vector<8x128xi1>, vector<8x128xi32>
    %slice3A_588 = vector.extract_strided_slice %get3A_5 {offsets = [664, 0], sizes = [8, 128], strides = [1, 1]} : vector<2000x128xf32> to vector<8x128xf32>
    %gt3A_589 = arith.cmpf ogt, %slice3A_588, %max3A_583 : vector<8x128xf32>
    %max3A_590 = arith.maximumf %max3A_583, %slice3A_588 : vector<8x128xf32>
    %add3A_591 = arith.constant 664 : i32
    %add3A_592 = arith.addi %add3A_3, %add3A_591 : i32
    %broadcast_in_dim3A_593 = vector.broadcast %add3A_592 : i32 to vector<8x128xi32>
    %select_n3A_594 = arith.select %gt3A_589, %broadcast_in_dim3A_593, %select_n3A_587 : vector<8x128xi1>, vector<8x128xi32>
    %slice3A_595 = vector.extract_strided_slice %get3A_5 {offsets = [672, 0], sizes = [8, 128], strides = [1, 1]} : vector<2000x128xf32> to vector<8x128xf32>
    %gt3A_596 = arith.cmpf ogt, %slice3A_595, %max3A_590 : vector<8x128xf32>
    %max3A_597 = arith.maximumf %max3A_590, %slice3A_595 : vector<8x128xf32>
    %add3A_598 = arith.constant 672 : i32
    %add3A_599 = arith.addi %add3A_3, %add3A_598 : i32
    %broadcast_in_dim3A_600 = vector.broadcast %add3A_599 : i32 to vector<8x128xi32>
    %select_n3A_601 = arith.select %gt3A_596, %broadcast_in_dim3A_600, %select_n3A_594 : vector<8x128xi1>, vector<8x128xi32>
    %slice3A_602 = vector.extract_strided_slice %get3A_5 {offsets = [680, 0], sizes = [8, 128], strides = [1, 1]} : vector<2000x128xf32> to vector<8x128xf32>
    %gt3A_603 = arith.cmpf ogt, %slice3A_602, %max3A_597 : vector<8x128xf32>
    %max3A_604 = arith.maximumf %max3A_597, %slice3A_602 : vector<8x128xf32>
    %add3A_605 = arith.constant 680 : i32
    %add3A_606 = arith.addi %add3A_3, %add3A_605 : i32
    %broadcast_in_dim3A_607 = vector.broadcast %add3A_606 : i32 to vector<8x128xi32>
    %select_n3A_608 = arith.select %gt3A_603, %broadcast_in_dim3A_607, %select_n3A_601 : vector<8x128xi1>, vector<8x128xi32>
    %slice3A_609 = vector.extract_strided_slice %get3A_5 {offsets = [688, 0], sizes = [8, 128], strides = [1, 1]} : vector<2000x128xf32> to vector<8x128xf32>
    %gt3A_610 = arith.cmpf ogt, %slice3A_609, %max3A_604 : vector<8x128xf32>
    %max3A_611 = arith.maximumf %max3A_604, %slice3A_609 : vector<8x128xf32>
    %add3A_612 = arith.constant 688 : i32
    %add3A_613 = arith.addi %add3A_3, %add3A_612 : i32
    %broadcast_in_dim3A_614 = vector.broadcast %add3A_613 : i32 to vector<8x128xi32>
    %select_n3A_615 = arith.select %gt3A_610, %broadcast_in_dim3A_614, %select_n3A_608 : vector<8x128xi1>, vector<8x128xi32>
    %slice3A_616 = vector.extract_strided_slice %get3A_5 {offsets = [696, 0], sizes = [8, 128], strides = [1, 1]} : vector<2000x128xf32> to vector<8x128xf32>
    %gt3A_617 = arith.cmpf ogt, %slice3A_616, %max3A_611 : vector<8x128xf32>
    %max3A_618 = arith.maximumf %max3A_611, %slice3A_616 : vector<8x128xf32>
    %add3A_619 = arith.constant 696 : i32
    %add3A_620 = arith.addi %add3A_3, %add3A_619 : i32
    %broadcast_in_dim3A_621 = vector.broadcast %add3A_620 : i32 to vector<8x128xi32>
    %select_n3A_622 = arith.select %gt3A_617, %broadcast_in_dim3A_621, %select_n3A_615 : vector<8x128xi1>, vector<8x128xi32>
    %slice3A_623 = vector.extract_strided_slice %get3A_5 {offsets = [704, 0], sizes = [8, 128], strides = [1, 1]} : vector<2000x128xf32> to vector<8x128xf32>
    %gt3A_624 = arith.cmpf ogt, %slice3A_623, %max3A_618 : vector<8x128xf32>
    %max3A_625 = arith.maximumf %max3A_618, %slice3A_623 : vector<8x128xf32>
    %add3A_626 = arith.constant 704 : i32
    %add3A_627 = arith.addi %add3A_3, %add3A_626 : i32
    %broadcast_in_dim3A_628 = vector.broadcast %add3A_627 : i32 to vector<8x128xi32>
    %select_n3A_629 = arith.select %gt3A_624, %broadcast_in_dim3A_628, %select_n3A_622 : vector<8x128xi1>, vector<8x128xi32>
    %slice3A_630 = vector.extract_strided_slice %get3A_5 {offsets = [712, 0], sizes = [8, 128], strides = [1, 1]} : vector<2000x128xf32> to vector<8x128xf32>
    %gt3A_631 = arith.cmpf ogt, %slice3A_630, %max3A_625 : vector<8x128xf32>
    %max3A_632 = arith.maximumf %max3A_625, %slice3A_630 : vector<8x128xf32>
    %add3A_633 = arith.constant 712 : i32
    %add3A_634 = arith.addi %add3A_3, %add3A_633 : i32
    %broadcast_in_dim3A_635 = vector.broadcast %add3A_634 : i32 to vector<8x128xi32>
    %select_n3A_636 = arith.select %gt3A_631, %broadcast_in_dim3A_635, %select_n3A_629 : vector<8x128xi1>, vector<8x128xi32>
    %slice3A_637 = vector.extract_strided_slice %get3A_5 {offsets = [720, 0], sizes = [8, 128], strides = [1, 1]} : vector<2000x128xf32> to vector<8x128xf32>
    %gt3A_638 = arith.cmpf ogt, %slice3A_637, %max3A_632 : vector<8x128xf32>
    %max3A_639 = arith.maximumf %max3A_632, %slice3A_637 : vector<8x128xf32>
    %add3A_640 = arith.constant 720 : i32
    %add3A_641 = arith.addi %add3A_3, %add3A_640 : i32
    %broadcast_in_dim3A_642 = vector.broadcast %add3A_641 : i32 to vector<8x128xi32>
    %select_n3A_643 = arith.select %gt3A_638, %broadcast_in_dim3A_642, %select_n3A_636 : vector<8x128xi1>, vector<8x128xi32>
    %slice3A_644 = vector.extract_strided_slice %get3A_5 {offsets = [728, 0], sizes = [8, 128], strides = [1, 1]} : vector<2000x128xf32> to vector<8x128xf32>
    %gt3A_645 = arith.cmpf ogt, %slice3A_644, %max3A_639 : vector<8x128xf32>
    %max3A_646 = arith.maximumf %max3A_639, %slice3A_644 : vector<8x128xf32>
    %add3A_647 = arith.constant 728 : i32
    %add3A_648 = arith.addi %add3A_3, %add3A_647 : i32
    %broadcast_in_dim3A_649 = vector.broadcast %add3A_648 : i32 to vector<8x128xi32>
    %select_n3A_650 = arith.select %gt3A_645, %broadcast_in_dim3A_649, %select_n3A_643 : vector<8x128xi1>, vector<8x128xi32>
    %slice3A_651 = vector.extract_strided_slice %get3A_5 {offsets = [736, 0], sizes = [8, 128], strides = [1, 1]} : vector<2000x128xf32> to vector<8x128xf32>
    %gt3A_652 = arith.cmpf ogt, %slice3A_651, %max3A_646 : vector<8x128xf32>
    %max3A_653 = arith.maximumf %max3A_646, %slice3A_651 : vector<8x128xf32>
    %add3A_654 = arith.constant 736 : i32
    %add3A_655 = arith.addi %add3A_3, %add3A_654 : i32
    %broadcast_in_dim3A_656 = vector.broadcast %add3A_655 : i32 to vector<8x128xi32>
    %select_n3A_657 = arith.select %gt3A_652, %broadcast_in_dim3A_656, %select_n3A_650 : vector<8x128xi1>, vector<8x128xi32>
    %slice3A_658 = vector.extract_strided_slice %get3A_5 {offsets = [744, 0], sizes = [8, 128], strides = [1, 1]} : vector<2000x128xf32> to vector<8x128xf32>
    %gt3A_659 = arith.cmpf ogt, %slice3A_658, %max3A_653 : vector<8x128xf32>
    %max3A_660 = arith.maximumf %max3A_653, %slice3A_658 : vector<8x128xf32>
    %add3A_661 = arith.constant 744 : i32
    %add3A_662 = arith.addi %add3A_3, %add3A_661 : i32
    %broadcast_in_dim3A_663 = vector.broadcast %add3A_662 : i32 to vector<8x128xi32>
    %select_n3A_664 = arith.select %gt3A_659, %broadcast_in_dim3A_663, %select_n3A_657 : vector<8x128xi1>, vector<8x128xi32>
    %slice3A_665 = vector.extract_strided_slice %get3A_5 {offsets = [752, 0], sizes = [8, 128], strides = [1, 1]} : vector<2000x128xf32> to vector<8x128xf32>
    %gt3A_666 = arith.cmpf ogt, %slice3A_665, %max3A_660 : vector<8x128xf32>
    %max3A_667 = arith.maximumf %max3A_660, %slice3A_665 : vector<8x128xf32>
    %add3A_668 = arith.constant 752 : i32
    %add3A_669 = arith.addi %add3A_3, %add3A_668 : i32
    %broadcast_in_dim3A_670 = vector.broadcast %add3A_669 : i32 to vector<8x128xi32>
    %select_n3A_671 = arith.select %gt3A_666, %broadcast_in_dim3A_670, %select_n3A_664 : vector<8x128xi1>, vector<8x128xi32>
    %slice3A_672 = vector.extract_strided_slice %get3A_5 {offsets = [760, 0], sizes = [8, 128], strides = [1, 1]} : vector<2000x128xf32> to vector<8x128xf32>
    %gt3A_673 = arith.cmpf ogt, %slice3A_672, %max3A_667 : vector<8x128xf32>
    %max3A_674 = arith.maximumf %max3A_667, %slice3A_672 : vector<8x128xf32>
    %add3A_675 = arith.constant 760 : i32
    %add3A_676 = arith.addi %add3A_3, %add3A_675 : i32
    %broadcast_in_dim3A_677 = vector.broadcast %add3A_676 : i32 to vector<8x128xi32>
    %select_n3A_678 = arith.select %gt3A_673, %broadcast_in_dim3A_677, %select_n3A_671 : vector<8x128xi1>, vector<8x128xi32>
    %slice3A_679 = vector.extract_strided_slice %get3A_5 {offsets = [768, 0], sizes = [8, 128], strides = [1, 1]} : vector<2000x128xf32> to vector<8x128xf32>
    %gt3A_680 = arith.cmpf ogt, %slice3A_679, %max3A_674 : vector<8x128xf32>
    %max3A_681 = arith.maximumf %max3A_674, %slice3A_679 : vector<8x128xf32>
    %add3A_682 = arith.constant 768 : i32
    %add3A_683 = arith.addi %add3A_3, %add3A_682 : i32
    %broadcast_in_dim3A_684 = vector.broadcast %add3A_683 : i32 to vector<8x128xi32>
    %select_n3A_685 = arith.select %gt3A_680, %broadcast_in_dim3A_684, %select_n3A_678 : vector<8x128xi1>, vector<8x128xi32>
    %slice3A_686 = vector.extract_strided_slice %get3A_5 {offsets = [776, 0], sizes = [8, 128], strides = [1, 1]} : vector<2000x128xf32> to vector<8x128xf32>
    %gt3A_687 = arith.cmpf ogt, %slice3A_686, %max3A_681 : vector<8x128xf32>
    %max3A_688 = arith.maximumf %max3A_681, %slice3A_686 : vector<8x128xf32>
    %add3A_689 = arith.constant 776 : i32
    %add3A_690 = arith.addi %add3A_3, %add3A_689 : i32
    %broadcast_in_dim3A_691 = vector.broadcast %add3A_690 : i32 to vector<8x128xi32>
    %select_n3A_692 = arith.select %gt3A_687, %broadcast_in_dim3A_691, %select_n3A_685 : vector<8x128xi1>, vector<8x128xi32>
    %slice3A_693 = vector.extract_strided_slice %get3A_5 {offsets = [784, 0], sizes = [8, 128], strides = [1, 1]} : vector<2000x128xf32> to vector<8x128xf32>
    %gt3A_694 = arith.cmpf ogt, %slice3A_693, %max3A_688 : vector<8x128xf32>
    %max3A_695 = arith.maximumf %max3A_688, %slice3A_693 : vector<8x128xf32>
    %add3A_696 = arith.constant 784 : i32
    %add3A_697 = arith.addi %add3A_3, %add3A_696 : i32
    %broadcast_in_dim3A_698 = vector.broadcast %add3A_697 : i32 to vector<8x128xi32>
    %select_n3A_699 = arith.select %gt3A_694, %broadcast_in_dim3A_698, %select_n3A_692 : vector<8x128xi1>, vector<8x128xi32>
    %slice3A_700 = vector.extract_strided_slice %get3A_5 {offsets = [792, 0], sizes = [8, 128], strides = [1, 1]} : vector<2000x128xf32> to vector<8x128xf32>
    %gt3A_701 = arith.cmpf ogt, %slice3A_700, %max3A_695 : vector<8x128xf32>
    %max3A_702 = arith.maximumf %max3A_695, %slice3A_700 : vector<8x128xf32>
    %add3A_703 = arith.constant 792 : i32
    %add3A_704 = arith.addi %add3A_3, %add3A_703 : i32
    %broadcast_in_dim3A_705 = vector.broadcast %add3A_704 : i32 to vector<8x128xi32>
    %select_n3A_706 = arith.select %gt3A_701, %broadcast_in_dim3A_705, %select_n3A_699 : vector<8x128xi1>, vector<8x128xi32>
    %slice3A_707 = vector.extract_strided_slice %get3A_5 {offsets = [800, 0], sizes = [8, 128], strides = [1, 1]} : vector<2000x128xf32> to vector<8x128xf32>
    %gt3A_708 = arith.cmpf ogt, %slice3A_707, %max3A_702 : vector<8x128xf32>
    %max3A_709 = arith.maximumf %max3A_702, %slice3A_707 : vector<8x128xf32>
    %add3A_710 = arith.constant 800 : i32
    %add3A_711 = arith.addi %add3A_3, %add3A_710 : i32
    %broadcast_in_dim3A_712 = vector.broadcast %add3A_711 : i32 to vector<8x128xi32>
    %select_n3A_713 = arith.select %gt3A_708, %broadcast_in_dim3A_712, %select_n3A_706 : vector<8x128xi1>, vector<8x128xi32>
    %slice3A_714 = vector.extract_strided_slice %get3A_5 {offsets = [808, 0], sizes = [8, 128], strides = [1, 1]} : vector<2000x128xf32> to vector<8x128xf32>
    %gt3A_715 = arith.cmpf ogt, %slice3A_714, %max3A_709 : vector<8x128xf32>
    %max3A_716 = arith.maximumf %max3A_709, %slice3A_714 : vector<8x128xf32>
    %add3A_717 = arith.constant 808 : i32
    %add3A_718 = arith.addi %add3A_3, %add3A_717 : i32
    %broadcast_in_dim3A_719 = vector.broadcast %add3A_718 : i32 to vector<8x128xi32>
    %select_n3A_720 = arith.select %gt3A_715, %broadcast_in_dim3A_719, %select_n3A_713 : vector<8x128xi1>, vector<8x128xi32>
    %slice3A_721 = vector.extract_strided_slice %get3A_5 {offsets = [816, 0], sizes = [8, 128], strides = [1, 1]} : vector<2000x128xf32> to vector<8x128xf32>
    %gt3A_722 = arith.cmpf ogt, %slice3A_721, %max3A_716 : vector<8x128xf32>
    %max3A_723 = arith.maximumf %max3A_716, %slice3A_721 : vector<8x128xf32>
    %add3A_724 = arith.constant 816 : i32
    %add3A_725 = arith.addi %add3A_3, %add3A_724 : i32
    %broadcast_in_dim3A_726 = vector.broadcast %add3A_725 : i32 to vector<8x128xi32>
    %select_n3A_727 = arith.select %gt3A_722, %broadcast_in_dim3A_726, %select_n3A_720 : vector<8x128xi1>, vector<8x128xi32>
    %slice3A_728 = vector.extract_strided_slice %get3A_5 {offsets = [824, 0], sizes = [8, 128], strides = [1, 1]} : vector<2000x128xf32> to vector<8x128xf32>
    %gt3A_729 = arith.cmpf ogt, %slice3A_728, %max3A_723 : vector<8x128xf32>
    %max3A_730 = arith.maximumf %max3A_723, %slice3A_728 : vector<8x128xf32>
    %add3A_731 = arith.constant 824 : i32
    %add3A_732 = arith.addi %add3A_3, %add3A_731 : i32
    %broadcast_in_dim3A_733 = vector.broadcast %add3A_732 : i32 to vector<8x128xi32>
    %select_n3A_734 = arith.select %gt3A_729, %broadcast_in_dim3A_733, %select_n3A_727 : vector<8x128xi1>, vector<8x128xi32>
    %slice3A_735 = vector.extract_strided_slice %get3A_5 {offsets = [832, 0], sizes = [8, 128], strides = [1, 1]} : vector<2000x128xf32> to vector<8x128xf32>
    %gt3A_736 = arith.cmpf ogt, %slice3A_735, %max3A_730 : vector<8x128xf32>
    %max3A_737 = arith.maximumf %max3A_730, %slice3A_735 : vector<8x128xf32>
    %add3A_738 = arith.constant 832 : i32
    %add3A_739 = arith.addi %add3A_3, %add3A_738 : i32
    %broadcast_in_dim3A_740 = vector.broadcast %add3A_739 : i32 to vector<8x128xi32>
    %select_n3A_741 = arith.select %gt3A_736, %broadcast_in_dim3A_740, %select_n3A_734 : vector<8x128xi1>, vector<8x128xi32>
    %slice3A_742 = vector.extract_strided_slice %get3A_5 {offsets = [840, 0], sizes = [8, 128], strides = [1, 1]} : vector<2000x128xf32> to vector<8x128xf32>
    %gt3A_743 = arith.cmpf ogt, %slice3A_742, %max3A_737 : vector<8x128xf32>
    %max3A_744 = arith.maximumf %max3A_737, %slice3A_742 : vector<8x128xf32>
    %add3A_745 = arith.constant 840 : i32
    %add3A_746 = arith.addi %add3A_3, %add3A_745 : i32
    %broadcast_in_dim3A_747 = vector.broadcast %add3A_746 : i32 to vector<8x128xi32>
    %select_n3A_748 = arith.select %gt3A_743, %broadcast_in_dim3A_747, %select_n3A_741 : vector<8x128xi1>, vector<8x128xi32>
    %slice3A_749 = vector.extract_strided_slice %get3A_5 {offsets = [848, 0], sizes = [8, 128], strides = [1, 1]} : vector<2000x128xf32> to vector<8x128xf32>
    %gt3A_750 = arith.cmpf ogt, %slice3A_749, %max3A_744 : vector<8x128xf32>
    %max3A_751 = arith.maximumf %max3A_744, %slice3A_749 : vector<8x128xf32>
    %add3A_752 = arith.constant 848 : i32
    %add3A_753 = arith.addi %add3A_3, %add3A_752 : i32
    %broadcast_in_dim3A_754 = vector.broadcast %add3A_753 : i32 to vector<8x128xi32>
    %select_n3A_755 = arith.select %gt3A_750, %broadcast_in_dim3A_754, %select_n3A_748 : vector<8x128xi1>, vector<8x128xi32>
    %slice3A_756 = vector.extract_strided_slice %get3A_5 {offsets = [856, 0], sizes = [8, 128], strides = [1, 1]} : vector<2000x128xf32> to vector<8x128xf32>
    %gt3A_757 = arith.cmpf ogt, %slice3A_756, %max3A_751 : vector<8x128xf32>
    %max3A_758 = arith.maximumf %max3A_751, %slice3A_756 : vector<8x128xf32>
    %add3A_759 = arith.constant 856 : i32
    %add3A_760 = arith.addi %add3A_3, %add3A_759 : i32
    %broadcast_in_dim3A_761 = vector.broadcast %add3A_760 : i32 to vector<8x128xi32>
    %select_n3A_762 = arith.select %gt3A_757, %broadcast_in_dim3A_761, %select_n3A_755 : vector<8x128xi1>, vector<8x128xi32>
    %slice3A_763 = vector.extract_strided_slice %get3A_5 {offsets = [864, 0], sizes = [8, 128], strides = [1, 1]} : vector<2000x128xf32> to vector<8x128xf32>
    %gt3A_764 = arith.cmpf ogt, %slice3A_763, %max3A_758 : vector<8x128xf32>
    %max3A_765 = arith.maximumf %max3A_758, %slice3A_763 : vector<8x128xf32>
    %add3A_766 = arith.constant 864 : i32
    %add3A_767 = arith.addi %add3A_3, %add3A_766 : i32
    %broadcast_in_dim3A_768 = vector.broadcast %add3A_767 : i32 to vector<8x128xi32>
    %select_n3A_769 = arith.select %gt3A_764, %broadcast_in_dim3A_768, %select_n3A_762 : vector<8x128xi1>, vector<8x128xi32>
    %slice3A_770 = vector.extract_strided_slice %get3A_5 {offsets = [872, 0], sizes = [8, 128], strides = [1, 1]} : vector<2000x128xf32> to vector<8x128xf32>
    %gt3A_771 = arith.cmpf ogt, %slice3A_770, %max3A_765 : vector<8x128xf32>
    %max3A_772 = arith.maximumf %max3A_765, %slice3A_770 : vector<8x128xf32>
    %add3A_773 = arith.constant 872 : i32
    %add3A_774 = arith.addi %add3A_3, %add3A_773 : i32
    %broadcast_in_dim3A_775 = vector.broadcast %add3A_774 : i32 to vector<8x128xi32>
    %select_n3A_776 = arith.select %gt3A_771, %broadcast_in_dim3A_775, %select_n3A_769 : vector<8x128xi1>, vector<8x128xi32>
    %slice3A_777 = vector.extract_strided_slice %get3A_5 {offsets = [880, 0], sizes = [8, 128], strides = [1, 1]} : vector<2000x128xf32> to vector<8x128xf32>
    %gt3A_778 = arith.cmpf ogt, %slice3A_777, %max3A_772 : vector<8x128xf32>
    %max3A_779 = arith.maximumf %max3A_772, %slice3A_777 : vector<8x128xf32>
    %add3A_780 = arith.constant 880 : i32
    %add3A_781 = arith.addi %add3A_3, %add3A_780 : i32
    %broadcast_in_dim3A_782 = vector.broadcast %add3A_781 : i32 to vector<8x128xi32>
    %select_n3A_783 = arith.select %gt3A_778, %broadcast_in_dim3A_782, %select_n3A_776 : vector<8x128xi1>, vector<8x128xi32>
    %slice3A_784 = vector.extract_strided_slice %get3A_5 {offsets = [888, 0], sizes = [8, 128], strides = [1, 1]} : vector<2000x128xf32> to vector<8x128xf32>
    %gt3A_785 = arith.cmpf ogt, %slice3A_784, %max3A_779 : vector<8x128xf32>
    %max3A_786 = arith.maximumf %max3A_779, %slice3A_784 : vector<8x128xf32>
    %add3A_787 = arith.constant 888 : i32
    %add3A_788 = arith.addi %add3A_3, %add3A_787 : i32
    %broadcast_in_dim3A_789 = vector.broadcast %add3A_788 : i32 to vector<8x128xi32>
    %select_n3A_790 = arith.select %gt3A_785, %broadcast_in_dim3A_789, %select_n3A_783 : vector<8x128xi1>, vector<8x128xi32>
    %slice3A_791 = vector.extract_strided_slice %get3A_5 {offsets = [896, 0], sizes = [8, 128], strides = [1, 1]} : vector<2000x128xf32> to vector<8x128xf32>
    %gt3A_792 = arith.cmpf ogt, %slice3A_791, %max3A_786 : vector<8x128xf32>
    %max3A_793 = arith.maximumf %max3A_786, %slice3A_791 : vector<8x128xf32>
    %add3A_794 = arith.constant 896 : i32
    %add3A_795 = arith.addi %add3A_3, %add3A_794 : i32
    %broadcast_in_dim3A_796 = vector.broadcast %add3A_795 : i32 to vector<8x128xi32>
    %select_n3A_797 = arith.select %gt3A_792, %broadcast_in_dim3A_796, %select_n3A_790 : vector<8x128xi1>, vector<8x128xi32>
    %slice3A_798 = vector.extract_strided_slice %get3A_5 {offsets = [904, 0], sizes = [8, 128], strides = [1, 1]} : vector<2000x128xf32> to vector<8x128xf32>
    %gt3A_799 = arith.cmpf ogt, %slice3A_798, %max3A_793 : vector<8x128xf32>
    %max3A_800 = arith.maximumf %max3A_793, %slice3A_798 : vector<8x128xf32>
    %add3A_801 = arith.constant 904 : i32
    %add3A_802 = arith.addi %add3A_3, %add3A_801 : i32
    %broadcast_in_dim3A_803 = vector.broadcast %add3A_802 : i32 to vector<8x128xi32>
    %select_n3A_804 = arith.select %gt3A_799, %broadcast_in_dim3A_803, %select_n3A_797 : vector<8x128xi1>, vector<8x128xi32>
    %slice3A_805 = vector.extract_strided_slice %get3A_5 {offsets = [912, 0], sizes = [8, 128], strides = [1, 1]} : vector<2000x128xf32> to vector<8x128xf32>
    %gt3A_806 = arith.cmpf ogt, %slice3A_805, %max3A_800 : vector<8x128xf32>
    %max3A_807 = arith.maximumf %max3A_800, %slice3A_805 : vector<8x128xf32>
    %add3A_808 = arith.constant 912 : i32
    %add3A_809 = arith.addi %add3A_3, %add3A_808 : i32
    %broadcast_in_dim3A_810 = vector.broadcast %add3A_809 : i32 to vector<8x128xi32>
    %select_n3A_811 = arith.select %gt3A_806, %broadcast_in_dim3A_810, %select_n3A_804 : vector<8x128xi1>, vector<8x128xi32>
    %slice3A_812 = vector.extract_strided_slice %get3A_5 {offsets = [920, 0], sizes = [8, 128], strides = [1, 1]} : vector<2000x128xf32> to vector<8x128xf32>
    %gt3A_813 = arith.cmpf ogt, %slice3A_812, %max3A_807 : vector<8x128xf32>
    %max3A_814 = arith.maximumf %max3A_807, %slice3A_812 : vector<8x128xf32>
    %add3A_815 = arith.constant 920 : i32
    %add3A_816 = arith.addi %add3A_3, %add3A_815 : i32
    %broadcast_in_dim3A_817 = vector.broadcast %add3A_816 : i32 to vector<8x128xi32>
    %select_n3A_818 = arith.select %gt3A_813, %broadcast_in_dim3A_817, %select_n3A_811 : vector<8x128xi1>, vector<8x128xi32>
    %slice3A_819 = vector.extract_strided_slice %get3A_5 {offsets = [928, 0], sizes = [8, 128], strides = [1, 1]} : vector<2000x128xf32> to vector<8x128xf32>
    %gt3A_820 = arith.cmpf ogt, %slice3A_819, %max3A_814 : vector<8x128xf32>
    %max3A_821 = arith.maximumf %max3A_814, %slice3A_819 : vector<8x128xf32>
    %add3A_822 = arith.constant 928 : i32
    %add3A_823 = arith.addi %add3A_3, %add3A_822 : i32
    %broadcast_in_dim3A_824 = vector.broadcast %add3A_823 : i32 to vector<8x128xi32>
    %select_n3A_825 = arith.select %gt3A_820, %broadcast_in_dim3A_824, %select_n3A_818 : vector<8x128xi1>, vector<8x128xi32>
    %slice3A_826 = vector.extract_strided_slice %get3A_5 {offsets = [936, 0], sizes = [8, 128], strides = [1, 1]} : vector<2000x128xf32> to vector<8x128xf32>
    %gt3A_827 = arith.cmpf ogt, %slice3A_826, %max3A_821 : vector<8x128xf32>
    %max3A_828 = arith.maximumf %max3A_821, %slice3A_826 : vector<8x128xf32>
    %add3A_829 = arith.constant 936 : i32
    %add3A_830 = arith.addi %add3A_3, %add3A_829 : i32
    %broadcast_in_dim3A_831 = vector.broadcast %add3A_830 : i32 to vector<8x128xi32>
    %select_n3A_832 = arith.select %gt3A_827, %broadcast_in_dim3A_831, %select_n3A_825 : vector<8x128xi1>, vector<8x128xi32>
    %slice3A_833 = vector.extract_strided_slice %get3A_5 {offsets = [944, 0], sizes = [8, 128], strides = [1, 1]} : vector<2000x128xf32> to vector<8x128xf32>
    %gt3A_834 = arith.cmpf ogt, %slice3A_833, %max3A_828 : vector<8x128xf32>
    %max3A_835 = arith.maximumf %max3A_828, %slice3A_833 : vector<8x128xf32>
    %add3A_836 = arith.constant 944 : i32
    %add3A_837 = arith.addi %add3A_3, %add3A_836 : i32
    %broadcast_in_dim3A_838 = vector.broadcast %add3A_837 : i32 to vector<8x128xi32>
    %select_n3A_839 = arith.select %gt3A_834, %broadcast_in_dim3A_838, %select_n3A_832 : vector<8x128xi1>, vector<8x128xi32>
    %slice3A_840 = vector.extract_strided_slice %get3A_5 {offsets = [952, 0], sizes = [8, 128], strides = [1, 1]} : vector<2000x128xf32> to vector<8x128xf32>
    %gt3A_841 = arith.cmpf ogt, %slice3A_840, %max3A_835 : vector<8x128xf32>
    %max3A_842 = arith.maximumf %max3A_835, %slice3A_840 : vector<8x128xf32>
    %add3A_843 = arith.constant 952 : i32
    %add3A_844 = arith.addi %add3A_3, %add3A_843 : i32
    %broadcast_in_dim3A_845 = vector.broadcast %add3A_844 : i32 to vector<8x128xi32>
    %select_n3A_846 = arith.select %gt3A_841, %broadcast_in_dim3A_845, %select_n3A_839 : vector<8x128xi1>, vector<8x128xi32>
    %slice3A_847 = vector.extract_strided_slice %get3A_5 {offsets = [960, 0], sizes = [8, 128], strides = [1, 1]} : vector<2000x128xf32> to vector<8x128xf32>
    %gt3A_848 = arith.cmpf ogt, %slice3A_847, %max3A_842 : vector<8x128xf32>
    %max3A_849 = arith.maximumf %max3A_842, %slice3A_847 : vector<8x128xf32>
    %add3A_850 = arith.constant 960 : i32
    %add3A_851 = arith.addi %add3A_3, %add3A_850 : i32
    %broadcast_in_dim3A_852 = vector.broadcast %add3A_851 : i32 to vector<8x128xi32>
    %select_n3A_853 = arith.select %gt3A_848, %broadcast_in_dim3A_852, %select_n3A_846 : vector<8x128xi1>, vector<8x128xi32>
    %slice3A_854 = vector.extract_strided_slice %get3A_5 {offsets = [968, 0], sizes = [8, 128], strides = [1, 1]} : vector<2000x128xf32> to vector<8x128xf32>
    %gt3A_855 = arith.cmpf ogt, %slice3A_854, %max3A_849 : vector<8x128xf32>
    %max3A_856 = arith.maximumf %max3A_849, %slice3A_854 : vector<8x128xf32>
    %add3A_857 = arith.constant 968 : i32
    %add3A_858 = arith.addi %add3A_3, %add3A_857 : i32
    %broadcast_in_dim3A_859 = vector.broadcast %add3A_858 : i32 to vector<8x128xi32>
    %select_n3A_860 = arith.select %gt3A_855, %broadcast_in_dim3A_859, %select_n3A_853 : vector<8x128xi1>, vector<8x128xi32>
    %slice3A_861 = vector.extract_strided_slice %get3A_5 {offsets = [976, 0], sizes = [8, 128], strides = [1, 1]} : vector<2000x128xf32> to vector<8x128xf32>
    %gt3A_862 = arith.cmpf ogt, %slice3A_861, %max3A_856 : vector<8x128xf32>
    %max3A_863 = arith.maximumf %max3A_856, %slice3A_861 : vector<8x128xf32>
    %add3A_864 = arith.constant 976 : i32
    %add3A_865 = arith.addi %add3A_3, %add3A_864 : i32
    %broadcast_in_dim3A_866 = vector.broadcast %add3A_865 : i32 to vector<8x128xi32>
    %select_n3A_867 = arith.select %gt3A_862, %broadcast_in_dim3A_866, %select_n3A_860 : vector<8x128xi1>, vector<8x128xi32>
    %slice3A_868 = vector.extract_strided_slice %get3A_5 {offsets = [984, 0], sizes = [8, 128], strides = [1, 1]} : vector<2000x128xf32> to vector<8x128xf32>
    %gt3A_869 = arith.cmpf ogt, %slice3A_868, %max3A_863 : vector<8x128xf32>
    %max3A_870 = arith.maximumf %max3A_863, %slice3A_868 : vector<8x128xf32>
    %add3A_871 = arith.constant 984 : i32
    %add3A_872 = arith.addi %add3A_3, %add3A_871 : i32
    %broadcast_in_dim3A_873 = vector.broadcast %add3A_872 : i32 to vector<8x128xi32>
    %select_n3A_874 = arith.select %gt3A_869, %broadcast_in_dim3A_873, %select_n3A_867 : vector<8x128xi1>, vector<8x128xi32>
    %slice3A_875 = vector.extract_strided_slice %get3A_5 {offsets = [992, 0], sizes = [8, 128], strides = [1, 1]} : vector<2000x128xf32> to vector<8x128xf32>
    %gt3A_876 = arith.cmpf ogt, %slice3A_875, %max3A_870 : vector<8x128xf32>
    %max3A_877 = arith.maximumf %max3A_870, %slice3A_875 : vector<8x128xf32>
    %add3A_878 = arith.constant 992 : i32
    %add3A_879 = arith.addi %add3A_3, %add3A_878 : i32
    %broadcast_in_dim3A_880 = vector.broadcast %add3A_879 : i32 to vector<8x128xi32>
    %select_n3A_881 = arith.select %gt3A_876, %broadcast_in_dim3A_880, %select_n3A_874 : vector<8x128xi1>, vector<8x128xi32>
    %slice3A_882 = vector.extract_strided_slice %get3A_5 {offsets = [1000, 0], sizes = [8, 128], strides = [1, 1]} : vector<2000x128xf32> to vector<8x128xf32>
    %gt3A_883 = arith.cmpf ogt, %slice3A_882, %max3A_877 : vector<8x128xf32>
    %max3A_884 = arith.maximumf %max3A_877, %slice3A_882 : vector<8x128xf32>
    %add3A_885 = arith.constant 1000 : i32
    %add3A_886 = arith.addi %add3A_3, %add3A_885 : i32
    %broadcast_in_dim3A_887 = vector.broadcast %add3A_886 : i32 to vector<8x128xi32>
    %select_n3A_888 = arith.select %gt3A_883, %broadcast_in_dim3A_887, %select_n3A_881 : vector<8x128xi1>, vector<8x128xi32>
    %slice3A_889 = vector.extract_strided_slice %get3A_5 {offsets = [1008, 0], sizes = [8, 128], strides = [1, 1]} : vector<2000x128xf32> to vector<8x128xf32>
    %gt3A_890 = arith.cmpf ogt, %slice3A_889, %max3A_884 : vector<8x128xf32>
    %max3A_891 = arith.maximumf %max3A_884, %slice3A_889 : vector<8x128xf32>
    %add3A_892 = arith.constant 1008 : i32
    %add3A_893 = arith.addi %add3A_3, %add3A_892 : i32
    %broadcast_in_dim3A_894 = vector.broadcast %add3A_893 : i32 to vector<8x128xi32>
    %select_n3A_895 = arith.select %gt3A_890, %broadcast_in_dim3A_894, %select_n3A_888 : vector<8x128xi1>, vector<8x128xi32>
    %slice3A_896 = vector.extract_strided_slice %get3A_5 {offsets = [1016, 0], sizes = [8, 128], strides = [1, 1]} : vector<2000x128xf32> to vector<8x128xf32>
    %gt3A_897 = arith.cmpf ogt, %slice3A_896, %max3A_891 : vector<8x128xf32>
    %max3A_898 = arith.maximumf %max3A_891, %slice3A_896 : vector<8x128xf32>
    %add3A_899 = arith.constant 1016 : i32
    %add3A_900 = arith.addi %add3A_3, %add3A_899 : i32
    %broadcast_in_dim3A_901 = vector.broadcast %add3A_900 : i32 to vector<8x128xi32>
    %select_n3A_902 = arith.select %gt3A_897, %broadcast_in_dim3A_901, %select_n3A_895 : vector<8x128xi1>, vector<8x128xi32>
    %slice3A_903 = vector.extract_strided_slice %get3A_5 {offsets = [1024, 0], sizes = [8, 128], strides = [1, 1]} : vector<2000x128xf32> to vector<8x128xf32>
    %gt3A_904 = arith.cmpf ogt, %slice3A_903, %max3A_898 : vector<8x128xf32>
    %max3A_905 = arith.maximumf %max3A_898, %slice3A_903 : vector<8x128xf32>
    %add3A_906 = arith.constant 1024 : i32
    %add3A_907 = arith.addi %add3A_3, %add3A_906 : i32
    %broadcast_in_dim3A_908 = vector.broadcast %add3A_907 : i32 to vector<8x128xi32>
    %select_n3A_909 = arith.select %gt3A_904, %broadcast_in_dim3A_908, %select_n3A_902 : vector<8x128xi1>, vector<8x128xi32>
    %slice3A_910 = vector.extract_strided_slice %get3A_5 {offsets = [1032, 0], sizes = [8, 128], strides = [1, 1]} : vector<2000x128xf32> to vector<8x128xf32>
    %gt3A_911 = arith.cmpf ogt, %slice3A_910, %max3A_905 : vector<8x128xf32>
    %max3A_912 = arith.maximumf %max3A_905, %slice3A_910 : vector<8x128xf32>
    %add3A_913 = arith.constant 1032 : i32
    %add3A_914 = arith.addi %add3A_3, %add3A_913 : i32
    %broadcast_in_dim3A_915 = vector.broadcast %add3A_914 : i32 to vector<8x128xi32>
    %select_n3A_916 = arith.select %gt3A_911, %broadcast_in_dim3A_915, %select_n3A_909 : vector<8x128xi1>, vector<8x128xi32>
    %slice3A_917 = vector.extract_strided_slice %get3A_5 {offsets = [1040, 0], sizes = [8, 128], strides = [1, 1]} : vector<2000x128xf32> to vector<8x128xf32>
    %gt3A_918 = arith.cmpf ogt, %slice3A_917, %max3A_912 : vector<8x128xf32>
    %max3A_919 = arith.maximumf %max3A_912, %slice3A_917 : vector<8x128xf32>
    %add3A_920 = arith.constant 1040 : i32
    %add3A_921 = arith.addi %add3A_3, %add3A_920 : i32
    %broadcast_in_dim3A_922 = vector.broadcast %add3A_921 : i32 to vector<8x128xi32>
    %select_n3A_923 = arith.select %gt3A_918, %broadcast_in_dim3A_922, %select_n3A_916 : vector<8x128xi1>, vector<8x128xi32>
    %slice3A_924 = vector.extract_strided_slice %get3A_5 {offsets = [1048, 0], sizes = [8, 128], strides = [1, 1]} : vector<2000x128xf32> to vector<8x128xf32>
    %gt3A_925 = arith.cmpf ogt, %slice3A_924, %max3A_919 : vector<8x128xf32>
    %max3A_926 = arith.maximumf %max3A_919, %slice3A_924 : vector<8x128xf32>
    %add3A_927 = arith.constant 1048 : i32
    %add3A_928 = arith.addi %add3A_3, %add3A_927 : i32
    %broadcast_in_dim3A_929 = vector.broadcast %add3A_928 : i32 to vector<8x128xi32>
    %select_n3A_930 = arith.select %gt3A_925, %broadcast_in_dim3A_929, %select_n3A_923 : vector<8x128xi1>, vector<8x128xi32>
    %slice3A_931 = vector.extract_strided_slice %get3A_5 {offsets = [1056, 0], sizes = [8, 128], strides = [1, 1]} : vector<2000x128xf32> to vector<8x128xf32>
    %gt3A_932 = arith.cmpf ogt, %slice3A_931, %max3A_926 : vector<8x128xf32>
    %max3A_933 = arith.maximumf %max3A_926, %slice3A_931 : vector<8x128xf32>
    %add3A_934 = arith.constant 1056 : i32
    %add3A_935 = arith.addi %add3A_3, %add3A_934 : i32
    %broadcast_in_dim3A_936 = vector.broadcast %add3A_935 : i32 to vector<8x128xi32>
    %select_n3A_937 = arith.select %gt3A_932, %broadcast_in_dim3A_936, %select_n3A_930 : vector<8x128xi1>, vector<8x128xi32>
    %slice3A_938 = vector.extract_strided_slice %get3A_5 {offsets = [1064, 0], sizes = [8, 128], strides = [1, 1]} : vector<2000x128xf32> to vector<8x128xf32>
    %gt3A_939 = arith.cmpf ogt, %slice3A_938, %max3A_933 : vector<8x128xf32>
    %max3A_940 = arith.maximumf %max3A_933, %slice3A_938 : vector<8x128xf32>
    %add3A_941 = arith.constant 1064 : i32
    %add3A_942 = arith.addi %add3A_3, %add3A_941 : i32
    %broadcast_in_dim3A_943 = vector.broadcast %add3A_942 : i32 to vector<8x128xi32>
    %select_n3A_944 = arith.select %gt3A_939, %broadcast_in_dim3A_943, %select_n3A_937 : vector<8x128xi1>, vector<8x128xi32>
    %slice3A_945 = vector.extract_strided_slice %get3A_5 {offsets = [1072, 0], sizes = [8, 128], strides = [1, 1]} : vector<2000x128xf32> to vector<8x128xf32>
    %gt3A_946 = arith.cmpf ogt, %slice3A_945, %max3A_940 : vector<8x128xf32>
    %max3A_947 = arith.maximumf %max3A_940, %slice3A_945 : vector<8x128xf32>
    %add3A_948 = arith.constant 1072 : i32
    %add3A_949 = arith.addi %add3A_3, %add3A_948 : i32
    %broadcast_in_dim3A_950 = vector.broadcast %add3A_949 : i32 to vector<8x128xi32>
    %select_n3A_951 = arith.select %gt3A_946, %broadcast_in_dim3A_950, %select_n3A_944 : vector<8x128xi1>, vector<8x128xi32>
    %slice3A_952 = vector.extract_strided_slice %get3A_5 {offsets = [1080, 0], sizes = [8, 128], strides = [1, 1]} : vector<2000x128xf32> to vector<8x128xf32>
    %gt3A_953 = arith.cmpf ogt, %slice3A_952, %max3A_947 : vector<8x128xf32>
    %max3A_954 = arith.maximumf %max3A_947, %slice3A_952 : vector<8x128xf32>
    %add3A_955 = arith.constant 1080 : i32
    %add3A_956 = arith.addi %add3A_3, %add3A_955 : i32
    %broadcast_in_dim3A_957 = vector.broadcast %add3A_956 : i32 to vector<8x128xi32>
    %select_n3A_958 = arith.select %gt3A_953, %broadcast_in_dim3A_957, %select_n3A_951 : vector<8x128xi1>, vector<8x128xi32>
    %slice3A_959 = vector.extract_strided_slice %get3A_5 {offsets = [1088, 0], sizes = [8, 128], strides = [1, 1]} : vector<2000x128xf32> to vector<8x128xf32>
    %gt3A_960 = arith.cmpf ogt, %slice3A_959, %max3A_954 : vector<8x128xf32>
    %max3A_961 = arith.maximumf %max3A_954, %slice3A_959 : vector<8x128xf32>
    %add3A_962 = arith.constant 1088 : i32
    %add3A_963 = arith.addi %add3A_3, %add3A_962 : i32
    %broadcast_in_dim3A_964 = vector.broadcast %add3A_963 : i32 to vector<8x128xi32>
    %select_n3A_965 = arith.select %gt3A_960, %broadcast_in_dim3A_964, %select_n3A_958 : vector<8x128xi1>, vector<8x128xi32>
    %slice3A_966 = vector.extract_strided_slice %get3A_5 {offsets = [1096, 0], sizes = [8, 128], strides = [1, 1]} : vector<2000x128xf32> to vector<8x128xf32>
    %gt3A_967 = arith.cmpf ogt, %slice3A_966, %max3A_961 : vector<8x128xf32>
    %max3A_968 = arith.maximumf %max3A_961, %slice3A_966 : vector<8x128xf32>
    %add3A_969 = arith.constant 1096 : i32
    %add3A_970 = arith.addi %add3A_3, %add3A_969 : i32
    %broadcast_in_dim3A_971 = vector.broadcast %add3A_970 : i32 to vector<8x128xi32>
    %select_n3A_972 = arith.select %gt3A_967, %broadcast_in_dim3A_971, %select_n3A_965 : vector<8x128xi1>, vector<8x128xi32>
    %slice3A_973 = vector.extract_strided_slice %get3A_5 {offsets = [1104, 0], sizes = [8, 128], strides = [1, 1]} : vector<2000x128xf32> to vector<8x128xf32>
    %gt3A_974 = arith.cmpf ogt, %slice3A_973, %max3A_968 : vector<8x128xf32>
    %max3A_975 = arith.maximumf %max3A_968, %slice3A_973 : vector<8x128xf32>
    %add3A_976 = arith.constant 1104 : i32
    %add3A_977 = arith.addi %add3A_3, %add3A_976 : i32
    %broadcast_in_dim3A_978 = vector.broadcast %add3A_977 : i32 to vector<8x128xi32>
    %select_n3A_979 = arith.select %gt3A_974, %broadcast_in_dim3A_978, %select_n3A_972 : vector<8x128xi1>, vector<8x128xi32>
    %slice3A_980 = vector.extract_strided_slice %get3A_5 {offsets = [1112, 0], sizes = [8, 128], strides = [1, 1]} : vector<2000x128xf32> to vector<8x128xf32>
    %gt3A_981 = arith.cmpf ogt, %slice3A_980, %max3A_975 : vector<8x128xf32>
    %max3A_982 = arith.maximumf %max3A_975, %slice3A_980 : vector<8x128xf32>
    %add3A_983 = arith.constant 1112 : i32
    %add3A_984 = arith.addi %add3A_3, %add3A_983 : i32
    %broadcast_in_dim3A_985 = vector.broadcast %add3A_984 : i32 to vector<8x128xi32>
    %select_n3A_986 = arith.select %gt3A_981, %broadcast_in_dim3A_985, %select_n3A_979 : vector<8x128xi1>, vector<8x128xi32>
    %slice3A_987 = vector.extract_strided_slice %get3A_5 {offsets = [1120, 0], sizes = [8, 128], strides = [1, 1]} : vector<2000x128xf32> to vector<8x128xf32>
    %gt3A_988 = arith.cmpf ogt, %slice3A_987, %max3A_982 : vector<8x128xf32>
    %max3A_989 = arith.maximumf %max3A_982, %slice3A_987 : vector<8x128xf32>
    %add3A_990 = arith.constant 1120 : i32
    %add3A_991 = arith.addi %add3A_3, %add3A_990 : i32
    %broadcast_in_dim3A_992 = vector.broadcast %add3A_991 : i32 to vector<8x128xi32>
    %select_n3A_993 = arith.select %gt3A_988, %broadcast_in_dim3A_992, %select_n3A_986 : vector<8x128xi1>, vector<8x128xi32>
    %slice3A_994 = vector.extract_strided_slice %get3A_5 {offsets = [1128, 0], sizes = [8, 128], strides = [1, 1]} : vector<2000x128xf32> to vector<8x128xf32>
    %gt3A_995 = arith.cmpf ogt, %slice3A_994, %max3A_989 : vector<8x128xf32>
    %max3A_996 = arith.maximumf %max3A_989, %slice3A_994 : vector<8x128xf32>
    %add3A_997 = arith.constant 1128 : i32
    %add3A_998 = arith.addi %add3A_3, %add3A_997 : i32
    %broadcast_in_dim3A_999 = vector.broadcast %add3A_998 : i32 to vector<8x128xi32>
    %select_n3A_1000 = arith.select %gt3A_995, %broadcast_in_dim3A_999, %select_n3A_993 : vector<8x128xi1>, vector<8x128xi32>
    %slice3A_1001 = vector.extract_strided_slice %get3A_5 {offsets = [1136, 0], sizes = [8, 128], strides = [1, 1]} : vector<2000x128xf32> to vector<8x128xf32>
    %gt3A_1002 = arith.cmpf ogt, %slice3A_1001, %max3A_996 : vector<8x128xf32>
    %max3A_1003 = arith.maximumf %max3A_996, %slice3A_1001 : vector<8x128xf32>
    %add3A_1004 = arith.constant 1136 : i32
    %add3A_1005 = arith.addi %add3A_3, %add3A_1004 : i32
    %broadcast_in_dim3A_1006 = vector.broadcast %add3A_1005 : i32 to vector<8x128xi32>
    %select_n3A_1007 = arith.select %gt3A_1002, %broadcast_in_dim3A_1006, %select_n3A_1000 : vector<8x128xi1>, vector<8x128xi32>
    %slice3A_1008 = vector.extract_strided_slice %get3A_5 {offsets = [1144, 0], sizes = [8, 128], strides = [1, 1]} : vector<2000x128xf32> to vector<8x128xf32>
    %gt3A_1009 = arith.cmpf ogt, %slice3A_1008, %max3A_1003 : vector<8x128xf32>
    %max3A_1010 = arith.maximumf %max3A_1003, %slice3A_1008 : vector<8x128xf32>
    %add3A_1011 = arith.constant 1144 : i32
    %add3A_1012 = arith.addi %add3A_3, %add3A_1011 : i32
    %broadcast_in_dim3A_1013 = vector.broadcast %add3A_1012 : i32 to vector<8x128xi32>
    %select_n3A_1014 = arith.select %gt3A_1009, %broadcast_in_dim3A_1013, %select_n3A_1007 : vector<8x128xi1>, vector<8x128xi32>
    %slice3A_1015 = vector.extract_strided_slice %get3A_5 {offsets = [1152, 0], sizes = [8, 128], strides = [1, 1]} : vector<2000x128xf32> to vector<8x128xf32>
    %gt3A_1016 = arith.cmpf ogt, %slice3A_1015, %max3A_1010 : vector<8x128xf32>
    %max3A_1017 = arith.maximumf %max3A_1010, %slice3A_1015 : vector<8x128xf32>
    %add3A_1018 = arith.constant 1152 : i32
    %add3A_1019 = arith.addi %add3A_3, %add3A_1018 : i32
    %broadcast_in_dim3A_1020 = vector.broadcast %add3A_1019 : i32 to vector<8x128xi32>
    %select_n3A_1021 = arith.select %gt3A_1016, %broadcast_in_dim3A_1020, %select_n3A_1014 : vector<8x128xi1>, vector<8x128xi32>
    %slice3A_1022 = vector.extract_strided_slice %get3A_5 {offsets = [1160, 0], sizes = [8, 128], strides = [1, 1]} : vector<2000x128xf32> to vector<8x128xf32>
    %gt3A_1023 = arith.cmpf ogt, %slice3A_1022, %max3A_1017 : vector<8x128xf32>
    %max3A_1024 = arith.maximumf %max3A_1017, %slice3A_1022 : vector<8x128xf32>
    %add3A_1025 = arith.constant 1160 : i32
    %add3A_1026 = arith.addi %add3A_3, %add3A_1025 : i32
    %broadcast_in_dim3A_1027 = vector.broadcast %add3A_1026 : i32 to vector<8x128xi32>
    %select_n3A_1028 = arith.select %gt3A_1023, %broadcast_in_dim3A_1027, %select_n3A_1021 : vector<8x128xi1>, vector<8x128xi32>
    %slice3A_1029 = vector.extract_strided_slice %get3A_5 {offsets = [1168, 0], sizes = [8, 128], strides = [1, 1]} : vector<2000x128xf32> to vector<8x128xf32>
    %gt3A_1030 = arith.cmpf ogt, %slice3A_1029, %max3A_1024 : vector<8x128xf32>
    %max3A_1031 = arith.maximumf %max3A_1024, %slice3A_1029 : vector<8x128xf32>
    %add3A_1032 = arith.constant 1168 : i32
    %add3A_1033 = arith.addi %add3A_3, %add3A_1032 : i32
    %broadcast_in_dim3A_1034 = vector.broadcast %add3A_1033 : i32 to vector<8x128xi32>
    %select_n3A_1035 = arith.select %gt3A_1030, %broadcast_in_dim3A_1034, %select_n3A_1028 : vector<8x128xi1>, vector<8x128xi32>
    %slice3A_1036 = vector.extract_strided_slice %get3A_5 {offsets = [1176, 0], sizes = [8, 128], strides = [1, 1]} : vector<2000x128xf32> to vector<8x128xf32>
    %gt3A_1037 = arith.cmpf ogt, %slice3A_1036, %max3A_1031 : vector<8x128xf32>
    %max3A_1038 = arith.maximumf %max3A_1031, %slice3A_1036 : vector<8x128xf32>
    %add3A_1039 = arith.constant 1176 : i32
    %add3A_1040 = arith.addi %add3A_3, %add3A_1039 : i32
    %broadcast_in_dim3A_1041 = vector.broadcast %add3A_1040 : i32 to vector<8x128xi32>
    %select_n3A_1042 = arith.select %gt3A_1037, %broadcast_in_dim3A_1041, %select_n3A_1035 : vector<8x128xi1>, vector<8x128xi32>
    %slice3A_1043 = vector.extract_strided_slice %get3A_5 {offsets = [1184, 0], sizes = [8, 128], strides = [1, 1]} : vector<2000x128xf32> to vector<8x128xf32>
    %gt3A_1044 = arith.cmpf ogt, %slice3A_1043, %max3A_1038 : vector<8x128xf32>
    %max3A_1045 = arith.maximumf %max3A_1038, %slice3A_1043 : vector<8x128xf32>
    %add3A_1046 = arith.constant 1184 : i32
    %add3A_1047 = arith.addi %add3A_3, %add3A_1046 : i32
    %broadcast_in_dim3A_1048 = vector.broadcast %add3A_1047 : i32 to vector<8x128xi32>
    %select_n3A_1049 = arith.select %gt3A_1044, %broadcast_in_dim3A_1048, %select_n3A_1042 : vector<8x128xi1>, vector<8x128xi32>
    %slice3A_1050 = vector.extract_strided_slice %get3A_5 {offsets = [1192, 0], sizes = [8, 128], strides = [1, 1]} : vector<2000x128xf32> to vector<8x128xf32>
    %gt3A_1051 = arith.cmpf ogt, %slice3A_1050, %max3A_1045 : vector<8x128xf32>
    %max3A_1052 = arith.maximumf %max3A_1045, %slice3A_1050 : vector<8x128xf32>
    %add3A_1053 = arith.constant 1192 : i32
    %add3A_1054 = arith.addi %add3A_3, %add3A_1053 : i32
    %broadcast_in_dim3A_1055 = vector.broadcast %add3A_1054 : i32 to vector<8x128xi32>
    %select_n3A_1056 = arith.select %gt3A_1051, %broadcast_in_dim3A_1055, %select_n3A_1049 : vector<8x128xi1>, vector<8x128xi32>
    %slice3A_1057 = vector.extract_strided_slice %get3A_5 {offsets = [1200, 0], sizes = [8, 128], strides = [1, 1]} : vector<2000x128xf32> to vector<8x128xf32>
    %gt3A_1058 = arith.cmpf ogt, %slice3A_1057, %max3A_1052 : vector<8x128xf32>
    %max3A_1059 = arith.maximumf %max3A_1052, %slice3A_1057 : vector<8x128xf32>
    %add3A_1060 = arith.constant 1200 : i32
    %add3A_1061 = arith.addi %add3A_3, %add3A_1060 : i32
    %broadcast_in_dim3A_1062 = vector.broadcast %add3A_1061 : i32 to vector<8x128xi32>
    %select_n3A_1063 = arith.select %gt3A_1058, %broadcast_in_dim3A_1062, %select_n3A_1056 : vector<8x128xi1>, vector<8x128xi32>
    %slice3A_1064 = vector.extract_strided_slice %get3A_5 {offsets = [1208, 0], sizes = [8, 128], strides = [1, 1]} : vector<2000x128xf32> to vector<8x128xf32>
    %gt3A_1065 = arith.cmpf ogt, %slice3A_1064, %max3A_1059 : vector<8x128xf32>
    %max3A_1066 = arith.maximumf %max3A_1059, %slice3A_1064 : vector<8x128xf32>
    %add3A_1067 = arith.constant 1208 : i32
    %add3A_1068 = arith.addi %add3A_3, %add3A_1067 : i32
    %broadcast_in_dim3A_1069 = vector.broadcast %add3A_1068 : i32 to vector<8x128xi32>
    %select_n3A_1070 = arith.select %gt3A_1065, %broadcast_in_dim3A_1069, %select_n3A_1063 : vector<8x128xi1>, vector<8x128xi32>
    %slice3A_1071 = vector.extract_strided_slice %get3A_5 {offsets = [1216, 0], sizes = [8, 128], strides = [1, 1]} : vector<2000x128xf32> to vector<8x128xf32>
    %gt3A_1072 = arith.cmpf ogt, %slice3A_1071, %max3A_1066 : vector<8x128xf32>
    %max3A_1073 = arith.maximumf %max3A_1066, %slice3A_1071 : vector<8x128xf32>
    %add3A_1074 = arith.constant 1216 : i32
    %add3A_1075 = arith.addi %add3A_3, %add3A_1074 : i32
    %broadcast_in_dim3A_1076 = vector.broadcast %add3A_1075 : i32 to vector<8x128xi32>
    %select_n3A_1077 = arith.select %gt3A_1072, %broadcast_in_dim3A_1076, %select_n3A_1070 : vector<8x128xi1>, vector<8x128xi32>
    %slice3A_1078 = vector.extract_strided_slice %get3A_5 {offsets = [1224, 0], sizes = [8, 128], strides = [1, 1]} : vector<2000x128xf32> to vector<8x128xf32>
    %gt3A_1079 = arith.cmpf ogt, %slice3A_1078, %max3A_1073 : vector<8x128xf32>
    %max3A_1080 = arith.maximumf %max3A_1073, %slice3A_1078 : vector<8x128xf32>
    %add3A_1081 = arith.constant 1224 : i32
    %add3A_1082 = arith.addi %add3A_3, %add3A_1081 : i32
    %broadcast_in_dim3A_1083 = vector.broadcast %add3A_1082 : i32 to vector<8x128xi32>
    %select_n3A_1084 = arith.select %gt3A_1079, %broadcast_in_dim3A_1083, %select_n3A_1077 : vector<8x128xi1>, vector<8x128xi32>
    %slice3A_1085 = vector.extract_strided_slice %get3A_5 {offsets = [1232, 0], sizes = [8, 128], strides = [1, 1]} : vector<2000x128xf32> to vector<8x128xf32>
    %gt3A_1086 = arith.cmpf ogt, %slice3A_1085, %max3A_1080 : vector<8x128xf32>
    %max3A_1087 = arith.maximumf %max3A_1080, %slice3A_1085 : vector<8x128xf32>
    %add3A_1088 = arith.constant 1232 : i32
    %add3A_1089 = arith.addi %add3A_3, %add3A_1088 : i32
    %broadcast_in_dim3A_1090 = vector.broadcast %add3A_1089 : i32 to vector<8x128xi32>
    %select_n3A_1091 = arith.select %gt3A_1086, %broadcast_in_dim3A_1090, %select_n3A_1084 : vector<8x128xi1>, vector<8x128xi32>
    %slice3A_1092 = vector.extract_strided_slice %get3A_5 {offsets = [1240, 0], sizes = [8, 128], strides = [1, 1]} : vector<2000x128xf32> to vector<8x128xf32>
    %gt3A_1093 = arith.cmpf ogt, %slice3A_1092, %max3A_1087 : vector<8x128xf32>
    %max3A_1094 = arith.maximumf %max3A_1087, %slice3A_1092 : vector<8x128xf32>
    %add3A_1095 = arith.constant 1240 : i32
    %add3A_1096 = arith.addi %add3A_3, %add3A_1095 : i32
    %broadcast_in_dim3A_1097 = vector.broadcast %add3A_1096 : i32 to vector<8x128xi32>
    %select_n3A_1098 = arith.select %gt3A_1093, %broadcast_in_dim3A_1097, %select_n3A_1091 : vector<8x128xi1>, vector<8x128xi32>
    %slice3A_1099 = vector.extract_strided_slice %get3A_5 {offsets = [1248, 0], sizes = [8, 128], strides = [1, 1]} : vector<2000x128xf32> to vector<8x128xf32>
    %gt3A_1100 = arith.cmpf ogt, %slice3A_1099, %max3A_1094 : vector<8x128xf32>
    %max3A_1101 = arith.maximumf %max3A_1094, %slice3A_1099 : vector<8x128xf32>
    %add3A_1102 = arith.constant 1248 : i32
    %add3A_1103 = arith.addi %add3A_3, %add3A_1102 : i32
    %broadcast_in_dim3A_1104 = vector.broadcast %add3A_1103 : i32 to vector<8x128xi32>
    %select_n3A_1105 = arith.select %gt3A_1100, %broadcast_in_dim3A_1104, %select_n3A_1098 : vector<8x128xi1>, vector<8x128xi32>
    %slice3A_1106 = vector.extract_strided_slice %get3A_5 {offsets = [1256, 0], sizes = [8, 128], strides = [1, 1]} : vector<2000x128xf32> to vector<8x128xf32>
    %gt3A_1107 = arith.cmpf ogt, %slice3A_1106, %max3A_1101 : vector<8x128xf32>
    %max3A_1108 = arith.maximumf %max3A_1101, %slice3A_1106 : vector<8x128xf32>
    %add3A_1109 = arith.constant 1256 : i32
    %add3A_1110 = arith.addi %add3A_3, %add3A_1109 : i32
    %broadcast_in_dim3A_1111 = vector.broadcast %add3A_1110 : i32 to vector<8x128xi32>
    %select_n3A_1112 = arith.select %gt3A_1107, %broadcast_in_dim3A_1111, %select_n3A_1105 : vector<8x128xi1>, vector<8x128xi32>
    %slice3A_1113 = vector.extract_strided_slice %get3A_5 {offsets = [1264, 0], sizes = [8, 128], strides = [1, 1]} : vector<2000x128xf32> to vector<8x128xf32>
    %gt3A_1114 = arith.cmpf ogt, %slice3A_1113, %max3A_1108 : vector<8x128xf32>
    %max3A_1115 = arith.maximumf %max3A_1108, %slice3A_1113 : vector<8x128xf32>
    %add3A_1116 = arith.constant 1264 : i32
    %add3A_1117 = arith.addi %add3A_3, %add3A_1116 : i32
    %broadcast_in_dim3A_1118 = vector.broadcast %add3A_1117 : i32 to vector<8x128xi32>
    %select_n3A_1119 = arith.select %gt3A_1114, %broadcast_in_dim3A_1118, %select_n3A_1112 : vector<8x128xi1>, vector<8x128xi32>
    %slice3A_1120 = vector.extract_strided_slice %get3A_5 {offsets = [1272, 0], sizes = [8, 128], strides = [1, 1]} : vector<2000x128xf32> to vector<8x128xf32>
    %gt3A_1121 = arith.cmpf ogt, %slice3A_1120, %max3A_1115 : vector<8x128xf32>
    %max3A_1122 = arith.maximumf %max3A_1115, %slice3A_1120 : vector<8x128xf32>
    %add3A_1123 = arith.constant 1272 : i32
    %add3A_1124 = arith.addi %add3A_3, %add3A_1123 : i32
    %broadcast_in_dim3A_1125 = vector.broadcast %add3A_1124 : i32 to vector<8x128xi32>
    %select_n3A_1126 = arith.select %gt3A_1121, %broadcast_in_dim3A_1125, %select_n3A_1119 : vector<8x128xi1>, vector<8x128xi32>
    %slice3A_1127 = vector.extract_strided_slice %get3A_5 {offsets = [1280, 0], sizes = [8, 128], strides = [1, 1]} : vector<2000x128xf32> to vector<8x128xf32>
    %gt3A_1128 = arith.cmpf ogt, %slice3A_1127, %max3A_1122 : vector<8x128xf32>
    %max3A_1129 = arith.maximumf %max3A_1122, %slice3A_1127 : vector<8x128xf32>
    %add3A_1130 = arith.constant 1280 : i32
    %add3A_1131 = arith.addi %add3A_3, %add3A_1130 : i32
    %broadcast_in_dim3A_1132 = vector.broadcast %add3A_1131 : i32 to vector<8x128xi32>
    %select_n3A_1133 = arith.select %gt3A_1128, %broadcast_in_dim3A_1132, %select_n3A_1126 : vector<8x128xi1>, vector<8x128xi32>
    %slice3A_1134 = vector.extract_strided_slice %get3A_5 {offsets = [1288, 0], sizes = [8, 128], strides = [1, 1]} : vector<2000x128xf32> to vector<8x128xf32>
    %gt3A_1135 = arith.cmpf ogt, %slice3A_1134, %max3A_1129 : vector<8x128xf32>
    %max3A_1136 = arith.maximumf %max3A_1129, %slice3A_1134 : vector<8x128xf32>
    %add3A_1137 = arith.constant 1288 : i32
    %add3A_1138 = arith.addi %add3A_3, %add3A_1137 : i32
    %broadcast_in_dim3A_1139 = vector.broadcast %add3A_1138 : i32 to vector<8x128xi32>
    %select_n3A_1140 = arith.select %gt3A_1135, %broadcast_in_dim3A_1139, %select_n3A_1133 : vector<8x128xi1>, vector<8x128xi32>
    %slice3A_1141 = vector.extract_strided_slice %get3A_5 {offsets = [1296, 0], sizes = [8, 128], strides = [1, 1]} : vector<2000x128xf32> to vector<8x128xf32>
    %gt3A_1142 = arith.cmpf ogt, %slice3A_1141, %max3A_1136 : vector<8x128xf32>
    %max3A_1143 = arith.maximumf %max3A_1136, %slice3A_1141 : vector<8x128xf32>
    %add3A_1144 = arith.constant 1296 : i32
    %add3A_1145 = arith.addi %add3A_3, %add3A_1144 : i32
    %broadcast_in_dim3A_1146 = vector.broadcast %add3A_1145 : i32 to vector<8x128xi32>
    %select_n3A_1147 = arith.select %gt3A_1142, %broadcast_in_dim3A_1146, %select_n3A_1140 : vector<8x128xi1>, vector<8x128xi32>
    %slice3A_1148 = vector.extract_strided_slice %get3A_5 {offsets = [1304, 0], sizes = [8, 128], strides = [1, 1]} : vector<2000x128xf32> to vector<8x128xf32>
    %gt3A_1149 = arith.cmpf ogt, %slice3A_1148, %max3A_1143 : vector<8x128xf32>
    %max3A_1150 = arith.maximumf %max3A_1143, %slice3A_1148 : vector<8x128xf32>
    %add3A_1151 = arith.constant 1304 : i32
    %add3A_1152 = arith.addi %add3A_3, %add3A_1151 : i32
    %broadcast_in_dim3A_1153 = vector.broadcast %add3A_1152 : i32 to vector<8x128xi32>
    %select_n3A_1154 = arith.select %gt3A_1149, %broadcast_in_dim3A_1153, %select_n3A_1147 : vector<8x128xi1>, vector<8x128xi32>
    %slice3A_1155 = vector.extract_strided_slice %get3A_5 {offsets = [1312, 0], sizes = [8, 128], strides = [1, 1]} : vector<2000x128xf32> to vector<8x128xf32>
    %gt3A_1156 = arith.cmpf ogt, %slice3A_1155, %max3A_1150 : vector<8x128xf32>
    %max3A_1157 = arith.maximumf %max3A_1150, %slice3A_1155 : vector<8x128xf32>
    %add3A_1158 = arith.constant 1312 : i32
    %add3A_1159 = arith.addi %add3A_3, %add3A_1158 : i32
    %broadcast_in_dim3A_1160 = vector.broadcast %add3A_1159 : i32 to vector<8x128xi32>
    %select_n3A_1161 = arith.select %gt3A_1156, %broadcast_in_dim3A_1160, %select_n3A_1154 : vector<8x128xi1>, vector<8x128xi32>
    %slice3A_1162 = vector.extract_strided_slice %get3A_5 {offsets = [1320, 0], sizes = [8, 128], strides = [1, 1]} : vector<2000x128xf32> to vector<8x128xf32>
    %gt3A_1163 = arith.cmpf ogt, %slice3A_1162, %max3A_1157 : vector<8x128xf32>
    %max3A_1164 = arith.maximumf %max3A_1157, %slice3A_1162 : vector<8x128xf32>
    %add3A_1165 = arith.constant 1320 : i32
    %add3A_1166 = arith.addi %add3A_3, %add3A_1165 : i32
    %broadcast_in_dim3A_1167 = vector.broadcast %add3A_1166 : i32 to vector<8x128xi32>
    %select_n3A_1168 = arith.select %gt3A_1163, %broadcast_in_dim3A_1167, %select_n3A_1161 : vector<8x128xi1>, vector<8x128xi32>
    %slice3A_1169 = vector.extract_strided_slice %get3A_5 {offsets = [1328, 0], sizes = [8, 128], strides = [1, 1]} : vector<2000x128xf32> to vector<8x128xf32>
    %gt3A_1170 = arith.cmpf ogt, %slice3A_1169, %max3A_1164 : vector<8x128xf32>
    %max3A_1171 = arith.maximumf %max3A_1164, %slice3A_1169 : vector<8x128xf32>
    %add3A_1172 = arith.constant 1328 : i32
    %add3A_1173 = arith.addi %add3A_3, %add3A_1172 : i32
    %broadcast_in_dim3A_1174 = vector.broadcast %add3A_1173 : i32 to vector<8x128xi32>
    %select_n3A_1175 = arith.select %gt3A_1170, %broadcast_in_dim3A_1174, %select_n3A_1168 : vector<8x128xi1>, vector<8x128xi32>
    %slice3A_1176 = vector.extract_strided_slice %get3A_5 {offsets = [1336, 0], sizes = [8, 128], strides = [1, 1]} : vector<2000x128xf32> to vector<8x128xf32>
    %gt3A_1177 = arith.cmpf ogt, %slice3A_1176, %max3A_1171 : vector<8x128xf32>
    %max3A_1178 = arith.maximumf %max3A_1171, %slice3A_1176 : vector<8x128xf32>
    %add3A_1179 = arith.constant 1336 : i32
    %add3A_1180 = arith.addi %add3A_3, %add3A_1179 : i32
    %broadcast_in_dim3A_1181 = vector.broadcast %add3A_1180 : i32 to vector<8x128xi32>
    %select_n3A_1182 = arith.select %gt3A_1177, %broadcast_in_dim3A_1181, %select_n3A_1175 : vector<8x128xi1>, vector<8x128xi32>
    %slice3A_1183 = vector.extract_strided_slice %get3A_5 {offsets = [1344, 0], sizes = [8, 128], strides = [1, 1]} : vector<2000x128xf32> to vector<8x128xf32>
    %gt3A_1184 = arith.cmpf ogt, %slice3A_1183, %max3A_1178 : vector<8x128xf32>
    %max3A_1185 = arith.maximumf %max3A_1178, %slice3A_1183 : vector<8x128xf32>
    %add3A_1186 = arith.constant 1344 : i32
    %add3A_1187 = arith.addi %add3A_3, %add3A_1186 : i32
    %broadcast_in_dim3A_1188 = vector.broadcast %add3A_1187 : i32 to vector<8x128xi32>
    %select_n3A_1189 = arith.select %gt3A_1184, %broadcast_in_dim3A_1188, %select_n3A_1182 : vector<8x128xi1>, vector<8x128xi32>
    %slice3A_1190 = vector.extract_strided_slice %get3A_5 {offsets = [1352, 0], sizes = [8, 128], strides = [1, 1]} : vector<2000x128xf32> to vector<8x128xf32>
    %gt3A_1191 = arith.cmpf ogt, %slice3A_1190, %max3A_1185 : vector<8x128xf32>
    %max3A_1192 = arith.maximumf %max3A_1185, %slice3A_1190 : vector<8x128xf32>
    %add3A_1193 = arith.constant 1352 : i32
    %add3A_1194 = arith.addi %add3A_3, %add3A_1193 : i32
    %broadcast_in_dim3A_1195 = vector.broadcast %add3A_1194 : i32 to vector<8x128xi32>
    %select_n3A_1196 = arith.select %gt3A_1191, %broadcast_in_dim3A_1195, %select_n3A_1189 : vector<8x128xi1>, vector<8x128xi32>
    %slice3A_1197 = vector.extract_strided_slice %get3A_5 {offsets = [1360, 0], sizes = [8, 128], strides = [1, 1]} : vector<2000x128xf32> to vector<8x128xf32>
    %gt3A_1198 = arith.cmpf ogt, %slice3A_1197, %max3A_1192 : vector<8x128xf32>
    %max3A_1199 = arith.maximumf %max3A_1192, %slice3A_1197 : vector<8x128xf32>
    %add3A_1200 = arith.constant 1360 : i32
    %add3A_1201 = arith.addi %add3A_3, %add3A_1200 : i32
    %broadcast_in_dim3A_1202 = vector.broadcast %add3A_1201 : i32 to vector<8x128xi32>
    %select_n3A_1203 = arith.select %gt3A_1198, %broadcast_in_dim3A_1202, %select_n3A_1196 : vector<8x128xi1>, vector<8x128xi32>
    %slice3A_1204 = vector.extract_strided_slice %get3A_5 {offsets = [1368, 0], sizes = [8, 128], strides = [1, 1]} : vector<2000x128xf32> to vector<8x128xf32>
    %gt3A_1205 = arith.cmpf ogt, %slice3A_1204, %max3A_1199 : vector<8x128xf32>
    %max3A_1206 = arith.maximumf %max3A_1199, %slice3A_1204 : vector<8x128xf32>
    %add3A_1207 = arith.constant 1368 : i32
    %add3A_1208 = arith.addi %add3A_3, %add3A_1207 : i32
    %broadcast_in_dim3A_1209 = vector.broadcast %add3A_1208 : i32 to vector<8x128xi32>
    %select_n3A_1210 = arith.select %gt3A_1205, %broadcast_in_dim3A_1209, %select_n3A_1203 : vector<8x128xi1>, vector<8x128xi32>
    %slice3A_1211 = vector.extract_strided_slice %get3A_5 {offsets = [1376, 0], sizes = [8, 128], strides = [1, 1]} : vector<2000x128xf32> to vector<8x128xf32>
    %gt3A_1212 = arith.cmpf ogt, %slice3A_1211, %max3A_1206 : vector<8x128xf32>
    %max3A_1213 = arith.maximumf %max3A_1206, %slice3A_1211 : vector<8x128xf32>
    %add3A_1214 = arith.constant 1376 : i32
    %add3A_1215 = arith.addi %add3A_3, %add3A_1214 : i32
    %broadcast_in_dim3A_1216 = vector.broadcast %add3A_1215 : i32 to vector<8x128xi32>
    %select_n3A_1217 = arith.select %gt3A_1212, %broadcast_in_dim3A_1216, %select_n3A_1210 : vector<8x128xi1>, vector<8x128xi32>
    %slice3A_1218 = vector.extract_strided_slice %get3A_5 {offsets = [1384, 0], sizes = [8, 128], strides = [1, 1]} : vector<2000x128xf32> to vector<8x128xf32>
    %gt3A_1219 = arith.cmpf ogt, %slice3A_1218, %max3A_1213 : vector<8x128xf32>
    %max3A_1220 = arith.maximumf %max3A_1213, %slice3A_1218 : vector<8x128xf32>
    %add3A_1221 = arith.constant 1384 : i32
    %add3A_1222 = arith.addi %add3A_3, %add3A_1221 : i32
    %broadcast_in_dim3A_1223 = vector.broadcast %add3A_1222 : i32 to vector<8x128xi32>
    %select_n3A_1224 = arith.select %gt3A_1219, %broadcast_in_dim3A_1223, %select_n3A_1217 : vector<8x128xi1>, vector<8x128xi32>
    %slice3A_1225 = vector.extract_strided_slice %get3A_5 {offsets = [1392, 0], sizes = [8, 128], strides = [1, 1]} : vector<2000x128xf32> to vector<8x128xf32>
    %gt3A_1226 = arith.cmpf ogt, %slice3A_1225, %max3A_1220 : vector<8x128xf32>
    %max3A_1227 = arith.maximumf %max3A_1220, %slice3A_1225 : vector<8x128xf32>
    %add3A_1228 = arith.constant 1392 : i32
    %add3A_1229 = arith.addi %add3A_3, %add3A_1228 : i32
    %broadcast_in_dim3A_1230 = vector.broadcast %add3A_1229 : i32 to vector<8x128xi32>
    %select_n3A_1231 = arith.select %gt3A_1226, %broadcast_in_dim3A_1230, %select_n3A_1224 : vector<8x128xi1>, vector<8x128xi32>
    %slice3A_1232 = vector.extract_strided_slice %get3A_5 {offsets = [1400, 0], sizes = [8, 128], strides = [1, 1]} : vector<2000x128xf32> to vector<8x128xf32>
    %gt3A_1233 = arith.cmpf ogt, %slice3A_1232, %max3A_1227 : vector<8x128xf32>
    %max3A_1234 = arith.maximumf %max3A_1227, %slice3A_1232 : vector<8x128xf32>
    %add3A_1235 = arith.constant 1400 : i32
    %add3A_1236 = arith.addi %add3A_3, %add3A_1235 : i32
    %broadcast_in_dim3A_1237 = vector.broadcast %add3A_1236 : i32 to vector<8x128xi32>
    %select_n3A_1238 = arith.select %gt3A_1233, %broadcast_in_dim3A_1237, %select_n3A_1231 : vector<8x128xi1>, vector<8x128xi32>
    %slice3A_1239 = vector.extract_strided_slice %get3A_5 {offsets = [1408, 0], sizes = [8, 128], strides = [1, 1]} : vector<2000x128xf32> to vector<8x128xf32>
    %gt3A_1240 = arith.cmpf ogt, %slice3A_1239, %max3A_1234 : vector<8x128xf32>
    %max3A_1241 = arith.maximumf %max3A_1234, %slice3A_1239 : vector<8x128xf32>
    %add3A_1242 = arith.constant 1408 : i32
    %add3A_1243 = arith.addi %add3A_3, %add3A_1242 : i32
    %broadcast_in_dim3A_1244 = vector.broadcast %add3A_1243 : i32 to vector<8x128xi32>
    %select_n3A_1245 = arith.select %gt3A_1240, %broadcast_in_dim3A_1244, %select_n3A_1238 : vector<8x128xi1>, vector<8x128xi32>
    %slice3A_1246 = vector.extract_strided_slice %get3A_5 {offsets = [1416, 0], sizes = [8, 128], strides = [1, 1]} : vector<2000x128xf32> to vector<8x128xf32>
    %gt3A_1247 = arith.cmpf ogt, %slice3A_1246, %max3A_1241 : vector<8x128xf32>
    %max3A_1248 = arith.maximumf %max3A_1241, %slice3A_1246 : vector<8x128xf32>
    %add3A_1249 = arith.constant 1416 : i32
    %add3A_1250 = arith.addi %add3A_3, %add3A_1249 : i32
    %broadcast_in_dim3A_1251 = vector.broadcast %add3A_1250 : i32 to vector<8x128xi32>
    %select_n3A_1252 = arith.select %gt3A_1247, %broadcast_in_dim3A_1251, %select_n3A_1245 : vector<8x128xi1>, vector<8x128xi32>
    %slice3A_1253 = vector.extract_strided_slice %get3A_5 {offsets = [1424, 0], sizes = [8, 128], strides = [1, 1]} : vector<2000x128xf32> to vector<8x128xf32>
    %gt3A_1254 = arith.cmpf ogt, %slice3A_1253, %max3A_1248 : vector<8x128xf32>
    %max3A_1255 = arith.maximumf %max3A_1248, %slice3A_1253 : vector<8x128xf32>
    %add3A_1256 = arith.constant 1424 : i32
    %add3A_1257 = arith.addi %add3A_3, %add3A_1256 : i32
    %broadcast_in_dim3A_1258 = vector.broadcast %add3A_1257 : i32 to vector<8x128xi32>
    %select_n3A_1259 = arith.select %gt3A_1254, %broadcast_in_dim3A_1258, %select_n3A_1252 : vector<8x128xi1>, vector<8x128xi32>
    %slice3A_1260 = vector.extract_strided_slice %get3A_5 {offsets = [1432, 0], sizes = [8, 128], strides = [1, 1]} : vector<2000x128xf32> to vector<8x128xf32>
    %gt3A_1261 = arith.cmpf ogt, %slice3A_1260, %max3A_1255 : vector<8x128xf32>
    %max3A_1262 = arith.maximumf %max3A_1255, %slice3A_1260 : vector<8x128xf32>
    %add3A_1263 = arith.constant 1432 : i32
    %add3A_1264 = arith.addi %add3A_3, %add3A_1263 : i32
    %broadcast_in_dim3A_1265 = vector.broadcast %add3A_1264 : i32 to vector<8x128xi32>
    %select_n3A_1266 = arith.select %gt3A_1261, %broadcast_in_dim3A_1265, %select_n3A_1259 : vector<8x128xi1>, vector<8x128xi32>
    %slice3A_1267 = vector.extract_strided_slice %get3A_5 {offsets = [1440, 0], sizes = [8, 128], strides = [1, 1]} : vector<2000x128xf32> to vector<8x128xf32>
    %gt3A_1268 = arith.cmpf ogt, %slice3A_1267, %max3A_1262 : vector<8x128xf32>
    %max3A_1269 = arith.maximumf %max3A_1262, %slice3A_1267 : vector<8x128xf32>
    %add3A_1270 = arith.constant 1440 : i32
    %add3A_1271 = arith.addi %add3A_3, %add3A_1270 : i32
    %broadcast_in_dim3A_1272 = vector.broadcast %add3A_1271 : i32 to vector<8x128xi32>
    %select_n3A_1273 = arith.select %gt3A_1268, %broadcast_in_dim3A_1272, %select_n3A_1266 : vector<8x128xi1>, vector<8x128xi32>
    %slice3A_1274 = vector.extract_strided_slice %get3A_5 {offsets = [1448, 0], sizes = [8, 128], strides = [1, 1]} : vector<2000x128xf32> to vector<8x128xf32>
    %gt3A_1275 = arith.cmpf ogt, %slice3A_1274, %max3A_1269 : vector<8x128xf32>
    %max3A_1276 = arith.maximumf %max3A_1269, %slice3A_1274 : vector<8x128xf32>
    %add3A_1277 = arith.constant 1448 : i32
    %add3A_1278 = arith.addi %add3A_3, %add3A_1277 : i32
    %broadcast_in_dim3A_1279 = vector.broadcast %add3A_1278 : i32 to vector<8x128xi32>
    %select_n3A_1280 = arith.select %gt3A_1275, %broadcast_in_dim3A_1279, %select_n3A_1273 : vector<8x128xi1>, vector<8x128xi32>
    %slice3A_1281 = vector.extract_strided_slice %get3A_5 {offsets = [1456, 0], sizes = [8, 128], strides = [1, 1]} : vector<2000x128xf32> to vector<8x128xf32>
    %gt3A_1282 = arith.cmpf ogt, %slice3A_1281, %max3A_1276 : vector<8x128xf32>
    %max3A_1283 = arith.maximumf %max3A_1276, %slice3A_1281 : vector<8x128xf32>
    %add3A_1284 = arith.constant 1456 : i32
    %add3A_1285 = arith.addi %add3A_3, %add3A_1284 : i32
    %broadcast_in_dim3A_1286 = vector.broadcast %add3A_1285 : i32 to vector<8x128xi32>
    %select_n3A_1287 = arith.select %gt3A_1282, %broadcast_in_dim3A_1286, %select_n3A_1280 : vector<8x128xi1>, vector<8x128xi32>
    %slice3A_1288 = vector.extract_strided_slice %get3A_5 {offsets = [1464, 0], sizes = [8, 128], strides = [1, 1]} : vector<2000x128xf32> to vector<8x128xf32>
    %gt3A_1289 = arith.cmpf ogt, %slice3A_1288, %max3A_1283 : vector<8x128xf32>
    %max3A_1290 = arith.maximumf %max3A_1283, %slice3A_1288 : vector<8x128xf32>
    %add3A_1291 = arith.constant 1464 : i32
    %add3A_1292 = arith.addi %add3A_3, %add3A_1291 : i32
    %broadcast_in_dim3A_1293 = vector.broadcast %add3A_1292 : i32 to vector<8x128xi32>
    %select_n3A_1294 = arith.select %gt3A_1289, %broadcast_in_dim3A_1293, %select_n3A_1287 : vector<8x128xi1>, vector<8x128xi32>
    %slice3A_1295 = vector.extract_strided_slice %get3A_5 {offsets = [1472, 0], sizes = [8, 128], strides = [1, 1]} : vector<2000x128xf32> to vector<8x128xf32>
    %gt3A_1296 = arith.cmpf ogt, %slice3A_1295, %max3A_1290 : vector<8x128xf32>
    %max3A_1297 = arith.maximumf %max3A_1290, %slice3A_1295 : vector<8x128xf32>
    %add3A_1298 = arith.constant 1472 : i32
    %add3A_1299 = arith.addi %add3A_3, %add3A_1298 : i32
    %broadcast_in_dim3A_1300 = vector.broadcast %add3A_1299 : i32 to vector<8x128xi32>
    %select_n3A_1301 = arith.select %gt3A_1296, %broadcast_in_dim3A_1300, %select_n3A_1294 : vector<8x128xi1>, vector<8x128xi32>
    %slice3A_1302 = vector.extract_strided_slice %get3A_5 {offsets = [1480, 0], sizes = [8, 128], strides = [1, 1]} : vector<2000x128xf32> to vector<8x128xf32>
    %gt3A_1303 = arith.cmpf ogt, %slice3A_1302, %max3A_1297 : vector<8x128xf32>
    %max3A_1304 = arith.maximumf %max3A_1297, %slice3A_1302 : vector<8x128xf32>
    %add3A_1305 = arith.constant 1480 : i32
    %add3A_1306 = arith.addi %add3A_3, %add3A_1305 : i32
    %broadcast_in_dim3A_1307 = vector.broadcast %add3A_1306 : i32 to vector<8x128xi32>
    %select_n3A_1308 = arith.select %gt3A_1303, %broadcast_in_dim3A_1307, %select_n3A_1301 : vector<8x128xi1>, vector<8x128xi32>
    %slice3A_1309 = vector.extract_strided_slice %get3A_5 {offsets = [1488, 0], sizes = [8, 128], strides = [1, 1]} : vector<2000x128xf32> to vector<8x128xf32>
    %gt3A_1310 = arith.cmpf ogt, %slice3A_1309, %max3A_1304 : vector<8x128xf32>
    %max3A_1311 = arith.maximumf %max3A_1304, %slice3A_1309 : vector<8x128xf32>
    %add3A_1312 = arith.constant 1488 : i32
    %add3A_1313 = arith.addi %add3A_3, %add3A_1312 : i32
    %broadcast_in_dim3A_1314 = vector.broadcast %add3A_1313 : i32 to vector<8x128xi32>
    %select_n3A_1315 = arith.select %gt3A_1310, %broadcast_in_dim3A_1314, %select_n3A_1308 : vector<8x128xi1>, vector<8x128xi32>
    %slice3A_1316 = vector.extract_strided_slice %get3A_5 {offsets = [1496, 0], sizes = [8, 128], strides = [1, 1]} : vector<2000x128xf32> to vector<8x128xf32>
    %gt3A_1317 = arith.cmpf ogt, %slice3A_1316, %max3A_1311 : vector<8x128xf32>
    %max3A_1318 = arith.maximumf %max3A_1311, %slice3A_1316 : vector<8x128xf32>
    %add3A_1319 = arith.constant 1496 : i32
    %add3A_1320 = arith.addi %add3A_3, %add3A_1319 : i32
    %broadcast_in_dim3A_1321 = vector.broadcast %add3A_1320 : i32 to vector<8x128xi32>
    %select_n3A_1322 = arith.select %gt3A_1317, %broadcast_in_dim3A_1321, %select_n3A_1315 : vector<8x128xi1>, vector<8x128xi32>
    %slice3A_1323 = vector.extract_strided_slice %get3A_5 {offsets = [1504, 0], sizes = [8, 128], strides = [1, 1]} : vector<2000x128xf32> to vector<8x128xf32>
    %gt3A_1324 = arith.cmpf ogt, %slice3A_1323, %max3A_1318 : vector<8x128xf32>
    %max3A_1325 = arith.maximumf %max3A_1318, %slice3A_1323 : vector<8x128xf32>
    %add3A_1326 = arith.constant 1504 : i32
    %add3A_1327 = arith.addi %add3A_3, %add3A_1326 : i32
    %broadcast_in_dim3A_1328 = vector.broadcast %add3A_1327 : i32 to vector<8x128xi32>
    %select_n3A_1329 = arith.select %gt3A_1324, %broadcast_in_dim3A_1328, %select_n3A_1322 : vector<8x128xi1>, vector<8x128xi32>
    %slice3A_1330 = vector.extract_strided_slice %get3A_5 {offsets = [1512, 0], sizes = [8, 128], strides = [1, 1]} : vector<2000x128xf32> to vector<8x128xf32>
    %gt3A_1331 = arith.cmpf ogt, %slice3A_1330, %max3A_1325 : vector<8x128xf32>
    %max3A_1332 = arith.maximumf %max3A_1325, %slice3A_1330 : vector<8x128xf32>
    %add3A_1333 = arith.constant 1512 : i32
    %add3A_1334 = arith.addi %add3A_3, %add3A_1333 : i32
    %broadcast_in_dim3A_1335 = vector.broadcast %add3A_1334 : i32 to vector<8x128xi32>
    %select_n3A_1336 = arith.select %gt3A_1331, %broadcast_in_dim3A_1335, %select_n3A_1329 : vector<8x128xi1>, vector<8x128xi32>
    %slice3A_1337 = vector.extract_strided_slice %get3A_5 {offsets = [1520, 0], sizes = [8, 128], strides = [1, 1]} : vector<2000x128xf32> to vector<8x128xf32>
    %gt3A_1338 = arith.cmpf ogt, %slice3A_1337, %max3A_1332 : vector<8x128xf32>
    %max3A_1339 = arith.maximumf %max3A_1332, %slice3A_1337 : vector<8x128xf32>
    %add3A_1340 = arith.constant 1520 : i32
    %add3A_1341 = arith.addi %add3A_3, %add3A_1340 : i32
    %broadcast_in_dim3A_1342 = vector.broadcast %add3A_1341 : i32 to vector<8x128xi32>
    %select_n3A_1343 = arith.select %gt3A_1338, %broadcast_in_dim3A_1342, %select_n3A_1336 : vector<8x128xi1>, vector<8x128xi32>
    %slice3A_1344 = vector.extract_strided_slice %get3A_5 {offsets = [1528, 0], sizes = [8, 128], strides = [1, 1]} : vector<2000x128xf32> to vector<8x128xf32>
    %gt3A_1345 = arith.cmpf ogt, %slice3A_1344, %max3A_1339 : vector<8x128xf32>
    %max3A_1346 = arith.maximumf %max3A_1339, %slice3A_1344 : vector<8x128xf32>
    %add3A_1347 = arith.constant 1528 : i32
    %add3A_1348 = arith.addi %add3A_3, %add3A_1347 : i32
    %broadcast_in_dim3A_1349 = vector.broadcast %add3A_1348 : i32 to vector<8x128xi32>
    %select_n3A_1350 = arith.select %gt3A_1345, %broadcast_in_dim3A_1349, %select_n3A_1343 : vector<8x128xi1>, vector<8x128xi32>
    %slice3A_1351 = vector.extract_strided_slice %get3A_5 {offsets = [1536, 0], sizes = [8, 128], strides = [1, 1]} : vector<2000x128xf32> to vector<8x128xf32>
    %gt3A_1352 = arith.cmpf ogt, %slice3A_1351, %max3A_1346 : vector<8x128xf32>
    %max3A_1353 = arith.maximumf %max3A_1346, %slice3A_1351 : vector<8x128xf32>
    %add3A_1354 = arith.constant 1536 : i32
    %add3A_1355 = arith.addi %add3A_3, %add3A_1354 : i32
    %broadcast_in_dim3A_1356 = vector.broadcast %add3A_1355 : i32 to vector<8x128xi32>
    %select_n3A_1357 = arith.select %gt3A_1352, %broadcast_in_dim3A_1356, %select_n3A_1350 : vector<8x128xi1>, vector<8x128xi32>
    %slice3A_1358 = vector.extract_strided_slice %get3A_5 {offsets = [1544, 0], sizes = [8, 128], strides = [1, 1]} : vector<2000x128xf32> to vector<8x128xf32>
    %gt3A_1359 = arith.cmpf ogt, %slice3A_1358, %max3A_1353 : vector<8x128xf32>
    %max3A_1360 = arith.maximumf %max3A_1353, %slice3A_1358 : vector<8x128xf32>
    %add3A_1361 = arith.constant 1544 : i32
    %add3A_1362 = arith.addi %add3A_3, %add3A_1361 : i32
    %broadcast_in_dim3A_1363 = vector.broadcast %add3A_1362 : i32 to vector<8x128xi32>
    %select_n3A_1364 = arith.select %gt3A_1359, %broadcast_in_dim3A_1363, %select_n3A_1357 : vector<8x128xi1>, vector<8x128xi32>
    %slice3A_1365 = vector.extract_strided_slice %get3A_5 {offsets = [1552, 0], sizes = [8, 128], strides = [1, 1]} : vector<2000x128xf32> to vector<8x128xf32>
    %gt3A_1366 = arith.cmpf ogt, %slice3A_1365, %max3A_1360 : vector<8x128xf32>
    %max3A_1367 = arith.maximumf %max3A_1360, %slice3A_1365 : vector<8x128xf32>
    %add3A_1368 = arith.constant 1552 : i32
    %add3A_1369 = arith.addi %add3A_3, %add3A_1368 : i32
    %broadcast_in_dim3A_1370 = vector.broadcast %add3A_1369 : i32 to vector<8x128xi32>
    %select_n3A_1371 = arith.select %gt3A_1366, %broadcast_in_dim3A_1370, %select_n3A_1364 : vector<8x128xi1>, vector<8x128xi32>
    %slice3A_1372 = vector.extract_strided_slice %get3A_5 {offsets = [1560, 0], sizes = [8, 128], strides = [1, 1]} : vector<2000x128xf32> to vector<8x128xf32>
    %gt3A_1373 = arith.cmpf ogt, %slice3A_1372, %max3A_1367 : vector<8x128xf32>
    %max3A_1374 = arith.maximumf %max3A_1367, %slice3A_1372 : vector<8x128xf32>
    %add3A_1375 = arith.constant 1560 : i32
    %add3A_1376 = arith.addi %add3A_3, %add3A_1375 : i32
    %broadcast_in_dim3A_1377 = vector.broadcast %add3A_1376 : i32 to vector<8x128xi32>
    %select_n3A_1378 = arith.select %gt3A_1373, %broadcast_in_dim3A_1377, %select_n3A_1371 : vector<8x128xi1>, vector<8x128xi32>
    %slice3A_1379 = vector.extract_strided_slice %get3A_5 {offsets = [1568, 0], sizes = [8, 128], strides = [1, 1]} : vector<2000x128xf32> to vector<8x128xf32>
    %gt3A_1380 = arith.cmpf ogt, %slice3A_1379, %max3A_1374 : vector<8x128xf32>
    %max3A_1381 = arith.maximumf %max3A_1374, %slice3A_1379 : vector<8x128xf32>
    %add3A_1382 = arith.constant 1568 : i32
    %add3A_1383 = arith.addi %add3A_3, %add3A_1382 : i32
    %broadcast_in_dim3A_1384 = vector.broadcast %add3A_1383 : i32 to vector<8x128xi32>
    %select_n3A_1385 = arith.select %gt3A_1380, %broadcast_in_dim3A_1384, %select_n3A_1378 : vector<8x128xi1>, vector<8x128xi32>
    %slice3A_1386 = vector.extract_strided_slice %get3A_5 {offsets = [1576, 0], sizes = [8, 128], strides = [1, 1]} : vector<2000x128xf32> to vector<8x128xf32>
    %gt3A_1387 = arith.cmpf ogt, %slice3A_1386, %max3A_1381 : vector<8x128xf32>
    %max3A_1388 = arith.maximumf %max3A_1381, %slice3A_1386 : vector<8x128xf32>
    %add3A_1389 = arith.constant 1576 : i32
    %add3A_1390 = arith.addi %add3A_3, %add3A_1389 : i32
    %broadcast_in_dim3A_1391 = vector.broadcast %add3A_1390 : i32 to vector<8x128xi32>
    %select_n3A_1392 = arith.select %gt3A_1387, %broadcast_in_dim3A_1391, %select_n3A_1385 : vector<8x128xi1>, vector<8x128xi32>
    %slice3A_1393 = vector.extract_strided_slice %get3A_5 {offsets = [1584, 0], sizes = [8, 128], strides = [1, 1]} : vector<2000x128xf32> to vector<8x128xf32>
    %gt3A_1394 = arith.cmpf ogt, %slice3A_1393, %max3A_1388 : vector<8x128xf32>
    %max3A_1395 = arith.maximumf %max3A_1388, %slice3A_1393 : vector<8x128xf32>
    %add3A_1396 = arith.constant 1584 : i32
    %add3A_1397 = arith.addi %add3A_3, %add3A_1396 : i32
    %broadcast_in_dim3A_1398 = vector.broadcast %add3A_1397 : i32 to vector<8x128xi32>
    %select_n3A_1399 = arith.select %gt3A_1394, %broadcast_in_dim3A_1398, %select_n3A_1392 : vector<8x128xi1>, vector<8x128xi32>
    %slice3A_1400 = vector.extract_strided_slice %get3A_5 {offsets = [1592, 0], sizes = [8, 128], strides = [1, 1]} : vector<2000x128xf32> to vector<8x128xf32>
    %gt3A_1401 = arith.cmpf ogt, %slice3A_1400, %max3A_1395 : vector<8x128xf32>
    %max3A_1402 = arith.maximumf %max3A_1395, %slice3A_1400 : vector<8x128xf32>
    %add3A_1403 = arith.constant 1592 : i32
    %add3A_1404 = arith.addi %add3A_3, %add3A_1403 : i32
    %broadcast_in_dim3A_1405 = vector.broadcast %add3A_1404 : i32 to vector<8x128xi32>
    %select_n3A_1406 = arith.select %gt3A_1401, %broadcast_in_dim3A_1405, %select_n3A_1399 : vector<8x128xi1>, vector<8x128xi32>
    %slice3A_1407 = vector.extract_strided_slice %get3A_5 {offsets = [1600, 0], sizes = [8, 128], strides = [1, 1]} : vector<2000x128xf32> to vector<8x128xf32>
    %gt3A_1408 = arith.cmpf ogt, %slice3A_1407, %max3A_1402 : vector<8x128xf32>
    %max3A_1409 = arith.maximumf %max3A_1402, %slice3A_1407 : vector<8x128xf32>
    %add3A_1410 = arith.constant 1600 : i32
    %add3A_1411 = arith.addi %add3A_3, %add3A_1410 : i32
    %broadcast_in_dim3A_1412 = vector.broadcast %add3A_1411 : i32 to vector<8x128xi32>
    %select_n3A_1413 = arith.select %gt3A_1408, %broadcast_in_dim3A_1412, %select_n3A_1406 : vector<8x128xi1>, vector<8x128xi32>
    %slice3A_1414 = vector.extract_strided_slice %get3A_5 {offsets = [1608, 0], sizes = [8, 128], strides = [1, 1]} : vector<2000x128xf32> to vector<8x128xf32>
    %gt3A_1415 = arith.cmpf ogt, %slice3A_1414, %max3A_1409 : vector<8x128xf32>
    %max3A_1416 = arith.maximumf %max3A_1409, %slice3A_1414 : vector<8x128xf32>
    %add3A_1417 = arith.constant 1608 : i32
    %add3A_1418 = arith.addi %add3A_3, %add3A_1417 : i32
    %broadcast_in_dim3A_1419 = vector.broadcast %add3A_1418 : i32 to vector<8x128xi32>
    %select_n3A_1420 = arith.select %gt3A_1415, %broadcast_in_dim3A_1419, %select_n3A_1413 : vector<8x128xi1>, vector<8x128xi32>
    %slice3A_1421 = vector.extract_strided_slice %get3A_5 {offsets = [1616, 0], sizes = [8, 128], strides = [1, 1]} : vector<2000x128xf32> to vector<8x128xf32>
    %gt3A_1422 = arith.cmpf ogt, %slice3A_1421, %max3A_1416 : vector<8x128xf32>
    %max3A_1423 = arith.maximumf %max3A_1416, %slice3A_1421 : vector<8x128xf32>
    %add3A_1424 = arith.constant 1616 : i32
    %add3A_1425 = arith.addi %add3A_3, %add3A_1424 : i32
    %broadcast_in_dim3A_1426 = vector.broadcast %add3A_1425 : i32 to vector<8x128xi32>
    %select_n3A_1427 = arith.select %gt3A_1422, %broadcast_in_dim3A_1426, %select_n3A_1420 : vector<8x128xi1>, vector<8x128xi32>
    %slice3A_1428 = vector.extract_strided_slice %get3A_5 {offsets = [1624, 0], sizes = [8, 128], strides = [1, 1]} : vector<2000x128xf32> to vector<8x128xf32>
    %gt3A_1429 = arith.cmpf ogt, %slice3A_1428, %max3A_1423 : vector<8x128xf32>
    %max3A_1430 = arith.maximumf %max3A_1423, %slice3A_1428 : vector<8x128xf32>
    %add3A_1431 = arith.constant 1624 : i32
    %add3A_1432 = arith.addi %add3A_3, %add3A_1431 : i32
    %broadcast_in_dim3A_1433 = vector.broadcast %add3A_1432 : i32 to vector<8x128xi32>
    %select_n3A_1434 = arith.select %gt3A_1429, %broadcast_in_dim3A_1433, %select_n3A_1427 : vector<8x128xi1>, vector<8x128xi32>
    %slice3A_1435 = vector.extract_strided_slice %get3A_5 {offsets = [1632, 0], sizes = [8, 128], strides = [1, 1]} : vector<2000x128xf32> to vector<8x128xf32>
    %gt3A_1436 = arith.cmpf ogt, %slice3A_1435, %max3A_1430 : vector<8x128xf32>
    %max3A_1437 = arith.maximumf %max3A_1430, %slice3A_1435 : vector<8x128xf32>
    %add3A_1438 = arith.constant 1632 : i32
    %add3A_1439 = arith.addi %add3A_3, %add3A_1438 : i32
    %broadcast_in_dim3A_1440 = vector.broadcast %add3A_1439 : i32 to vector<8x128xi32>
    %select_n3A_1441 = arith.select %gt3A_1436, %broadcast_in_dim3A_1440, %select_n3A_1434 : vector<8x128xi1>, vector<8x128xi32>
    %slice3A_1442 = vector.extract_strided_slice %get3A_5 {offsets = [1640, 0], sizes = [8, 128], strides = [1, 1]} : vector<2000x128xf32> to vector<8x128xf32>
    %gt3A_1443 = arith.cmpf ogt, %slice3A_1442, %max3A_1437 : vector<8x128xf32>
    %max3A_1444 = arith.maximumf %max3A_1437, %slice3A_1442 : vector<8x128xf32>
    %add3A_1445 = arith.constant 1640 : i32
    %add3A_1446 = arith.addi %add3A_3, %add3A_1445 : i32
    %broadcast_in_dim3A_1447 = vector.broadcast %add3A_1446 : i32 to vector<8x128xi32>
    %select_n3A_1448 = arith.select %gt3A_1443, %broadcast_in_dim3A_1447, %select_n3A_1441 : vector<8x128xi1>, vector<8x128xi32>
    %slice3A_1449 = vector.extract_strided_slice %get3A_5 {offsets = [1648, 0], sizes = [8, 128], strides = [1, 1]} : vector<2000x128xf32> to vector<8x128xf32>
    %gt3A_1450 = arith.cmpf ogt, %slice3A_1449, %max3A_1444 : vector<8x128xf32>
    %max3A_1451 = arith.maximumf %max3A_1444, %slice3A_1449 : vector<8x128xf32>
    %add3A_1452 = arith.constant 1648 : i32
    %add3A_1453 = arith.addi %add3A_3, %add3A_1452 : i32
    %broadcast_in_dim3A_1454 = vector.broadcast %add3A_1453 : i32 to vector<8x128xi32>
    %select_n3A_1455 = arith.select %gt3A_1450, %broadcast_in_dim3A_1454, %select_n3A_1448 : vector<8x128xi1>, vector<8x128xi32>
    %slice3A_1456 = vector.extract_strided_slice %get3A_5 {offsets = [1656, 0], sizes = [8, 128], strides = [1, 1]} : vector<2000x128xf32> to vector<8x128xf32>
    %gt3A_1457 = arith.cmpf ogt, %slice3A_1456, %max3A_1451 : vector<8x128xf32>
    %max3A_1458 = arith.maximumf %max3A_1451, %slice3A_1456 : vector<8x128xf32>
    %add3A_1459 = arith.constant 1656 : i32
    %add3A_1460 = arith.addi %add3A_3, %add3A_1459 : i32
    %broadcast_in_dim3A_1461 = vector.broadcast %add3A_1460 : i32 to vector<8x128xi32>
    %select_n3A_1462 = arith.select %gt3A_1457, %broadcast_in_dim3A_1461, %select_n3A_1455 : vector<8x128xi1>, vector<8x128xi32>
    %slice3A_1463 = vector.extract_strided_slice %get3A_5 {offsets = [1664, 0], sizes = [8, 128], strides = [1, 1]} : vector<2000x128xf32> to vector<8x128xf32>
    %gt3A_1464 = arith.cmpf ogt, %slice3A_1463, %max3A_1458 : vector<8x128xf32>
    %max3A_1465 = arith.maximumf %max3A_1458, %slice3A_1463 : vector<8x128xf32>
    %add3A_1466 = arith.constant 1664 : i32
    %add3A_1467 = arith.addi %add3A_3, %add3A_1466 : i32
    %broadcast_in_dim3A_1468 = vector.broadcast %add3A_1467 : i32 to vector<8x128xi32>
    %select_n3A_1469 = arith.select %gt3A_1464, %broadcast_in_dim3A_1468, %select_n3A_1462 : vector<8x128xi1>, vector<8x128xi32>
    %slice3A_1470 = vector.extract_strided_slice %get3A_5 {offsets = [1672, 0], sizes = [8, 128], strides = [1, 1]} : vector<2000x128xf32> to vector<8x128xf32>
    %gt3A_1471 = arith.cmpf ogt, %slice3A_1470, %max3A_1465 : vector<8x128xf32>
    %max3A_1472 = arith.maximumf %max3A_1465, %slice3A_1470 : vector<8x128xf32>
    %add3A_1473 = arith.constant 1672 : i32
    %add3A_1474 = arith.addi %add3A_3, %add3A_1473 : i32
    %broadcast_in_dim3A_1475 = vector.broadcast %add3A_1474 : i32 to vector<8x128xi32>
    %select_n3A_1476 = arith.select %gt3A_1471, %broadcast_in_dim3A_1475, %select_n3A_1469 : vector<8x128xi1>, vector<8x128xi32>
    %slice3A_1477 = vector.extract_strided_slice %get3A_5 {offsets = [1680, 0], sizes = [8, 128], strides = [1, 1]} : vector<2000x128xf32> to vector<8x128xf32>
    %gt3A_1478 = arith.cmpf ogt, %slice3A_1477, %max3A_1472 : vector<8x128xf32>
    %max3A_1479 = arith.maximumf %max3A_1472, %slice3A_1477 : vector<8x128xf32>
    %add3A_1480 = arith.constant 1680 : i32
    %add3A_1481 = arith.addi %add3A_3, %add3A_1480 : i32
    %broadcast_in_dim3A_1482 = vector.broadcast %add3A_1481 : i32 to vector<8x128xi32>
    %select_n3A_1483 = arith.select %gt3A_1478, %broadcast_in_dim3A_1482, %select_n3A_1476 : vector<8x128xi1>, vector<8x128xi32>
    %slice3A_1484 = vector.extract_strided_slice %get3A_5 {offsets = [1688, 0], sizes = [8, 128], strides = [1, 1]} : vector<2000x128xf32> to vector<8x128xf32>
    %gt3A_1485 = arith.cmpf ogt, %slice3A_1484, %max3A_1479 : vector<8x128xf32>
    %max3A_1486 = arith.maximumf %max3A_1479, %slice3A_1484 : vector<8x128xf32>
    %add3A_1487 = arith.constant 1688 : i32
    %add3A_1488 = arith.addi %add3A_3, %add3A_1487 : i32
    %broadcast_in_dim3A_1489 = vector.broadcast %add3A_1488 : i32 to vector<8x128xi32>
    %select_n3A_1490 = arith.select %gt3A_1485, %broadcast_in_dim3A_1489, %select_n3A_1483 : vector<8x128xi1>, vector<8x128xi32>
    %slice3A_1491 = vector.extract_strided_slice %get3A_5 {offsets = [1696, 0], sizes = [8, 128], strides = [1, 1]} : vector<2000x128xf32> to vector<8x128xf32>
    %gt3A_1492 = arith.cmpf ogt, %slice3A_1491, %max3A_1486 : vector<8x128xf32>
    %max3A_1493 = arith.maximumf %max3A_1486, %slice3A_1491 : vector<8x128xf32>
    %add3A_1494 = arith.constant 1696 : i32
    %add3A_1495 = arith.addi %add3A_3, %add3A_1494 : i32
    %broadcast_in_dim3A_1496 = vector.broadcast %add3A_1495 : i32 to vector<8x128xi32>
    %select_n3A_1497 = arith.select %gt3A_1492, %broadcast_in_dim3A_1496, %select_n3A_1490 : vector<8x128xi1>, vector<8x128xi32>
    %slice3A_1498 = vector.extract_strided_slice %get3A_5 {offsets = [1704, 0], sizes = [8, 128], strides = [1, 1]} : vector<2000x128xf32> to vector<8x128xf32>
    %gt3A_1499 = arith.cmpf ogt, %slice3A_1498, %max3A_1493 : vector<8x128xf32>
    %max3A_1500 = arith.maximumf %max3A_1493, %slice3A_1498 : vector<8x128xf32>
    %add3A_1501 = arith.constant 1704 : i32
    %add3A_1502 = arith.addi %add3A_3, %add3A_1501 : i32
    %broadcast_in_dim3A_1503 = vector.broadcast %add3A_1502 : i32 to vector<8x128xi32>
    %select_n3A_1504 = arith.select %gt3A_1499, %broadcast_in_dim3A_1503, %select_n3A_1497 : vector<8x128xi1>, vector<8x128xi32>
    %slice3A_1505 = vector.extract_strided_slice %get3A_5 {offsets = [1712, 0], sizes = [8, 128], strides = [1, 1]} : vector<2000x128xf32> to vector<8x128xf32>
    %gt3A_1506 = arith.cmpf ogt, %slice3A_1505, %max3A_1500 : vector<8x128xf32>
    %max3A_1507 = arith.maximumf %max3A_1500, %slice3A_1505 : vector<8x128xf32>
    %add3A_1508 = arith.constant 1712 : i32
    %add3A_1509 = arith.addi %add3A_3, %add3A_1508 : i32
    %broadcast_in_dim3A_1510 = vector.broadcast %add3A_1509 : i32 to vector<8x128xi32>
    %select_n3A_1511 = arith.select %gt3A_1506, %broadcast_in_dim3A_1510, %select_n3A_1504 : vector<8x128xi1>, vector<8x128xi32>
    %slice3A_1512 = vector.extract_strided_slice %get3A_5 {offsets = [1720, 0], sizes = [8, 128], strides = [1, 1]} : vector<2000x128xf32> to vector<8x128xf32>
    %gt3A_1513 = arith.cmpf ogt, %slice3A_1512, %max3A_1507 : vector<8x128xf32>
    %max3A_1514 = arith.maximumf %max3A_1507, %slice3A_1512 : vector<8x128xf32>
    %add3A_1515 = arith.constant 1720 : i32
    %add3A_1516 = arith.addi %add3A_3, %add3A_1515 : i32
    %broadcast_in_dim3A_1517 = vector.broadcast %add3A_1516 : i32 to vector<8x128xi32>
    %select_n3A_1518 = arith.select %gt3A_1513, %broadcast_in_dim3A_1517, %select_n3A_1511 : vector<8x128xi1>, vector<8x128xi32>
    %slice3A_1519 = vector.extract_strided_slice %get3A_5 {offsets = [1728, 0], sizes = [8, 128], strides = [1, 1]} : vector<2000x128xf32> to vector<8x128xf32>
    %gt3A_1520 = arith.cmpf ogt, %slice3A_1519, %max3A_1514 : vector<8x128xf32>
    %max3A_1521 = arith.maximumf %max3A_1514, %slice3A_1519 : vector<8x128xf32>
    %add3A_1522 = arith.constant 1728 : i32
    %add3A_1523 = arith.addi %add3A_3, %add3A_1522 : i32
    %broadcast_in_dim3A_1524 = vector.broadcast %add3A_1523 : i32 to vector<8x128xi32>
    %select_n3A_1525 = arith.select %gt3A_1520, %broadcast_in_dim3A_1524, %select_n3A_1518 : vector<8x128xi1>, vector<8x128xi32>
    %slice3A_1526 = vector.extract_strided_slice %get3A_5 {offsets = [1736, 0], sizes = [8, 128], strides = [1, 1]} : vector<2000x128xf32> to vector<8x128xf32>
    %gt3A_1527 = arith.cmpf ogt, %slice3A_1526, %max3A_1521 : vector<8x128xf32>
    %max3A_1528 = arith.maximumf %max3A_1521, %slice3A_1526 : vector<8x128xf32>
    %add3A_1529 = arith.constant 1736 : i32
    %add3A_1530 = arith.addi %add3A_3, %add3A_1529 : i32
    %broadcast_in_dim3A_1531 = vector.broadcast %add3A_1530 : i32 to vector<8x128xi32>
    %select_n3A_1532 = arith.select %gt3A_1527, %broadcast_in_dim3A_1531, %select_n3A_1525 : vector<8x128xi1>, vector<8x128xi32>
    %slice3A_1533 = vector.extract_strided_slice %get3A_5 {offsets = [1744, 0], sizes = [8, 128], strides = [1, 1]} : vector<2000x128xf32> to vector<8x128xf32>
    %gt3A_1534 = arith.cmpf ogt, %slice3A_1533, %max3A_1528 : vector<8x128xf32>
    %max3A_1535 = arith.maximumf %max3A_1528, %slice3A_1533 : vector<8x128xf32>
    %add3A_1536 = arith.constant 1744 : i32
    %add3A_1537 = arith.addi %add3A_3, %add3A_1536 : i32
    %broadcast_in_dim3A_1538 = vector.broadcast %add3A_1537 : i32 to vector<8x128xi32>
    %select_n3A_1539 = arith.select %gt3A_1534, %broadcast_in_dim3A_1538, %select_n3A_1532 : vector<8x128xi1>, vector<8x128xi32>
    %slice3A_1540 = vector.extract_strided_slice %get3A_5 {offsets = [1752, 0], sizes = [8, 128], strides = [1, 1]} : vector<2000x128xf32> to vector<8x128xf32>
    %gt3A_1541 = arith.cmpf ogt, %slice3A_1540, %max3A_1535 : vector<8x128xf32>
    %max3A_1542 = arith.maximumf %max3A_1535, %slice3A_1540 : vector<8x128xf32>
    %add3A_1543 = arith.constant 1752 : i32
    %add3A_1544 = arith.addi %add3A_3, %add3A_1543 : i32
    %broadcast_in_dim3A_1545 = vector.broadcast %add3A_1544 : i32 to vector<8x128xi32>
    %select_n3A_1546 = arith.select %gt3A_1541, %broadcast_in_dim3A_1545, %select_n3A_1539 : vector<8x128xi1>, vector<8x128xi32>
    %slice3A_1547 = vector.extract_strided_slice %get3A_5 {offsets = [1760, 0], sizes = [8, 128], strides = [1, 1]} : vector<2000x128xf32> to vector<8x128xf32>
    %gt3A_1548 = arith.cmpf ogt, %slice3A_1547, %max3A_1542 : vector<8x128xf32>
    %max3A_1549 = arith.maximumf %max3A_1542, %slice3A_1547 : vector<8x128xf32>
    %add3A_1550 = arith.constant 1760 : i32
    %add3A_1551 = arith.addi %add3A_3, %add3A_1550 : i32
    %broadcast_in_dim3A_1552 = vector.broadcast %add3A_1551 : i32 to vector<8x128xi32>
    %select_n3A_1553 = arith.select %gt3A_1548, %broadcast_in_dim3A_1552, %select_n3A_1546 : vector<8x128xi1>, vector<8x128xi32>
    %slice3A_1554 = vector.extract_strided_slice %get3A_5 {offsets = [1768, 0], sizes = [8, 128], strides = [1, 1]} : vector<2000x128xf32> to vector<8x128xf32>
    %gt3A_1555 = arith.cmpf ogt, %slice3A_1554, %max3A_1549 : vector<8x128xf32>
    %max3A_1556 = arith.maximumf %max3A_1549, %slice3A_1554 : vector<8x128xf32>
    %add3A_1557 = arith.constant 1768 : i32
    %add3A_1558 = arith.addi %add3A_3, %add3A_1557 : i32
    %broadcast_in_dim3A_1559 = vector.broadcast %add3A_1558 : i32 to vector<8x128xi32>
    %select_n3A_1560 = arith.select %gt3A_1555, %broadcast_in_dim3A_1559, %select_n3A_1553 : vector<8x128xi1>, vector<8x128xi32>
    %slice3A_1561 = vector.extract_strided_slice %get3A_5 {offsets = [1776, 0], sizes = [8, 128], strides = [1, 1]} : vector<2000x128xf32> to vector<8x128xf32>
    %gt3A_1562 = arith.cmpf ogt, %slice3A_1561, %max3A_1556 : vector<8x128xf32>
    %max3A_1563 = arith.maximumf %max3A_1556, %slice3A_1561 : vector<8x128xf32>
    %add3A_1564 = arith.constant 1776 : i32
    %add3A_1565 = arith.addi %add3A_3, %add3A_1564 : i32
    %broadcast_in_dim3A_1566 = vector.broadcast %add3A_1565 : i32 to vector<8x128xi32>
    %select_n3A_1567 = arith.select %gt3A_1562, %broadcast_in_dim3A_1566, %select_n3A_1560 : vector<8x128xi1>, vector<8x128xi32>
    %slice3A_1568 = vector.extract_strided_slice %get3A_5 {offsets = [1784, 0], sizes = [8, 128], strides = [1, 1]} : vector<2000x128xf32> to vector<8x128xf32>
    %gt3A_1569 = arith.cmpf ogt, %slice3A_1568, %max3A_1563 : vector<8x128xf32>
    %max3A_1570 = arith.maximumf %max3A_1563, %slice3A_1568 : vector<8x128xf32>
    %add3A_1571 = arith.constant 1784 : i32
    %add3A_1572 = arith.addi %add3A_3, %add3A_1571 : i32
    %broadcast_in_dim3A_1573 = vector.broadcast %add3A_1572 : i32 to vector<8x128xi32>
    %select_n3A_1574 = arith.select %gt3A_1569, %broadcast_in_dim3A_1573, %select_n3A_1567 : vector<8x128xi1>, vector<8x128xi32>
    %slice3A_1575 = vector.extract_strided_slice %get3A_5 {offsets = [1792, 0], sizes = [8, 128], strides = [1, 1]} : vector<2000x128xf32> to vector<8x128xf32>
    %gt3A_1576 = arith.cmpf ogt, %slice3A_1575, %max3A_1570 : vector<8x128xf32>
    %max3A_1577 = arith.maximumf %max3A_1570, %slice3A_1575 : vector<8x128xf32>
    %add3A_1578 = arith.constant 1792 : i32
    %add3A_1579 = arith.addi %add3A_3, %add3A_1578 : i32
    %broadcast_in_dim3A_1580 = vector.broadcast %add3A_1579 : i32 to vector<8x128xi32>
    %select_n3A_1581 = arith.select %gt3A_1576, %broadcast_in_dim3A_1580, %select_n3A_1574 : vector<8x128xi1>, vector<8x128xi32>
    %slice3A_1582 = vector.extract_strided_slice %get3A_5 {offsets = [1800, 0], sizes = [8, 128], strides = [1, 1]} : vector<2000x128xf32> to vector<8x128xf32>
    %gt3A_1583 = arith.cmpf ogt, %slice3A_1582, %max3A_1577 : vector<8x128xf32>
    %max3A_1584 = arith.maximumf %max3A_1577, %slice3A_1582 : vector<8x128xf32>
    %add3A_1585 = arith.constant 1800 : i32
    %add3A_1586 = arith.addi %add3A_3, %add3A_1585 : i32
    %broadcast_in_dim3A_1587 = vector.broadcast %add3A_1586 : i32 to vector<8x128xi32>
    %select_n3A_1588 = arith.select %gt3A_1583, %broadcast_in_dim3A_1587, %select_n3A_1581 : vector<8x128xi1>, vector<8x128xi32>
    %slice3A_1589 = vector.extract_strided_slice %get3A_5 {offsets = [1808, 0], sizes = [8, 128], strides = [1, 1]} : vector<2000x128xf32> to vector<8x128xf32>
    %gt3A_1590 = arith.cmpf ogt, %slice3A_1589, %max3A_1584 : vector<8x128xf32>
    %max3A_1591 = arith.maximumf %max3A_1584, %slice3A_1589 : vector<8x128xf32>
    %add3A_1592 = arith.constant 1808 : i32
    %add3A_1593 = arith.addi %add3A_3, %add3A_1592 : i32
    %broadcast_in_dim3A_1594 = vector.broadcast %add3A_1593 : i32 to vector<8x128xi32>
    %select_n3A_1595 = arith.select %gt3A_1590, %broadcast_in_dim3A_1594, %select_n3A_1588 : vector<8x128xi1>, vector<8x128xi32>
    %slice3A_1596 = vector.extract_strided_slice %get3A_5 {offsets = [1816, 0], sizes = [8, 128], strides = [1, 1]} : vector<2000x128xf32> to vector<8x128xf32>
    %gt3A_1597 = arith.cmpf ogt, %slice3A_1596, %max3A_1591 : vector<8x128xf32>
    %max3A_1598 = arith.maximumf %max3A_1591, %slice3A_1596 : vector<8x128xf32>
    %add3A_1599 = arith.constant 1816 : i32
    %add3A_1600 = arith.addi %add3A_3, %add3A_1599 : i32
    %broadcast_in_dim3A_1601 = vector.broadcast %add3A_1600 : i32 to vector<8x128xi32>
    %select_n3A_1602 = arith.select %gt3A_1597, %broadcast_in_dim3A_1601, %select_n3A_1595 : vector<8x128xi1>, vector<8x128xi32>
    %slice3A_1603 = vector.extract_strided_slice %get3A_5 {offsets = [1824, 0], sizes = [8, 128], strides = [1, 1]} : vector<2000x128xf32> to vector<8x128xf32>
    %gt3A_1604 = arith.cmpf ogt, %slice3A_1603, %max3A_1598 : vector<8x128xf32>
    %max3A_1605 = arith.maximumf %max3A_1598, %slice3A_1603 : vector<8x128xf32>
    %add3A_1606 = arith.constant 1824 : i32
    %add3A_1607 = arith.addi %add3A_3, %add3A_1606 : i32
    %broadcast_in_dim3A_1608 = vector.broadcast %add3A_1607 : i32 to vector<8x128xi32>
    %select_n3A_1609 = arith.select %gt3A_1604, %broadcast_in_dim3A_1608, %select_n3A_1602 : vector<8x128xi1>, vector<8x128xi32>
    %slice3A_1610 = vector.extract_strided_slice %get3A_5 {offsets = [1832, 0], sizes = [8, 128], strides = [1, 1]} : vector<2000x128xf32> to vector<8x128xf32>
    %gt3A_1611 = arith.cmpf ogt, %slice3A_1610, %max3A_1605 : vector<8x128xf32>
    %max3A_1612 = arith.maximumf %max3A_1605, %slice3A_1610 : vector<8x128xf32>
    %add3A_1613 = arith.constant 1832 : i32
    %add3A_1614 = arith.addi %add3A_3, %add3A_1613 : i32
    %broadcast_in_dim3A_1615 = vector.broadcast %add3A_1614 : i32 to vector<8x128xi32>
    %select_n3A_1616 = arith.select %gt3A_1611, %broadcast_in_dim3A_1615, %select_n3A_1609 : vector<8x128xi1>, vector<8x128xi32>
    %slice3A_1617 = vector.extract_strided_slice %get3A_5 {offsets = [1840, 0], sizes = [8, 128], strides = [1, 1]} : vector<2000x128xf32> to vector<8x128xf32>
    %gt3A_1618 = arith.cmpf ogt, %slice3A_1617, %max3A_1612 : vector<8x128xf32>
    %max3A_1619 = arith.maximumf %max3A_1612, %slice3A_1617 : vector<8x128xf32>
    %add3A_1620 = arith.constant 1840 : i32
    %add3A_1621 = arith.addi %add3A_3, %add3A_1620 : i32
    %broadcast_in_dim3A_1622 = vector.broadcast %add3A_1621 : i32 to vector<8x128xi32>
    %select_n3A_1623 = arith.select %gt3A_1618, %broadcast_in_dim3A_1622, %select_n3A_1616 : vector<8x128xi1>, vector<8x128xi32>
    %slice3A_1624 = vector.extract_strided_slice %get3A_5 {offsets = [1848, 0], sizes = [8, 128], strides = [1, 1]} : vector<2000x128xf32> to vector<8x128xf32>
    %gt3A_1625 = arith.cmpf ogt, %slice3A_1624, %max3A_1619 : vector<8x128xf32>
    %max3A_1626 = arith.maximumf %max3A_1619, %slice3A_1624 : vector<8x128xf32>
    %add3A_1627 = arith.constant 1848 : i32
    %add3A_1628 = arith.addi %add3A_3, %add3A_1627 : i32
    %broadcast_in_dim3A_1629 = vector.broadcast %add3A_1628 : i32 to vector<8x128xi32>
    %select_n3A_1630 = arith.select %gt3A_1625, %broadcast_in_dim3A_1629, %select_n3A_1623 : vector<8x128xi1>, vector<8x128xi32>
    %slice3A_1631 = vector.extract_strided_slice %get3A_5 {offsets = [1856, 0], sizes = [8, 128], strides = [1, 1]} : vector<2000x128xf32> to vector<8x128xf32>
    %gt3A_1632 = arith.cmpf ogt, %slice3A_1631, %max3A_1626 : vector<8x128xf32>
    %max3A_1633 = arith.maximumf %max3A_1626, %slice3A_1631 : vector<8x128xf32>
    %add3A_1634 = arith.constant 1856 : i32
    %add3A_1635 = arith.addi %add3A_3, %add3A_1634 : i32
    %broadcast_in_dim3A_1636 = vector.broadcast %add3A_1635 : i32 to vector<8x128xi32>
    %select_n3A_1637 = arith.select %gt3A_1632, %broadcast_in_dim3A_1636, %select_n3A_1630 : vector<8x128xi1>, vector<8x128xi32>
    %slice3A_1638 = vector.extract_strided_slice %get3A_5 {offsets = [1864, 0], sizes = [8, 128], strides = [1, 1]} : vector<2000x128xf32> to vector<8x128xf32>
    %gt3A_1639 = arith.cmpf ogt, %slice3A_1638, %max3A_1633 : vector<8x128xf32>
    %max3A_1640 = arith.maximumf %max3A_1633, %slice3A_1638 : vector<8x128xf32>
    %add3A_1641 = arith.constant 1864 : i32
    %add3A_1642 = arith.addi %add3A_3, %add3A_1641 : i32
    %broadcast_in_dim3A_1643 = vector.broadcast %add3A_1642 : i32 to vector<8x128xi32>
    %select_n3A_1644 = arith.select %gt3A_1639, %broadcast_in_dim3A_1643, %select_n3A_1637 : vector<8x128xi1>, vector<8x128xi32>
    %slice3A_1645 = vector.extract_strided_slice %get3A_5 {offsets = [1872, 0], sizes = [8, 128], strides = [1, 1]} : vector<2000x128xf32> to vector<8x128xf32>
    %gt3A_1646 = arith.cmpf ogt, %slice3A_1645, %max3A_1640 : vector<8x128xf32>
    %max3A_1647 = arith.maximumf %max3A_1640, %slice3A_1645 : vector<8x128xf32>
    %add3A_1648 = arith.constant 1872 : i32
    %add3A_1649 = arith.addi %add3A_3, %add3A_1648 : i32
    %broadcast_in_dim3A_1650 = vector.broadcast %add3A_1649 : i32 to vector<8x128xi32>
    %select_n3A_1651 = arith.select %gt3A_1646, %broadcast_in_dim3A_1650, %select_n3A_1644 : vector<8x128xi1>, vector<8x128xi32>
    %slice3A_1652 = vector.extract_strided_slice %get3A_5 {offsets = [1880, 0], sizes = [8, 128], strides = [1, 1]} : vector<2000x128xf32> to vector<8x128xf32>
    %gt3A_1653 = arith.cmpf ogt, %slice3A_1652, %max3A_1647 : vector<8x128xf32>
    %max3A_1654 = arith.maximumf %max3A_1647, %slice3A_1652 : vector<8x128xf32>
    %add3A_1655 = arith.constant 1880 : i32
    %add3A_1656 = arith.addi %add3A_3, %add3A_1655 : i32
    %broadcast_in_dim3A_1657 = vector.broadcast %add3A_1656 : i32 to vector<8x128xi32>
    %select_n3A_1658 = arith.select %gt3A_1653, %broadcast_in_dim3A_1657, %select_n3A_1651 : vector<8x128xi1>, vector<8x128xi32>
    %slice3A_1659 = vector.extract_strided_slice %get3A_5 {offsets = [1888, 0], sizes = [8, 128], strides = [1, 1]} : vector<2000x128xf32> to vector<8x128xf32>
    %gt3A_1660 = arith.cmpf ogt, %slice3A_1659, %max3A_1654 : vector<8x128xf32>
    %max3A_1661 = arith.maximumf %max3A_1654, %slice3A_1659 : vector<8x128xf32>
    %add3A_1662 = arith.constant 1888 : i32
    %add3A_1663 = arith.addi %add3A_3, %add3A_1662 : i32
    %broadcast_in_dim3A_1664 = vector.broadcast %add3A_1663 : i32 to vector<8x128xi32>
    %select_n3A_1665 = arith.select %gt3A_1660, %broadcast_in_dim3A_1664, %select_n3A_1658 : vector<8x128xi1>, vector<8x128xi32>
    %slice3A_1666 = vector.extract_strided_slice %get3A_5 {offsets = [1896, 0], sizes = [8, 128], strides = [1, 1]} : vector<2000x128xf32> to vector<8x128xf32>
    %gt3A_1667 = arith.cmpf ogt, %slice3A_1666, %max3A_1661 : vector<8x128xf32>
    %max3A_1668 = arith.maximumf %max3A_1661, %slice3A_1666 : vector<8x128xf32>
    %add3A_1669 = arith.constant 1896 : i32
    %add3A_1670 = arith.addi %add3A_3, %add3A_1669 : i32
    %broadcast_in_dim3A_1671 = vector.broadcast %add3A_1670 : i32 to vector<8x128xi32>
    %select_n3A_1672 = arith.select %gt3A_1667, %broadcast_in_dim3A_1671, %select_n3A_1665 : vector<8x128xi1>, vector<8x128xi32>
    %slice3A_1673 = vector.extract_strided_slice %get3A_5 {offsets = [1904, 0], sizes = [8, 128], strides = [1, 1]} : vector<2000x128xf32> to vector<8x128xf32>
    %gt3A_1674 = arith.cmpf ogt, %slice3A_1673, %max3A_1668 : vector<8x128xf32>
    %max3A_1675 = arith.maximumf %max3A_1668, %slice3A_1673 : vector<8x128xf32>
    %add3A_1676 = arith.constant 1904 : i32
    %add3A_1677 = arith.addi %add3A_3, %add3A_1676 : i32
    %broadcast_in_dim3A_1678 = vector.broadcast %add3A_1677 : i32 to vector<8x128xi32>
    %select_n3A_1679 = arith.select %gt3A_1674, %broadcast_in_dim3A_1678, %select_n3A_1672 : vector<8x128xi1>, vector<8x128xi32>
    %slice3A_1680 = vector.extract_strided_slice %get3A_5 {offsets = [1912, 0], sizes = [8, 128], strides = [1, 1]} : vector<2000x128xf32> to vector<8x128xf32>
    %gt3A_1681 = arith.cmpf ogt, %slice3A_1680, %max3A_1675 : vector<8x128xf32>
    %max3A_1682 = arith.maximumf %max3A_1675, %slice3A_1680 : vector<8x128xf32>
    %add3A_1683 = arith.constant 1912 : i32
    %add3A_1684 = arith.addi %add3A_3, %add3A_1683 : i32
    %broadcast_in_dim3A_1685 = vector.broadcast %add3A_1684 : i32 to vector<8x128xi32>
    %select_n3A_1686 = arith.select %gt3A_1681, %broadcast_in_dim3A_1685, %select_n3A_1679 : vector<8x128xi1>, vector<8x128xi32>
    %slice3A_1687 = vector.extract_strided_slice %get3A_5 {offsets = [1920, 0], sizes = [8, 128], strides = [1, 1]} : vector<2000x128xf32> to vector<8x128xf32>
    %gt3A_1688 = arith.cmpf ogt, %slice3A_1687, %max3A_1682 : vector<8x128xf32>
    %max3A_1689 = arith.maximumf %max3A_1682, %slice3A_1687 : vector<8x128xf32>
    %add3A_1690 = arith.constant 1920 : i32
    %add3A_1691 = arith.addi %add3A_3, %add3A_1690 : i32
    %broadcast_in_dim3A_1692 = vector.broadcast %add3A_1691 : i32 to vector<8x128xi32>
    %select_n3A_1693 = arith.select %gt3A_1688, %broadcast_in_dim3A_1692, %select_n3A_1686 : vector<8x128xi1>, vector<8x128xi32>
    %slice3A_1694 = vector.extract_strided_slice %get3A_5 {offsets = [1928, 0], sizes = [8, 128], strides = [1, 1]} : vector<2000x128xf32> to vector<8x128xf32>
    %gt3A_1695 = arith.cmpf ogt, %slice3A_1694, %max3A_1689 : vector<8x128xf32>
    %max3A_1696 = arith.maximumf %max3A_1689, %slice3A_1694 : vector<8x128xf32>
    %add3A_1697 = arith.constant 1928 : i32
    %add3A_1698 = arith.addi %add3A_3, %add3A_1697 : i32
    %broadcast_in_dim3A_1699 = vector.broadcast %add3A_1698 : i32 to vector<8x128xi32>
    %select_n3A_1700 = arith.select %gt3A_1695, %broadcast_in_dim3A_1699, %select_n3A_1693 : vector<8x128xi1>, vector<8x128xi32>
    %slice3A_1701 = vector.extract_strided_slice %get3A_5 {offsets = [1936, 0], sizes = [8, 128], strides = [1, 1]} : vector<2000x128xf32> to vector<8x128xf32>
    %gt3A_1702 = arith.cmpf ogt, %slice3A_1701, %max3A_1696 : vector<8x128xf32>
    %max3A_1703 = arith.maximumf %max3A_1696, %slice3A_1701 : vector<8x128xf32>
    %add3A_1704 = arith.constant 1936 : i32
    %add3A_1705 = arith.addi %add3A_3, %add3A_1704 : i32
    %broadcast_in_dim3A_1706 = vector.broadcast %add3A_1705 : i32 to vector<8x128xi32>
    %select_n3A_1707 = arith.select %gt3A_1702, %broadcast_in_dim3A_1706, %select_n3A_1700 : vector<8x128xi1>, vector<8x128xi32>
    %slice3A_1708 = vector.extract_strided_slice %get3A_5 {offsets = [1944, 0], sizes = [8, 128], strides = [1, 1]} : vector<2000x128xf32> to vector<8x128xf32>
    %gt3A_1709 = arith.cmpf ogt, %slice3A_1708, %max3A_1703 : vector<8x128xf32>
    %max3A_1710 = arith.maximumf %max3A_1703, %slice3A_1708 : vector<8x128xf32>
    %add3A_1711 = arith.constant 1944 : i32
    %add3A_1712 = arith.addi %add3A_3, %add3A_1711 : i32
    %broadcast_in_dim3A_1713 = vector.broadcast %add3A_1712 : i32 to vector<8x128xi32>
    %select_n3A_1714 = arith.select %gt3A_1709, %broadcast_in_dim3A_1713, %select_n3A_1707 : vector<8x128xi1>, vector<8x128xi32>
    %slice3A_1715 = vector.extract_strided_slice %get3A_5 {offsets = [1952, 0], sizes = [8, 128], strides = [1, 1]} : vector<2000x128xf32> to vector<8x128xf32>
    %gt3A_1716 = arith.cmpf ogt, %slice3A_1715, %max3A_1710 : vector<8x128xf32>
    %max3A_1717 = arith.maximumf %max3A_1710, %slice3A_1715 : vector<8x128xf32>
    %add3A_1718 = arith.constant 1952 : i32
    %add3A_1719 = arith.addi %add3A_3, %add3A_1718 : i32
    %broadcast_in_dim3A_1720 = vector.broadcast %add3A_1719 : i32 to vector<8x128xi32>
    %select_n3A_1721 = arith.select %gt3A_1716, %broadcast_in_dim3A_1720, %select_n3A_1714 : vector<8x128xi1>, vector<8x128xi32>
    %slice3A_1722 = vector.extract_strided_slice %get3A_5 {offsets = [1960, 0], sizes = [8, 128], strides = [1, 1]} : vector<2000x128xf32> to vector<8x128xf32>
    %gt3A_1723 = arith.cmpf ogt, %slice3A_1722, %max3A_1717 : vector<8x128xf32>
    %max3A_1724 = arith.maximumf %max3A_1717, %slice3A_1722 : vector<8x128xf32>
    %add3A_1725 = arith.constant 1960 : i32
    %add3A_1726 = arith.addi %add3A_3, %add3A_1725 : i32
    %broadcast_in_dim3A_1727 = vector.broadcast %add3A_1726 : i32 to vector<8x128xi32>
    %select_n3A_1728 = arith.select %gt3A_1723, %broadcast_in_dim3A_1727, %select_n3A_1721 : vector<8x128xi1>, vector<8x128xi32>
    %slice3A_1729 = vector.extract_strided_slice %get3A_5 {offsets = [1968, 0], sizes = [8, 128], strides = [1, 1]} : vector<2000x128xf32> to vector<8x128xf32>
    %gt3A_1730 = arith.cmpf ogt, %slice3A_1729, %max3A_1724 : vector<8x128xf32>
    %max3A_1731 = arith.maximumf %max3A_1724, %slice3A_1729 : vector<8x128xf32>
    %add3A_1732 = arith.constant 1968 : i32
    %add3A_1733 = arith.addi %add3A_3, %add3A_1732 : i32
    %broadcast_in_dim3A_1734 = vector.broadcast %add3A_1733 : i32 to vector<8x128xi32>
    %select_n3A_1735 = arith.select %gt3A_1730, %broadcast_in_dim3A_1734, %select_n3A_1728 : vector<8x128xi1>, vector<8x128xi32>
    %slice3A_1736 = vector.extract_strided_slice %get3A_5 {offsets = [1976, 0], sizes = [8, 128], strides = [1, 1]} : vector<2000x128xf32> to vector<8x128xf32>
    %gt3A_1737 = arith.cmpf ogt, %slice3A_1736, %max3A_1731 : vector<8x128xf32>
    %max3A_1738 = arith.maximumf %max3A_1731, %slice3A_1736 : vector<8x128xf32>
    %add3A_1739 = arith.constant 1976 : i32
    %add3A_1740 = arith.addi %add3A_3, %add3A_1739 : i32
    %broadcast_in_dim3A_1741 = vector.broadcast %add3A_1740 : i32 to vector<8x128xi32>
    %select_n3A_1742 = arith.select %gt3A_1737, %broadcast_in_dim3A_1741, %select_n3A_1735 : vector<8x128xi1>, vector<8x128xi32>
    %slice3A_1743 = vector.extract_strided_slice %get3A_5 {offsets = [1984, 0], sizes = [8, 128], strides = [1, 1]} : vector<2000x128xf32> to vector<8x128xf32>
    %gt3A_1744 = arith.cmpf ogt, %slice3A_1743, %max3A_1738 : vector<8x128xf32>
    %max3A_1745 = arith.maximumf %max3A_1738, %slice3A_1743 : vector<8x128xf32>
    %add3A_1746 = arith.constant 1984 : i32
    %add3A_1747 = arith.addi %add3A_3, %add3A_1746 : i32
    %broadcast_in_dim3A_1748 = vector.broadcast %add3A_1747 : i32 to vector<8x128xi32>
    %select_n3A_1749 = arith.select %gt3A_1744, %broadcast_in_dim3A_1748, %select_n3A_1742 : vector<8x128xi1>, vector<8x128xi32>
    %slice3A_1750 = vector.extract_strided_slice %get3A_5 {offsets = [1992, 0], sizes = [8, 128], strides = [1, 1]} : vector<2000x128xf32> to vector<8x128xf32>
    %gt3A_1751 = arith.cmpf ogt, %slice3A_1750, %max3A_1745 : vector<8x128xf32>
    %max3A_1752 = arith.maximumf %max3A_1745, %slice3A_1750 : vector<8x128xf32>
    %add3A_1753 = arith.constant 1992 : i32
    %add3A_1754 = arith.addi %add3A_3, %add3A_1753 : i32
    %broadcast_in_dim3A_1755 = vector.broadcast %add3A_1754 : i32 to vector<8x128xi32>
    %select_n3A_1756 = arith.select %gt3A_1751, %broadcast_in_dim3A_1755, %select_n3A_1749 : vector<8x128xi1>, vector<8x128xi32>
    %swap3A = arith.constant 0 : index
    %swap3A_1757 = arith.constant 0 : index
    %swap3A_1758 = vector.load %arg5[%swap3A, %swap3A_1757] : memref<8x128xf32, #tpu.memory_space<vmem>>, vector<8x128xf32>
    tpu.vector_store %arg5[%swap3A, %swap3A_1757], %max3A_1752 {strides = array<i32>} : memref<8x128xf32, #tpu.memory_space<vmem>>, vector<8x128xf32>,
    %swap3A_1759 = arith.constant 0 : index
    %swap3A_1760 = arith.constant 0 : index
    %swap3A_1761 = vector.load %arg6[%swap3A_1759, %swap3A_1760] : memref<8x128xi32, #tpu.memory_space<vmem>>, vector<8x128xi32>
    tpu.vector_store %arg6[%swap3A_1759, %swap3A_1760], %select_n3A_1756 {strides = array<i32>} : memref<8x128xi32, #tpu.memory_space<vmem>>, vector<8x128xi32>,
    %mul3A_1762 = arith.constant 2000 : i32
    %mul3A_1763 = arith.muli %arg0, %mul3A_1762 : i32
    %add3A_1764 = arith.constant 68000 : i32
    %add3A_1765 = arith.addi %add3A_1764, %mul3A_1763 : i32
    %get3A_1766 = arith.constant 0 : index
    %get3A_1767 = arith.constant 0 : index
    %get3A_1768 = vector.load %arg2[%get3A_1766, %get3A_1767] : memref<2000x128xf32, #tpu.memory_space<vmem>>, vector<2000x128xf32>
    %get3A_1769 = arith.constant 0 : index
    %get3A_1770 = arith.constant 0 : index
    %get3A_1771 = vector.load %arg7[%get3A_1769, %get3A_1770] : memref<8x128xf32, #tpu.memory_space<vmem>>, vector<8x128xf32>
    %get3A_1772 = arith.constant 0 : index
    %get3A_1773 = arith.constant 0 : index
    %get3A_1774 = vector.load %arg8[%get3A_1772, %get3A_1773] : memref<8x128xi32, #tpu.memory_space<vmem>>, vector<8x128xi32>
    %slice3A_1775 = vector.extract_strided_slice %get3A_1768 {offsets = [0, 0], sizes = [8, 128], strides = [1, 1]} : vector<2000x128xf32> to vector<8x128xf32>
    %gt3A_1776 = arith.cmpf ogt, %slice3A_1775, %get3A_1771 : vector<8x128xf32>
    %max3A_1777 = arith.maximumf %get3A_1771, %slice3A_1775 : vector<8x128xf32>
    %add3A_1778 = arith.constant 0 : i32
    %add3A_1779 = arith.addi %add3A_1765, %add3A_1778 : i32
    %broadcast_in_dim3A_1780 = vector.broadcast %add3A_1779 : i32 to vector<8x128xi32>
    %select_n3A_1781 = arith.select %gt3A_1776, %broadcast_in_dim3A_1780, %get3A_1774 : vector<8x128xi1>, vector<8x128xi32>
    %slice3A_1782 = vector.extract_strided_slice %get3A_1768 {offsets = [8, 0], sizes = [8, 128], strides = [1, 1]} : vector<2000x128xf32> to vector<8x128xf32>
    %gt3A_1783 = arith.cmpf ogt, %slice3A_1782, %max3A_1777 : vector<8x128xf32>
    %max3A_1784 = arith.maximumf %max3A_1777, %slice3A_1782 : vector<8x128xf32>
    %add3A_1785 = arith.constant 8 : i32
    %add3A_1786 = arith.addi %add3A_1765, %add3A_1785 : i32
    %broadcast_in_dim3A_1787 = vector.broadcast %add3A_1786 : i32 to vector<8x128xi32>
    %select_n3A_1788 = arith.select %gt3A_1783, %broadcast_in_dim3A_1787, %select_n3A_1781 : vector<8x128xi1>, vector<8x128xi32>
    %slice3A_1789 = vector.extract_strided_slice %get3A_1768 {offsets = [16, 0], sizes = [8, 128], strides = [1, 1]} : vector<2000x128xf32> to vector<8x128xf32>
    %gt3A_1790 = arith.cmpf ogt, %slice3A_1789, %max3A_1784 : vector<8x128xf32>
    %max3A_1791 = arith.maximumf %max3A_1784, %slice3A_1789 : vector<8x128xf32>
    %add3A_1792 = arith.constant 16 : i32
    %add3A_1793 = arith.addi %add3A_1765, %add3A_1792 : i32
    %broadcast_in_dim3A_1794 = vector.broadcast %add3A_1793 : i32 to vector<8x128xi32>
    %select_n3A_1795 = arith.select %gt3A_1790, %broadcast_in_dim3A_1794, %select_n3A_1788 : vector<8x128xi1>, vector<8x128xi32>
    %slice3A_1796 = vector.extract_strided_slice %get3A_1768 {offsets = [24, 0], sizes = [8, 128], strides = [1, 1]} : vector<2000x128xf32> to vector<8x128xf32>
    %gt3A_1797 = arith.cmpf ogt, %slice3A_1796, %max3A_1791 : vector<8x128xf32>
    %max3A_1798 = arith.maximumf %max3A_1791, %slice3A_1796 : vector<8x128xf32>
    %add3A_1799 = arith.constant 24 : i32
    %add3A_1800 = arith.addi %add3A_1765, %add3A_1799 : i32
    %broadcast_in_dim3A_1801 = vector.broadcast %add3A_1800 : i32 to vector<8x128xi32>
    %select_n3A_1802 = arith.select %gt3A_1797, %broadcast_in_dim3A_1801, %select_n3A_1795 : vector<8x128xi1>, vector<8x128xi32>
    %slice3A_1803 = vector.extract_strided_slice %get3A_1768 {offsets = [32, 0], sizes = [8, 128], strides = [1, 1]} : vector<2000x128xf32> to vector<8x128xf32>
    %gt3A_1804 = arith.cmpf ogt, %slice3A_1803, %max3A_1798 : vector<8x128xf32>
    %max3A_1805 = arith.maximumf %max3A_1798, %slice3A_1803 : vector<8x128xf32>
    %add3A_1806 = arith.constant 32 : i32
    %add3A_1807 = arith.addi %add3A_1765, %add3A_1806 : i32
    %broadcast_in_dim3A_1808 = vector.broadcast %add3A_1807 : i32 to vector<8x128xi32>
    %select_n3A_1809 = arith.select %gt3A_1804, %broadcast_in_dim3A_1808, %select_n3A_1802 : vector<8x128xi1>, vector<8x128xi32>
    %slice3A_1810 = vector.extract_strided_slice %get3A_1768 {offsets = [40, 0], sizes = [8, 128], strides = [1, 1]} : vector<2000x128xf32> to vector<8x128xf32>
    %gt3A_1811 = arith.cmpf ogt, %slice3A_1810, %max3A_1805 : vector<8x128xf32>
    %max3A_1812 = arith.maximumf %max3A_1805, %slice3A_1810 : vector<8x128xf32>
    %add3A_1813 = arith.constant 40 : i32
    %add3A_1814 = arith.addi %add3A_1765, %add3A_1813 : i32
    %broadcast_in_dim3A_1815 = vector.broadcast %add3A_1814 : i32 to vector<8x128xi32>
    %select_n3A_1816 = arith.select %gt3A_1811, %broadcast_in_dim3A_1815, %select_n3A_1809 : vector<8x128xi1>, vector<8x128xi32>
    %slice3A_1817 = vector.extract_strided_slice %get3A_1768 {offsets = [48, 0], sizes = [8, 128], strides = [1, 1]} : vector<2000x128xf32> to vector<8x128xf32>
    %gt3A_1818 = arith.cmpf ogt, %slice3A_1817, %max3A_1812 : vector<8x128xf32>
    %max3A_1819 = arith.maximumf %max3A_1812, %slice3A_1817 : vector<8x128xf32>
    %add3A_1820 = arith.constant 48 : i32
    %add3A_1821 = arith.addi %add3A_1765, %add3A_1820 : i32
    %broadcast_in_dim3A_1822 = vector.broadcast %add3A_1821 : i32 to vector<8x128xi32>
    %select_n3A_1823 = arith.select %gt3A_1818, %broadcast_in_dim3A_1822, %select_n3A_1816 : vector<8x128xi1>, vector<8x128xi32>
    %slice3A_1824 = vector.extract_strided_slice %get3A_1768 {offsets = [56, 0], sizes = [8, 128], strides = [1, 1]} : vector<2000x128xf32> to vector<8x128xf32>
    %gt3A_1825 = arith.cmpf ogt, %slice3A_1824, %max3A_1819 : vector<8x128xf32>
    %max3A_1826 = arith.maximumf %max3A_1819, %slice3A_1824 : vector<8x128xf32>
    %add3A_1827 = arith.constant 56 : i32
    %add3A_1828 = arith.addi %add3A_1765, %add3A_1827 : i32
    %broadcast_in_dim3A_1829 = vector.broadcast %add3A_1828 : i32 to vector<8x128xi32>
    %select_n3A_1830 = arith.select %gt3A_1825, %broadcast_in_dim3A_1829, %select_n3A_1823 : vector<8x128xi1>, vector<8x128xi32>
    %slice3A_1831 = vector.extract_strided_slice %get3A_1768 {offsets = [64, 0], sizes = [8, 128], strides = [1, 1]} : vector<2000x128xf32> to vector<8x128xf32>
    %gt3A_1832 = arith.cmpf ogt, %slice3A_1831, %max3A_1826 : vector<8x128xf32>
    %max3A_1833 = arith.maximumf %max3A_1826, %slice3A_1831 : vector<8x128xf32>
    %add3A_1834 = arith.constant 64 : i32
    %add3A_1835 = arith.addi %add3A_1765, %add3A_1834 : i32
    %broadcast_in_dim3A_1836 = vector.broadcast %add3A_1835 : i32 to vector<8x128xi32>
    %select_n3A_1837 = arith.select %gt3A_1832, %broadcast_in_dim3A_1836, %select_n3A_1830 : vector<8x128xi1>, vector<8x128xi32>
    %slice3A_1838 = vector.extract_strided_slice %get3A_1768 {offsets = [72, 0], sizes = [8, 128], strides = [1, 1]} : vector<2000x128xf32> to vector<8x128xf32>
    %gt3A_1839 = arith.cmpf ogt, %slice3A_1838, %max3A_1833 : vector<8x128xf32>
    %max3A_1840 = arith.maximumf %max3A_1833, %slice3A_1838 : vector<8x128xf32>
    %add3A_1841 = arith.constant 72 : i32
    %add3A_1842 = arith.addi %add3A_1765, %add3A_1841 : i32
    %broadcast_in_dim3A_1843 = vector.broadcast %add3A_1842 : i32 to vector<8x128xi32>
    %select_n3A_1844 = arith.select %gt3A_1839, %broadcast_in_dim3A_1843, %select_n3A_1837 : vector<8x128xi1>, vector<8x128xi32>
    %slice3A_1845 = vector.extract_strided_slice %get3A_1768 {offsets = [80, 0], sizes = [8, 128], strides = [1, 1]} : vector<2000x128xf32> to vector<8x128xf32>
    %gt3A_1846 = arith.cmpf ogt, %slice3A_1845, %max3A_1840 : vector<8x128xf32>
    %max3A_1847 = arith.maximumf %max3A_1840, %slice3A_1845 : vector<8x128xf32>
    %add3A_1848 = arith.constant 80 : i32
    %add3A_1849 = arith.addi %add3A_1765, %add3A_1848 : i32
    %broadcast_in_dim3A_1850 = vector.broadcast %add3A_1849 : i32 to vector<8x128xi32>
    %select_n3A_1851 = arith.select %gt3A_1846, %broadcast_in_dim3A_1850, %select_n3A_1844 : vector<8x128xi1>, vector<8x128xi32>
    %slice3A_1852 = vector.extract_strided_slice %get3A_1768 {offsets = [88, 0], sizes = [8, 128], strides = [1, 1]} : vector<2000x128xf32> to vector<8x128xf32>
    %gt3A_1853 = arith.cmpf ogt, %slice3A_1852, %max3A_1847 : vector<8x128xf32>
    %max3A_1854 = arith.maximumf %max3A_1847, %slice3A_1852 : vector<8x128xf32>
    %add3A_1855 = arith.constant 88 : i32
    %add3A_1856 = arith.addi %add3A_1765, %add3A_1855 : i32
    %broadcast_in_dim3A_1857 = vector.broadcast %add3A_1856 : i32 to vector<8x128xi32>
    %select_n3A_1858 = arith.select %gt3A_1853, %broadcast_in_dim3A_1857, %select_n3A_1851 : vector<8x128xi1>, vector<8x128xi32>
    %slice3A_1859 = vector.extract_strided_slice %get3A_1768 {offsets = [96, 0], sizes = [8, 128], strides = [1, 1]} : vector<2000x128xf32> to vector<8x128xf32>
    %gt3A_1860 = arith.cmpf ogt, %slice3A_1859, %max3A_1854 : vector<8x128xf32>
    %max3A_1861 = arith.maximumf %max3A_1854, %slice3A_1859 : vector<8x128xf32>
    %add3A_1862 = arith.constant 96 : i32
    %add3A_1863 = arith.addi %add3A_1765, %add3A_1862 : i32
    %broadcast_in_dim3A_1864 = vector.broadcast %add3A_1863 : i32 to vector<8x128xi32>
    %select_n3A_1865 = arith.select %gt3A_1860, %broadcast_in_dim3A_1864, %select_n3A_1858 : vector<8x128xi1>, vector<8x128xi32>
    %slice3A_1866 = vector.extract_strided_slice %get3A_1768 {offsets = [104, 0], sizes = [8, 128], strides = [1, 1]} : vector<2000x128xf32> to vector<8x128xf32>
    %gt3A_1867 = arith.cmpf ogt, %slice3A_1866, %max3A_1861 : vector<8x128xf32>
    %max3A_1868 = arith.maximumf %max3A_1861, %slice3A_1866 : vector<8x128xf32>
    %add3A_1869 = arith.constant 104 : i32
    %add3A_1870 = arith.addi %add3A_1765, %add3A_1869 : i32
    %broadcast_in_dim3A_1871 = vector.broadcast %add3A_1870 : i32 to vector<8x128xi32>
    %select_n3A_1872 = arith.select %gt3A_1867, %broadcast_in_dim3A_1871, %select_n3A_1865 : vector<8x128xi1>, vector<8x128xi32>
    %slice3A_1873 = vector.extract_strided_slice %get3A_1768 {offsets = [112, 0], sizes = [8, 128], strides = [1, 1]} : vector<2000x128xf32> to vector<8x128xf32>
    %gt3A_1874 = arith.cmpf ogt, %slice3A_1873, %max3A_1868 : vector<8x128xf32>
    %max3A_1875 = arith.maximumf %max3A_1868, %slice3A_1873 : vector<8x128xf32>
    %add3A_1876 = arith.constant 112 : i32
    %add3A_1877 = arith.addi %add3A_1765, %add3A_1876 : i32
    %broadcast_in_dim3A_1878 = vector.broadcast %add3A_1877 : i32 to vector<8x128xi32>
    %select_n3A_1879 = arith.select %gt3A_1874, %broadcast_in_dim3A_1878, %select_n3A_1872 : vector<8x128xi1>, vector<8x128xi32>
    %slice3A_1880 = vector.extract_strided_slice %get3A_1768 {offsets = [120, 0], sizes = [8, 128], strides = [1, 1]} : vector<2000x128xf32> to vector<8x128xf32>
    %gt3A_1881 = arith.cmpf ogt, %slice3A_1880, %max3A_1875 : vector<8x128xf32>
    %max3A_1882 = arith.maximumf %max3A_1875, %slice3A_1880 : vector<8x128xf32>
    %add3A_1883 = arith.constant 120 : i32
    %add3A_1884 = arith.addi %add3A_1765, %add3A_1883 : i32
    %broadcast_in_dim3A_1885 = vector.broadcast %add3A_1884 : i32 to vector<8x128xi32>
    %select_n3A_1886 = arith.select %gt3A_1881, %broadcast_in_dim3A_1885, %select_n3A_1879 : vector<8x128xi1>, vector<8x128xi32>
    %slice3A_1887 = vector.extract_strided_slice %get3A_1768 {offsets = [128, 0], sizes = [8, 128], strides = [1, 1]} : vector<2000x128xf32> to vector<8x128xf32>
    %gt3A_1888 = arith.cmpf ogt, %slice3A_1887, %max3A_1882 : vector<8x128xf32>
    %max3A_1889 = arith.maximumf %max3A_1882, %slice3A_1887 : vector<8x128xf32>
    %add3A_1890 = arith.constant 128 : i32
    %add3A_1891 = arith.addi %add3A_1765, %add3A_1890 : i32
    %broadcast_in_dim3A_1892 = vector.broadcast %add3A_1891 : i32 to vector<8x128xi32>
    %select_n3A_1893 = arith.select %gt3A_1888, %broadcast_in_dim3A_1892, %select_n3A_1886 : vector<8x128xi1>, vector<8x128xi32>
    %slice3A_1894 = vector.extract_strided_slice %get3A_1768 {offsets = [136, 0], sizes = [8, 128], strides = [1, 1]} : vector<2000x128xf32> to vector<8x128xf32>
    %gt3A_1895 = arith.cmpf ogt, %slice3A_1894, %max3A_1889 : vector<8x128xf32>
    %max3A_1896 = arith.maximumf %max3A_1889, %slice3A_1894 : vector<8x128xf32>
    %add3A_1897 = arith.constant 136 : i32
    %add3A_1898 = arith.addi %add3A_1765, %add3A_1897 : i32
    %broadcast_in_dim3A_1899 = vector.broadcast %add3A_1898 : i32 to vector<8x128xi32>
    %select_n3A_1900 = arith.select %gt3A_1895, %broadcast_in_dim3A_1899, %select_n3A_1893 : vector<8x128xi1>, vector<8x128xi32>
    %slice3A_1901 = vector.extract_strided_slice %get3A_1768 {offsets = [144, 0], sizes = [8, 128], strides = [1, 1]} : vector<2000x128xf32> to vector<8x128xf32>
    %gt3A_1902 = arith.cmpf ogt, %slice3A_1901, %max3A_1896 : vector<8x128xf32>
    %max3A_1903 = arith.maximumf %max3A_1896, %slice3A_1901 : vector<8x128xf32>
    %add3A_1904 = arith.constant 144 : i32
    %add3A_1905 = arith.addi %add3A_1765, %add3A_1904 : i32
    %broadcast_in_dim3A_1906 = vector.broadcast %add3A_1905 : i32 to vector<8x128xi32>
    %select_n3A_1907 = arith.select %gt3A_1902, %broadcast_in_dim3A_1906, %select_n3A_1900 : vector<8x128xi1>, vector<8x128xi32>
    %slice3A_1908 = vector.extract_strided_slice %get3A_1768 {offsets = [152, 0], sizes = [8, 128], strides = [1, 1]} : vector<2000x128xf32> to vector<8x128xf32>
    %gt3A_1909 = arith.cmpf ogt, %slice3A_1908, %max3A_1903 : vector<8x128xf32>
    %max3A_1910 = arith.maximumf %max3A_1903, %slice3A_1908 : vector<8x128xf32>
    %add3A_1911 = arith.constant 152 : i32
    %add3A_1912 = arith.addi %add3A_1765, %add3A_1911 : i32
    %broadcast_in_dim3A_1913 = vector.broadcast %add3A_1912 : i32 to vector<8x128xi32>
    %select_n3A_1914 = arith.select %gt3A_1909, %broadcast_in_dim3A_1913, %select_n3A_1907 : vector<8x128xi1>, vector<8x128xi32>
    %slice3A_1915 = vector.extract_strided_slice %get3A_1768 {offsets = [160, 0], sizes = [8, 128], strides = [1, 1]} : vector<2000x128xf32> to vector<8x128xf32>
    %gt3A_1916 = arith.cmpf ogt, %slice3A_1915, %max3A_1910 : vector<8x128xf32>
    %max3A_1917 = arith.maximumf %max3A_1910, %slice3A_1915 : vector<8x128xf32>
    %add3A_1918 = arith.constant 160 : i32
    %add3A_1919 = arith.addi %add3A_1765, %add3A_1918 : i32
    %broadcast_in_dim3A_1920 = vector.broadcast %add3A_1919 : i32 to vector<8x128xi32>
    %select_n3A_1921 = arith.select %gt3A_1916, %broadcast_in_dim3A_1920, %select_n3A_1914 : vector<8x128xi1>, vector<8x128xi32>
    %slice3A_1922 = vector.extract_strided_slice %get3A_1768 {offsets = [168, 0], sizes = [8, 128], strides = [1, 1]} : vector<2000x128xf32> to vector<8x128xf32>
    %gt3A_1923 = arith.cmpf ogt, %slice3A_1922, %max3A_1917 : vector<8x128xf32>
    %max3A_1924 = arith.maximumf %max3A_1917, %slice3A_1922 : vector<8x128xf32>
    %add3A_1925 = arith.constant 168 : i32
    %add3A_1926 = arith.addi %add3A_1765, %add3A_1925 : i32
    %broadcast_in_dim3A_1927 = vector.broadcast %add3A_1926 : i32 to vector<8x128xi32>
    %select_n3A_1928 = arith.select %gt3A_1923, %broadcast_in_dim3A_1927, %select_n3A_1921 : vector<8x128xi1>, vector<8x128xi32>
    %slice3A_1929 = vector.extract_strided_slice %get3A_1768 {offsets = [176, 0], sizes = [8, 128], strides = [1, 1]} : vector<2000x128xf32> to vector<8x128xf32>
    %gt3A_1930 = arith.cmpf ogt, %slice3A_1929, %max3A_1924 : vector<8x128xf32>
    %max3A_1931 = arith.maximumf %max3A_1924, %slice3A_1929 : vector<8x128xf32>
    %add3A_1932 = arith.constant 176 : i32
    %add3A_1933 = arith.addi %add3A_1765, %add3A_1932 : i32
    %broadcast_in_dim3A_1934 = vector.broadcast %add3A_1933 : i32 to vector<8x128xi32>
    %select_n3A_1935 = arith.select %gt3A_1930, %broadcast_in_dim3A_1934, %select_n3A_1928 : vector<8x128xi1>, vector<8x128xi32>
    %slice3A_1936 = vector.extract_strided_slice %get3A_1768 {offsets = [184, 0], sizes = [8, 128], strides = [1, 1]} : vector<2000x128xf32> to vector<8x128xf32>
    %gt3A_1937 = arith.cmpf ogt, %slice3A_1936, %max3A_1931 : vector<8x128xf32>
    %max3A_1938 = arith.maximumf %max3A_1931, %slice3A_1936 : vector<8x128xf32>
    %add3A_1939 = arith.constant 184 : i32
    %add3A_1940 = arith.addi %add3A_1765, %add3A_1939 : i32
    %broadcast_in_dim3A_1941 = vector.broadcast %add3A_1940 : i32 to vector<8x128xi32>
    %select_n3A_1942 = arith.select %gt3A_1937, %broadcast_in_dim3A_1941, %select_n3A_1935 : vector<8x128xi1>, vector<8x128xi32>
    %slice3A_1943 = vector.extract_strided_slice %get3A_1768 {offsets = [192, 0], sizes = [8, 128], strides = [1, 1]} : vector<2000x128xf32> to vector<8x128xf32>
    %gt3A_1944 = arith.cmpf ogt, %slice3A_1943, %max3A_1938 : vector<8x128xf32>
    %max3A_1945 = arith.maximumf %max3A_1938, %slice3A_1943 : vector<8x128xf32>
    %add3A_1946 = arith.constant 192 : i32
    %add3A_1947 = arith.addi %add3A_1765, %add3A_1946 : i32
    %broadcast_in_dim3A_1948 = vector.broadcast %add3A_1947 : i32 to vector<8x128xi32>
    %select_n3A_1949 = arith.select %gt3A_1944, %broadcast_in_dim3A_1948, %select_n3A_1942 : vector<8x128xi1>, vector<8x128xi32>
    %slice3A_1950 = vector.extract_strided_slice %get3A_1768 {offsets = [200, 0], sizes = [8, 128], strides = [1, 1]} : vector<2000x128xf32> to vector<8x128xf32>
    %gt3A_1951 = arith.cmpf ogt, %slice3A_1950, %max3A_1945 : vector<8x128xf32>
    %max3A_1952 = arith.maximumf %max3A_1945, %slice3A_1950 : vector<8x128xf32>
    %add3A_1953 = arith.constant 200 : i32
    %add3A_1954 = arith.addi %add3A_1765, %add3A_1953 : i32
    %broadcast_in_dim3A_1955 = vector.broadcast %add3A_1954 : i32 to vector<8x128xi32>
    %select_n3A_1956 = arith.select %gt3A_1951, %broadcast_in_dim3A_1955, %select_n3A_1949 : vector<8x128xi1>, vector<8x128xi32>
    %slice3A_1957 = vector.extract_strided_slice %get3A_1768 {offsets = [208, 0], sizes = [8, 128], strides = [1, 1]} : vector<2000x128xf32> to vector<8x128xf32>
    %gt3A_1958 = arith.cmpf ogt, %slice3A_1957, %max3A_1952 : vector<8x128xf32>
    %max3A_1959 = arith.maximumf %max3A_1952, %slice3A_1957 : vector<8x128xf32>
    %add3A_1960 = arith.constant 208 : i32
    %add3A_1961 = arith.addi %add3A_1765, %add3A_1960 : i32
    %broadcast_in_dim3A_1962 = vector.broadcast %add3A_1961 : i32 to vector<8x128xi32>
    %select_n3A_1963 = arith.select %gt3A_1958, %broadcast_in_dim3A_1962, %select_n3A_1956 : vector<8x128xi1>, vector<8x128xi32>
    %slice3A_1964 = vector.extract_strided_slice %get3A_1768 {offsets = [216, 0], sizes = [8, 128], strides = [1, 1]} : vector<2000x128xf32> to vector<8x128xf32>
    %gt3A_1965 = arith.cmpf ogt, %slice3A_1964, %max3A_1959 : vector<8x128xf32>
    %max3A_1966 = arith.maximumf %max3A_1959, %slice3A_1964 : vector<8x128xf32>
    %add3A_1967 = arith.constant 216 : i32
    %add3A_1968 = arith.addi %add3A_1765, %add3A_1967 : i32
    %broadcast_in_dim3A_1969 = vector.broadcast %add3A_1968 : i32 to vector<8x128xi32>
    %select_n3A_1970 = arith.select %gt3A_1965, %broadcast_in_dim3A_1969, %select_n3A_1963 : vector<8x128xi1>, vector<8x128xi32>
    %slice3A_1971 = vector.extract_strided_slice %get3A_1768 {offsets = [224, 0], sizes = [8, 128], strides = [1, 1]} : vector<2000x128xf32> to vector<8x128xf32>
    %gt3A_1972 = arith.cmpf ogt, %slice3A_1971, %max3A_1966 : vector<8x128xf32>
    %max3A_1973 = arith.maximumf %max3A_1966, %slice3A_1971 : vector<8x128xf32>
    %add3A_1974 = arith.constant 224 : i32
    %add3A_1975 = arith.addi %add3A_1765, %add3A_1974 : i32
    %broadcast_in_dim3A_1976 = vector.broadcast %add3A_1975 : i32 to vector<8x128xi32>
    %select_n3A_1977 = arith.select %gt3A_1972, %broadcast_in_dim3A_1976, %select_n3A_1970 : vector<8x128xi1>, vector<8x128xi32>
    %slice3A_1978 = vector.extract_strided_slice %get3A_1768 {offsets = [232, 0], sizes = [8, 128], strides = [1, 1]} : vector<2000x128xf32> to vector<8x128xf32>
    %gt3A_1979 = arith.cmpf ogt, %slice3A_1978, %max3A_1973 : vector<8x128xf32>
    %max3A_1980 = arith.maximumf %max3A_1973, %slice3A_1978 : vector<8x128xf32>
    %add3A_1981 = arith.constant 232 : i32
    %add3A_1982 = arith.addi %add3A_1765, %add3A_1981 : i32
    %broadcast_in_dim3A_1983 = vector.broadcast %add3A_1982 : i32 to vector<8x128xi32>
    %select_n3A_1984 = arith.select %gt3A_1979, %broadcast_in_dim3A_1983, %select_n3A_1977 : vector<8x128xi1>, vector<8x128xi32>
    %slice3A_1985 = vector.extract_strided_slice %get3A_1768 {offsets = [240, 0], sizes = [8, 128], strides = [1, 1]} : vector<2000x128xf32> to vector<8x128xf32>
    %gt3A_1986 = arith.cmpf ogt, %slice3A_1985, %max3A_1980 : vector<8x128xf32>
    %max3A_1987 = arith.maximumf %max3A_1980, %slice3A_1985 : vector<8x128xf32>
    %add3A_1988 = arith.constant 240 : i32
    %add3A_1989 = arith.addi %add3A_1765, %add3A_1988 : i32
    %broadcast_in_dim3A_1990 = vector.broadcast %add3A_1989 : i32 to vector<8x128xi32>
    %select_n3A_1991 = arith.select %gt3A_1986, %broadcast_in_dim3A_1990, %select_n3A_1984 : vector<8x128xi1>, vector<8x128xi32>
    %slice3A_1992 = vector.extract_strided_slice %get3A_1768 {offsets = [248, 0], sizes = [8, 128], strides = [1, 1]} : vector<2000x128xf32> to vector<8x128xf32>
    %gt3A_1993 = arith.cmpf ogt, %slice3A_1992, %max3A_1987 : vector<8x128xf32>
    %max3A_1994 = arith.maximumf %max3A_1987, %slice3A_1992 : vector<8x128xf32>
    %add3A_1995 = arith.constant 248 : i32
    %add3A_1996 = arith.addi %add3A_1765, %add3A_1995 : i32
    %broadcast_in_dim3A_1997 = vector.broadcast %add3A_1996 : i32 to vector<8x128xi32>
    %select_n3A_1998 = arith.select %gt3A_1993, %broadcast_in_dim3A_1997, %select_n3A_1991 : vector<8x128xi1>, vector<8x128xi32>
    %slice3A_1999 = vector.extract_strided_slice %get3A_1768 {offsets = [256, 0], sizes = [8, 128], strides = [1, 1]} : vector<2000x128xf32> to vector<8x128xf32>
    %gt3A_2000 = arith.cmpf ogt, %slice3A_1999, %max3A_1994 : vector<8x128xf32>
    %max3A_2001 = arith.maximumf %max3A_1994, %slice3A_1999 : vector<8x128xf32>
    %add3A_2002 = arith.constant 256 : i32
    %add3A_2003 = arith.addi %add3A_1765, %add3A_2002 : i32
    %broadcast_in_dim3A_2004 = vector.broadcast %add3A_2003 : i32 to vector<8x128xi32>
    %select_n3A_2005 = arith.select %gt3A_2000, %broadcast_in_dim3A_2004, %select_n3A_1998 : vector<8x128xi1>, vector<8x128xi32>
    %slice3A_2006 = vector.extract_strided_slice %get3A_1768 {offsets = [264, 0], sizes = [8, 128], strides = [1, 1]} : vector<2000x128xf32> to vector<8x128xf32>
    %gt3A_2007 = arith.cmpf ogt, %slice3A_2006, %max3A_2001 : vector<8x128xf32>
    %max3A_2008 = arith.maximumf %max3A_2001, %slice3A_2006 : vector<8x128xf32>
    %add3A_2009 = arith.constant 264 : i32
    %add3A_2010 = arith.addi %add3A_1765, %add3A_2009 : i32
    %broadcast_in_dim3A_2011 = vector.broadcast %add3A_2010 : i32 to vector<8x128xi32>
    %select_n3A_2012 = arith.select %gt3A_2007, %broadcast_in_dim3A_2011, %select_n3A_2005 : vector<8x128xi1>, vector<8x128xi32>
    %slice3A_2013 = vector.extract_strided_slice %get3A_1768 {offsets = [272, 0], sizes = [8, 128], strides = [1, 1]} : vector<2000x128xf32> to vector<8x128xf32>
    %gt3A_2014 = arith.cmpf ogt, %slice3A_2013, %max3A_2008 : vector<8x128xf32>
    %max3A_2015 = arith.maximumf %max3A_2008, %slice3A_2013 : vector<8x128xf32>
    %add3A_2016 = arith.constant 272 : i32
    %add3A_2017 = arith.addi %add3A_1765, %add3A_2016 : i32
    %broadcast_in_dim3A_2018 = vector.broadcast %add3A_2017 : i32 to vector<8x128xi32>
    %select_n3A_2019 = arith.select %gt3A_2014, %broadcast_in_dim3A_2018, %select_n3A_2012 : vector<8x128xi1>, vector<8x128xi32>
    %slice3A_2020 = vector.extract_strided_slice %get3A_1768 {offsets = [280, 0], sizes = [8, 128], strides = [1, 1]} : vector<2000x128xf32> to vector<8x128xf32>
    %gt3A_2021 = arith.cmpf ogt, %slice3A_2020, %max3A_2015 : vector<8x128xf32>
    %max3A_2022 = arith.maximumf %max3A_2015, %slice3A_2020 : vector<8x128xf32>
    %add3A_2023 = arith.constant 280 : i32
    %add3A_2024 = arith.addi %add3A_1765, %add3A_2023 : i32
    %broadcast_in_dim3A_2025 = vector.broadcast %add3A_2024 : i32 to vector<8x128xi32>
    %select_n3A_2026 = arith.select %gt3A_2021, %broadcast_in_dim3A_2025, %select_n3A_2019 : vector<8x128xi1>, vector<8x128xi32>
    %slice3A_2027 = vector.extract_strided_slice %get3A_1768 {offsets = [288, 0], sizes = [8, 128], strides = [1, 1]} : vector<2000x128xf32> to vector<8x128xf32>
    %gt3A_2028 = arith.cmpf ogt, %slice3A_2027, %max3A_2022 : vector<8x128xf32>
    %max3A_2029 = arith.maximumf %max3A_2022, %slice3A_2027 : vector<8x128xf32>
    %add3A_2030 = arith.constant 288 : i32
    %add3A_2031 = arith.addi %add3A_1765, %add3A_2030 : i32
    %broadcast_in_dim3A_2032 = vector.broadcast %add3A_2031 : i32 to vector<8x128xi32>
    %select_n3A_2033 = arith.select %gt3A_2028, %broadcast_in_dim3A_2032, %select_n3A_2026 : vector<8x128xi1>, vector<8x128xi32>
    %slice3A_2034 = vector.extract_strided_slice %get3A_1768 {offsets = [296, 0], sizes = [8, 128], strides = [1, 1]} : vector<2000x128xf32> to vector<8x128xf32>
    %gt3A_2035 = arith.cmpf ogt, %slice3A_2034, %max3A_2029 : vector<8x128xf32>
    %max3A_2036 = arith.maximumf %max3A_2029, %slice3A_2034 : vector<8x128xf32>
    %add3A_2037 = arith.constant 296 : i32
    %add3A_2038 = arith.addi %add3A_1765, %add3A_2037 : i32
    %broadcast_in_dim3A_2039 = vector.broadcast %add3A_2038 : i32 to vector<8x128xi32>
    %select_n3A_2040 = arith.select %gt3A_2035, %broadcast_in_dim3A_2039, %select_n3A_2033 : vector<8x128xi1>, vector<8x128xi32>
    %slice3A_2041 = vector.extract_strided_slice %get3A_1768 {offsets = [304, 0], sizes = [8, 128], strides = [1, 1]} : vector<2000x128xf32> to vector<8x128xf32>
    %gt3A_2042 = arith.cmpf ogt, %slice3A_2041, %max3A_2036 : vector<8x128xf32>
    %max3A_2043 = arith.maximumf %max3A_2036, %slice3A_2041 : vector<8x128xf32>
    %add3A_2044 = arith.constant 304 : i32
    %add3A_2045 = arith.addi %add3A_1765, %add3A_2044 : i32
    %broadcast_in_dim3A_2046 = vector.broadcast %add3A_2045 : i32 to vector<8x128xi32>
    %select_n3A_2047 = arith.select %gt3A_2042, %broadcast_in_dim3A_2046, %select_n3A_2040 : vector<8x128xi1>, vector<8x128xi32>
    %slice3A_2048 = vector.extract_strided_slice %get3A_1768 {offsets = [312, 0], sizes = [8, 128], strides = [1, 1]} : vector<2000x128xf32> to vector<8x128xf32>
    %gt3A_2049 = arith.cmpf ogt, %slice3A_2048, %max3A_2043 : vector<8x128xf32>
    %max3A_2050 = arith.maximumf %max3A_2043, %slice3A_2048 : vector<8x128xf32>
    %add3A_2051 = arith.constant 312 : i32
    %add3A_2052 = arith.addi %add3A_1765, %add3A_2051 : i32
    %broadcast_in_dim3A_2053 = vector.broadcast %add3A_2052 : i32 to vector<8x128xi32>
    %select_n3A_2054 = arith.select %gt3A_2049, %broadcast_in_dim3A_2053, %select_n3A_2047 : vector<8x128xi1>, vector<8x128xi32>
    %slice3A_2055 = vector.extract_strided_slice %get3A_1768 {offsets = [320, 0], sizes = [8, 128], strides = [1, 1]} : vector<2000x128xf32> to vector<8x128xf32>
    %gt3A_2056 = arith.cmpf ogt, %slice3A_2055, %max3A_2050 : vector<8x128xf32>
    %max3A_2057 = arith.maximumf %max3A_2050, %slice3A_2055 : vector<8x128xf32>
    %add3A_2058 = arith.constant 320 : i32
    %add3A_2059 = arith.addi %add3A_1765, %add3A_2058 : i32
    %broadcast_in_dim3A_2060 = vector.broadcast %add3A_2059 : i32 to vector<8x128xi32>
    %select_n3A_2061 = arith.select %gt3A_2056, %broadcast_in_dim3A_2060, %select_n3A_2054 : vector<8x128xi1>, vector<8x128xi32>
    %slice3A_2062 = vector.extract_strided_slice %get3A_1768 {offsets = [328, 0], sizes = [8, 128], strides = [1, 1]} : vector<2000x128xf32> to vector<8x128xf32>
    %gt3A_2063 = arith.cmpf ogt, %slice3A_2062, %max3A_2057 : vector<8x128xf32>
    %max3A_2064 = arith.maximumf %max3A_2057, %slice3A_2062 : vector<8x128xf32>
    %add3A_2065 = arith.constant 328 : i32
    %add3A_2066 = arith.addi %add3A_1765, %add3A_2065 : i32
    %broadcast_in_dim3A_2067 = vector.broadcast %add3A_2066 : i32 to vector<8x128xi32>
    %select_n3A_2068 = arith.select %gt3A_2063, %broadcast_in_dim3A_2067, %select_n3A_2061 : vector<8x128xi1>, vector<8x128xi32>
    %slice3A_2069 = vector.extract_strided_slice %get3A_1768 {offsets = [336, 0], sizes = [8, 128], strides = [1, 1]} : vector<2000x128xf32> to vector<8x128xf32>
    %gt3A_2070 = arith.cmpf ogt, %slice3A_2069, %max3A_2064 : vector<8x128xf32>
    %max3A_2071 = arith.maximumf %max3A_2064, %slice3A_2069 : vector<8x128xf32>
    %add3A_2072 = arith.constant 336 : i32
    %add3A_2073 = arith.addi %add3A_1765, %add3A_2072 : i32
    %broadcast_in_dim3A_2074 = vector.broadcast %add3A_2073 : i32 to vector<8x128xi32>
    %select_n3A_2075 = arith.select %gt3A_2070, %broadcast_in_dim3A_2074, %select_n3A_2068 : vector<8x128xi1>, vector<8x128xi32>
    %slice3A_2076 = vector.extract_strided_slice %get3A_1768 {offsets = [344, 0], sizes = [8, 128], strides = [1, 1]} : vector<2000x128xf32> to vector<8x128xf32>
    %gt3A_2077 = arith.cmpf ogt, %slice3A_2076, %max3A_2071 : vector<8x128xf32>
    %max3A_2078 = arith.maximumf %max3A_2071, %slice3A_2076 : vector<8x128xf32>
    %add3A_2079 = arith.constant 344 : i32
    %add3A_2080 = arith.addi %add3A_1765, %add3A_2079 : i32
    %broadcast_in_dim3A_2081 = vector.broadcast %add3A_2080 : i32 to vector<8x128xi32>
    %select_n3A_2082 = arith.select %gt3A_2077, %broadcast_in_dim3A_2081, %select_n3A_2075 : vector<8x128xi1>, vector<8x128xi32>
    %slice3A_2083 = vector.extract_strided_slice %get3A_1768 {offsets = [352, 0], sizes = [8, 128], strides = [1, 1]} : vector<2000x128xf32> to vector<8x128xf32>
    %gt3A_2084 = arith.cmpf ogt, %slice3A_2083, %max3A_2078 : vector<8x128xf32>
    %max3A_2085 = arith.maximumf %max3A_2078, %slice3A_2083 : vector<8x128xf32>
    %add3A_2086 = arith.constant 352 : i32
    %add3A_2087 = arith.addi %add3A_1765, %add3A_2086 : i32
    %broadcast_in_dim3A_2088 = vector.broadcast %add3A_2087 : i32 to vector<8x128xi32>
    %select_n3A_2089 = arith.select %gt3A_2084, %broadcast_in_dim3A_2088, %select_n3A_2082 : vector<8x128xi1>, vector<8x128xi32>
    %slice3A_2090 = vector.extract_strided_slice %get3A_1768 {offsets = [360, 0], sizes = [8, 128], strides = [1, 1]} : vector<2000x128xf32> to vector<8x128xf32>
    %gt3A_2091 = arith.cmpf ogt, %slice3A_2090, %max3A_2085 : vector<8x128xf32>
    %max3A_2092 = arith.maximumf %max3A_2085, %slice3A_2090 : vector<8x128xf32>
    %add3A_2093 = arith.constant 360 : i32
    %add3A_2094 = arith.addi %add3A_1765, %add3A_2093 : i32
    %broadcast_in_dim3A_2095 = vector.broadcast %add3A_2094 : i32 to vector<8x128xi32>
    %select_n3A_2096 = arith.select %gt3A_2091, %broadcast_in_dim3A_2095, %select_n3A_2089 : vector<8x128xi1>, vector<8x128xi32>
    %slice3A_2097 = vector.extract_strided_slice %get3A_1768 {offsets = [368, 0], sizes = [8, 128], strides = [1, 1]} : vector<2000x128xf32> to vector<8x128xf32>
    %gt3A_2098 = arith.cmpf ogt, %slice3A_2097, %max3A_2092 : vector<8x128xf32>
    %max3A_2099 = arith.maximumf %max3A_2092, %slice3A_2097 : vector<8x128xf32>
    %add3A_2100 = arith.constant 368 : i32
    %add3A_2101 = arith.addi %add3A_1765, %add3A_2100 : i32
    %broadcast_in_dim3A_2102 = vector.broadcast %add3A_2101 : i32 to vector<8x128xi32>
    %select_n3A_2103 = arith.select %gt3A_2098, %broadcast_in_dim3A_2102, %select_n3A_2096 : vector<8x128xi1>, vector<8x128xi32>
    %slice3A_2104 = vector.extract_strided_slice %get3A_1768 {offsets = [376, 0], sizes = [8, 128], strides = [1, 1]} : vector<2000x128xf32> to vector<8x128xf32>
    %gt3A_2105 = arith.cmpf ogt, %slice3A_2104, %max3A_2099 : vector<8x128xf32>
    %max3A_2106 = arith.maximumf %max3A_2099, %slice3A_2104 : vector<8x128xf32>
    %add3A_2107 = arith.constant 376 : i32
    %add3A_2108 = arith.addi %add3A_1765, %add3A_2107 : i32
    %broadcast_in_dim3A_2109 = vector.broadcast %add3A_2108 : i32 to vector<8x128xi32>
    %select_n3A_2110 = arith.select %gt3A_2105, %broadcast_in_dim3A_2109, %select_n3A_2103 : vector<8x128xi1>, vector<8x128xi32>
    %slice3A_2111 = vector.extract_strided_slice %get3A_1768 {offsets = [384, 0], sizes = [8, 128], strides = [1, 1]} : vector<2000x128xf32> to vector<8x128xf32>
    %gt3A_2112 = arith.cmpf ogt, %slice3A_2111, %max3A_2106 : vector<8x128xf32>
    %max3A_2113 = arith.maximumf %max3A_2106, %slice3A_2111 : vector<8x128xf32>
    %add3A_2114 = arith.constant 384 : i32
    %add3A_2115 = arith.addi %add3A_1765, %add3A_2114 : i32
    %broadcast_in_dim3A_2116 = vector.broadcast %add3A_2115 : i32 to vector<8x128xi32>
    %select_n3A_2117 = arith.select %gt3A_2112, %broadcast_in_dim3A_2116, %select_n3A_2110 : vector<8x128xi1>, vector<8x128xi32>
    %slice3A_2118 = vector.extract_strided_slice %get3A_1768 {offsets = [392, 0], sizes = [8, 128], strides = [1, 1]} : vector<2000x128xf32> to vector<8x128xf32>
    %gt3A_2119 = arith.cmpf ogt, %slice3A_2118, %max3A_2113 : vector<8x128xf32>
    %max3A_2120 = arith.maximumf %max3A_2113, %slice3A_2118 : vector<8x128xf32>
    %add3A_2121 = arith.constant 392 : i32
    %add3A_2122 = arith.addi %add3A_1765, %add3A_2121 : i32
    %broadcast_in_dim3A_2123 = vector.broadcast %add3A_2122 : i32 to vector<8x128xi32>
    %select_n3A_2124 = arith.select %gt3A_2119, %broadcast_in_dim3A_2123, %select_n3A_2117 : vector<8x128xi1>, vector<8x128xi32>
    %slice3A_2125 = vector.extract_strided_slice %get3A_1768 {offsets = [400, 0], sizes = [8, 128], strides = [1, 1]} : vector<2000x128xf32> to vector<8x128xf32>
    %gt3A_2126 = arith.cmpf ogt, %slice3A_2125, %max3A_2120 : vector<8x128xf32>
    %max3A_2127 = arith.maximumf %max3A_2120, %slice3A_2125 : vector<8x128xf32>
    %add3A_2128 = arith.constant 400 : i32
    %add3A_2129 = arith.addi %add3A_1765, %add3A_2128 : i32
    %broadcast_in_dim3A_2130 = vector.broadcast %add3A_2129 : i32 to vector<8x128xi32>
    %select_n3A_2131 = arith.select %gt3A_2126, %broadcast_in_dim3A_2130, %select_n3A_2124 : vector<8x128xi1>, vector<8x128xi32>
    %slice3A_2132 = vector.extract_strided_slice %get3A_1768 {offsets = [408, 0], sizes = [8, 128], strides = [1, 1]} : vector<2000x128xf32> to vector<8x128xf32>
    %gt3A_2133 = arith.cmpf ogt, %slice3A_2132, %max3A_2127 : vector<8x128xf32>
    %max3A_2134 = arith.maximumf %max3A_2127, %slice3A_2132 : vector<8x128xf32>
    %add3A_2135 = arith.constant 408 : i32
    %add3A_2136 = arith.addi %add3A_1765, %add3A_2135 : i32
    %broadcast_in_dim3A_2137 = vector.broadcast %add3A_2136 : i32 to vector<8x128xi32>
    %select_n3A_2138 = arith.select %gt3A_2133, %broadcast_in_dim3A_2137, %select_n3A_2131 : vector<8x128xi1>, vector<8x128xi32>
    %slice3A_2139 = vector.extract_strided_slice %get3A_1768 {offsets = [416, 0], sizes = [8, 128], strides = [1, 1]} : vector<2000x128xf32> to vector<8x128xf32>
    %gt3A_2140 = arith.cmpf ogt, %slice3A_2139, %max3A_2134 : vector<8x128xf32>
    %max3A_2141 = arith.maximumf %max3A_2134, %slice3A_2139 : vector<8x128xf32>
    %add3A_2142 = arith.constant 416 : i32
    %add3A_2143 = arith.addi %add3A_1765, %add3A_2142 : i32
    %broadcast_in_dim3A_2144 = vector.broadcast %add3A_2143 : i32 to vector<8x128xi32>
    %select_n3A_2145 = arith.select %gt3A_2140, %broadcast_in_dim3A_2144, %select_n3A_2138 : vector<8x128xi1>, vector<8x128xi32>
    %slice3A_2146 = vector.extract_strided_slice %get3A_1768 {offsets = [424, 0], sizes = [8, 128], strides = [1, 1]} : vector<2000x128xf32> to vector<8x128xf32>
    %gt3A_2147 = arith.cmpf ogt, %slice3A_2146, %max3A_2141 : vector<8x128xf32>
    %max3A_2148 = arith.maximumf %max3A_2141, %slice3A_2146 : vector<8x128xf32>
    %add3A_2149 = arith.constant 424 : i32
    %add3A_2150 = arith.addi %add3A_1765, %add3A_2149 : i32
    %broadcast_in_dim3A_2151 = vector.broadcast %add3A_2150 : i32 to vector<8x128xi32>
    %select_n3A_2152 = arith.select %gt3A_2147, %broadcast_in_dim3A_2151, %select_n3A_2145 : vector<8x128xi1>, vector<8x128xi32>
    %slice3A_2153 = vector.extract_strided_slice %get3A_1768 {offsets = [432, 0], sizes = [8, 128], strides = [1, 1]} : vector<2000x128xf32> to vector<8x128xf32>
    %gt3A_2154 = arith.cmpf ogt, %slice3A_2153, %max3A_2148 : vector<8x128xf32>
    %max3A_2155 = arith.maximumf %max3A_2148, %slice3A_2153 : vector<8x128xf32>
    %add3A_2156 = arith.constant 432 : i32
    %add3A_2157 = arith.addi %add3A_1765, %add3A_2156 : i32
    %broadcast_in_dim3A_2158 = vector.broadcast %add3A_2157 : i32 to vector<8x128xi32>
    %select_n3A_2159 = arith.select %gt3A_2154, %broadcast_in_dim3A_2158, %select_n3A_2152 : vector<8x128xi1>, vector<8x128xi32>
    %slice3A_2160 = vector.extract_strided_slice %get3A_1768 {offsets = [440, 0], sizes = [8, 128], strides = [1, 1]} : vector<2000x128xf32> to vector<8x128xf32>
    %gt3A_2161 = arith.cmpf ogt, %slice3A_2160, %max3A_2155 : vector<8x128xf32>
    %max3A_2162 = arith.maximumf %max3A_2155, %slice3A_2160 : vector<8x128xf32>
    %add3A_2163 = arith.constant 440 : i32
    %add3A_2164 = arith.addi %add3A_1765, %add3A_2163 : i32
    %broadcast_in_dim3A_2165 = vector.broadcast %add3A_2164 : i32 to vector<8x128xi32>
    %select_n3A_2166 = arith.select %gt3A_2161, %broadcast_in_dim3A_2165, %select_n3A_2159 : vector<8x128xi1>, vector<8x128xi32>
    %slice3A_2167 = vector.extract_strided_slice %get3A_1768 {offsets = [448, 0], sizes = [8, 128], strides = [1, 1]} : vector<2000x128xf32> to vector<8x128xf32>
    %gt3A_2168 = arith.cmpf ogt, %slice3A_2167, %max3A_2162 : vector<8x128xf32>
    %max3A_2169 = arith.maximumf %max3A_2162, %slice3A_2167 : vector<8x128xf32>
    %add3A_2170 = arith.constant 448 : i32
    %add3A_2171 = arith.addi %add3A_1765, %add3A_2170 : i32
    %broadcast_in_dim3A_2172 = vector.broadcast %add3A_2171 : i32 to vector<8x128xi32>
    %select_n3A_2173 = arith.select %gt3A_2168, %broadcast_in_dim3A_2172, %select_n3A_2166 : vector<8x128xi1>, vector<8x128xi32>
    %slice3A_2174 = vector.extract_strided_slice %get3A_1768 {offsets = [456, 0], sizes = [8, 128], strides = [1, 1]} : vector<2000x128xf32> to vector<8x128xf32>
    %gt3A_2175 = arith.cmpf ogt, %slice3A_2174, %max3A_2169 : vector<8x128xf32>
    %max3A_2176 = arith.maximumf %max3A_2169, %slice3A_2174 : vector<8x128xf32>
    %add3A_2177 = arith.constant 456 : i32
    %add3A_2178 = arith.addi %add3A_1765, %add3A_2177 : i32
    %broadcast_in_dim3A_2179 = vector.broadcast %add3A_2178 : i32 to vector<8x128xi32>
    %select_n3A_2180 = arith.select %gt3A_2175, %broadcast_in_dim3A_2179, %select_n3A_2173 : vector<8x128xi1>, vector<8x128xi32>
    %slice3A_2181 = vector.extract_strided_slice %get3A_1768 {offsets = [464, 0], sizes = [8, 128], strides = [1, 1]} : vector<2000x128xf32> to vector<8x128xf32>
    %gt3A_2182 = arith.cmpf ogt, %slice3A_2181, %max3A_2176 : vector<8x128xf32>
    %max3A_2183 = arith.maximumf %max3A_2176, %slice3A_2181 : vector<8x128xf32>
    %add3A_2184 = arith.constant 464 : i32
    %add3A_2185 = arith.addi %add3A_1765, %add3A_2184 : i32
    %broadcast_in_dim3A_2186 = vector.broadcast %add3A_2185 : i32 to vector<8x128xi32>
    %select_n3A_2187 = arith.select %gt3A_2182, %broadcast_in_dim3A_2186, %select_n3A_2180 : vector<8x128xi1>, vector<8x128xi32>
    %slice3A_2188 = vector.extract_strided_slice %get3A_1768 {offsets = [472, 0], sizes = [8, 128], strides = [1, 1]} : vector<2000x128xf32> to vector<8x128xf32>
    %gt3A_2189 = arith.cmpf ogt, %slice3A_2188, %max3A_2183 : vector<8x128xf32>
    %max3A_2190 = arith.maximumf %max3A_2183, %slice3A_2188 : vector<8x128xf32>
    %add3A_2191 = arith.constant 472 : i32
    %add3A_2192 = arith.addi %add3A_1765, %add3A_2191 : i32
    %broadcast_in_dim3A_2193 = vector.broadcast %add3A_2192 : i32 to vector<8x128xi32>
    %select_n3A_2194 = arith.select %gt3A_2189, %broadcast_in_dim3A_2193, %select_n3A_2187 : vector<8x128xi1>, vector<8x128xi32>
    %slice3A_2195 = vector.extract_strided_slice %get3A_1768 {offsets = [480, 0], sizes = [8, 128], strides = [1, 1]} : vector<2000x128xf32> to vector<8x128xf32>
    %gt3A_2196 = arith.cmpf ogt, %slice3A_2195, %max3A_2190 : vector<8x128xf32>
    %max3A_2197 = arith.maximumf %max3A_2190, %slice3A_2195 : vector<8x128xf32>
    %add3A_2198 = arith.constant 480 : i32
    %add3A_2199 = arith.addi %add3A_1765, %add3A_2198 : i32
    %broadcast_in_dim3A_2200 = vector.broadcast %add3A_2199 : i32 to vector<8x128xi32>
    %select_n3A_2201 = arith.select %gt3A_2196, %broadcast_in_dim3A_2200, %select_n3A_2194 : vector<8x128xi1>, vector<8x128xi32>
    %slice3A_2202 = vector.extract_strided_slice %get3A_1768 {offsets = [488, 0], sizes = [8, 128], strides = [1, 1]} : vector<2000x128xf32> to vector<8x128xf32>
    %gt3A_2203 = arith.cmpf ogt, %slice3A_2202, %max3A_2197 : vector<8x128xf32>
    %max3A_2204 = arith.maximumf %max3A_2197, %slice3A_2202 : vector<8x128xf32>
    %add3A_2205 = arith.constant 488 : i32
    %add3A_2206 = arith.addi %add3A_1765, %add3A_2205 : i32
    %broadcast_in_dim3A_2207 = vector.broadcast %add3A_2206 : i32 to vector<8x128xi32>
    %select_n3A_2208 = arith.select %gt3A_2203, %broadcast_in_dim3A_2207, %select_n3A_2201 : vector<8x128xi1>, vector<8x128xi32>
    %slice3A_2209 = vector.extract_strided_slice %get3A_1768 {offsets = [496, 0], sizes = [8, 128], strides = [1, 1]} : vector<2000x128xf32> to vector<8x128xf32>
    %gt3A_2210 = arith.cmpf ogt, %slice3A_2209, %max3A_2204 : vector<8x128xf32>
    %max3A_2211 = arith.maximumf %max3A_2204, %slice3A_2209 : vector<8x128xf32>
    %add3A_2212 = arith.constant 496 : i32
    %add3A_2213 = arith.addi %add3A_1765, %add3A_2212 : i32
    %broadcast_in_dim3A_2214 = vector.broadcast %add3A_2213 : i32 to vector<8x128xi32>
    %select_n3A_2215 = arith.select %gt3A_2210, %broadcast_in_dim3A_2214, %select_n3A_2208 : vector<8x128xi1>, vector<8x128xi32>
    %slice3A_2216 = vector.extract_strided_slice %get3A_1768 {offsets = [504, 0], sizes = [8, 128], strides = [1, 1]} : vector<2000x128xf32> to vector<8x128xf32>
    %gt3A_2217 = arith.cmpf ogt, %slice3A_2216, %max3A_2211 : vector<8x128xf32>
    %max3A_2218 = arith.maximumf %max3A_2211, %slice3A_2216 : vector<8x128xf32>
    %add3A_2219 = arith.constant 504 : i32
    %add3A_2220 = arith.addi %add3A_1765, %add3A_2219 : i32
    %broadcast_in_dim3A_2221 = vector.broadcast %add3A_2220 : i32 to vector<8x128xi32>
    %select_n3A_2222 = arith.select %gt3A_2217, %broadcast_in_dim3A_2221, %select_n3A_2215 : vector<8x128xi1>, vector<8x128xi32>
    %slice3A_2223 = vector.extract_strided_slice %get3A_1768 {offsets = [512, 0], sizes = [8, 128], strides = [1, 1]} : vector<2000x128xf32> to vector<8x128xf32>
    %gt3A_2224 = arith.cmpf ogt, %slice3A_2223, %max3A_2218 : vector<8x128xf32>
    %max3A_2225 = arith.maximumf %max3A_2218, %slice3A_2223 : vector<8x128xf32>
    %add3A_2226 = arith.constant 512 : i32
    %add3A_2227 = arith.addi %add3A_1765, %add3A_2226 : i32
    %broadcast_in_dim3A_2228 = vector.broadcast %add3A_2227 : i32 to vector<8x128xi32>
    %select_n3A_2229 = arith.select %gt3A_2224, %broadcast_in_dim3A_2228, %select_n3A_2222 : vector<8x128xi1>, vector<8x128xi32>
    %slice3A_2230 = vector.extract_strided_slice %get3A_1768 {offsets = [520, 0], sizes = [8, 128], strides = [1, 1]} : vector<2000x128xf32> to vector<8x128xf32>
    %gt3A_2231 = arith.cmpf ogt, %slice3A_2230, %max3A_2225 : vector<8x128xf32>
    %max3A_2232 = arith.maximumf %max3A_2225, %slice3A_2230 : vector<8x128xf32>
    %add3A_2233 = arith.constant 520 : i32
    %add3A_2234 = arith.addi %add3A_1765, %add3A_2233 : i32
    %broadcast_in_dim3A_2235 = vector.broadcast %add3A_2234 : i32 to vector<8x128xi32>
    %select_n3A_2236 = arith.select %gt3A_2231, %broadcast_in_dim3A_2235, %select_n3A_2229 : vector<8x128xi1>, vector<8x128xi32>
    %slice3A_2237 = vector.extract_strided_slice %get3A_1768 {offsets = [528, 0], sizes = [8, 128], strides = [1, 1]} : vector<2000x128xf32> to vector<8x128xf32>
    %gt3A_2238 = arith.cmpf ogt, %slice3A_2237, %max3A_2232 : vector<8x128xf32>
    %max3A_2239 = arith.maximumf %max3A_2232, %slice3A_2237 : vector<8x128xf32>
    %add3A_2240 = arith.constant 528 : i32
    %add3A_2241 = arith.addi %add3A_1765, %add3A_2240 : i32
    %broadcast_in_dim3A_2242 = vector.broadcast %add3A_2241 : i32 to vector<8x128xi32>
    %select_n3A_2243 = arith.select %gt3A_2238, %broadcast_in_dim3A_2242, %select_n3A_2236 : vector<8x128xi1>, vector<8x128xi32>
    %slice3A_2244 = vector.extract_strided_slice %get3A_1768 {offsets = [536, 0], sizes = [8, 128], strides = [1, 1]} : vector<2000x128xf32> to vector<8x128xf32>
    %gt3A_2245 = arith.cmpf ogt, %slice3A_2244, %max3A_2239 : vector<8x128xf32>
    %max3A_2246 = arith.maximumf %max3A_2239, %slice3A_2244 : vector<8x128xf32>
    %add3A_2247 = arith.constant 536 : i32
    %add3A_2248 = arith.addi %add3A_1765, %add3A_2247 : i32
    %broadcast_in_dim3A_2249 = vector.broadcast %add3A_2248 : i32 to vector<8x128xi32>
    %select_n3A_2250 = arith.select %gt3A_2245, %broadcast_in_dim3A_2249, %select_n3A_2243 : vector<8x128xi1>, vector<8x128xi32>
    %slice3A_2251 = vector.extract_strided_slice %get3A_1768 {offsets = [544, 0], sizes = [8, 128], strides = [1, 1]} : vector<2000x128xf32> to vector<8x128xf32>
    %gt3A_2252 = arith.cmpf ogt, %slice3A_2251, %max3A_2246 : vector<8x128xf32>
    %max3A_2253 = arith.maximumf %max3A_2246, %slice3A_2251 : vector<8x128xf32>
    %add3A_2254 = arith.constant 544 : i32
    %add3A_2255 = arith.addi %add3A_1765, %add3A_2254 : i32
    %broadcast_in_dim3A_2256 = vector.broadcast %add3A_2255 : i32 to vector<8x128xi32>
    %select_n3A_2257 = arith.select %gt3A_2252, %broadcast_in_dim3A_2256, %select_n3A_2250 : vector<8x128xi1>, vector<8x128xi32>
    %slice3A_2258 = vector.extract_strided_slice %get3A_1768 {offsets = [552, 0], sizes = [8, 128], strides = [1, 1]} : vector<2000x128xf32> to vector<8x128xf32>
    %gt3A_2259 = arith.cmpf ogt, %slice3A_2258, %max3A_2253 : vector<8x128xf32>
    %max3A_2260 = arith.maximumf %max3A_2253, %slice3A_2258 : vector<8x128xf32>
    %add3A_2261 = arith.constant 552 : i32
    %add3A_2262 = arith.addi %add3A_1765, %add3A_2261 : i32
    %broadcast_in_dim3A_2263 = vector.broadcast %add3A_2262 : i32 to vector<8x128xi32>
    %select_n3A_2264 = arith.select %gt3A_2259, %broadcast_in_dim3A_2263, %select_n3A_2257 : vector<8x128xi1>, vector<8x128xi32>
    %slice3A_2265 = vector.extract_strided_slice %get3A_1768 {offsets = [560, 0], sizes = [8, 128], strides = [1, 1]} : vector<2000x128xf32> to vector<8x128xf32>
    %gt3A_2266 = arith.cmpf ogt, %slice3A_2265, %max3A_2260 : vector<8x128xf32>
    %max3A_2267 = arith.maximumf %max3A_2260, %slice3A_2265 : vector<8x128xf32>
    %add3A_2268 = arith.constant 560 : i32
    %add3A_2269 = arith.addi %add3A_1765, %add3A_2268 : i32
    %broadcast_in_dim3A_2270 = vector.broadcast %add3A_2269 : i32 to vector<8x128xi32>
    %select_n3A_2271 = arith.select %gt3A_2266, %broadcast_in_dim3A_2270, %select_n3A_2264 : vector<8x128xi1>, vector<8x128xi32>
    %slice3A_2272 = vector.extract_strided_slice %get3A_1768 {offsets = [568, 0], sizes = [8, 128], strides = [1, 1]} : vector<2000x128xf32> to vector<8x128xf32>
    %gt3A_2273 = arith.cmpf ogt, %slice3A_2272, %max3A_2267 : vector<8x128xf32>
    %max3A_2274 = arith.maximumf %max3A_2267, %slice3A_2272 : vector<8x128xf32>
    %add3A_2275 = arith.constant 568 : i32
    %add3A_2276 = arith.addi %add3A_1765, %add3A_2275 : i32
    %broadcast_in_dim3A_2277 = vector.broadcast %add3A_2276 : i32 to vector<8x128xi32>
    %select_n3A_2278 = arith.select %gt3A_2273, %broadcast_in_dim3A_2277, %select_n3A_2271 : vector<8x128xi1>, vector<8x128xi32>
    %slice3A_2279 = vector.extract_strided_slice %get3A_1768 {offsets = [576, 0], sizes = [8, 128], strides = [1, 1]} : vector<2000x128xf32> to vector<8x128xf32>
    %gt3A_2280 = arith.cmpf ogt, %slice3A_2279, %max3A_2274 : vector<8x128xf32>
    %max3A_2281 = arith.maximumf %max3A_2274, %slice3A_2279 : vector<8x128xf32>
    %add3A_2282 = arith.constant 576 : i32
    %add3A_2283 = arith.addi %add3A_1765, %add3A_2282 : i32
    %broadcast_in_dim3A_2284 = vector.broadcast %add3A_2283 : i32 to vector<8x128xi32>
    %select_n3A_2285 = arith.select %gt3A_2280, %broadcast_in_dim3A_2284, %select_n3A_2278 : vector<8x128xi1>, vector<8x128xi32>
    %slice3A_2286 = vector.extract_strided_slice %get3A_1768 {offsets = [584, 0], sizes = [8, 128], strides = [1, 1]} : vector<2000x128xf32> to vector<8x128xf32>
    %gt3A_2287 = arith.cmpf ogt, %slice3A_2286, %max3A_2281 : vector<8x128xf32>
    %max3A_2288 = arith.maximumf %max3A_2281, %slice3A_2286 : vector<8x128xf32>
    %add3A_2289 = arith.constant 584 : i32
    %add3A_2290 = arith.addi %add3A_1765, %add3A_2289 : i32
    %broadcast_in_dim3A_2291 = vector.broadcast %add3A_2290 : i32 to vector<8x128xi32>
    %select_n3A_2292 = arith.select %gt3A_2287, %broadcast_in_dim3A_2291, %select_n3A_2285 : vector<8x128xi1>, vector<8x128xi32>
    %slice3A_2293 = vector.extract_strided_slice %get3A_1768 {offsets = [592, 0], sizes = [8, 128], strides = [1, 1]} : vector<2000x128xf32> to vector<8x128xf32>
    %gt3A_2294 = arith.cmpf ogt, %slice3A_2293, %max3A_2288 : vector<8x128xf32>
    %max3A_2295 = arith.maximumf %max3A_2288, %slice3A_2293 : vector<8x128xf32>
    %add3A_2296 = arith.constant 592 : i32
    %add3A_2297 = arith.addi %add3A_1765, %add3A_2296 : i32
    %broadcast_in_dim3A_2298 = vector.broadcast %add3A_2297 : i32 to vector<8x128xi32>
    %select_n3A_2299 = arith.select %gt3A_2294, %broadcast_in_dim3A_2298, %select_n3A_2292 : vector<8x128xi1>, vector<8x128xi32>
    %slice3A_2300 = vector.extract_strided_slice %get3A_1768 {offsets = [600, 0], sizes = [8, 128], strides = [1, 1]} : vector<2000x128xf32> to vector<8x128xf32>
    %gt3A_2301 = arith.cmpf ogt, %slice3A_2300, %max3A_2295 : vector<8x128xf32>
    %max3A_2302 = arith.maximumf %max3A_2295, %slice3A_2300 : vector<8x128xf32>
    %add3A_2303 = arith.constant 600 : i32
    %add3A_2304 = arith.addi %add3A_1765, %add3A_2303 : i32
    %broadcast_in_dim3A_2305 = vector.broadcast %add3A_2304 : i32 to vector<8x128xi32>
    %select_n3A_2306 = arith.select %gt3A_2301, %broadcast_in_dim3A_2305, %select_n3A_2299 : vector<8x128xi1>, vector<8x128xi32>
    %slice3A_2307 = vector.extract_strided_slice %get3A_1768 {offsets = [608, 0], sizes = [8, 128], strides = [1, 1]} : vector<2000x128xf32> to vector<8x128xf32>
    %gt3A_2308 = arith.cmpf ogt, %slice3A_2307, %max3A_2302 : vector<8x128xf32>
    %max3A_2309 = arith.maximumf %max3A_2302, %slice3A_2307 : vector<8x128xf32>
    %add3A_2310 = arith.constant 608 : i32
    %add3A_2311 = arith.addi %add3A_1765, %add3A_2310 : i32
    %broadcast_in_dim3A_2312 = vector.broadcast %add3A_2311 : i32 to vector<8x128xi32>
    %select_n3A_2313 = arith.select %gt3A_2308, %broadcast_in_dim3A_2312, %select_n3A_2306 : vector<8x128xi1>, vector<8x128xi32>
    %slice3A_2314 = vector.extract_strided_slice %get3A_1768 {offsets = [616, 0], sizes = [8, 128], strides = [1, 1]} : vector<2000x128xf32> to vector<8x128xf32>
    %gt3A_2315 = arith.cmpf ogt, %slice3A_2314, %max3A_2309 : vector<8x128xf32>
    %max3A_2316 = arith.maximumf %max3A_2309, %slice3A_2314 : vector<8x128xf32>
    %add3A_2317 = arith.constant 616 : i32
    %add3A_2318 = arith.addi %add3A_1765, %add3A_2317 : i32
    %broadcast_in_dim3A_2319 = vector.broadcast %add3A_2318 : i32 to vector<8x128xi32>
    %select_n3A_2320 = arith.select %gt3A_2315, %broadcast_in_dim3A_2319, %select_n3A_2313 : vector<8x128xi1>, vector<8x128xi32>
    %slice3A_2321 = vector.extract_strided_slice %get3A_1768 {offsets = [624, 0], sizes = [8, 128], strides = [1, 1]} : vector<2000x128xf32> to vector<8x128xf32>
    %gt3A_2322 = arith.cmpf ogt, %slice3A_2321, %max3A_2316 : vector<8x128xf32>
    %max3A_2323 = arith.maximumf %max3A_2316, %slice3A_2321 : vector<8x128xf32>
    %add3A_2324 = arith.constant 624 : i32
    %add3A_2325 = arith.addi %add3A_1765, %add3A_2324 : i32
    %broadcast_in_dim3A_2326 = vector.broadcast %add3A_2325 : i32 to vector<8x128xi32>
    %select_n3A_2327 = arith.select %gt3A_2322, %broadcast_in_dim3A_2326, %select_n3A_2320 : vector<8x128xi1>, vector<8x128xi32>
    %slice3A_2328 = vector.extract_strided_slice %get3A_1768 {offsets = [632, 0], sizes = [8, 128], strides = [1, 1]} : vector<2000x128xf32> to vector<8x128xf32>
    %gt3A_2329 = arith.cmpf ogt, %slice3A_2328, %max3A_2323 : vector<8x128xf32>
    %max3A_2330 = arith.maximumf %max3A_2323, %slice3A_2328 : vector<8x128xf32>
    %add3A_2331 = arith.constant 632 : i32
    %add3A_2332 = arith.addi %add3A_1765, %add3A_2331 : i32
    %broadcast_in_dim3A_2333 = vector.broadcast %add3A_2332 : i32 to vector<8x128xi32>
    %select_n3A_2334 = arith.select %gt3A_2329, %broadcast_in_dim3A_2333, %select_n3A_2327 : vector<8x128xi1>, vector<8x128xi32>
    %slice3A_2335 = vector.extract_strided_slice %get3A_1768 {offsets = [640, 0], sizes = [8, 128], strides = [1, 1]} : vector<2000x128xf32> to vector<8x128xf32>
    %gt3A_2336 = arith.cmpf ogt, %slice3A_2335, %max3A_2330 : vector<8x128xf32>
    %max3A_2337 = arith.maximumf %max3A_2330, %slice3A_2335 : vector<8x128xf32>
    %add3A_2338 = arith.constant 640 : i32
    %add3A_2339 = arith.addi %add3A_1765, %add3A_2338 : i32
    %broadcast_in_dim3A_2340 = vector.broadcast %add3A_2339 : i32 to vector<8x128xi32>
    %select_n3A_2341 = arith.select %gt3A_2336, %broadcast_in_dim3A_2340, %select_n3A_2334 : vector<8x128xi1>, vector<8x128xi32>
    %slice3A_2342 = vector.extract_strided_slice %get3A_1768 {offsets = [648, 0], sizes = [8, 128], strides = [1, 1]} : vector<2000x128xf32> to vector<8x128xf32>
    %gt3A_2343 = arith.cmpf ogt, %slice3A_2342, %max3A_2337 : vector<8x128xf32>
    %max3A_2344 = arith.maximumf %max3A_2337, %slice3A_2342 : vector<8x128xf32>
    %add3A_2345 = arith.constant 648 : i32
    %add3A_2346 = arith.addi %add3A_1765, %add3A_2345 : i32
    %broadcast_in_dim3A_2347 = vector.broadcast %add3A_2346 : i32 to vector<8x128xi32>
    %select_n3A_2348 = arith.select %gt3A_2343, %broadcast_in_dim3A_2347, %select_n3A_2341 : vector<8x128xi1>, vector<8x128xi32>
    %slice3A_2349 = vector.extract_strided_slice %get3A_1768 {offsets = [656, 0], sizes = [8, 128], strides = [1, 1]} : vector<2000x128xf32> to vector<8x128xf32>
    %gt3A_2350 = arith.cmpf ogt, %slice3A_2349, %max3A_2344 : vector<8x128xf32>
    %max3A_2351 = arith.maximumf %max3A_2344, %slice3A_2349 : vector<8x128xf32>
    %add3A_2352 = arith.constant 656 : i32
    %add3A_2353 = arith.addi %add3A_1765, %add3A_2352 : i32
    %broadcast_in_dim3A_2354 = vector.broadcast %add3A_2353 : i32 to vector<8x128xi32>
    %select_n3A_2355 = arith.select %gt3A_2350, %broadcast_in_dim3A_2354, %select_n3A_2348 : vector<8x128xi1>, vector<8x128xi32>
    %slice3A_2356 = vector.extract_strided_slice %get3A_1768 {offsets = [664, 0], sizes = [8, 128], strides = [1, 1]} : vector<2000x128xf32> to vector<8x128xf32>
    %gt3A_2357 = arith.cmpf ogt, %slice3A_2356, %max3A_2351 : vector<8x128xf32>
    %max3A_2358 = arith.maximumf %max3A_2351, %slice3A_2356 : vector<8x128xf32>
    %add3A_2359 = arith.constant 664 : i32
    %add3A_2360 = arith.addi %add3A_1765, %add3A_2359 : i32
    %broadcast_in_dim3A_2361 = vector.broadcast %add3A_2360 : i32 to vector<8x128xi32>
    %select_n3A_2362 = arith.select %gt3A_2357, %broadcast_in_dim3A_2361, %select_n3A_2355 : vector<8x128xi1>, vector<8x128xi32>
    %slice3A_2363 = vector.extract_strided_slice %get3A_1768 {offsets = [672, 0], sizes = [8, 128], strides = [1, 1]} : vector<2000x128xf32> to vector<8x128xf32>
    %gt3A_2364 = arith.cmpf ogt, %slice3A_2363, %max3A_2358 : vector<8x128xf32>
    %max3A_2365 = arith.maximumf %max3A_2358, %slice3A_2363 : vector<8x128xf32>
    %add3A_2366 = arith.constant 672 : i32
    %add3A_2367 = arith.addi %add3A_1765, %add3A_2366 : i32
    %broadcast_in_dim3A_2368 = vector.broadcast %add3A_2367 : i32 to vector<8x128xi32>
    %select_n3A_2369 = arith.select %gt3A_2364, %broadcast_in_dim3A_2368, %select_n3A_2362 : vector<8x128xi1>, vector<8x128xi32>
    %slice3A_2370 = vector.extract_strided_slice %get3A_1768 {offsets = [680, 0], sizes = [8, 128], strides = [1, 1]} : vector<2000x128xf32> to vector<8x128xf32>
    %gt3A_2371 = arith.cmpf ogt, %slice3A_2370, %max3A_2365 : vector<8x128xf32>
    %max3A_2372 = arith.maximumf %max3A_2365, %slice3A_2370 : vector<8x128xf32>
    %add3A_2373 = arith.constant 680 : i32
    %add3A_2374 = arith.addi %add3A_1765, %add3A_2373 : i32
    %broadcast_in_dim3A_2375 = vector.broadcast %add3A_2374 : i32 to vector<8x128xi32>
    %select_n3A_2376 = arith.select %gt3A_2371, %broadcast_in_dim3A_2375, %select_n3A_2369 : vector<8x128xi1>, vector<8x128xi32>
    %slice3A_2377 = vector.extract_strided_slice %get3A_1768 {offsets = [688, 0], sizes = [8, 128], strides = [1, 1]} : vector<2000x128xf32> to vector<8x128xf32>
    %gt3A_2378 = arith.cmpf ogt, %slice3A_2377, %max3A_2372 : vector<8x128xf32>
    %max3A_2379 = arith.maximumf %max3A_2372, %slice3A_2377 : vector<8x128xf32>
    %add3A_2380 = arith.constant 688 : i32
    %add3A_2381 = arith.addi %add3A_1765, %add3A_2380 : i32
    %broadcast_in_dim3A_2382 = vector.broadcast %add3A_2381 : i32 to vector<8x128xi32>
    %select_n3A_2383 = arith.select %gt3A_2378, %broadcast_in_dim3A_2382, %select_n3A_2376 : vector<8x128xi1>, vector<8x128xi32>
    %slice3A_2384 = vector.extract_strided_slice %get3A_1768 {offsets = [696, 0], sizes = [8, 128], strides = [1, 1]} : vector<2000x128xf32> to vector<8x128xf32>
    %gt3A_2385 = arith.cmpf ogt, %slice3A_2384, %max3A_2379 : vector<8x128xf32>
    %max3A_2386 = arith.maximumf %max3A_2379, %slice3A_2384 : vector<8x128xf32>
    %add3A_2387 = arith.constant 696 : i32
    %add3A_2388 = arith.addi %add3A_1765, %add3A_2387 : i32
    %broadcast_in_dim3A_2389 = vector.broadcast %add3A_2388 : i32 to vector<8x128xi32>
    %select_n3A_2390 = arith.select %gt3A_2385, %broadcast_in_dim3A_2389, %select_n3A_2383 : vector<8x128xi1>, vector<8x128xi32>
    %slice3A_2391 = vector.extract_strided_slice %get3A_1768 {offsets = [704, 0], sizes = [8, 128], strides = [1, 1]} : vector<2000x128xf32> to vector<8x128xf32>
    %gt3A_2392 = arith.cmpf ogt, %slice3A_2391, %max3A_2386 : vector<8x128xf32>
    %max3A_2393 = arith.maximumf %max3A_2386, %slice3A_2391 : vector<8x128xf32>
    %add3A_2394 = arith.constant 704 : i32
    %add3A_2395 = arith.addi %add3A_1765, %add3A_2394 : i32
    %broadcast_in_dim3A_2396 = vector.broadcast %add3A_2395 : i32 to vector<8x128xi32>
    %select_n3A_2397 = arith.select %gt3A_2392, %broadcast_in_dim3A_2396, %select_n3A_2390 : vector<8x128xi1>, vector<8x128xi32>
    %slice3A_2398 = vector.extract_strided_slice %get3A_1768 {offsets = [712, 0], sizes = [8, 128], strides = [1, 1]} : vector<2000x128xf32> to vector<8x128xf32>
    %gt3A_2399 = arith.cmpf ogt, %slice3A_2398, %max3A_2393 : vector<8x128xf32>
    %max3A_2400 = arith.maximumf %max3A_2393, %slice3A_2398 : vector<8x128xf32>
    %add3A_2401 = arith.constant 712 : i32
    %add3A_2402 = arith.addi %add3A_1765, %add3A_2401 : i32
    %broadcast_in_dim3A_2403 = vector.broadcast %add3A_2402 : i32 to vector<8x128xi32>
    %select_n3A_2404 = arith.select %gt3A_2399, %broadcast_in_dim3A_2403, %select_n3A_2397 : vector<8x128xi1>, vector<8x128xi32>
    %slice3A_2405 = vector.extract_strided_slice %get3A_1768 {offsets = [720, 0], sizes = [8, 128], strides = [1, 1]} : vector<2000x128xf32> to vector<8x128xf32>
    %gt3A_2406 = arith.cmpf ogt, %slice3A_2405, %max3A_2400 : vector<8x128xf32>
    %max3A_2407 = arith.maximumf %max3A_2400, %slice3A_2405 : vector<8x128xf32>
    %add3A_2408 = arith.constant 720 : i32
    %add3A_2409 = arith.addi %add3A_1765, %add3A_2408 : i32
    %broadcast_in_dim3A_2410 = vector.broadcast %add3A_2409 : i32 to vector<8x128xi32>
    %select_n3A_2411 = arith.select %gt3A_2406, %broadcast_in_dim3A_2410, %select_n3A_2404 : vector<8x128xi1>, vector<8x128xi32>
    %slice3A_2412 = vector.extract_strided_slice %get3A_1768 {offsets = [728, 0], sizes = [8, 128], strides = [1, 1]} : vector<2000x128xf32> to vector<8x128xf32>
    %gt3A_2413 = arith.cmpf ogt, %slice3A_2412, %max3A_2407 : vector<8x128xf32>
    %max3A_2414 = arith.maximumf %max3A_2407, %slice3A_2412 : vector<8x128xf32>
    %add3A_2415 = arith.constant 728 : i32
    %add3A_2416 = arith.addi %add3A_1765, %add3A_2415 : i32
    %broadcast_in_dim3A_2417 = vector.broadcast %add3A_2416 : i32 to vector<8x128xi32>
    %select_n3A_2418 = arith.select %gt3A_2413, %broadcast_in_dim3A_2417, %select_n3A_2411 : vector<8x128xi1>, vector<8x128xi32>
    %slice3A_2419 = vector.extract_strided_slice %get3A_1768 {offsets = [736, 0], sizes = [8, 128], strides = [1, 1]} : vector<2000x128xf32> to vector<8x128xf32>
    %gt3A_2420 = arith.cmpf ogt, %slice3A_2419, %max3A_2414 : vector<8x128xf32>
    %max3A_2421 = arith.maximumf %max3A_2414, %slice3A_2419 : vector<8x128xf32>
    %add3A_2422 = arith.constant 736 : i32
    %add3A_2423 = arith.addi %add3A_1765, %add3A_2422 : i32
    %broadcast_in_dim3A_2424 = vector.broadcast %add3A_2423 : i32 to vector<8x128xi32>
    %select_n3A_2425 = arith.select %gt3A_2420, %broadcast_in_dim3A_2424, %select_n3A_2418 : vector<8x128xi1>, vector<8x128xi32>
    %slice3A_2426 = vector.extract_strided_slice %get3A_1768 {offsets = [744, 0], sizes = [8, 128], strides = [1, 1]} : vector<2000x128xf32> to vector<8x128xf32>
    %gt3A_2427 = arith.cmpf ogt, %slice3A_2426, %max3A_2421 : vector<8x128xf32>
    %max3A_2428 = arith.maximumf %max3A_2421, %slice3A_2426 : vector<8x128xf32>
    %add3A_2429 = arith.constant 744 : i32
    %add3A_2430 = arith.addi %add3A_1765, %add3A_2429 : i32
    %broadcast_in_dim3A_2431 = vector.broadcast %add3A_2430 : i32 to vector<8x128xi32>
    %select_n3A_2432 = arith.select %gt3A_2427, %broadcast_in_dim3A_2431, %select_n3A_2425 : vector<8x128xi1>, vector<8x128xi32>
    %slice3A_2433 = vector.extract_strided_slice %get3A_1768 {offsets = [752, 0], sizes = [8, 128], strides = [1, 1]} : vector<2000x128xf32> to vector<8x128xf32>
    %gt3A_2434 = arith.cmpf ogt, %slice3A_2433, %max3A_2428 : vector<8x128xf32>
    %max3A_2435 = arith.maximumf %max3A_2428, %slice3A_2433 : vector<8x128xf32>
    %add3A_2436 = arith.constant 752 : i32
    %add3A_2437 = arith.addi %add3A_1765, %add3A_2436 : i32
    %broadcast_in_dim3A_2438 = vector.broadcast %add3A_2437 : i32 to vector<8x128xi32>
    %select_n3A_2439 = arith.select %gt3A_2434, %broadcast_in_dim3A_2438, %select_n3A_2432 : vector<8x128xi1>, vector<8x128xi32>
    %slice3A_2440 = vector.extract_strided_slice %get3A_1768 {offsets = [760, 0], sizes = [8, 128], strides = [1, 1]} : vector<2000x128xf32> to vector<8x128xf32>
    %gt3A_2441 = arith.cmpf ogt, %slice3A_2440, %max3A_2435 : vector<8x128xf32>
    %max3A_2442 = arith.maximumf %max3A_2435, %slice3A_2440 : vector<8x128xf32>
    %add3A_2443 = arith.constant 760 : i32
    %add3A_2444 = arith.addi %add3A_1765, %add3A_2443 : i32
    %broadcast_in_dim3A_2445 = vector.broadcast %add3A_2444 : i32 to vector<8x128xi32>
    %select_n3A_2446 = arith.select %gt3A_2441, %broadcast_in_dim3A_2445, %select_n3A_2439 : vector<8x128xi1>, vector<8x128xi32>
    %slice3A_2447 = vector.extract_strided_slice %get3A_1768 {offsets = [768, 0], sizes = [8, 128], strides = [1, 1]} : vector<2000x128xf32> to vector<8x128xf32>
    %gt3A_2448 = arith.cmpf ogt, %slice3A_2447, %max3A_2442 : vector<8x128xf32>
    %max3A_2449 = arith.maximumf %max3A_2442, %slice3A_2447 : vector<8x128xf32>
    %add3A_2450 = arith.constant 768 : i32
    %add3A_2451 = arith.addi %add3A_1765, %add3A_2450 : i32
    %broadcast_in_dim3A_2452 = vector.broadcast %add3A_2451 : i32 to vector<8x128xi32>
    %select_n3A_2453 = arith.select %gt3A_2448, %broadcast_in_dim3A_2452, %select_n3A_2446 : vector<8x128xi1>, vector<8x128xi32>
    %slice3A_2454 = vector.extract_strided_slice %get3A_1768 {offsets = [776, 0], sizes = [8, 128], strides = [1, 1]} : vector<2000x128xf32> to vector<8x128xf32>
    %gt3A_2455 = arith.cmpf ogt, %slice3A_2454, %max3A_2449 : vector<8x128xf32>
    %max3A_2456 = arith.maximumf %max3A_2449, %slice3A_2454 : vector<8x128xf32>
    %add3A_2457 = arith.constant 776 : i32
    %add3A_2458 = arith.addi %add3A_1765, %add3A_2457 : i32
    %broadcast_in_dim3A_2459 = vector.broadcast %add3A_2458 : i32 to vector<8x128xi32>
    %select_n3A_2460 = arith.select %gt3A_2455, %broadcast_in_dim3A_2459, %select_n3A_2453 : vector<8x128xi1>, vector<8x128xi32>
    %slice3A_2461 = vector.extract_strided_slice %get3A_1768 {offsets = [784, 0], sizes = [8, 128], strides = [1, 1]} : vector<2000x128xf32> to vector<8x128xf32>
    %gt3A_2462 = arith.cmpf ogt, %slice3A_2461, %max3A_2456 : vector<8x128xf32>
    %max3A_2463 = arith.maximumf %max3A_2456, %slice3A_2461 : vector<8x128xf32>
    %add3A_2464 = arith.constant 784 : i32
    %add3A_2465 = arith.addi %add3A_1765, %add3A_2464 : i32
    %broadcast_in_dim3A_2466 = vector.broadcast %add3A_2465 : i32 to vector<8x128xi32>
    %select_n3A_2467 = arith.select %gt3A_2462, %broadcast_in_dim3A_2466, %select_n3A_2460 : vector<8x128xi1>, vector<8x128xi32>
    %slice3A_2468 = vector.extract_strided_slice %get3A_1768 {offsets = [792, 0], sizes = [8, 128], strides = [1, 1]} : vector<2000x128xf32> to vector<8x128xf32>
    %gt3A_2469 = arith.cmpf ogt, %slice3A_2468, %max3A_2463 : vector<8x128xf32>
    %max3A_2470 = arith.maximumf %max3A_2463, %slice3A_2468 : vector<8x128xf32>
    %add3A_2471 = arith.constant 792 : i32
    %add3A_2472 = arith.addi %add3A_1765, %add3A_2471 : i32
    %broadcast_in_dim3A_2473 = vector.broadcast %add3A_2472 : i32 to vector<8x128xi32>
    %select_n3A_2474 = arith.select %gt3A_2469, %broadcast_in_dim3A_2473, %select_n3A_2467 : vector<8x128xi1>, vector<8x128xi32>
    %slice3A_2475 = vector.extract_strided_slice %get3A_1768 {offsets = [800, 0], sizes = [8, 128], strides = [1, 1]} : vector<2000x128xf32> to vector<8x128xf32>
    %gt3A_2476 = arith.cmpf ogt, %slice3A_2475, %max3A_2470 : vector<8x128xf32>
    %max3A_2477 = arith.maximumf %max3A_2470, %slice3A_2475 : vector<8x128xf32>
    %add3A_2478 = arith.constant 800 : i32
    %add3A_2479 = arith.addi %add3A_1765, %add3A_2478 : i32
    %broadcast_in_dim3A_2480 = vector.broadcast %add3A_2479 : i32 to vector<8x128xi32>
    %select_n3A_2481 = arith.select %gt3A_2476, %broadcast_in_dim3A_2480, %select_n3A_2474 : vector<8x128xi1>, vector<8x128xi32>
    %slice3A_2482 = vector.extract_strided_slice %get3A_1768 {offsets = [808, 0], sizes = [8, 128], strides = [1, 1]} : vector<2000x128xf32> to vector<8x128xf32>
    %gt3A_2483 = arith.cmpf ogt, %slice3A_2482, %max3A_2477 : vector<8x128xf32>
    %max3A_2484 = arith.maximumf %max3A_2477, %slice3A_2482 : vector<8x128xf32>
    %add3A_2485 = arith.constant 808 : i32
    %add3A_2486 = arith.addi %add3A_1765, %add3A_2485 : i32
    %broadcast_in_dim3A_2487 = vector.broadcast %add3A_2486 : i32 to vector<8x128xi32>
    %select_n3A_2488 = arith.select %gt3A_2483, %broadcast_in_dim3A_2487, %select_n3A_2481 : vector<8x128xi1>, vector<8x128xi32>
    %slice3A_2489 = vector.extract_strided_slice %get3A_1768 {offsets = [816, 0], sizes = [8, 128], strides = [1, 1]} : vector<2000x128xf32> to vector<8x128xf32>
    %gt3A_2490 = arith.cmpf ogt, %slice3A_2489, %max3A_2484 : vector<8x128xf32>
    %max3A_2491 = arith.maximumf %max3A_2484, %slice3A_2489 : vector<8x128xf32>
    %add3A_2492 = arith.constant 816 : i32
    %add3A_2493 = arith.addi %add3A_1765, %add3A_2492 : i32
    %broadcast_in_dim3A_2494 = vector.broadcast %add3A_2493 : i32 to vector<8x128xi32>
    %select_n3A_2495 = arith.select %gt3A_2490, %broadcast_in_dim3A_2494, %select_n3A_2488 : vector<8x128xi1>, vector<8x128xi32>
    %slice3A_2496 = vector.extract_strided_slice %get3A_1768 {offsets = [824, 0], sizes = [8, 128], strides = [1, 1]} : vector<2000x128xf32> to vector<8x128xf32>
    %gt3A_2497 = arith.cmpf ogt, %slice3A_2496, %max3A_2491 : vector<8x128xf32>
    %max3A_2498 = arith.maximumf %max3A_2491, %slice3A_2496 : vector<8x128xf32>
    %add3A_2499 = arith.constant 824 : i32
    %add3A_2500 = arith.addi %add3A_1765, %add3A_2499 : i32
    %broadcast_in_dim3A_2501 = vector.broadcast %add3A_2500 : i32 to vector<8x128xi32>
    %select_n3A_2502 = arith.select %gt3A_2497, %broadcast_in_dim3A_2501, %select_n3A_2495 : vector<8x128xi1>, vector<8x128xi32>
    %slice3A_2503 = vector.extract_strided_slice %get3A_1768 {offsets = [832, 0], sizes = [8, 128], strides = [1, 1]} : vector<2000x128xf32> to vector<8x128xf32>
    %gt3A_2504 = arith.cmpf ogt, %slice3A_2503, %max3A_2498 : vector<8x128xf32>
    %max3A_2505 = arith.maximumf %max3A_2498, %slice3A_2503 : vector<8x128xf32>
    %add3A_2506 = arith.constant 832 : i32
    %add3A_2507 = arith.addi %add3A_1765, %add3A_2506 : i32
    %broadcast_in_dim3A_2508 = vector.broadcast %add3A_2507 : i32 to vector<8x128xi32>
    %select_n3A_2509 = arith.select %gt3A_2504, %broadcast_in_dim3A_2508, %select_n3A_2502 : vector<8x128xi1>, vector<8x128xi32>
    %slice3A_2510 = vector.extract_strided_slice %get3A_1768 {offsets = [840, 0], sizes = [8, 128], strides = [1, 1]} : vector<2000x128xf32> to vector<8x128xf32>
    %gt3A_2511 = arith.cmpf ogt, %slice3A_2510, %max3A_2505 : vector<8x128xf32>
    %max3A_2512 = arith.maximumf %max3A_2505, %slice3A_2510 : vector<8x128xf32>
    %add3A_2513 = arith.constant 840 : i32
    %add3A_2514 = arith.addi %add3A_1765, %add3A_2513 : i32
    %broadcast_in_dim3A_2515 = vector.broadcast %add3A_2514 : i32 to vector<8x128xi32>
    %select_n3A_2516 = arith.select %gt3A_2511, %broadcast_in_dim3A_2515, %select_n3A_2509 : vector<8x128xi1>, vector<8x128xi32>
    %slice3A_2517 = vector.extract_strided_slice %get3A_1768 {offsets = [848, 0], sizes = [8, 128], strides = [1, 1]} : vector<2000x128xf32> to vector<8x128xf32>
    %gt3A_2518 = arith.cmpf ogt, %slice3A_2517, %max3A_2512 : vector<8x128xf32>
    %max3A_2519 = arith.maximumf %max3A_2512, %slice3A_2517 : vector<8x128xf32>
    %add3A_2520 = arith.constant 848 : i32
    %add3A_2521 = arith.addi %add3A_1765, %add3A_2520 : i32
    %broadcast_in_dim3A_2522 = vector.broadcast %add3A_2521 : i32 to vector<8x128xi32>
    %select_n3A_2523 = arith.select %gt3A_2518, %broadcast_in_dim3A_2522, %select_n3A_2516 : vector<8x128xi1>, vector<8x128xi32>
    %slice3A_2524 = vector.extract_strided_slice %get3A_1768 {offsets = [856, 0], sizes = [8, 128], strides = [1, 1]} : vector<2000x128xf32> to vector<8x128xf32>
    %gt3A_2525 = arith.cmpf ogt, %slice3A_2524, %max3A_2519 : vector<8x128xf32>
    %max3A_2526 = arith.maximumf %max3A_2519, %slice3A_2524 : vector<8x128xf32>
    %add3A_2527 = arith.constant 856 : i32
    %add3A_2528 = arith.addi %add3A_1765, %add3A_2527 : i32
    %broadcast_in_dim3A_2529 = vector.broadcast %add3A_2528 : i32 to vector<8x128xi32>
    %select_n3A_2530 = arith.select %gt3A_2525, %broadcast_in_dim3A_2529, %select_n3A_2523 : vector<8x128xi1>, vector<8x128xi32>
    %slice3A_2531 = vector.extract_strided_slice %get3A_1768 {offsets = [864, 0], sizes = [8, 128], strides = [1, 1]} : vector<2000x128xf32> to vector<8x128xf32>
    %gt3A_2532 = arith.cmpf ogt, %slice3A_2531, %max3A_2526 : vector<8x128xf32>
    %max3A_2533 = arith.maximumf %max3A_2526, %slice3A_2531 : vector<8x128xf32>
    %add3A_2534 = arith.constant 864 : i32
    %add3A_2535 = arith.addi %add3A_1765, %add3A_2534 : i32
    %broadcast_in_dim3A_2536 = vector.broadcast %add3A_2535 : i32 to vector<8x128xi32>
    %select_n3A_2537 = arith.select %gt3A_2532, %broadcast_in_dim3A_2536, %select_n3A_2530 : vector<8x128xi1>, vector<8x128xi32>
    %slice3A_2538 = vector.extract_strided_slice %get3A_1768 {offsets = [872, 0], sizes = [8, 128], strides = [1, 1]} : vector<2000x128xf32> to vector<8x128xf32>
    %gt3A_2539 = arith.cmpf ogt, %slice3A_2538, %max3A_2533 : vector<8x128xf32>
    %max3A_2540 = arith.maximumf %max3A_2533, %slice3A_2538 : vector<8x128xf32>
    %add3A_2541 = arith.constant 872 : i32
    %add3A_2542 = arith.addi %add3A_1765, %add3A_2541 : i32
    %broadcast_in_dim3A_2543 = vector.broadcast %add3A_2542 : i32 to vector<8x128xi32>
    %select_n3A_2544 = arith.select %gt3A_2539, %broadcast_in_dim3A_2543, %select_n3A_2537 : vector<8x128xi1>, vector<8x128xi32>
    %slice3A_2545 = vector.extract_strided_slice %get3A_1768 {offsets = [880, 0], sizes = [8, 128], strides = [1, 1]} : vector<2000x128xf32> to vector<8x128xf32>
    %gt3A_2546 = arith.cmpf ogt, %slice3A_2545, %max3A_2540 : vector<8x128xf32>
    %max3A_2547 = arith.maximumf %max3A_2540, %slice3A_2545 : vector<8x128xf32>
    %add3A_2548 = arith.constant 880 : i32
    %add3A_2549 = arith.addi %add3A_1765, %add3A_2548 : i32
    %broadcast_in_dim3A_2550 = vector.broadcast %add3A_2549 : i32 to vector<8x128xi32>
    %select_n3A_2551 = arith.select %gt3A_2546, %broadcast_in_dim3A_2550, %select_n3A_2544 : vector<8x128xi1>, vector<8x128xi32>
    %slice3A_2552 = vector.extract_strided_slice %get3A_1768 {offsets = [888, 0], sizes = [8, 128], strides = [1, 1]} : vector<2000x128xf32> to vector<8x128xf32>
    %gt3A_2553 = arith.cmpf ogt, %slice3A_2552, %max3A_2547 : vector<8x128xf32>
    %max3A_2554 = arith.maximumf %max3A_2547, %slice3A_2552 : vector<8x128xf32>
    %add3A_2555 = arith.constant 888 : i32
    %add3A_2556 = arith.addi %add3A_1765, %add3A_2555 : i32
    %broadcast_in_dim3A_2557 = vector.broadcast %add3A_2556 : i32 to vector<8x128xi32>
    %select_n3A_2558 = arith.select %gt3A_2553, %broadcast_in_dim3A_2557, %select_n3A_2551 : vector<8x128xi1>, vector<8x128xi32>
    %slice3A_2559 = vector.extract_strided_slice %get3A_1768 {offsets = [896, 0], sizes = [8, 128], strides = [1, 1]} : vector<2000x128xf32> to vector<8x128xf32>
    %gt3A_2560 = arith.cmpf ogt, %slice3A_2559, %max3A_2554 : vector<8x128xf32>
    %max3A_2561 = arith.maximumf %max3A_2554, %slice3A_2559 : vector<8x128xf32>
    %add3A_2562 = arith.constant 896 : i32
    %add3A_2563 = arith.addi %add3A_1765, %add3A_2562 : i32
    %broadcast_in_dim3A_2564 = vector.broadcast %add3A_2563 : i32 to vector<8x128xi32>
    %select_n3A_2565 = arith.select %gt3A_2560, %broadcast_in_dim3A_2564, %select_n3A_2558 : vector<8x128xi1>, vector<8x128xi32>
    %slice3A_2566 = vector.extract_strided_slice %get3A_1768 {offsets = [904, 0], sizes = [8, 128], strides = [1, 1]} : vector<2000x128xf32> to vector<8x128xf32>
    %gt3A_2567 = arith.cmpf ogt, %slice3A_2566, %max3A_2561 : vector<8x128xf32>
    %max3A_2568 = arith.maximumf %max3A_2561, %slice3A_2566 : vector<8x128xf32>
    %add3A_2569 = arith.constant 904 : i32
    %add3A_2570 = arith.addi %add3A_1765, %add3A_2569 : i32
    %broadcast_in_dim3A_2571 = vector.broadcast %add3A_2570 : i32 to vector<8x128xi32>
    %select_n3A_2572 = arith.select %gt3A_2567, %broadcast_in_dim3A_2571, %select_n3A_2565 : vector<8x128xi1>, vector<8x128xi32>
    %slice3A_2573 = vector.extract_strided_slice %get3A_1768 {offsets = [912, 0], sizes = [8, 128], strides = [1, 1]} : vector<2000x128xf32> to vector<8x128xf32>
    %gt3A_2574 = arith.cmpf ogt, %slice3A_2573, %max3A_2568 : vector<8x128xf32>
    %max3A_2575 = arith.maximumf %max3A_2568, %slice3A_2573 : vector<8x128xf32>
    %add3A_2576 = arith.constant 912 : i32
    %add3A_2577 = arith.addi %add3A_1765, %add3A_2576 : i32
    %broadcast_in_dim3A_2578 = vector.broadcast %add3A_2577 : i32 to vector<8x128xi32>
    %select_n3A_2579 = arith.select %gt3A_2574, %broadcast_in_dim3A_2578, %select_n3A_2572 : vector<8x128xi1>, vector<8x128xi32>
    %slice3A_2580 = vector.extract_strided_slice %get3A_1768 {offsets = [920, 0], sizes = [8, 128], strides = [1, 1]} : vector<2000x128xf32> to vector<8x128xf32>
    %gt3A_2581 = arith.cmpf ogt, %slice3A_2580, %max3A_2575 : vector<8x128xf32>
    %max3A_2582 = arith.maximumf %max3A_2575, %slice3A_2580 : vector<8x128xf32>
    %add3A_2583 = arith.constant 920 : i32
    %add3A_2584 = arith.addi %add3A_1765, %add3A_2583 : i32
    %broadcast_in_dim3A_2585 = vector.broadcast %add3A_2584 : i32 to vector<8x128xi32>
    %select_n3A_2586 = arith.select %gt3A_2581, %broadcast_in_dim3A_2585, %select_n3A_2579 : vector<8x128xi1>, vector<8x128xi32>
    %slice3A_2587 = vector.extract_strided_slice %get3A_1768 {offsets = [928, 0], sizes = [8, 128], strides = [1, 1]} : vector<2000x128xf32> to vector<8x128xf32>
    %gt3A_2588 = arith.cmpf ogt, %slice3A_2587, %max3A_2582 : vector<8x128xf32>
    %max3A_2589 = arith.maximumf %max3A_2582, %slice3A_2587 : vector<8x128xf32>
    %add3A_2590 = arith.constant 928 : i32
    %add3A_2591 = arith.addi %add3A_1765, %add3A_2590 : i32
    %broadcast_in_dim3A_2592 = vector.broadcast %add3A_2591 : i32 to vector<8x128xi32>
    %select_n3A_2593 = arith.select %gt3A_2588, %broadcast_in_dim3A_2592, %select_n3A_2586 : vector<8x128xi1>, vector<8x128xi32>
    %slice3A_2594 = vector.extract_strided_slice %get3A_1768 {offsets = [936, 0], sizes = [8, 128], strides = [1, 1]} : vector<2000x128xf32> to vector<8x128xf32>
    %gt3A_2595 = arith.cmpf ogt, %slice3A_2594, %max3A_2589 : vector<8x128xf32>
    %max3A_2596 = arith.maximumf %max3A_2589, %slice3A_2594 : vector<8x128xf32>
    %add3A_2597 = arith.constant 936 : i32
    %add3A_2598 = arith.addi %add3A_1765, %add3A_2597 : i32
    %broadcast_in_dim3A_2599 = vector.broadcast %add3A_2598 : i32 to vector<8x128xi32>
    %select_n3A_2600 = arith.select %gt3A_2595, %broadcast_in_dim3A_2599, %select_n3A_2593 : vector<8x128xi1>, vector<8x128xi32>
    %slice3A_2601 = vector.extract_strided_slice %get3A_1768 {offsets = [944, 0], sizes = [8, 128], strides = [1, 1]} : vector<2000x128xf32> to vector<8x128xf32>
    %gt3A_2602 = arith.cmpf ogt, %slice3A_2601, %max3A_2596 : vector<8x128xf32>
    %max3A_2603 = arith.maximumf %max3A_2596, %slice3A_2601 : vector<8x128xf32>
    %add3A_2604 = arith.constant 944 : i32
    %add3A_2605 = arith.addi %add3A_1765, %add3A_2604 : i32
    %broadcast_in_dim3A_2606 = vector.broadcast %add3A_2605 : i32 to vector<8x128xi32>
    %select_n3A_2607 = arith.select %gt3A_2602, %broadcast_in_dim3A_2606, %select_n3A_2600 : vector<8x128xi1>, vector<8x128xi32>
    %slice3A_2608 = vector.extract_strided_slice %get3A_1768 {offsets = [952, 0], sizes = [8, 128], strides = [1, 1]} : vector<2000x128xf32> to vector<8x128xf32>
    %gt3A_2609 = arith.cmpf ogt, %slice3A_2608, %max3A_2603 : vector<8x128xf32>
    %max3A_2610 = arith.maximumf %max3A_2603, %slice3A_2608 : vector<8x128xf32>
    %add3A_2611 = arith.constant 952 : i32
    %add3A_2612 = arith.addi %add3A_1765, %add3A_2611 : i32
    %broadcast_in_dim3A_2613 = vector.broadcast %add3A_2612 : i32 to vector<8x128xi32>
    %select_n3A_2614 = arith.select %gt3A_2609, %broadcast_in_dim3A_2613, %select_n3A_2607 : vector<8x128xi1>, vector<8x128xi32>
    %slice3A_2615 = vector.extract_strided_slice %get3A_1768 {offsets = [960, 0], sizes = [8, 128], strides = [1, 1]} : vector<2000x128xf32> to vector<8x128xf32>
    %gt3A_2616 = arith.cmpf ogt, %slice3A_2615, %max3A_2610 : vector<8x128xf32>
    %max3A_2617 = arith.maximumf %max3A_2610, %slice3A_2615 : vector<8x128xf32>
    %add3A_2618 = arith.constant 960 : i32
    %add3A_2619 = arith.addi %add3A_1765, %add3A_2618 : i32
    %broadcast_in_dim3A_2620 = vector.broadcast %add3A_2619 : i32 to vector<8x128xi32>
    %select_n3A_2621 = arith.select %gt3A_2616, %broadcast_in_dim3A_2620, %select_n3A_2614 : vector<8x128xi1>, vector<8x128xi32>
    %slice3A_2622 = vector.extract_strided_slice %get3A_1768 {offsets = [968, 0], sizes = [8, 128], strides = [1, 1]} : vector<2000x128xf32> to vector<8x128xf32>
    %gt3A_2623 = arith.cmpf ogt, %slice3A_2622, %max3A_2617 : vector<8x128xf32>
    %max3A_2624 = arith.maximumf %max3A_2617, %slice3A_2622 : vector<8x128xf32>
    %add3A_2625 = arith.constant 968 : i32
    %add3A_2626 = arith.addi %add3A_1765, %add3A_2625 : i32
    %broadcast_in_dim3A_2627 = vector.broadcast %add3A_2626 : i32 to vector<8x128xi32>
    %select_n3A_2628 = arith.select %gt3A_2623, %broadcast_in_dim3A_2627, %select_n3A_2621 : vector<8x128xi1>, vector<8x128xi32>
    %slice3A_2629 = vector.extract_strided_slice %get3A_1768 {offsets = [976, 0], sizes = [8, 128], strides = [1, 1]} : vector<2000x128xf32> to vector<8x128xf32>
    %gt3A_2630 = arith.cmpf ogt, %slice3A_2629, %max3A_2624 : vector<8x128xf32>
    %max3A_2631 = arith.maximumf %max3A_2624, %slice3A_2629 : vector<8x128xf32>
    %add3A_2632 = arith.constant 976 : i32
    %add3A_2633 = arith.addi %add3A_1765, %add3A_2632 : i32
    %broadcast_in_dim3A_2634 = vector.broadcast %add3A_2633 : i32 to vector<8x128xi32>
    %select_n3A_2635 = arith.select %gt3A_2630, %broadcast_in_dim3A_2634, %select_n3A_2628 : vector<8x128xi1>, vector<8x128xi32>
    %slice3A_2636 = vector.extract_strided_slice %get3A_1768 {offsets = [984, 0], sizes = [8, 128], strides = [1, 1]} : vector<2000x128xf32> to vector<8x128xf32>
    %gt3A_2637 = arith.cmpf ogt, %slice3A_2636, %max3A_2631 : vector<8x128xf32>
    %max3A_2638 = arith.maximumf %max3A_2631, %slice3A_2636 : vector<8x128xf32>
    %add3A_2639 = arith.constant 984 : i32
    %add3A_2640 = arith.addi %add3A_1765, %add3A_2639 : i32
    %broadcast_in_dim3A_2641 = vector.broadcast %add3A_2640 : i32 to vector<8x128xi32>
    %select_n3A_2642 = arith.select %gt3A_2637, %broadcast_in_dim3A_2641, %select_n3A_2635 : vector<8x128xi1>, vector<8x128xi32>
    %slice3A_2643 = vector.extract_strided_slice %get3A_1768 {offsets = [992, 0], sizes = [8, 128], strides = [1, 1]} : vector<2000x128xf32> to vector<8x128xf32>
    %gt3A_2644 = arith.cmpf ogt, %slice3A_2643, %max3A_2638 : vector<8x128xf32>
    %max3A_2645 = arith.maximumf %max3A_2638, %slice3A_2643 : vector<8x128xf32>
    %add3A_2646 = arith.constant 992 : i32
    %add3A_2647 = arith.addi %add3A_1765, %add3A_2646 : i32
    %broadcast_in_dim3A_2648 = vector.broadcast %add3A_2647 : i32 to vector<8x128xi32>
    %select_n3A_2649 = arith.select %gt3A_2644, %broadcast_in_dim3A_2648, %select_n3A_2642 : vector<8x128xi1>, vector<8x128xi32>
    %slice3A_2650 = vector.extract_strided_slice %get3A_1768 {offsets = [1000, 0], sizes = [8, 128], strides = [1, 1]} : vector<2000x128xf32> to vector<8x128xf32>
    %gt3A_2651 = arith.cmpf ogt, %slice3A_2650, %max3A_2645 : vector<8x128xf32>
    %max3A_2652 = arith.maximumf %max3A_2645, %slice3A_2650 : vector<8x128xf32>
    %add3A_2653 = arith.constant 1000 : i32
    %add3A_2654 = arith.addi %add3A_1765, %add3A_2653 : i32
    %broadcast_in_dim3A_2655 = vector.broadcast %add3A_2654 : i32 to vector<8x128xi32>
    %select_n3A_2656 = arith.select %gt3A_2651, %broadcast_in_dim3A_2655, %select_n3A_2649 : vector<8x128xi1>, vector<8x128xi32>
    %slice3A_2657 = vector.extract_strided_slice %get3A_1768 {offsets = [1008, 0], sizes = [8, 128], strides = [1, 1]} : vector<2000x128xf32> to vector<8x128xf32>
    %gt3A_2658 = arith.cmpf ogt, %slice3A_2657, %max3A_2652 : vector<8x128xf32>
    %max3A_2659 = arith.maximumf %max3A_2652, %slice3A_2657 : vector<8x128xf32>
    %add3A_2660 = arith.constant 1008 : i32
    %add3A_2661 = arith.addi %add3A_1765, %add3A_2660 : i32
    %broadcast_in_dim3A_2662 = vector.broadcast %add3A_2661 : i32 to vector<8x128xi32>
    %select_n3A_2663 = arith.select %gt3A_2658, %broadcast_in_dim3A_2662, %select_n3A_2656 : vector<8x128xi1>, vector<8x128xi32>
    %slice3A_2664 = vector.extract_strided_slice %get3A_1768 {offsets = [1016, 0], sizes = [8, 128], strides = [1, 1]} : vector<2000x128xf32> to vector<8x128xf32>
    %gt3A_2665 = arith.cmpf ogt, %slice3A_2664, %max3A_2659 : vector<8x128xf32>
    %max3A_2666 = arith.maximumf %max3A_2659, %slice3A_2664 : vector<8x128xf32>
    %add3A_2667 = arith.constant 1016 : i32
    %add3A_2668 = arith.addi %add3A_1765, %add3A_2667 : i32
    %broadcast_in_dim3A_2669 = vector.broadcast %add3A_2668 : i32 to vector<8x128xi32>
    %select_n3A_2670 = arith.select %gt3A_2665, %broadcast_in_dim3A_2669, %select_n3A_2663 : vector<8x128xi1>, vector<8x128xi32>
    %slice3A_2671 = vector.extract_strided_slice %get3A_1768 {offsets = [1024, 0], sizes = [8, 128], strides = [1, 1]} : vector<2000x128xf32> to vector<8x128xf32>
    %gt3A_2672 = arith.cmpf ogt, %slice3A_2671, %max3A_2666 : vector<8x128xf32>
    %max3A_2673 = arith.maximumf %max3A_2666, %slice3A_2671 : vector<8x128xf32>
    %add3A_2674 = arith.constant 1024 : i32
    %add3A_2675 = arith.addi %add3A_1765, %add3A_2674 : i32
    %broadcast_in_dim3A_2676 = vector.broadcast %add3A_2675 : i32 to vector<8x128xi32>
    %select_n3A_2677 = arith.select %gt3A_2672, %broadcast_in_dim3A_2676, %select_n3A_2670 : vector<8x128xi1>, vector<8x128xi32>
    %slice3A_2678 = vector.extract_strided_slice %get3A_1768 {offsets = [1032, 0], sizes = [8, 128], strides = [1, 1]} : vector<2000x128xf32> to vector<8x128xf32>
    %gt3A_2679 = arith.cmpf ogt, %slice3A_2678, %max3A_2673 : vector<8x128xf32>
    %max3A_2680 = arith.maximumf %max3A_2673, %slice3A_2678 : vector<8x128xf32>
    %add3A_2681 = arith.constant 1032 : i32
    %add3A_2682 = arith.addi %add3A_1765, %add3A_2681 : i32
    %broadcast_in_dim3A_2683 = vector.broadcast %add3A_2682 : i32 to vector<8x128xi32>
    %select_n3A_2684 = arith.select %gt3A_2679, %broadcast_in_dim3A_2683, %select_n3A_2677 : vector<8x128xi1>, vector<8x128xi32>
    %slice3A_2685 = vector.extract_strided_slice %get3A_1768 {offsets = [1040, 0], sizes = [8, 128], strides = [1, 1]} : vector<2000x128xf32> to vector<8x128xf32>
    %gt3A_2686 = arith.cmpf ogt, %slice3A_2685, %max3A_2680 : vector<8x128xf32>
    %max3A_2687 = arith.maximumf %max3A_2680, %slice3A_2685 : vector<8x128xf32>
    %add3A_2688 = arith.constant 1040 : i32
    %add3A_2689 = arith.addi %add3A_1765, %add3A_2688 : i32
    %broadcast_in_dim3A_2690 = vector.broadcast %add3A_2689 : i32 to vector<8x128xi32>
    %select_n3A_2691 = arith.select %gt3A_2686, %broadcast_in_dim3A_2690, %select_n3A_2684 : vector<8x128xi1>, vector<8x128xi32>
    %slice3A_2692 = vector.extract_strided_slice %get3A_1768 {offsets = [1048, 0], sizes = [8, 128], strides = [1, 1]} : vector<2000x128xf32> to vector<8x128xf32>
    %gt3A_2693 = arith.cmpf ogt, %slice3A_2692, %max3A_2687 : vector<8x128xf32>
    %max3A_2694 = arith.maximumf %max3A_2687, %slice3A_2692 : vector<8x128xf32>
    %add3A_2695 = arith.constant 1048 : i32
    %add3A_2696 = arith.addi %add3A_1765, %add3A_2695 : i32
    %broadcast_in_dim3A_2697 = vector.broadcast %add3A_2696 : i32 to vector<8x128xi32>
    %select_n3A_2698 = arith.select %gt3A_2693, %broadcast_in_dim3A_2697, %select_n3A_2691 : vector<8x128xi1>, vector<8x128xi32>
    %slice3A_2699 = vector.extract_strided_slice %get3A_1768 {offsets = [1056, 0], sizes = [8, 128], strides = [1, 1]} : vector<2000x128xf32> to vector<8x128xf32>
    %gt3A_2700 = arith.cmpf ogt, %slice3A_2699, %max3A_2694 : vector<8x128xf32>
    %max3A_2701 = arith.maximumf %max3A_2694, %slice3A_2699 : vector<8x128xf32>
    %add3A_2702 = arith.constant 1056 : i32
    %add3A_2703 = arith.addi %add3A_1765, %add3A_2702 : i32
    %broadcast_in_dim3A_2704 = vector.broadcast %add3A_2703 : i32 to vector<8x128xi32>
    %select_n3A_2705 = arith.select %gt3A_2700, %broadcast_in_dim3A_2704, %select_n3A_2698 : vector<8x128xi1>, vector<8x128xi32>
    %slice3A_2706 = vector.extract_strided_slice %get3A_1768 {offsets = [1064, 0], sizes = [8, 128], strides = [1, 1]} : vector<2000x128xf32> to vector<8x128xf32>
    %gt3A_2707 = arith.cmpf ogt, %slice3A_2706, %max3A_2701 : vector<8x128xf32>
    %max3A_2708 = arith.maximumf %max3A_2701, %slice3A_2706 : vector<8x128xf32>
    %add3A_2709 = arith.constant 1064 : i32
    %add3A_2710 = arith.addi %add3A_1765, %add3A_2709 : i32
    %broadcast_in_dim3A_2711 = vector.broadcast %add3A_2710 : i32 to vector<8x128xi32>
    %select_n3A_2712 = arith.select %gt3A_2707, %broadcast_in_dim3A_2711, %select_n3A_2705 : vector<8x128xi1>, vector<8x128xi32>
    %slice3A_2713 = vector.extract_strided_slice %get3A_1768 {offsets = [1072, 0], sizes = [8, 128], strides = [1, 1]} : vector<2000x128xf32> to vector<8x128xf32>
    %gt3A_2714 = arith.cmpf ogt, %slice3A_2713, %max3A_2708 : vector<8x128xf32>
    %max3A_2715 = arith.maximumf %max3A_2708, %slice3A_2713 : vector<8x128xf32>
    %add3A_2716 = arith.constant 1072 : i32
    %add3A_2717 = arith.addi %add3A_1765, %add3A_2716 : i32
    %broadcast_in_dim3A_2718 = vector.broadcast %add3A_2717 : i32 to vector<8x128xi32>
    %select_n3A_2719 = arith.select %gt3A_2714, %broadcast_in_dim3A_2718, %select_n3A_2712 : vector<8x128xi1>, vector<8x128xi32>
    %slice3A_2720 = vector.extract_strided_slice %get3A_1768 {offsets = [1080, 0], sizes = [8, 128], strides = [1, 1]} : vector<2000x128xf32> to vector<8x128xf32>
    %gt3A_2721 = arith.cmpf ogt, %slice3A_2720, %max3A_2715 : vector<8x128xf32>
    %max3A_2722 = arith.maximumf %max3A_2715, %slice3A_2720 : vector<8x128xf32>
    %add3A_2723 = arith.constant 1080 : i32
    %add3A_2724 = arith.addi %add3A_1765, %add3A_2723 : i32
    %broadcast_in_dim3A_2725 = vector.broadcast %add3A_2724 : i32 to vector<8x128xi32>
    %select_n3A_2726 = arith.select %gt3A_2721, %broadcast_in_dim3A_2725, %select_n3A_2719 : vector<8x128xi1>, vector<8x128xi32>
    %slice3A_2727 = vector.extract_strided_slice %get3A_1768 {offsets = [1088, 0], sizes = [8, 128], strides = [1, 1]} : vector<2000x128xf32> to vector<8x128xf32>
    %gt3A_2728 = arith.cmpf ogt, %slice3A_2727, %max3A_2722 : vector<8x128xf32>
    %max3A_2729 = arith.maximumf %max3A_2722, %slice3A_2727 : vector<8x128xf32>
    %add3A_2730 = arith.constant 1088 : i32
    %add3A_2731 = arith.addi %add3A_1765, %add3A_2730 : i32
    %broadcast_in_dim3A_2732 = vector.broadcast %add3A_2731 : i32 to vector<8x128xi32>
    %select_n3A_2733 = arith.select %gt3A_2728, %broadcast_in_dim3A_2732, %select_n3A_2726 : vector<8x128xi1>, vector<8x128xi32>
    %slice3A_2734 = vector.extract_strided_slice %get3A_1768 {offsets = [1096, 0], sizes = [8, 128], strides = [1, 1]} : vector<2000x128xf32> to vector<8x128xf32>
    %gt3A_2735 = arith.cmpf ogt, %slice3A_2734, %max3A_2729 : vector<8x128xf32>
    %max3A_2736 = arith.maximumf %max3A_2729, %slice3A_2734 : vector<8x128xf32>
    %add3A_2737 = arith.constant 1096 : i32
    %add3A_2738 = arith.addi %add3A_1765, %add3A_2737 : i32
    %broadcast_in_dim3A_2739 = vector.broadcast %add3A_2738 : i32 to vector<8x128xi32>
    %select_n3A_2740 = arith.select %gt3A_2735, %broadcast_in_dim3A_2739, %select_n3A_2733 : vector<8x128xi1>, vector<8x128xi32>
    %slice3A_2741 = vector.extract_strided_slice %get3A_1768 {offsets = [1104, 0], sizes = [8, 128], strides = [1, 1]} : vector<2000x128xf32> to vector<8x128xf32>
    %gt3A_2742 = arith.cmpf ogt, %slice3A_2741, %max3A_2736 : vector<8x128xf32>
    %max3A_2743 = arith.maximumf %max3A_2736, %slice3A_2741 : vector<8x128xf32>
    %add3A_2744 = arith.constant 1104 : i32
    %add3A_2745 = arith.addi %add3A_1765, %add3A_2744 : i32
    %broadcast_in_dim3A_2746 = vector.broadcast %add3A_2745 : i32 to vector<8x128xi32>
    %select_n3A_2747 = arith.select %gt3A_2742, %broadcast_in_dim3A_2746, %select_n3A_2740 : vector<8x128xi1>, vector<8x128xi32>
    %slice3A_2748 = vector.extract_strided_slice %get3A_1768 {offsets = [1112, 0], sizes = [8, 128], strides = [1, 1]} : vector<2000x128xf32> to vector<8x128xf32>
    %gt3A_2749 = arith.cmpf ogt, %slice3A_2748, %max3A_2743 : vector<8x128xf32>
    %max3A_2750 = arith.maximumf %max3A_2743, %slice3A_2748 : vector<8x128xf32>
    %add3A_2751 = arith.constant 1112 : i32
    %add3A_2752 = arith.addi %add3A_1765, %add3A_2751 : i32
    %broadcast_in_dim3A_2753 = vector.broadcast %add3A_2752 : i32 to vector<8x128xi32>
    %select_n3A_2754 = arith.select %gt3A_2749, %broadcast_in_dim3A_2753, %select_n3A_2747 : vector<8x128xi1>, vector<8x128xi32>
    %slice3A_2755 = vector.extract_strided_slice %get3A_1768 {offsets = [1120, 0], sizes = [8, 128], strides = [1, 1]} : vector<2000x128xf32> to vector<8x128xf32>
    %gt3A_2756 = arith.cmpf ogt, %slice3A_2755, %max3A_2750 : vector<8x128xf32>
    %max3A_2757 = arith.maximumf %max3A_2750, %slice3A_2755 : vector<8x128xf32>
    %add3A_2758 = arith.constant 1120 : i32
    %add3A_2759 = arith.addi %add3A_1765, %add3A_2758 : i32
    %broadcast_in_dim3A_2760 = vector.broadcast %add3A_2759 : i32 to vector<8x128xi32>
    %select_n3A_2761 = arith.select %gt3A_2756, %broadcast_in_dim3A_2760, %select_n3A_2754 : vector<8x128xi1>, vector<8x128xi32>
    %slice3A_2762 = vector.extract_strided_slice %get3A_1768 {offsets = [1128, 0], sizes = [8, 128], strides = [1, 1]} : vector<2000x128xf32> to vector<8x128xf32>
    %gt3A_2763 = arith.cmpf ogt, %slice3A_2762, %max3A_2757 : vector<8x128xf32>
    %max3A_2764 = arith.maximumf %max3A_2757, %slice3A_2762 : vector<8x128xf32>
    %add3A_2765 = arith.constant 1128 : i32
    %add3A_2766 = arith.addi %add3A_1765, %add3A_2765 : i32
    %broadcast_in_dim3A_2767 = vector.broadcast %add3A_2766 : i32 to vector<8x128xi32>
    %select_n3A_2768 = arith.select %gt3A_2763, %broadcast_in_dim3A_2767, %select_n3A_2761 : vector<8x128xi1>, vector<8x128xi32>
    %slice3A_2769 = vector.extract_strided_slice %get3A_1768 {offsets = [1136, 0], sizes = [8, 128], strides = [1, 1]} : vector<2000x128xf32> to vector<8x128xf32>
    %gt3A_2770 = arith.cmpf ogt, %slice3A_2769, %max3A_2764 : vector<8x128xf32>
    %max3A_2771 = arith.maximumf %max3A_2764, %slice3A_2769 : vector<8x128xf32>
    %add3A_2772 = arith.constant 1136 : i32
    %add3A_2773 = arith.addi %add3A_1765, %add3A_2772 : i32
    %broadcast_in_dim3A_2774 = vector.broadcast %add3A_2773 : i32 to vector<8x128xi32>
    %select_n3A_2775 = arith.select %gt3A_2770, %broadcast_in_dim3A_2774, %select_n3A_2768 : vector<8x128xi1>, vector<8x128xi32>
    %slice3A_2776 = vector.extract_strided_slice %get3A_1768 {offsets = [1144, 0], sizes = [8, 128], strides = [1, 1]} : vector<2000x128xf32> to vector<8x128xf32>
    %gt3A_2777 = arith.cmpf ogt, %slice3A_2776, %max3A_2771 : vector<8x128xf32>
    %max3A_2778 = arith.maximumf %max3A_2771, %slice3A_2776 : vector<8x128xf32>
    %add3A_2779 = arith.constant 1144 : i32
    %add3A_2780 = arith.addi %add3A_1765, %add3A_2779 : i32
    %broadcast_in_dim3A_2781 = vector.broadcast %add3A_2780 : i32 to vector<8x128xi32>
    %select_n3A_2782 = arith.select %gt3A_2777, %broadcast_in_dim3A_2781, %select_n3A_2775 : vector<8x128xi1>, vector<8x128xi32>
    %slice3A_2783 = vector.extract_strided_slice %get3A_1768 {offsets = [1152, 0], sizes = [8, 128], strides = [1, 1]} : vector<2000x128xf32> to vector<8x128xf32>
    %gt3A_2784 = arith.cmpf ogt, %slice3A_2783, %max3A_2778 : vector<8x128xf32>
    %max3A_2785 = arith.maximumf %max3A_2778, %slice3A_2783 : vector<8x128xf32>
    %add3A_2786 = arith.constant 1152 : i32
    %add3A_2787 = arith.addi %add3A_1765, %add3A_2786 : i32
    %broadcast_in_dim3A_2788 = vector.broadcast %add3A_2787 : i32 to vector<8x128xi32>
    %select_n3A_2789 = arith.select %gt3A_2784, %broadcast_in_dim3A_2788, %select_n3A_2782 : vector<8x128xi1>, vector<8x128xi32>
    %slice3A_2790 = vector.extract_strided_slice %get3A_1768 {offsets = [1160, 0], sizes = [8, 128], strides = [1, 1]} : vector<2000x128xf32> to vector<8x128xf32>
    %gt3A_2791 = arith.cmpf ogt, %slice3A_2790, %max3A_2785 : vector<8x128xf32>
    %max3A_2792 = arith.maximumf %max3A_2785, %slice3A_2790 : vector<8x128xf32>
    %add3A_2793 = arith.constant 1160 : i32
    %add3A_2794 = arith.addi %add3A_1765, %add3A_2793 : i32
    %broadcast_in_dim3A_2795 = vector.broadcast %add3A_2794 : i32 to vector<8x128xi32>
    %select_n3A_2796 = arith.select %gt3A_2791, %broadcast_in_dim3A_2795, %select_n3A_2789 : vector<8x128xi1>, vector<8x128xi32>
    %slice3A_2797 = vector.extract_strided_slice %get3A_1768 {offsets = [1168, 0], sizes = [8, 128], strides = [1, 1]} : vector<2000x128xf32> to vector<8x128xf32>
    %gt3A_2798 = arith.cmpf ogt, %slice3A_2797, %max3A_2792 : vector<8x128xf32>
    %max3A_2799 = arith.maximumf %max3A_2792, %slice3A_2797 : vector<8x128xf32>
    %add3A_2800 = arith.constant 1168 : i32
    %add3A_2801 = arith.addi %add3A_1765, %add3A_2800 : i32
    %broadcast_in_dim3A_2802 = vector.broadcast %add3A_2801 : i32 to vector<8x128xi32>
    %select_n3A_2803 = arith.select %gt3A_2798, %broadcast_in_dim3A_2802, %select_n3A_2796 : vector<8x128xi1>, vector<8x128xi32>
    %slice3A_2804 = vector.extract_strided_slice %get3A_1768 {offsets = [1176, 0], sizes = [8, 128], strides = [1, 1]} : vector<2000x128xf32> to vector<8x128xf32>
    %gt3A_2805 = arith.cmpf ogt, %slice3A_2804, %max3A_2799 : vector<8x128xf32>
    %max3A_2806 = arith.maximumf %max3A_2799, %slice3A_2804 : vector<8x128xf32>
    %add3A_2807 = arith.constant 1176 : i32
    %add3A_2808 = arith.addi %add3A_1765, %add3A_2807 : i32
    %broadcast_in_dim3A_2809 = vector.broadcast %add3A_2808 : i32 to vector<8x128xi32>
    %select_n3A_2810 = arith.select %gt3A_2805, %broadcast_in_dim3A_2809, %select_n3A_2803 : vector<8x128xi1>, vector<8x128xi32>
    %slice3A_2811 = vector.extract_strided_slice %get3A_1768 {offsets = [1184, 0], sizes = [8, 128], strides = [1, 1]} : vector<2000x128xf32> to vector<8x128xf32>
    %gt3A_2812 = arith.cmpf ogt, %slice3A_2811, %max3A_2806 : vector<8x128xf32>
    %max3A_2813 = arith.maximumf %max3A_2806, %slice3A_2811 : vector<8x128xf32>
    %add3A_2814 = arith.constant 1184 : i32
    %add3A_2815 = arith.addi %add3A_1765, %add3A_2814 : i32
    %broadcast_in_dim3A_2816 = vector.broadcast %add3A_2815 : i32 to vector<8x128xi32>
    %select_n3A_2817 = arith.select %gt3A_2812, %broadcast_in_dim3A_2816, %select_n3A_2810 : vector<8x128xi1>, vector<8x128xi32>
    %slice3A_2818 = vector.extract_strided_slice %get3A_1768 {offsets = [1192, 0], sizes = [8, 128], strides = [1, 1]} : vector<2000x128xf32> to vector<8x128xf32>
    %gt3A_2819 = arith.cmpf ogt, %slice3A_2818, %max3A_2813 : vector<8x128xf32>
    %max3A_2820 = arith.maximumf %max3A_2813, %slice3A_2818 : vector<8x128xf32>
    %add3A_2821 = arith.constant 1192 : i32
    %add3A_2822 = arith.addi %add3A_1765, %add3A_2821 : i32
    %broadcast_in_dim3A_2823 = vector.broadcast %add3A_2822 : i32 to vector<8x128xi32>
    %select_n3A_2824 = arith.select %gt3A_2819, %broadcast_in_dim3A_2823, %select_n3A_2817 : vector<8x128xi1>, vector<8x128xi32>
    %slice3A_2825 = vector.extract_strided_slice %get3A_1768 {offsets = [1200, 0], sizes = [8, 128], strides = [1, 1]} : vector<2000x128xf32> to vector<8x128xf32>
    %gt3A_2826 = arith.cmpf ogt, %slice3A_2825, %max3A_2820 : vector<8x128xf32>
    %max3A_2827 = arith.maximumf %max3A_2820, %slice3A_2825 : vector<8x128xf32>
    %add3A_2828 = arith.constant 1200 : i32
    %add3A_2829 = arith.addi %add3A_1765, %add3A_2828 : i32
    %broadcast_in_dim3A_2830 = vector.broadcast %add3A_2829 : i32 to vector<8x128xi32>
    %select_n3A_2831 = arith.select %gt3A_2826, %broadcast_in_dim3A_2830, %select_n3A_2824 : vector<8x128xi1>, vector<8x128xi32>
    %slice3A_2832 = vector.extract_strided_slice %get3A_1768 {offsets = [1208, 0], sizes = [8, 128], strides = [1, 1]} : vector<2000x128xf32> to vector<8x128xf32>
    %gt3A_2833 = arith.cmpf ogt, %slice3A_2832, %max3A_2827 : vector<8x128xf32>
    %max3A_2834 = arith.maximumf %max3A_2827, %slice3A_2832 : vector<8x128xf32>
    %add3A_2835 = arith.constant 1208 : i32
    %add3A_2836 = arith.addi %add3A_1765, %add3A_2835 : i32
    %broadcast_in_dim3A_2837 = vector.broadcast %add3A_2836 : i32 to vector<8x128xi32>
    %select_n3A_2838 = arith.select %gt3A_2833, %broadcast_in_dim3A_2837, %select_n3A_2831 : vector<8x128xi1>, vector<8x128xi32>
    %slice3A_2839 = vector.extract_strided_slice %get3A_1768 {offsets = [1216, 0], sizes = [8, 128], strides = [1, 1]} : vector<2000x128xf32> to vector<8x128xf32>
    %gt3A_2840 = arith.cmpf ogt, %slice3A_2839, %max3A_2834 : vector<8x128xf32>
    %max3A_2841 = arith.maximumf %max3A_2834, %slice3A_2839 : vector<8x128xf32>
    %add3A_2842 = arith.constant 1216 : i32
    %add3A_2843 = arith.addi %add3A_1765, %add3A_2842 : i32
    %broadcast_in_dim3A_2844 = vector.broadcast %add3A_2843 : i32 to vector<8x128xi32>
    %select_n3A_2845 = arith.select %gt3A_2840, %broadcast_in_dim3A_2844, %select_n3A_2838 : vector<8x128xi1>, vector<8x128xi32>
    %slice3A_2846 = vector.extract_strided_slice %get3A_1768 {offsets = [1224, 0], sizes = [8, 128], strides = [1, 1]} : vector<2000x128xf32> to vector<8x128xf32>
    %gt3A_2847 = arith.cmpf ogt, %slice3A_2846, %max3A_2841 : vector<8x128xf32>
    %max3A_2848 = arith.maximumf %max3A_2841, %slice3A_2846 : vector<8x128xf32>
    %add3A_2849 = arith.constant 1224 : i32
    %add3A_2850 = arith.addi %add3A_1765, %add3A_2849 : i32
    %broadcast_in_dim3A_2851 = vector.broadcast %add3A_2850 : i32 to vector<8x128xi32>
    %select_n3A_2852 = arith.select %gt3A_2847, %broadcast_in_dim3A_2851, %select_n3A_2845 : vector<8x128xi1>, vector<8x128xi32>
    %slice3A_2853 = vector.extract_strided_slice %get3A_1768 {offsets = [1232, 0], sizes = [8, 128], strides = [1, 1]} : vector<2000x128xf32> to vector<8x128xf32>
    %gt3A_2854 = arith.cmpf ogt, %slice3A_2853, %max3A_2848 : vector<8x128xf32>
    %max3A_2855 = arith.maximumf %max3A_2848, %slice3A_2853 : vector<8x128xf32>
    %add3A_2856 = arith.constant 1232 : i32
    %add3A_2857 = arith.addi %add3A_1765, %add3A_2856 : i32
    %broadcast_in_dim3A_2858 = vector.broadcast %add3A_2857 : i32 to vector<8x128xi32>
    %select_n3A_2859 = arith.select %gt3A_2854, %broadcast_in_dim3A_2858, %select_n3A_2852 : vector<8x128xi1>, vector<8x128xi32>
    %slice3A_2860 = vector.extract_strided_slice %get3A_1768 {offsets = [1240, 0], sizes = [8, 128], strides = [1, 1]} : vector<2000x128xf32> to vector<8x128xf32>
    %gt3A_2861 = arith.cmpf ogt, %slice3A_2860, %max3A_2855 : vector<8x128xf32>
    %max3A_2862 = arith.maximumf %max3A_2855, %slice3A_2860 : vector<8x128xf32>
    %add3A_2863 = arith.constant 1240 : i32
    %add3A_2864 = arith.addi %add3A_1765, %add3A_2863 : i32
    %broadcast_in_dim3A_2865 = vector.broadcast %add3A_2864 : i32 to vector<8x128xi32>
    %select_n3A_2866 = arith.select %gt3A_2861, %broadcast_in_dim3A_2865, %select_n3A_2859 : vector<8x128xi1>, vector<8x128xi32>
    %slice3A_2867 = vector.extract_strided_slice %get3A_1768 {offsets = [1248, 0], sizes = [8, 128], strides = [1, 1]} : vector<2000x128xf32> to vector<8x128xf32>
    %gt3A_2868 = arith.cmpf ogt, %slice3A_2867, %max3A_2862 : vector<8x128xf32>
    %max3A_2869 = arith.maximumf %max3A_2862, %slice3A_2867 : vector<8x128xf32>
    %add3A_2870 = arith.constant 1248 : i32
    %add3A_2871 = arith.addi %add3A_1765, %add3A_2870 : i32
    %broadcast_in_dim3A_2872 = vector.broadcast %add3A_2871 : i32 to vector<8x128xi32>
    %select_n3A_2873 = arith.select %gt3A_2868, %broadcast_in_dim3A_2872, %select_n3A_2866 : vector<8x128xi1>, vector<8x128xi32>
    %slice3A_2874 = vector.extract_strided_slice %get3A_1768 {offsets = [1256, 0], sizes = [8, 128], strides = [1, 1]} : vector<2000x128xf32> to vector<8x128xf32>
    %gt3A_2875 = arith.cmpf ogt, %slice3A_2874, %max3A_2869 : vector<8x128xf32>
    %max3A_2876 = arith.maximumf %max3A_2869, %slice3A_2874 : vector<8x128xf32>
    %add3A_2877 = arith.constant 1256 : i32
    %add3A_2878 = arith.addi %add3A_1765, %add3A_2877 : i32
    %broadcast_in_dim3A_2879 = vector.broadcast %add3A_2878 : i32 to vector<8x128xi32>
    %select_n3A_2880 = arith.select %gt3A_2875, %broadcast_in_dim3A_2879, %select_n3A_2873 : vector<8x128xi1>, vector<8x128xi32>
    %slice3A_2881 = vector.extract_strided_slice %get3A_1768 {offsets = [1264, 0], sizes = [8, 128], strides = [1, 1]} : vector<2000x128xf32> to vector<8x128xf32>
    %gt3A_2882 = arith.cmpf ogt, %slice3A_2881, %max3A_2876 : vector<8x128xf32>
    %max3A_2883 = arith.maximumf %max3A_2876, %slice3A_2881 : vector<8x128xf32>
    %add3A_2884 = arith.constant 1264 : i32
    %add3A_2885 = arith.addi %add3A_1765, %add3A_2884 : i32
    %broadcast_in_dim3A_2886 = vector.broadcast %add3A_2885 : i32 to vector<8x128xi32>
    %select_n3A_2887 = arith.select %gt3A_2882, %broadcast_in_dim3A_2886, %select_n3A_2880 : vector<8x128xi1>, vector<8x128xi32>
    %slice3A_2888 = vector.extract_strided_slice %get3A_1768 {offsets = [1272, 0], sizes = [8, 128], strides = [1, 1]} : vector<2000x128xf32> to vector<8x128xf32>
    %gt3A_2889 = arith.cmpf ogt, %slice3A_2888, %max3A_2883 : vector<8x128xf32>
    %max3A_2890 = arith.maximumf %max3A_2883, %slice3A_2888 : vector<8x128xf32>
    %add3A_2891 = arith.constant 1272 : i32
    %add3A_2892 = arith.addi %add3A_1765, %add3A_2891 : i32
    %broadcast_in_dim3A_2893 = vector.broadcast %add3A_2892 : i32 to vector<8x128xi32>
    %select_n3A_2894 = arith.select %gt3A_2889, %broadcast_in_dim3A_2893, %select_n3A_2887 : vector<8x128xi1>, vector<8x128xi32>
    %slice3A_2895 = vector.extract_strided_slice %get3A_1768 {offsets = [1280, 0], sizes = [8, 128], strides = [1, 1]} : vector<2000x128xf32> to vector<8x128xf32>
    %gt3A_2896 = arith.cmpf ogt, %slice3A_2895, %max3A_2890 : vector<8x128xf32>
    %max3A_2897 = arith.maximumf %max3A_2890, %slice3A_2895 : vector<8x128xf32>
    %add3A_2898 = arith.constant 1280 : i32
    %add3A_2899 = arith.addi %add3A_1765, %add3A_2898 : i32
    %broadcast_in_dim3A_2900 = vector.broadcast %add3A_2899 : i32 to vector<8x128xi32>
    %select_n3A_2901 = arith.select %gt3A_2896, %broadcast_in_dim3A_2900, %select_n3A_2894 : vector<8x128xi1>, vector<8x128xi32>
    %slice3A_2902 = vector.extract_strided_slice %get3A_1768 {offsets = [1288, 0], sizes = [8, 128], strides = [1, 1]} : vector<2000x128xf32> to vector<8x128xf32>
    %gt3A_2903 = arith.cmpf ogt, %slice3A_2902, %max3A_2897 : vector<8x128xf32>
    %max3A_2904 = arith.maximumf %max3A_2897, %slice3A_2902 : vector<8x128xf32>
    %add3A_2905 = arith.constant 1288 : i32
    %add3A_2906 = arith.addi %add3A_1765, %add3A_2905 : i32
    %broadcast_in_dim3A_2907 = vector.broadcast %add3A_2906 : i32 to vector<8x128xi32>
    %select_n3A_2908 = arith.select %gt3A_2903, %broadcast_in_dim3A_2907, %select_n3A_2901 : vector<8x128xi1>, vector<8x128xi32>
    %slice3A_2909 = vector.extract_strided_slice %get3A_1768 {offsets = [1296, 0], sizes = [8, 128], strides = [1, 1]} : vector<2000x128xf32> to vector<8x128xf32>
    %gt3A_2910 = arith.cmpf ogt, %slice3A_2909, %max3A_2904 : vector<8x128xf32>
    %max3A_2911 = arith.maximumf %max3A_2904, %slice3A_2909 : vector<8x128xf32>
    %add3A_2912 = arith.constant 1296 : i32
    %add3A_2913 = arith.addi %add3A_1765, %add3A_2912 : i32
    %broadcast_in_dim3A_2914 = vector.broadcast %add3A_2913 : i32 to vector<8x128xi32>
    %select_n3A_2915 = arith.select %gt3A_2910, %broadcast_in_dim3A_2914, %select_n3A_2908 : vector<8x128xi1>, vector<8x128xi32>
    %slice3A_2916 = vector.extract_strided_slice %get3A_1768 {offsets = [1304, 0], sizes = [8, 128], strides = [1, 1]} : vector<2000x128xf32> to vector<8x128xf32>
    %gt3A_2917 = arith.cmpf ogt, %slice3A_2916, %max3A_2911 : vector<8x128xf32>
    %max3A_2918 = arith.maximumf %max3A_2911, %slice3A_2916 : vector<8x128xf32>
    %add3A_2919 = arith.constant 1304 : i32
    %add3A_2920 = arith.addi %add3A_1765, %add3A_2919 : i32
    %broadcast_in_dim3A_2921 = vector.broadcast %add3A_2920 : i32 to vector<8x128xi32>
    %select_n3A_2922 = arith.select %gt3A_2917, %broadcast_in_dim3A_2921, %select_n3A_2915 : vector<8x128xi1>, vector<8x128xi32>
    %slice3A_2923 = vector.extract_strided_slice %get3A_1768 {offsets = [1312, 0], sizes = [8, 128], strides = [1, 1]} : vector<2000x128xf32> to vector<8x128xf32>
    %gt3A_2924 = arith.cmpf ogt, %slice3A_2923, %max3A_2918 : vector<8x128xf32>
    %max3A_2925 = arith.maximumf %max3A_2918, %slice3A_2923 : vector<8x128xf32>
    %add3A_2926 = arith.constant 1312 : i32
    %add3A_2927 = arith.addi %add3A_1765, %add3A_2926 : i32
    %broadcast_in_dim3A_2928 = vector.broadcast %add3A_2927 : i32 to vector<8x128xi32>
    %select_n3A_2929 = arith.select %gt3A_2924, %broadcast_in_dim3A_2928, %select_n3A_2922 : vector<8x128xi1>, vector<8x128xi32>
    %slice3A_2930 = vector.extract_strided_slice %get3A_1768 {offsets = [1320, 0], sizes = [8, 128], strides = [1, 1]} : vector<2000x128xf32> to vector<8x128xf32>
    %gt3A_2931 = arith.cmpf ogt, %slice3A_2930, %max3A_2925 : vector<8x128xf32>
    %max3A_2932 = arith.maximumf %max3A_2925, %slice3A_2930 : vector<8x128xf32>
    %add3A_2933 = arith.constant 1320 : i32
    %add3A_2934 = arith.addi %add3A_1765, %add3A_2933 : i32
    %broadcast_in_dim3A_2935 = vector.broadcast %add3A_2934 : i32 to vector<8x128xi32>
    %select_n3A_2936 = arith.select %gt3A_2931, %broadcast_in_dim3A_2935, %select_n3A_2929 : vector<8x128xi1>, vector<8x128xi32>
    %slice3A_2937 = vector.extract_strided_slice %get3A_1768 {offsets = [1328, 0], sizes = [8, 128], strides = [1, 1]} : vector<2000x128xf32> to vector<8x128xf32>
    %gt3A_2938 = arith.cmpf ogt, %slice3A_2937, %max3A_2932 : vector<8x128xf32>
    %max3A_2939 = arith.maximumf %max3A_2932, %slice3A_2937 : vector<8x128xf32>
    %add3A_2940 = arith.constant 1328 : i32
    %add3A_2941 = arith.addi %add3A_1765, %add3A_2940 : i32
    %broadcast_in_dim3A_2942 = vector.broadcast %add3A_2941 : i32 to vector<8x128xi32>
    %select_n3A_2943 = arith.select %gt3A_2938, %broadcast_in_dim3A_2942, %select_n3A_2936 : vector<8x128xi1>, vector<8x128xi32>
    %slice3A_2944 = vector.extract_strided_slice %get3A_1768 {offsets = [1336, 0], sizes = [8, 128], strides = [1, 1]} : vector<2000x128xf32> to vector<8x128xf32>
    %gt3A_2945 = arith.cmpf ogt, %slice3A_2944, %max3A_2939 : vector<8x128xf32>
    %max3A_2946 = arith.maximumf %max3A_2939, %slice3A_2944 : vector<8x128xf32>
    %add3A_2947 = arith.constant 1336 : i32
    %add3A_2948 = arith.addi %add3A_1765, %add3A_2947 : i32
    %broadcast_in_dim3A_2949 = vector.broadcast %add3A_2948 : i32 to vector<8x128xi32>
    %select_n3A_2950 = arith.select %gt3A_2945, %broadcast_in_dim3A_2949, %select_n3A_2943 : vector<8x128xi1>, vector<8x128xi32>
    %slice3A_2951 = vector.extract_strided_slice %get3A_1768 {offsets = [1344, 0], sizes = [8, 128], strides = [1, 1]} : vector<2000x128xf32> to vector<8x128xf32>
    %gt3A_2952 = arith.cmpf ogt, %slice3A_2951, %max3A_2946 : vector<8x128xf32>
    %max3A_2953 = arith.maximumf %max3A_2946, %slice3A_2951 : vector<8x128xf32>
    %add3A_2954 = arith.constant 1344 : i32
    %add3A_2955 = arith.addi %add3A_1765, %add3A_2954 : i32
    %broadcast_in_dim3A_2956 = vector.broadcast %add3A_2955 : i32 to vector<8x128xi32>
    %select_n3A_2957 = arith.select %gt3A_2952, %broadcast_in_dim3A_2956, %select_n3A_2950 : vector<8x128xi1>, vector<8x128xi32>
    %slice3A_2958 = vector.extract_strided_slice %get3A_1768 {offsets = [1352, 0], sizes = [8, 128], strides = [1, 1]} : vector<2000x128xf32> to vector<8x128xf32>
    %gt3A_2959 = arith.cmpf ogt, %slice3A_2958, %max3A_2953 : vector<8x128xf32>
    %max3A_2960 = arith.maximumf %max3A_2953, %slice3A_2958 : vector<8x128xf32>
    %add3A_2961 = arith.constant 1352 : i32
    %add3A_2962 = arith.addi %add3A_1765, %add3A_2961 : i32
    %broadcast_in_dim3A_2963 = vector.broadcast %add3A_2962 : i32 to vector<8x128xi32>
    %select_n3A_2964 = arith.select %gt3A_2959, %broadcast_in_dim3A_2963, %select_n3A_2957 : vector<8x128xi1>, vector<8x128xi32>
    %slice3A_2965 = vector.extract_strided_slice %get3A_1768 {offsets = [1360, 0], sizes = [8, 128], strides = [1, 1]} : vector<2000x128xf32> to vector<8x128xf32>
    %gt3A_2966 = arith.cmpf ogt, %slice3A_2965, %max3A_2960 : vector<8x128xf32>
    %max3A_2967 = arith.maximumf %max3A_2960, %slice3A_2965 : vector<8x128xf32>
    %add3A_2968 = arith.constant 1360 : i32
    %add3A_2969 = arith.addi %add3A_1765, %add3A_2968 : i32
    %broadcast_in_dim3A_2970 = vector.broadcast %add3A_2969 : i32 to vector<8x128xi32>
    %select_n3A_2971 = arith.select %gt3A_2966, %broadcast_in_dim3A_2970, %select_n3A_2964 : vector<8x128xi1>, vector<8x128xi32>
    %slice3A_2972 = vector.extract_strided_slice %get3A_1768 {offsets = [1368, 0], sizes = [8, 128], strides = [1, 1]} : vector<2000x128xf32> to vector<8x128xf32>
    %gt3A_2973 = arith.cmpf ogt, %slice3A_2972, %max3A_2967 : vector<8x128xf32>
    %max3A_2974 = arith.maximumf %max3A_2967, %slice3A_2972 : vector<8x128xf32>
    %add3A_2975 = arith.constant 1368 : i32
    %add3A_2976 = arith.addi %add3A_1765, %add3A_2975 : i32
    %broadcast_in_dim3A_2977 = vector.broadcast %add3A_2976 : i32 to vector<8x128xi32>
    %select_n3A_2978 = arith.select %gt3A_2973, %broadcast_in_dim3A_2977, %select_n3A_2971 : vector<8x128xi1>, vector<8x128xi32>
    %slice3A_2979 = vector.extract_strided_slice %get3A_1768 {offsets = [1376, 0], sizes = [8, 128], strides = [1, 1]} : vector<2000x128xf32> to vector<8x128xf32>
    %gt3A_2980 = arith.cmpf ogt, %slice3A_2979, %max3A_2974 : vector<8x128xf32>
    %max3A_2981 = arith.maximumf %max3A_2974, %slice3A_2979 : vector<8x128xf32>
    %add3A_2982 = arith.constant 1376 : i32
    %add3A_2983 = arith.addi %add3A_1765, %add3A_2982 : i32
    %broadcast_in_dim3A_2984 = vector.broadcast %add3A_2983 : i32 to vector<8x128xi32>
    %select_n3A_2985 = arith.select %gt3A_2980, %broadcast_in_dim3A_2984, %select_n3A_2978 : vector<8x128xi1>, vector<8x128xi32>
    %slice3A_2986 = vector.extract_strided_slice %get3A_1768 {offsets = [1384, 0], sizes = [8, 128], strides = [1, 1]} : vector<2000x128xf32> to vector<8x128xf32>
    %gt3A_2987 = arith.cmpf ogt, %slice3A_2986, %max3A_2981 : vector<8x128xf32>
    %max3A_2988 = arith.maximumf %max3A_2981, %slice3A_2986 : vector<8x128xf32>
    %add3A_2989 = arith.constant 1384 : i32
    %add3A_2990 = arith.addi %add3A_1765, %add3A_2989 : i32
    %broadcast_in_dim3A_2991 = vector.broadcast %add3A_2990 : i32 to vector<8x128xi32>
    %select_n3A_2992 = arith.select %gt3A_2987, %broadcast_in_dim3A_2991, %select_n3A_2985 : vector<8x128xi1>, vector<8x128xi32>
    %slice3A_2993 = vector.extract_strided_slice %get3A_1768 {offsets = [1392, 0], sizes = [8, 128], strides = [1, 1]} : vector<2000x128xf32> to vector<8x128xf32>
    %gt3A_2994 = arith.cmpf ogt, %slice3A_2993, %max3A_2988 : vector<8x128xf32>
    %max3A_2995 = arith.maximumf %max3A_2988, %slice3A_2993 : vector<8x128xf32>
    %add3A_2996 = arith.constant 1392 : i32
    %add3A_2997 = arith.addi %add3A_1765, %add3A_2996 : i32
    %broadcast_in_dim3A_2998 = vector.broadcast %add3A_2997 : i32 to vector<8x128xi32>
    %select_n3A_2999 = arith.select %gt3A_2994, %broadcast_in_dim3A_2998, %select_n3A_2992 : vector<8x128xi1>, vector<8x128xi32>
    %slice3A_3000 = vector.extract_strided_slice %get3A_1768 {offsets = [1400, 0], sizes = [8, 128], strides = [1, 1]} : vector<2000x128xf32> to vector<8x128xf32>
    %gt3A_3001 = arith.cmpf ogt, %slice3A_3000, %max3A_2995 : vector<8x128xf32>
    %max3A_3002 = arith.maximumf %max3A_2995, %slice3A_3000 : vector<8x128xf32>
    %add3A_3003 = arith.constant 1400 : i32
    %add3A_3004 = arith.addi %add3A_1765, %add3A_3003 : i32
    %broadcast_in_dim3A_3005 = vector.broadcast %add3A_3004 : i32 to vector<8x128xi32>
    %select_n3A_3006 = arith.select %gt3A_3001, %broadcast_in_dim3A_3005, %select_n3A_2999 : vector<8x128xi1>, vector<8x128xi32>
    %slice3A_3007 = vector.extract_strided_slice %get3A_1768 {offsets = [1408, 0], sizes = [8, 128], strides = [1, 1]} : vector<2000x128xf32> to vector<8x128xf32>
    %gt3A_3008 = arith.cmpf ogt, %slice3A_3007, %max3A_3002 : vector<8x128xf32>
    %max3A_3009 = arith.maximumf %max3A_3002, %slice3A_3007 : vector<8x128xf32>
    %add3A_3010 = arith.constant 1408 : i32
    %add3A_3011 = arith.addi %add3A_1765, %add3A_3010 : i32
    %broadcast_in_dim3A_3012 = vector.broadcast %add3A_3011 : i32 to vector<8x128xi32>
    %select_n3A_3013 = arith.select %gt3A_3008, %broadcast_in_dim3A_3012, %select_n3A_3006 : vector<8x128xi1>, vector<8x128xi32>
    %slice3A_3014 = vector.extract_strided_slice %get3A_1768 {offsets = [1416, 0], sizes = [8, 128], strides = [1, 1]} : vector<2000x128xf32> to vector<8x128xf32>
    %gt3A_3015 = arith.cmpf ogt, %slice3A_3014, %max3A_3009 : vector<8x128xf32>
    %max3A_3016 = arith.maximumf %max3A_3009, %slice3A_3014 : vector<8x128xf32>
    %add3A_3017 = arith.constant 1416 : i32
    %add3A_3018 = arith.addi %add3A_1765, %add3A_3017 : i32
    %broadcast_in_dim3A_3019 = vector.broadcast %add3A_3018 : i32 to vector<8x128xi32>
    %select_n3A_3020 = arith.select %gt3A_3015, %broadcast_in_dim3A_3019, %select_n3A_3013 : vector<8x128xi1>, vector<8x128xi32>
    %slice3A_3021 = vector.extract_strided_slice %get3A_1768 {offsets = [1424, 0], sizes = [8, 128], strides = [1, 1]} : vector<2000x128xf32> to vector<8x128xf32>
    %gt3A_3022 = arith.cmpf ogt, %slice3A_3021, %max3A_3016 : vector<8x128xf32>
    %max3A_3023 = arith.maximumf %max3A_3016, %slice3A_3021 : vector<8x128xf32>
    %add3A_3024 = arith.constant 1424 : i32
    %add3A_3025 = arith.addi %add3A_1765, %add3A_3024 : i32
    %broadcast_in_dim3A_3026 = vector.broadcast %add3A_3025 : i32 to vector<8x128xi32>
    %select_n3A_3027 = arith.select %gt3A_3022, %broadcast_in_dim3A_3026, %select_n3A_3020 : vector<8x128xi1>, vector<8x128xi32>
    %slice3A_3028 = vector.extract_strided_slice %get3A_1768 {offsets = [1432, 0], sizes = [8, 128], strides = [1, 1]} : vector<2000x128xf32> to vector<8x128xf32>
    %gt3A_3029 = arith.cmpf ogt, %slice3A_3028, %max3A_3023 : vector<8x128xf32>
    %max3A_3030 = arith.maximumf %max3A_3023, %slice3A_3028 : vector<8x128xf32>
    %add3A_3031 = arith.constant 1432 : i32
    %add3A_3032 = arith.addi %add3A_1765, %add3A_3031 : i32
    %broadcast_in_dim3A_3033 = vector.broadcast %add3A_3032 : i32 to vector<8x128xi32>
    %select_n3A_3034 = arith.select %gt3A_3029, %broadcast_in_dim3A_3033, %select_n3A_3027 : vector<8x128xi1>, vector<8x128xi32>
    %slice3A_3035 = vector.extract_strided_slice %get3A_1768 {offsets = [1440, 0], sizes = [8, 128], strides = [1, 1]} : vector<2000x128xf32> to vector<8x128xf32>
    %gt3A_3036 = arith.cmpf ogt, %slice3A_3035, %max3A_3030 : vector<8x128xf32>
    %max3A_3037 = arith.maximumf %max3A_3030, %slice3A_3035 : vector<8x128xf32>
    %add3A_3038 = arith.constant 1440 : i32
    %add3A_3039 = arith.addi %add3A_1765, %add3A_3038 : i32
    %broadcast_in_dim3A_3040 = vector.broadcast %add3A_3039 : i32 to vector<8x128xi32>
    %select_n3A_3041 = arith.select %gt3A_3036, %broadcast_in_dim3A_3040, %select_n3A_3034 : vector<8x128xi1>, vector<8x128xi32>
    %slice3A_3042 = vector.extract_strided_slice %get3A_1768 {offsets = [1448, 0], sizes = [8, 128], strides = [1, 1]} : vector<2000x128xf32> to vector<8x128xf32>
    %gt3A_3043 = arith.cmpf ogt, %slice3A_3042, %max3A_3037 : vector<8x128xf32>
    %max3A_3044 = arith.maximumf %max3A_3037, %slice3A_3042 : vector<8x128xf32>
    %add3A_3045 = arith.constant 1448 : i32
    %add3A_3046 = arith.addi %add3A_1765, %add3A_3045 : i32
    %broadcast_in_dim3A_3047 = vector.broadcast %add3A_3046 : i32 to vector<8x128xi32>
    %select_n3A_3048 = arith.select %gt3A_3043, %broadcast_in_dim3A_3047, %select_n3A_3041 : vector<8x128xi1>, vector<8x128xi32>
    %slice3A_3049 = vector.extract_strided_slice %get3A_1768 {offsets = [1456, 0], sizes = [8, 128], strides = [1, 1]} : vector<2000x128xf32> to vector<8x128xf32>
    %gt3A_3050 = arith.cmpf ogt, %slice3A_3049, %max3A_3044 : vector<8x128xf32>
    %max3A_3051 = arith.maximumf %max3A_3044, %slice3A_3049 : vector<8x128xf32>
    %add3A_3052 = arith.constant 1456 : i32
    %add3A_3053 = arith.addi %add3A_1765, %add3A_3052 : i32
    %broadcast_in_dim3A_3054 = vector.broadcast %add3A_3053 : i32 to vector<8x128xi32>
    %select_n3A_3055 = arith.select %gt3A_3050, %broadcast_in_dim3A_3054, %select_n3A_3048 : vector<8x128xi1>, vector<8x128xi32>
    %slice3A_3056 = vector.extract_strided_slice %get3A_1768 {offsets = [1464, 0], sizes = [8, 128], strides = [1, 1]} : vector<2000x128xf32> to vector<8x128xf32>
    %gt3A_3057 = arith.cmpf ogt, %slice3A_3056, %max3A_3051 : vector<8x128xf32>
    %max3A_3058 = arith.maximumf %max3A_3051, %slice3A_3056 : vector<8x128xf32>
    %add3A_3059 = arith.constant 1464 : i32
    %add3A_3060 = arith.addi %add3A_1765, %add3A_3059 : i32
    %broadcast_in_dim3A_3061 = vector.broadcast %add3A_3060 : i32 to vector<8x128xi32>
    %select_n3A_3062 = arith.select %gt3A_3057, %broadcast_in_dim3A_3061, %select_n3A_3055 : vector<8x128xi1>, vector<8x128xi32>
    %slice3A_3063 = vector.extract_strided_slice %get3A_1768 {offsets = [1472, 0], sizes = [8, 128], strides = [1, 1]} : vector<2000x128xf32> to vector<8x128xf32>
    %gt3A_3064 = arith.cmpf ogt, %slice3A_3063, %max3A_3058 : vector<8x128xf32>
    %max3A_3065 = arith.maximumf %max3A_3058, %slice3A_3063 : vector<8x128xf32>
    %add3A_3066 = arith.constant 1472 : i32
    %add3A_3067 = arith.addi %add3A_1765, %add3A_3066 : i32
    %broadcast_in_dim3A_3068 = vector.broadcast %add3A_3067 : i32 to vector<8x128xi32>
    %select_n3A_3069 = arith.select %gt3A_3064, %broadcast_in_dim3A_3068, %select_n3A_3062 : vector<8x128xi1>, vector<8x128xi32>
    %slice3A_3070 = vector.extract_strided_slice %get3A_1768 {offsets = [1480, 0], sizes = [8, 128], strides = [1, 1]} : vector<2000x128xf32> to vector<8x128xf32>
    %gt3A_3071 = arith.cmpf ogt, %slice3A_3070, %max3A_3065 : vector<8x128xf32>
    %max3A_3072 = arith.maximumf %max3A_3065, %slice3A_3070 : vector<8x128xf32>
    %add3A_3073 = arith.constant 1480 : i32
    %add3A_3074 = arith.addi %add3A_1765, %add3A_3073 : i32
    %broadcast_in_dim3A_3075 = vector.broadcast %add3A_3074 : i32 to vector<8x128xi32>
    %select_n3A_3076 = arith.select %gt3A_3071, %broadcast_in_dim3A_3075, %select_n3A_3069 : vector<8x128xi1>, vector<8x128xi32>
    %slice3A_3077 = vector.extract_strided_slice %get3A_1768 {offsets = [1488, 0], sizes = [8, 128], strides = [1, 1]} : vector<2000x128xf32> to vector<8x128xf32>
    %gt3A_3078 = arith.cmpf ogt, %slice3A_3077, %max3A_3072 : vector<8x128xf32>
    %max3A_3079 = arith.maximumf %max3A_3072, %slice3A_3077 : vector<8x128xf32>
    %add3A_3080 = arith.constant 1488 : i32
    %add3A_3081 = arith.addi %add3A_1765, %add3A_3080 : i32
    %broadcast_in_dim3A_3082 = vector.broadcast %add3A_3081 : i32 to vector<8x128xi32>
    %select_n3A_3083 = arith.select %gt3A_3078, %broadcast_in_dim3A_3082, %select_n3A_3076 : vector<8x128xi1>, vector<8x128xi32>
    %slice3A_3084 = vector.extract_strided_slice %get3A_1768 {offsets = [1496, 0], sizes = [8, 128], strides = [1, 1]} : vector<2000x128xf32> to vector<8x128xf32>
    %gt3A_3085 = arith.cmpf ogt, %slice3A_3084, %max3A_3079 : vector<8x128xf32>
    %max3A_3086 = arith.maximumf %max3A_3079, %slice3A_3084 : vector<8x128xf32>
    %add3A_3087 = arith.constant 1496 : i32
    %add3A_3088 = arith.addi %add3A_1765, %add3A_3087 : i32
    %broadcast_in_dim3A_3089 = vector.broadcast %add3A_3088 : i32 to vector<8x128xi32>
    %select_n3A_3090 = arith.select %gt3A_3085, %broadcast_in_dim3A_3089, %select_n3A_3083 : vector<8x128xi1>, vector<8x128xi32>
    %slice3A_3091 = vector.extract_strided_slice %get3A_1768 {offsets = [1504, 0], sizes = [8, 128], strides = [1, 1]} : vector<2000x128xf32> to vector<8x128xf32>
    %gt3A_3092 = arith.cmpf ogt, %slice3A_3091, %max3A_3086 : vector<8x128xf32>
    %max3A_3093 = arith.maximumf %max3A_3086, %slice3A_3091 : vector<8x128xf32>
    %add3A_3094 = arith.constant 1504 : i32
    %add3A_3095 = arith.addi %add3A_1765, %add3A_3094 : i32
    %broadcast_in_dim3A_3096 = vector.broadcast %add3A_3095 : i32 to vector<8x128xi32>
    %select_n3A_3097 = arith.select %gt3A_3092, %broadcast_in_dim3A_3096, %select_n3A_3090 : vector<8x128xi1>, vector<8x128xi32>
    %slice3A_3098 = vector.extract_strided_slice %get3A_1768 {offsets = [1512, 0], sizes = [8, 128], strides = [1, 1]} : vector<2000x128xf32> to vector<8x128xf32>
    %gt3A_3099 = arith.cmpf ogt, %slice3A_3098, %max3A_3093 : vector<8x128xf32>
    %max3A_3100 = arith.maximumf %max3A_3093, %slice3A_3098 : vector<8x128xf32>
    %add3A_3101 = arith.constant 1512 : i32
    %add3A_3102 = arith.addi %add3A_1765, %add3A_3101 : i32
    %broadcast_in_dim3A_3103 = vector.broadcast %add3A_3102 : i32 to vector<8x128xi32>
    %select_n3A_3104 = arith.select %gt3A_3099, %broadcast_in_dim3A_3103, %select_n3A_3097 : vector<8x128xi1>, vector<8x128xi32>
    %slice3A_3105 = vector.extract_strided_slice %get3A_1768 {offsets = [1520, 0], sizes = [8, 128], strides = [1, 1]} : vector<2000x128xf32> to vector<8x128xf32>
    %gt3A_3106 = arith.cmpf ogt, %slice3A_3105, %max3A_3100 : vector<8x128xf32>
    %max3A_3107 = arith.maximumf %max3A_3100, %slice3A_3105 : vector<8x128xf32>
    %add3A_3108 = arith.constant 1520 : i32
    %add3A_3109 = arith.addi %add3A_1765, %add3A_3108 : i32
    %broadcast_in_dim3A_3110 = vector.broadcast %add3A_3109 : i32 to vector<8x128xi32>
    %select_n3A_3111 = arith.select %gt3A_3106, %broadcast_in_dim3A_3110, %select_n3A_3104 : vector<8x128xi1>, vector<8x128xi32>
    %slice3A_3112 = vector.extract_strided_slice %get3A_1768 {offsets = [1528, 0], sizes = [8, 128], strides = [1, 1]} : vector<2000x128xf32> to vector<8x128xf32>
    %gt3A_3113 = arith.cmpf ogt, %slice3A_3112, %max3A_3107 : vector<8x128xf32>
    %max3A_3114 = arith.maximumf %max3A_3107, %slice3A_3112 : vector<8x128xf32>
    %add3A_3115 = arith.constant 1528 : i32
    %add3A_3116 = arith.addi %add3A_1765, %add3A_3115 : i32
    %broadcast_in_dim3A_3117 = vector.broadcast %add3A_3116 : i32 to vector<8x128xi32>
    %select_n3A_3118 = arith.select %gt3A_3113, %broadcast_in_dim3A_3117, %select_n3A_3111 : vector<8x128xi1>, vector<8x128xi32>
    %slice3A_3119 = vector.extract_strided_slice %get3A_1768 {offsets = [1536, 0], sizes = [8, 128], strides = [1, 1]} : vector<2000x128xf32> to vector<8x128xf32>
    %gt3A_3120 = arith.cmpf ogt, %slice3A_3119, %max3A_3114 : vector<8x128xf32>
    %max3A_3121 = arith.maximumf %max3A_3114, %slice3A_3119 : vector<8x128xf32>
    %add3A_3122 = arith.constant 1536 : i32
    %add3A_3123 = arith.addi %add3A_1765, %add3A_3122 : i32
    %broadcast_in_dim3A_3124 = vector.broadcast %add3A_3123 : i32 to vector<8x128xi32>
    %select_n3A_3125 = arith.select %gt3A_3120, %broadcast_in_dim3A_3124, %select_n3A_3118 : vector<8x128xi1>, vector<8x128xi32>
    %slice3A_3126 = vector.extract_strided_slice %get3A_1768 {offsets = [1544, 0], sizes = [8, 128], strides = [1, 1]} : vector<2000x128xf32> to vector<8x128xf32>
    %gt3A_3127 = arith.cmpf ogt, %slice3A_3126, %max3A_3121 : vector<8x128xf32>
    %max3A_3128 = arith.maximumf %max3A_3121, %slice3A_3126 : vector<8x128xf32>
    %add3A_3129 = arith.constant 1544 : i32
    %add3A_3130 = arith.addi %add3A_1765, %add3A_3129 : i32
    %broadcast_in_dim3A_3131 = vector.broadcast %add3A_3130 : i32 to vector<8x128xi32>
    %select_n3A_3132 = arith.select %gt3A_3127, %broadcast_in_dim3A_3131, %select_n3A_3125 : vector<8x128xi1>, vector<8x128xi32>
    %slice3A_3133 = vector.extract_strided_slice %get3A_1768 {offsets = [1552, 0], sizes = [8, 128], strides = [1, 1]} : vector<2000x128xf32> to vector<8x128xf32>
    %gt3A_3134 = arith.cmpf ogt, %slice3A_3133, %max3A_3128 : vector<8x128xf32>
    %max3A_3135 = arith.maximumf %max3A_3128, %slice3A_3133 : vector<8x128xf32>
    %add3A_3136 = arith.constant 1552 : i32
    %add3A_3137 = arith.addi %add3A_1765, %add3A_3136 : i32
    %broadcast_in_dim3A_3138 = vector.broadcast %add3A_3137 : i32 to vector<8x128xi32>
    %select_n3A_3139 = arith.select %gt3A_3134, %broadcast_in_dim3A_3138, %select_n3A_3132 : vector<8x128xi1>, vector<8x128xi32>
    %slice3A_3140 = vector.extract_strided_slice %get3A_1768 {offsets = [1560, 0], sizes = [8, 128], strides = [1, 1]} : vector<2000x128xf32> to vector<8x128xf32>
    %gt3A_3141 = arith.cmpf ogt, %slice3A_3140, %max3A_3135 : vector<8x128xf32>
    %max3A_3142 = arith.maximumf %max3A_3135, %slice3A_3140 : vector<8x128xf32>
    %add3A_3143 = arith.constant 1560 : i32
    %add3A_3144 = arith.addi %add3A_1765, %add3A_3143 : i32
    %broadcast_in_dim3A_3145 = vector.broadcast %add3A_3144 : i32 to vector<8x128xi32>
    %select_n3A_3146 = arith.select %gt3A_3141, %broadcast_in_dim3A_3145, %select_n3A_3139 : vector<8x128xi1>, vector<8x128xi32>
    %slice3A_3147 = vector.extract_strided_slice %get3A_1768 {offsets = [1568, 0], sizes = [8, 128], strides = [1, 1]} : vector<2000x128xf32> to vector<8x128xf32>
    %gt3A_3148 = arith.cmpf ogt, %slice3A_3147, %max3A_3142 : vector<8x128xf32>
    %max3A_3149 = arith.maximumf %max3A_3142, %slice3A_3147 : vector<8x128xf32>
    %add3A_3150 = arith.constant 1568 : i32
    %add3A_3151 = arith.addi %add3A_1765, %add3A_3150 : i32
    %broadcast_in_dim3A_3152 = vector.broadcast %add3A_3151 : i32 to vector<8x128xi32>
    %select_n3A_3153 = arith.select %gt3A_3148, %broadcast_in_dim3A_3152, %select_n3A_3146 : vector<8x128xi1>, vector<8x128xi32>
    %slice3A_3154 = vector.extract_strided_slice %get3A_1768 {offsets = [1576, 0], sizes = [8, 128], strides = [1, 1]} : vector<2000x128xf32> to vector<8x128xf32>
    %gt3A_3155 = arith.cmpf ogt, %slice3A_3154, %max3A_3149 : vector<8x128xf32>
    %max3A_3156 = arith.maximumf %max3A_3149, %slice3A_3154 : vector<8x128xf32>
    %add3A_3157 = arith.constant 1576 : i32
    %add3A_3158 = arith.addi %add3A_1765, %add3A_3157 : i32
    %broadcast_in_dim3A_3159 = vector.broadcast %add3A_3158 : i32 to vector<8x128xi32>
    %select_n3A_3160 = arith.select %gt3A_3155, %broadcast_in_dim3A_3159, %select_n3A_3153 : vector<8x128xi1>, vector<8x128xi32>
    %slice3A_3161 = vector.extract_strided_slice %get3A_1768 {offsets = [1584, 0], sizes = [8, 128], strides = [1, 1]} : vector<2000x128xf32> to vector<8x128xf32>
    %gt3A_3162 = arith.cmpf ogt, %slice3A_3161, %max3A_3156 : vector<8x128xf32>
    %max3A_3163 = arith.maximumf %max3A_3156, %slice3A_3161 : vector<8x128xf32>
    %add3A_3164 = arith.constant 1584 : i32
    %add3A_3165 = arith.addi %add3A_1765, %add3A_3164 : i32
    %broadcast_in_dim3A_3166 = vector.broadcast %add3A_3165 : i32 to vector<8x128xi32>
    %select_n3A_3167 = arith.select %gt3A_3162, %broadcast_in_dim3A_3166, %select_n3A_3160 : vector<8x128xi1>, vector<8x128xi32>
    %slice3A_3168 = vector.extract_strided_slice %get3A_1768 {offsets = [1592, 0], sizes = [8, 128], strides = [1, 1]} : vector<2000x128xf32> to vector<8x128xf32>
    %gt3A_3169 = arith.cmpf ogt, %slice3A_3168, %max3A_3163 : vector<8x128xf32>
    %max3A_3170 = arith.maximumf %max3A_3163, %slice3A_3168 : vector<8x128xf32>
    %add3A_3171 = arith.constant 1592 : i32
    %add3A_3172 = arith.addi %add3A_1765, %add3A_3171 : i32
    %broadcast_in_dim3A_3173 = vector.broadcast %add3A_3172 : i32 to vector<8x128xi32>
    %select_n3A_3174 = arith.select %gt3A_3169, %broadcast_in_dim3A_3173, %select_n3A_3167 : vector<8x128xi1>, vector<8x128xi32>
    %slice3A_3175 = vector.extract_strided_slice %get3A_1768 {offsets = [1600, 0], sizes = [8, 128], strides = [1, 1]} : vector<2000x128xf32> to vector<8x128xf32>
    %gt3A_3176 = arith.cmpf ogt, %slice3A_3175, %max3A_3170 : vector<8x128xf32>
    %max3A_3177 = arith.maximumf %max3A_3170, %slice3A_3175 : vector<8x128xf32>
    %add3A_3178 = arith.constant 1600 : i32
    %add3A_3179 = arith.addi %add3A_1765, %add3A_3178 : i32
    %broadcast_in_dim3A_3180 = vector.broadcast %add3A_3179 : i32 to vector<8x128xi32>
    %select_n3A_3181 = arith.select %gt3A_3176, %broadcast_in_dim3A_3180, %select_n3A_3174 : vector<8x128xi1>, vector<8x128xi32>
    %slice3A_3182 = vector.extract_strided_slice %get3A_1768 {offsets = [1608, 0], sizes = [8, 128], strides = [1, 1]} : vector<2000x128xf32> to vector<8x128xf32>
    %gt3A_3183 = arith.cmpf ogt, %slice3A_3182, %max3A_3177 : vector<8x128xf32>
    %max3A_3184 = arith.maximumf %max3A_3177, %slice3A_3182 : vector<8x128xf32>
    %add3A_3185 = arith.constant 1608 : i32
    %add3A_3186 = arith.addi %add3A_1765, %add3A_3185 : i32
    %broadcast_in_dim3A_3187 = vector.broadcast %add3A_3186 : i32 to vector<8x128xi32>
    %select_n3A_3188 = arith.select %gt3A_3183, %broadcast_in_dim3A_3187, %select_n3A_3181 : vector<8x128xi1>, vector<8x128xi32>
    %slice3A_3189 = vector.extract_strided_slice %get3A_1768 {offsets = [1616, 0], sizes = [8, 128], strides = [1, 1]} : vector<2000x128xf32> to vector<8x128xf32>
    %gt3A_3190 = arith.cmpf ogt, %slice3A_3189, %max3A_3184 : vector<8x128xf32>
    %max3A_3191 = arith.maximumf %max3A_3184, %slice3A_3189 : vector<8x128xf32>
    %add3A_3192 = arith.constant 1616 : i32
    %add3A_3193 = arith.addi %add3A_1765, %add3A_3192 : i32
    %broadcast_in_dim3A_3194 = vector.broadcast %add3A_3193 : i32 to vector<8x128xi32>
    %select_n3A_3195 = arith.select %gt3A_3190, %broadcast_in_dim3A_3194, %select_n3A_3188 : vector<8x128xi1>, vector<8x128xi32>
    %slice3A_3196 = vector.extract_strided_slice %get3A_1768 {offsets = [1624, 0], sizes = [8, 128], strides = [1, 1]} : vector<2000x128xf32> to vector<8x128xf32>
    %gt3A_3197 = arith.cmpf ogt, %slice3A_3196, %max3A_3191 : vector<8x128xf32>
    %max3A_3198 = arith.maximumf %max3A_3191, %slice3A_3196 : vector<8x128xf32>
    %add3A_3199 = arith.constant 1624 : i32
    %add3A_3200 = arith.addi %add3A_1765, %add3A_3199 : i32
    %broadcast_in_dim3A_3201 = vector.broadcast %add3A_3200 : i32 to vector<8x128xi32>
    %select_n3A_3202 = arith.select %gt3A_3197, %broadcast_in_dim3A_3201, %select_n3A_3195 : vector<8x128xi1>, vector<8x128xi32>
    %slice3A_3203 = vector.extract_strided_slice %get3A_1768 {offsets = [1632, 0], sizes = [8, 128], strides = [1, 1]} : vector<2000x128xf32> to vector<8x128xf32>
    %gt3A_3204 = arith.cmpf ogt, %slice3A_3203, %max3A_3198 : vector<8x128xf32>
    %max3A_3205 = arith.maximumf %max3A_3198, %slice3A_3203 : vector<8x128xf32>
    %add3A_3206 = arith.constant 1632 : i32
    %add3A_3207 = arith.addi %add3A_1765, %add3A_3206 : i32
    %broadcast_in_dim3A_3208 = vector.broadcast %add3A_3207 : i32 to vector<8x128xi32>
    %select_n3A_3209 = arith.select %gt3A_3204, %broadcast_in_dim3A_3208, %select_n3A_3202 : vector<8x128xi1>, vector<8x128xi32>
    %slice3A_3210 = vector.extract_strided_slice %get3A_1768 {offsets = [1640, 0], sizes = [8, 128], strides = [1, 1]} : vector<2000x128xf32> to vector<8x128xf32>
    %gt3A_3211 = arith.cmpf ogt, %slice3A_3210, %max3A_3205 : vector<8x128xf32>
    %max3A_3212 = arith.maximumf %max3A_3205, %slice3A_3210 : vector<8x128xf32>
    %add3A_3213 = arith.constant 1640 : i32
    %add3A_3214 = arith.addi %add3A_1765, %add3A_3213 : i32
    %broadcast_in_dim3A_3215 = vector.broadcast %add3A_3214 : i32 to vector<8x128xi32>
    %select_n3A_3216 = arith.select %gt3A_3211, %broadcast_in_dim3A_3215, %select_n3A_3209 : vector<8x128xi1>, vector<8x128xi32>
    %slice3A_3217 = vector.extract_strided_slice %get3A_1768 {offsets = [1648, 0], sizes = [8, 128], strides = [1, 1]} : vector<2000x128xf32> to vector<8x128xf32>
    %gt3A_3218 = arith.cmpf ogt, %slice3A_3217, %max3A_3212 : vector<8x128xf32>
    %max3A_3219 = arith.maximumf %max3A_3212, %slice3A_3217 : vector<8x128xf32>
    %add3A_3220 = arith.constant 1648 : i32
    %add3A_3221 = arith.addi %add3A_1765, %add3A_3220 : i32
    %broadcast_in_dim3A_3222 = vector.broadcast %add3A_3221 : i32 to vector<8x128xi32>
    %select_n3A_3223 = arith.select %gt3A_3218, %broadcast_in_dim3A_3222, %select_n3A_3216 : vector<8x128xi1>, vector<8x128xi32>
    %slice3A_3224 = vector.extract_strided_slice %get3A_1768 {offsets = [1656, 0], sizes = [8, 128], strides = [1, 1]} : vector<2000x128xf32> to vector<8x128xf32>
    %gt3A_3225 = arith.cmpf ogt, %slice3A_3224, %max3A_3219 : vector<8x128xf32>
    %max3A_3226 = arith.maximumf %max3A_3219, %slice3A_3224 : vector<8x128xf32>
    %add3A_3227 = arith.constant 1656 : i32
    %add3A_3228 = arith.addi %add3A_1765, %add3A_3227 : i32
    %broadcast_in_dim3A_3229 = vector.broadcast %add3A_3228 : i32 to vector<8x128xi32>
    %select_n3A_3230 = arith.select %gt3A_3225, %broadcast_in_dim3A_3229, %select_n3A_3223 : vector<8x128xi1>, vector<8x128xi32>
    %slice3A_3231 = vector.extract_strided_slice %get3A_1768 {offsets = [1664, 0], sizes = [8, 128], strides = [1, 1]} : vector<2000x128xf32> to vector<8x128xf32>
    %gt3A_3232 = arith.cmpf ogt, %slice3A_3231, %max3A_3226 : vector<8x128xf32>
    %max3A_3233 = arith.maximumf %max3A_3226, %slice3A_3231 : vector<8x128xf32>
    %add3A_3234 = arith.constant 1664 : i32
    %add3A_3235 = arith.addi %add3A_1765, %add3A_3234 : i32
    %broadcast_in_dim3A_3236 = vector.broadcast %add3A_3235 : i32 to vector<8x128xi32>
    %select_n3A_3237 = arith.select %gt3A_3232, %broadcast_in_dim3A_3236, %select_n3A_3230 : vector<8x128xi1>, vector<8x128xi32>
    %slice3A_3238 = vector.extract_strided_slice %get3A_1768 {offsets = [1672, 0], sizes = [8, 128], strides = [1, 1]} : vector<2000x128xf32> to vector<8x128xf32>
    %gt3A_3239 = arith.cmpf ogt, %slice3A_3238, %max3A_3233 : vector<8x128xf32>
    %max3A_3240 = arith.maximumf %max3A_3233, %slice3A_3238 : vector<8x128xf32>
    %add3A_3241 = arith.constant 1672 : i32
    %add3A_3242 = arith.addi %add3A_1765, %add3A_3241 : i32
    %broadcast_in_dim3A_3243 = vector.broadcast %add3A_3242 : i32 to vector<8x128xi32>
    %select_n3A_3244 = arith.select %gt3A_3239, %broadcast_in_dim3A_3243, %select_n3A_3237 : vector<8x128xi1>, vector<8x128xi32>
    %slice3A_3245 = vector.extract_strided_slice %get3A_1768 {offsets = [1680, 0], sizes = [8, 128], strides = [1, 1]} : vector<2000x128xf32> to vector<8x128xf32>
    %gt3A_3246 = arith.cmpf ogt, %slice3A_3245, %max3A_3240 : vector<8x128xf32>
    %max3A_3247 = arith.maximumf %max3A_3240, %slice3A_3245 : vector<8x128xf32>
    %add3A_3248 = arith.constant 1680 : i32
    %add3A_3249 = arith.addi %add3A_1765, %add3A_3248 : i32
    %broadcast_in_dim3A_3250 = vector.broadcast %add3A_3249 : i32 to vector<8x128xi32>
    %select_n3A_3251 = arith.select %gt3A_3246, %broadcast_in_dim3A_3250, %select_n3A_3244 : vector<8x128xi1>, vector<8x128xi32>
    %slice3A_3252 = vector.extract_strided_slice %get3A_1768 {offsets = [1688, 0], sizes = [8, 128], strides = [1, 1]} : vector<2000x128xf32> to vector<8x128xf32>
    %gt3A_3253 = arith.cmpf ogt, %slice3A_3252, %max3A_3247 : vector<8x128xf32>
    %max3A_3254 = arith.maximumf %max3A_3247, %slice3A_3252 : vector<8x128xf32>
    %add3A_3255 = arith.constant 1688 : i32
    %add3A_3256 = arith.addi %add3A_1765, %add3A_3255 : i32
    %broadcast_in_dim3A_3257 = vector.broadcast %add3A_3256 : i32 to vector<8x128xi32>
    %select_n3A_3258 = arith.select %gt3A_3253, %broadcast_in_dim3A_3257, %select_n3A_3251 : vector<8x128xi1>, vector<8x128xi32>
    %slice3A_3259 = vector.extract_strided_slice %get3A_1768 {offsets = [1696, 0], sizes = [8, 128], strides = [1, 1]} : vector<2000x128xf32> to vector<8x128xf32>
    %gt3A_3260 = arith.cmpf ogt, %slice3A_3259, %max3A_3254 : vector<8x128xf32>
    %max3A_3261 = arith.maximumf %max3A_3254, %slice3A_3259 : vector<8x128xf32>
    %add3A_3262 = arith.constant 1696 : i32
    %add3A_3263 = arith.addi %add3A_1765, %add3A_3262 : i32
    %broadcast_in_dim3A_3264 = vector.broadcast %add3A_3263 : i32 to vector<8x128xi32>
    %select_n3A_3265 = arith.select %gt3A_3260, %broadcast_in_dim3A_3264, %select_n3A_3258 : vector<8x128xi1>, vector<8x128xi32>
    %slice3A_3266 = vector.extract_strided_slice %get3A_1768 {offsets = [1704, 0], sizes = [8, 128], strides = [1, 1]} : vector<2000x128xf32> to vector<8x128xf32>
    %gt3A_3267 = arith.cmpf ogt, %slice3A_3266, %max3A_3261 : vector<8x128xf32>
    %max3A_3268 = arith.maximumf %max3A_3261, %slice3A_3266 : vector<8x128xf32>
    %add3A_3269 = arith.constant 1704 : i32
    %add3A_3270 = arith.addi %add3A_1765, %add3A_3269 : i32
    %broadcast_in_dim3A_3271 = vector.broadcast %add3A_3270 : i32 to vector<8x128xi32>
    %select_n3A_3272 = arith.select %gt3A_3267, %broadcast_in_dim3A_3271, %select_n3A_3265 : vector<8x128xi1>, vector<8x128xi32>
    %slice3A_3273 = vector.extract_strided_slice %get3A_1768 {offsets = [1712, 0], sizes = [8, 128], strides = [1, 1]} : vector<2000x128xf32> to vector<8x128xf32>
    %gt3A_3274 = arith.cmpf ogt, %slice3A_3273, %max3A_3268 : vector<8x128xf32>
    %max3A_3275 = arith.maximumf %max3A_3268, %slice3A_3273 : vector<8x128xf32>
    %add3A_3276 = arith.constant 1712 : i32
    %add3A_3277 = arith.addi %add3A_1765, %add3A_3276 : i32
    %broadcast_in_dim3A_3278 = vector.broadcast %add3A_3277 : i32 to vector<8x128xi32>
    %select_n3A_3279 = arith.select %gt3A_3274, %broadcast_in_dim3A_3278, %select_n3A_3272 : vector<8x128xi1>, vector<8x128xi32>
    %slice3A_3280 = vector.extract_strided_slice %get3A_1768 {offsets = [1720, 0], sizes = [8, 128], strides = [1, 1]} : vector<2000x128xf32> to vector<8x128xf32>
    %gt3A_3281 = arith.cmpf ogt, %slice3A_3280, %max3A_3275 : vector<8x128xf32>
    %max3A_3282 = arith.maximumf %max3A_3275, %slice3A_3280 : vector<8x128xf32>
    %add3A_3283 = arith.constant 1720 : i32
    %add3A_3284 = arith.addi %add3A_1765, %add3A_3283 : i32
    %broadcast_in_dim3A_3285 = vector.broadcast %add3A_3284 : i32 to vector<8x128xi32>
    %select_n3A_3286 = arith.select %gt3A_3281, %broadcast_in_dim3A_3285, %select_n3A_3279 : vector<8x128xi1>, vector<8x128xi32>
    %slice3A_3287 = vector.extract_strided_slice %get3A_1768 {offsets = [1728, 0], sizes = [8, 128], strides = [1, 1]} : vector<2000x128xf32> to vector<8x128xf32>
    %gt3A_3288 = arith.cmpf ogt, %slice3A_3287, %max3A_3282 : vector<8x128xf32>
    %max3A_3289 = arith.maximumf %max3A_3282, %slice3A_3287 : vector<8x128xf32>
    %add3A_3290 = arith.constant 1728 : i32
    %add3A_3291 = arith.addi %add3A_1765, %add3A_3290 : i32
    %broadcast_in_dim3A_3292 = vector.broadcast %add3A_3291 : i32 to vector<8x128xi32>
    %select_n3A_3293 = arith.select %gt3A_3288, %broadcast_in_dim3A_3292, %select_n3A_3286 : vector<8x128xi1>, vector<8x128xi32>
    %slice3A_3294 = vector.extract_strided_slice %get3A_1768 {offsets = [1736, 0], sizes = [8, 128], strides = [1, 1]} : vector<2000x128xf32> to vector<8x128xf32>
    %gt3A_3295 = arith.cmpf ogt, %slice3A_3294, %max3A_3289 : vector<8x128xf32>
    %max3A_3296 = arith.maximumf %max3A_3289, %slice3A_3294 : vector<8x128xf32>
    %add3A_3297 = arith.constant 1736 : i32
    %add3A_3298 = arith.addi %add3A_1765, %add3A_3297 : i32
    %broadcast_in_dim3A_3299 = vector.broadcast %add3A_3298 : i32 to vector<8x128xi32>
    %select_n3A_3300 = arith.select %gt3A_3295, %broadcast_in_dim3A_3299, %select_n3A_3293 : vector<8x128xi1>, vector<8x128xi32>
    %slice3A_3301 = vector.extract_strided_slice %get3A_1768 {offsets = [1744, 0], sizes = [8, 128], strides = [1, 1]} : vector<2000x128xf32> to vector<8x128xf32>
    %gt3A_3302 = arith.cmpf ogt, %slice3A_3301, %max3A_3296 : vector<8x128xf32>
    %max3A_3303 = arith.maximumf %max3A_3296, %slice3A_3301 : vector<8x128xf32>
    %add3A_3304 = arith.constant 1744 : i32
    %add3A_3305 = arith.addi %add3A_1765, %add3A_3304 : i32
    %broadcast_in_dim3A_3306 = vector.broadcast %add3A_3305 : i32 to vector<8x128xi32>
    %select_n3A_3307 = arith.select %gt3A_3302, %broadcast_in_dim3A_3306, %select_n3A_3300 : vector<8x128xi1>, vector<8x128xi32>
    %slice3A_3308 = vector.extract_strided_slice %get3A_1768 {offsets = [1752, 0], sizes = [8, 128], strides = [1, 1]} : vector<2000x128xf32> to vector<8x128xf32>
    %gt3A_3309 = arith.cmpf ogt, %slice3A_3308, %max3A_3303 : vector<8x128xf32>
    %max3A_3310 = arith.maximumf %max3A_3303, %slice3A_3308 : vector<8x128xf32>
    %add3A_3311 = arith.constant 1752 : i32
    %add3A_3312 = arith.addi %add3A_1765, %add3A_3311 : i32
    %broadcast_in_dim3A_3313 = vector.broadcast %add3A_3312 : i32 to vector<8x128xi32>
    %select_n3A_3314 = arith.select %gt3A_3309, %broadcast_in_dim3A_3313, %select_n3A_3307 : vector<8x128xi1>, vector<8x128xi32>
    %slice3A_3315 = vector.extract_strided_slice %get3A_1768 {offsets = [1760, 0], sizes = [8, 128], strides = [1, 1]} : vector<2000x128xf32> to vector<8x128xf32>
    %gt3A_3316 = arith.cmpf ogt, %slice3A_3315, %max3A_3310 : vector<8x128xf32>
    %max3A_3317 = arith.maximumf %max3A_3310, %slice3A_3315 : vector<8x128xf32>
    %add3A_3318 = arith.constant 1760 : i32
    %add3A_3319 = arith.addi %add3A_1765, %add3A_3318 : i32
    %broadcast_in_dim3A_3320 = vector.broadcast %add3A_3319 : i32 to vector<8x128xi32>
    %select_n3A_3321 = arith.select %gt3A_3316, %broadcast_in_dim3A_3320, %select_n3A_3314 : vector<8x128xi1>, vector<8x128xi32>
    %slice3A_3322 = vector.extract_strided_slice %get3A_1768 {offsets = [1768, 0], sizes = [8, 128], strides = [1, 1]} : vector<2000x128xf32> to vector<8x128xf32>
    %gt3A_3323 = arith.cmpf ogt, %slice3A_3322, %max3A_3317 : vector<8x128xf32>
    %max3A_3324 = arith.maximumf %max3A_3317, %slice3A_3322 : vector<8x128xf32>
    %add3A_3325 = arith.constant 1768 : i32
    %add3A_3326 = arith.addi %add3A_1765, %add3A_3325 : i32
    %broadcast_in_dim3A_3327 = vector.broadcast %add3A_3326 : i32 to vector<8x128xi32>
    %select_n3A_3328 = arith.select %gt3A_3323, %broadcast_in_dim3A_3327, %select_n3A_3321 : vector<8x128xi1>, vector<8x128xi32>
    %slice3A_3329 = vector.extract_strided_slice %get3A_1768 {offsets = [1776, 0], sizes = [8, 128], strides = [1, 1]} : vector<2000x128xf32> to vector<8x128xf32>
    %gt3A_3330 = arith.cmpf ogt, %slice3A_3329, %max3A_3324 : vector<8x128xf32>
    %max3A_3331 = arith.maximumf %max3A_3324, %slice3A_3329 : vector<8x128xf32>
    %add3A_3332 = arith.constant 1776 : i32
    %add3A_3333 = arith.addi %add3A_1765, %add3A_3332 : i32
    %broadcast_in_dim3A_3334 = vector.broadcast %add3A_3333 : i32 to vector<8x128xi32>
    %select_n3A_3335 = arith.select %gt3A_3330, %broadcast_in_dim3A_3334, %select_n3A_3328 : vector<8x128xi1>, vector<8x128xi32>
    %slice3A_3336 = vector.extract_strided_slice %get3A_1768 {offsets = [1784, 0], sizes = [8, 128], strides = [1, 1]} : vector<2000x128xf32> to vector<8x128xf32>
    %gt3A_3337 = arith.cmpf ogt, %slice3A_3336, %max3A_3331 : vector<8x128xf32>
    %max3A_3338 = arith.maximumf %max3A_3331, %slice3A_3336 : vector<8x128xf32>
    %add3A_3339 = arith.constant 1784 : i32
    %add3A_3340 = arith.addi %add3A_1765, %add3A_3339 : i32
    %broadcast_in_dim3A_3341 = vector.broadcast %add3A_3340 : i32 to vector<8x128xi32>
    %select_n3A_3342 = arith.select %gt3A_3337, %broadcast_in_dim3A_3341, %select_n3A_3335 : vector<8x128xi1>, vector<8x128xi32>
    %slice3A_3343 = vector.extract_strided_slice %get3A_1768 {offsets = [1792, 0], sizes = [8, 128], strides = [1, 1]} : vector<2000x128xf32> to vector<8x128xf32>
    %gt3A_3344 = arith.cmpf ogt, %slice3A_3343, %max3A_3338 : vector<8x128xf32>
    %max3A_3345 = arith.maximumf %max3A_3338, %slice3A_3343 : vector<8x128xf32>
    %add3A_3346 = arith.constant 1792 : i32
    %add3A_3347 = arith.addi %add3A_1765, %add3A_3346 : i32
    %broadcast_in_dim3A_3348 = vector.broadcast %add3A_3347 : i32 to vector<8x128xi32>
    %select_n3A_3349 = arith.select %gt3A_3344, %broadcast_in_dim3A_3348, %select_n3A_3342 : vector<8x128xi1>, vector<8x128xi32>
    %slice3A_3350 = vector.extract_strided_slice %get3A_1768 {offsets = [1800, 0], sizes = [8, 128], strides = [1, 1]} : vector<2000x128xf32> to vector<8x128xf32>
    %gt3A_3351 = arith.cmpf ogt, %slice3A_3350, %max3A_3345 : vector<8x128xf32>
    %max3A_3352 = arith.maximumf %max3A_3345, %slice3A_3350 : vector<8x128xf32>
    %add3A_3353 = arith.constant 1800 : i32
    %add3A_3354 = arith.addi %add3A_1765, %add3A_3353 : i32
    %broadcast_in_dim3A_3355 = vector.broadcast %add3A_3354 : i32 to vector<8x128xi32>
    %select_n3A_3356 = arith.select %gt3A_3351, %broadcast_in_dim3A_3355, %select_n3A_3349 : vector<8x128xi1>, vector<8x128xi32>
    %slice3A_3357 = vector.extract_strided_slice %get3A_1768 {offsets = [1808, 0], sizes = [8, 128], strides = [1, 1]} : vector<2000x128xf32> to vector<8x128xf32>
    %gt3A_3358 = arith.cmpf ogt, %slice3A_3357, %max3A_3352 : vector<8x128xf32>
    %max3A_3359 = arith.maximumf %max3A_3352, %slice3A_3357 : vector<8x128xf32>
    %add3A_3360 = arith.constant 1808 : i32
    %add3A_3361 = arith.addi %add3A_1765, %add3A_3360 : i32
    %broadcast_in_dim3A_3362 = vector.broadcast %add3A_3361 : i32 to vector<8x128xi32>
    %select_n3A_3363 = arith.select %gt3A_3358, %broadcast_in_dim3A_3362, %select_n3A_3356 : vector<8x128xi1>, vector<8x128xi32>
    %slice3A_3364 = vector.extract_strided_slice %get3A_1768 {offsets = [1816, 0], sizes = [8, 128], strides = [1, 1]} : vector<2000x128xf32> to vector<8x128xf32>
    %gt3A_3365 = arith.cmpf ogt, %slice3A_3364, %max3A_3359 : vector<8x128xf32>
    %max3A_3366 = arith.maximumf %max3A_3359, %slice3A_3364 : vector<8x128xf32>
    %add3A_3367 = arith.constant 1816 : i32
    %add3A_3368 = arith.addi %add3A_1765, %add3A_3367 : i32
    %broadcast_in_dim3A_3369 = vector.broadcast %add3A_3368 : i32 to vector<8x128xi32>
    %select_n3A_3370 = arith.select %gt3A_3365, %broadcast_in_dim3A_3369, %select_n3A_3363 : vector<8x128xi1>, vector<8x128xi32>
    %slice3A_3371 = vector.extract_strided_slice %get3A_1768 {offsets = [1824, 0], sizes = [8, 128], strides = [1, 1]} : vector<2000x128xf32> to vector<8x128xf32>
    %gt3A_3372 = arith.cmpf ogt, %slice3A_3371, %max3A_3366 : vector<8x128xf32>
    %max3A_3373 = arith.maximumf %max3A_3366, %slice3A_3371 : vector<8x128xf32>
    %add3A_3374 = arith.constant 1824 : i32
    %add3A_3375 = arith.addi %add3A_1765, %add3A_3374 : i32
    %broadcast_in_dim3A_3376 = vector.broadcast %add3A_3375 : i32 to vector<8x128xi32>
    %select_n3A_3377 = arith.select %gt3A_3372, %broadcast_in_dim3A_3376, %select_n3A_3370 : vector<8x128xi1>, vector<8x128xi32>
    %slice3A_3378 = vector.extract_strided_slice %get3A_1768 {offsets = [1832, 0], sizes = [8, 128], strides = [1, 1]} : vector<2000x128xf32> to vector<8x128xf32>
    %gt3A_3379 = arith.cmpf ogt, %slice3A_3378, %max3A_3373 : vector<8x128xf32>
    %max3A_3380 = arith.maximumf %max3A_3373, %slice3A_3378 : vector<8x128xf32>
    %add3A_3381 = arith.constant 1832 : i32
    %add3A_3382 = arith.addi %add3A_1765, %add3A_3381 : i32
    %broadcast_in_dim3A_3383 = vector.broadcast %add3A_3382 : i32 to vector<8x128xi32>
    %select_n3A_3384 = arith.select %gt3A_3379, %broadcast_in_dim3A_3383, %select_n3A_3377 : vector<8x128xi1>, vector<8x128xi32>
    %slice3A_3385 = vector.extract_strided_slice %get3A_1768 {offsets = [1840, 0], sizes = [8, 128], strides = [1, 1]} : vector<2000x128xf32> to vector<8x128xf32>
    %gt3A_3386 = arith.cmpf ogt, %slice3A_3385, %max3A_3380 : vector<8x128xf32>
    %max3A_3387 = arith.maximumf %max3A_3380, %slice3A_3385 : vector<8x128xf32>
    %add3A_3388 = arith.constant 1840 : i32
    %add3A_3389 = arith.addi %add3A_1765, %add3A_3388 : i32
    %broadcast_in_dim3A_3390 = vector.broadcast %add3A_3389 : i32 to vector<8x128xi32>
    %select_n3A_3391 = arith.select %gt3A_3386, %broadcast_in_dim3A_3390, %select_n3A_3384 : vector<8x128xi1>, vector<8x128xi32>
    %slice3A_3392 = vector.extract_strided_slice %get3A_1768 {offsets = [1848, 0], sizes = [8, 128], strides = [1, 1]} : vector<2000x128xf32> to vector<8x128xf32>
    %gt3A_3393 = arith.cmpf ogt, %slice3A_3392, %max3A_3387 : vector<8x128xf32>
    %max3A_3394 = arith.maximumf %max3A_3387, %slice3A_3392 : vector<8x128xf32>
    %add3A_3395 = arith.constant 1848 : i32
    %add3A_3396 = arith.addi %add3A_1765, %add3A_3395 : i32
    %broadcast_in_dim3A_3397 = vector.broadcast %add3A_3396 : i32 to vector<8x128xi32>
    %select_n3A_3398 = arith.select %gt3A_3393, %broadcast_in_dim3A_3397, %select_n3A_3391 : vector<8x128xi1>, vector<8x128xi32>
    %slice3A_3399 = vector.extract_strided_slice %get3A_1768 {offsets = [1856, 0], sizes = [8, 128], strides = [1, 1]} : vector<2000x128xf32> to vector<8x128xf32>
    %gt3A_3400 = arith.cmpf ogt, %slice3A_3399, %max3A_3394 : vector<8x128xf32>
    %max3A_3401 = arith.maximumf %max3A_3394, %slice3A_3399 : vector<8x128xf32>
    %add3A_3402 = arith.constant 1856 : i32
    %add3A_3403 = arith.addi %add3A_1765, %add3A_3402 : i32
    %broadcast_in_dim3A_3404 = vector.broadcast %add3A_3403 : i32 to vector<8x128xi32>
    %select_n3A_3405 = arith.select %gt3A_3400, %broadcast_in_dim3A_3404, %select_n3A_3398 : vector<8x128xi1>, vector<8x128xi32>
    %slice3A_3406 = vector.extract_strided_slice %get3A_1768 {offsets = [1864, 0], sizes = [8, 128], strides = [1, 1]} : vector<2000x128xf32> to vector<8x128xf32>
    %gt3A_3407 = arith.cmpf ogt, %slice3A_3406, %max3A_3401 : vector<8x128xf32>
    %max3A_3408 = arith.maximumf %max3A_3401, %slice3A_3406 : vector<8x128xf32>
    %add3A_3409 = arith.constant 1864 : i32
    %add3A_3410 = arith.addi %add3A_1765, %add3A_3409 : i32
    %broadcast_in_dim3A_3411 = vector.broadcast %add3A_3410 : i32 to vector<8x128xi32>
    %select_n3A_3412 = arith.select %gt3A_3407, %broadcast_in_dim3A_3411, %select_n3A_3405 : vector<8x128xi1>, vector<8x128xi32>
    %slice3A_3413 = vector.extract_strided_slice %get3A_1768 {offsets = [1872, 0], sizes = [8, 128], strides = [1, 1]} : vector<2000x128xf32> to vector<8x128xf32>
    %gt3A_3414 = arith.cmpf ogt, %slice3A_3413, %max3A_3408 : vector<8x128xf32>
    %max3A_3415 = arith.maximumf %max3A_3408, %slice3A_3413 : vector<8x128xf32>
    %add3A_3416 = arith.constant 1872 : i32
    %add3A_3417 = arith.addi %add3A_1765, %add3A_3416 : i32
    %broadcast_in_dim3A_3418 = vector.broadcast %add3A_3417 : i32 to vector<8x128xi32>
    %select_n3A_3419 = arith.select %gt3A_3414, %broadcast_in_dim3A_3418, %select_n3A_3412 : vector<8x128xi1>, vector<8x128xi32>
    %slice3A_3420 = vector.extract_strided_slice %get3A_1768 {offsets = [1880, 0], sizes = [8, 128], strides = [1, 1]} : vector<2000x128xf32> to vector<8x128xf32>
    %gt3A_3421 = arith.cmpf ogt, %slice3A_3420, %max3A_3415 : vector<8x128xf32>
    %max3A_3422 = arith.maximumf %max3A_3415, %slice3A_3420 : vector<8x128xf32>
    %add3A_3423 = arith.constant 1880 : i32
    %add3A_3424 = arith.addi %add3A_1765, %add3A_3423 : i32
    %broadcast_in_dim3A_3425 = vector.broadcast %add3A_3424 : i32 to vector<8x128xi32>
    %select_n3A_3426 = arith.select %gt3A_3421, %broadcast_in_dim3A_3425, %select_n3A_3419 : vector<8x128xi1>, vector<8x128xi32>
    %slice3A_3427 = vector.extract_strided_slice %get3A_1768 {offsets = [1888, 0], sizes = [8, 128], strides = [1, 1]} : vector<2000x128xf32> to vector<8x128xf32>
    %gt3A_3428 = arith.cmpf ogt, %slice3A_3427, %max3A_3422 : vector<8x128xf32>
    %max3A_3429 = arith.maximumf %max3A_3422, %slice3A_3427 : vector<8x128xf32>
    %add3A_3430 = arith.constant 1888 : i32
    %add3A_3431 = arith.addi %add3A_1765, %add3A_3430 : i32
    %broadcast_in_dim3A_3432 = vector.broadcast %add3A_3431 : i32 to vector<8x128xi32>
    %select_n3A_3433 = arith.select %gt3A_3428, %broadcast_in_dim3A_3432, %select_n3A_3426 : vector<8x128xi1>, vector<8x128xi32>
    %slice3A_3434 = vector.extract_strided_slice %get3A_1768 {offsets = [1896, 0], sizes = [8, 128], strides = [1, 1]} : vector<2000x128xf32> to vector<8x128xf32>
    %gt3A_3435 = arith.cmpf ogt, %slice3A_3434, %max3A_3429 : vector<8x128xf32>
    %max3A_3436 = arith.maximumf %max3A_3429, %slice3A_3434 : vector<8x128xf32>
    %add3A_3437 = arith.constant 1896 : i32
    %add3A_3438 = arith.addi %add3A_1765, %add3A_3437 : i32
    %broadcast_in_dim3A_3439 = vector.broadcast %add3A_3438 : i32 to vector<8x128xi32>
    %select_n3A_3440 = arith.select %gt3A_3435, %broadcast_in_dim3A_3439, %select_n3A_3433 : vector<8x128xi1>, vector<8x128xi32>
    %slice3A_3441 = vector.extract_strided_slice %get3A_1768 {offsets = [1904, 0], sizes = [8, 128], strides = [1, 1]} : vector<2000x128xf32> to vector<8x128xf32>
    %gt3A_3442 = arith.cmpf ogt, %slice3A_3441, %max3A_3436 : vector<8x128xf32>
    %max3A_3443 = arith.maximumf %max3A_3436, %slice3A_3441 : vector<8x128xf32>
    %add3A_3444 = arith.constant 1904 : i32
    %add3A_3445 = arith.addi %add3A_1765, %add3A_3444 : i32
    %broadcast_in_dim3A_3446 = vector.broadcast %add3A_3445 : i32 to vector<8x128xi32>
    %select_n3A_3447 = arith.select %gt3A_3442, %broadcast_in_dim3A_3446, %select_n3A_3440 : vector<8x128xi1>, vector<8x128xi32>
    %slice3A_3448 = vector.extract_strided_slice %get3A_1768 {offsets = [1912, 0], sizes = [8, 128], strides = [1, 1]} : vector<2000x128xf32> to vector<8x128xf32>
    %gt3A_3449 = arith.cmpf ogt, %slice3A_3448, %max3A_3443 : vector<8x128xf32>
    %max3A_3450 = arith.maximumf %max3A_3443, %slice3A_3448 : vector<8x128xf32>
    %add3A_3451 = arith.constant 1912 : i32
    %add3A_3452 = arith.addi %add3A_1765, %add3A_3451 : i32
    %broadcast_in_dim3A_3453 = vector.broadcast %add3A_3452 : i32 to vector<8x128xi32>
    %select_n3A_3454 = arith.select %gt3A_3449, %broadcast_in_dim3A_3453, %select_n3A_3447 : vector<8x128xi1>, vector<8x128xi32>
    %slice3A_3455 = vector.extract_strided_slice %get3A_1768 {offsets = [1920, 0], sizes = [8, 128], strides = [1, 1]} : vector<2000x128xf32> to vector<8x128xf32>
    %gt3A_3456 = arith.cmpf ogt, %slice3A_3455, %max3A_3450 : vector<8x128xf32>
    %max3A_3457 = arith.maximumf %max3A_3450, %slice3A_3455 : vector<8x128xf32>
    %add3A_3458 = arith.constant 1920 : i32
    %add3A_3459 = arith.addi %add3A_1765, %add3A_3458 : i32
    %broadcast_in_dim3A_3460 = vector.broadcast %add3A_3459 : i32 to vector<8x128xi32>
    %select_n3A_3461 = arith.select %gt3A_3456, %broadcast_in_dim3A_3460, %select_n3A_3454 : vector<8x128xi1>, vector<8x128xi32>
    %slice3A_3462 = vector.extract_strided_slice %get3A_1768 {offsets = [1928, 0], sizes = [8, 128], strides = [1, 1]} : vector<2000x128xf32> to vector<8x128xf32>
    %gt3A_3463 = arith.cmpf ogt, %slice3A_3462, %max3A_3457 : vector<8x128xf32>
    %max3A_3464 = arith.maximumf %max3A_3457, %slice3A_3462 : vector<8x128xf32>
    %add3A_3465 = arith.constant 1928 : i32
    %add3A_3466 = arith.addi %add3A_1765, %add3A_3465 : i32
    %broadcast_in_dim3A_3467 = vector.broadcast %add3A_3466 : i32 to vector<8x128xi32>
    %select_n3A_3468 = arith.select %gt3A_3463, %broadcast_in_dim3A_3467, %select_n3A_3461 : vector<8x128xi1>, vector<8x128xi32>
    %slice3A_3469 = vector.extract_strided_slice %get3A_1768 {offsets = [1936, 0], sizes = [8, 128], strides = [1, 1]} : vector<2000x128xf32> to vector<8x128xf32>
    %gt3A_3470 = arith.cmpf ogt, %slice3A_3469, %max3A_3464 : vector<8x128xf32>
    %max3A_3471 = arith.maximumf %max3A_3464, %slice3A_3469 : vector<8x128xf32>
    %add3A_3472 = arith.constant 1936 : i32
    %add3A_3473 = arith.addi %add3A_1765, %add3A_3472 : i32
    %broadcast_in_dim3A_3474 = vector.broadcast %add3A_3473 : i32 to vector<8x128xi32>
    %select_n3A_3475 = arith.select %gt3A_3470, %broadcast_in_dim3A_3474, %select_n3A_3468 : vector<8x128xi1>, vector<8x128xi32>
    %slice3A_3476 = vector.extract_strided_slice %get3A_1768 {offsets = [1944, 0], sizes = [8, 128], strides = [1, 1]} : vector<2000x128xf32> to vector<8x128xf32>
    %gt3A_3477 = arith.cmpf ogt, %slice3A_3476, %max3A_3471 : vector<8x128xf32>
    %max3A_3478 = arith.maximumf %max3A_3471, %slice3A_3476 : vector<8x128xf32>
    %add3A_3479 = arith.constant 1944 : i32
    %add3A_3480 = arith.addi %add3A_1765, %add3A_3479 : i32
    %broadcast_in_dim3A_3481 = vector.broadcast %add3A_3480 : i32 to vector<8x128xi32>
    %select_n3A_3482 = arith.select %gt3A_3477, %broadcast_in_dim3A_3481, %select_n3A_3475 : vector<8x128xi1>, vector<8x128xi32>
    %slice3A_3483 = vector.extract_strided_slice %get3A_1768 {offsets = [1952, 0], sizes = [8, 128], strides = [1, 1]} : vector<2000x128xf32> to vector<8x128xf32>
    %gt3A_3484 = arith.cmpf ogt, %slice3A_3483, %max3A_3478 : vector<8x128xf32>
    %max3A_3485 = arith.maximumf %max3A_3478, %slice3A_3483 : vector<8x128xf32>
    %add3A_3486 = arith.constant 1952 : i32
    %add3A_3487 = arith.addi %add3A_1765, %add3A_3486 : i32
    %broadcast_in_dim3A_3488 = vector.broadcast %add3A_3487 : i32 to vector<8x128xi32>
    %select_n3A_3489 = arith.select %gt3A_3484, %broadcast_in_dim3A_3488, %select_n3A_3482 : vector<8x128xi1>, vector<8x128xi32>
    %slice3A_3490 = vector.extract_strided_slice %get3A_1768 {offsets = [1960, 0], sizes = [8, 128], strides = [1, 1]} : vector<2000x128xf32> to vector<8x128xf32>
    %gt3A_3491 = arith.cmpf ogt, %slice3A_3490, %max3A_3485 : vector<8x128xf32>
    %max3A_3492 = arith.maximumf %max3A_3485, %slice3A_3490 : vector<8x128xf32>
    %add3A_3493 = arith.constant 1960 : i32
    %add3A_3494 = arith.addi %add3A_1765, %add3A_3493 : i32
    %broadcast_in_dim3A_3495 = vector.broadcast %add3A_3494 : i32 to vector<8x128xi32>
    %select_n3A_3496 = arith.select %gt3A_3491, %broadcast_in_dim3A_3495, %select_n3A_3489 : vector<8x128xi1>, vector<8x128xi32>
    %slice3A_3497 = vector.extract_strided_slice %get3A_1768 {offsets = [1968, 0], sizes = [8, 128], strides = [1, 1]} : vector<2000x128xf32> to vector<8x128xf32>
    %gt3A_3498 = arith.cmpf ogt, %slice3A_3497, %max3A_3492 : vector<8x128xf32>
    %max3A_3499 = arith.maximumf %max3A_3492, %slice3A_3497 : vector<8x128xf32>
    %add3A_3500 = arith.constant 1968 : i32
    %add3A_3501 = arith.addi %add3A_1765, %add3A_3500 : i32
    %broadcast_in_dim3A_3502 = vector.broadcast %add3A_3501 : i32 to vector<8x128xi32>
    %select_n3A_3503 = arith.select %gt3A_3498, %broadcast_in_dim3A_3502, %select_n3A_3496 : vector<8x128xi1>, vector<8x128xi32>
    %slice3A_3504 = vector.extract_strided_slice %get3A_1768 {offsets = [1976, 0], sizes = [8, 128], strides = [1, 1]} : vector<2000x128xf32> to vector<8x128xf32>
    %gt3A_3505 = arith.cmpf ogt, %slice3A_3504, %max3A_3499 : vector<8x128xf32>
    %max3A_3506 = arith.maximumf %max3A_3499, %slice3A_3504 : vector<8x128xf32>
    %add3A_3507 = arith.constant 1976 : i32
    %add3A_3508 = arith.addi %add3A_1765, %add3A_3507 : i32
    %broadcast_in_dim3A_3509 = vector.broadcast %add3A_3508 : i32 to vector<8x128xi32>
    %select_n3A_3510 = arith.select %gt3A_3505, %broadcast_in_dim3A_3509, %select_n3A_3503 : vector<8x128xi1>, vector<8x128xi32>
    %slice3A_3511 = vector.extract_strided_slice %get3A_1768 {offsets = [1984, 0], sizes = [8, 128], strides = [1, 1]} : vector<2000x128xf32> to vector<8x128xf32>
    %gt3A_3512 = arith.cmpf ogt, %slice3A_3511, %max3A_3506 : vector<8x128xf32>
    %max3A_3513 = arith.maximumf %max3A_3506, %slice3A_3511 : vector<8x128xf32>
    %add3A_3514 = arith.constant 1984 : i32
    %add3A_3515 = arith.addi %add3A_1765, %add3A_3514 : i32
    %broadcast_in_dim3A_3516 = vector.broadcast %add3A_3515 : i32 to vector<8x128xi32>
    %select_n3A_3517 = arith.select %gt3A_3512, %broadcast_in_dim3A_3516, %select_n3A_3510 : vector<8x128xi1>, vector<8x128xi32>
    %slice3A_3518 = vector.extract_strided_slice %get3A_1768 {offsets = [1992, 0], sizes = [8, 128], strides = [1, 1]} : vector<2000x128xf32> to vector<8x128xf32>
    %gt3A_3519 = arith.cmpf ogt, %slice3A_3518, %max3A_3513 : vector<8x128xf32>
    %max3A_3520 = arith.maximumf %max3A_3513, %slice3A_3518 : vector<8x128xf32>
    %add3A_3521 = arith.constant 1992 : i32
    %add3A_3522 = arith.addi %add3A_1765, %add3A_3521 : i32
    %broadcast_in_dim3A_3523 = vector.broadcast %add3A_3522 : i32 to vector<8x128xi32>
    %select_n3A_3524 = arith.select %gt3A_3519, %broadcast_in_dim3A_3523, %select_n3A_3517 : vector<8x128xi1>, vector<8x128xi32>
    %swap3A_3525 = arith.constant 0 : index
    %swap3A_3526 = arith.constant 0 : index
    %swap3A_3527 = vector.load %arg7[%swap3A_3525, %swap3A_3526] : memref<8x128xf32, #tpu.memory_space<vmem>>, vector<8x128xf32>
    tpu.vector_store %arg7[%swap3A_3525, %swap3A_3526], %max3A_3520 {strides = array<i32>} : memref<8x128xf32, #tpu.memory_space<vmem>>, vector<8x128xf32>,
    %swap3A_3528 = arith.constant 0 : index
    %swap3A_3529 = arith.constant 0 : index
    %swap3A_3530 = vector.load %arg8[%swap3A_3528, %swap3A_3529] : memref<8x128xi32, #tpu.memory_space<vmem>>, vector<8x128xi32>
    tpu.vector_store %arg8[%swap3A_3528, %swap3A_3529], %select_n3A_3524 {strides = array<i32>} : memref<8x128xi32, #tpu.memory_space<vmem>>, vector<8x128xi32>,
    %eq3A_3531 = arith.constant 15 : i32
    %eq3A_3532 = arith.cmpi eq, %arg0, %eq3A_3531 : i32
    %convert_element_type3A_3533 = arith.extui %eq3A_3532 : i1 to i32
    %cond3A_3534 = arith.constant 0 : i32
    %cond3A_3535 = arith.cmpi ne, %convert_element_type3A_3533, %cond3A_3534 : i32
    scf.if %cond3A_3535 {
      %iota3A = tpu.iota {dimensions = array<i32: 0>} : vector<8x128xi32>
      %get3A_3536 = arith.constant 0 : index
      %get3A_3537 = arith.constant 0 : index
      %get3A_3538 = vector.load %arg5[%get3A_3536, %get3A_3537] : memref<8x128xf32, #tpu.memory_space<vmem>>, vector<8x128xf32>
      %get3A_3539 = arith.constant 0 : index
      %get3A_3540 = arith.constant 0 : index
      %get3A_3541 = vector.load %arg7[%get3A_3539, %get3A_3540] : memref<8x128xf32, #tpu.memory_space<vmem>>, vector<8x128xf32>
      %gt3A_3542 = arith.cmpf ogt, %get3A_3541, %get3A_3538 : vector<8x128xf32>
      %select_n3A_3543 = arith.select %gt3A_3542, %get3A_3541, %get3A_3538 : vector<8x128xi1>, vector<8x128xf32>
      %get3A_3544 = arith.constant 0 : index
      %get3A_3545 = arith.constant 0 : index
      %get3A_3546 = vector.load %arg8[%get3A_3544, %get3A_3545] : memref<8x128xi32, #tpu.memory_space<vmem>>, vector<8x128xi32>
      %get3A_3547 = arith.constant 0 : index
      %get3A_3548 = arith.constant 0 : index
      %get3A_3549 = vector.load %arg6[%get3A_3547, %get3A_3548] : memref<8x128xi32, #tpu.memory_space<vmem>>, vector<8x128xi32>
      %select_n3A_3550 = arith.select %gt3A_3542, %get3A_3546, %get3A_3549 : vector<8x128xi1>, vector<8x128xi32>
      %reduce_max3A = arith.constant dense<0xFF800000> : vector<128xf32>
      %reduce_max3A_3551 = vector.multi_reduction <maximumf>, %select_n3A_3543, %reduce_max3A [0] : vector<8x128xf32> to vector<128xf32>
      %broadcast_in_dim3A_3552 = vector.shape_cast %reduce_max3A_3551 : vector<128xf32> to vector<1x128xf32>
      %eq3A_3553 = vector.broadcast %broadcast_in_dim3A_3552 : vector<1x128xf32> to vector<8x128xf32>
      %eq3A_3554 = arith.cmpf oeq, %select_n3A_3543, %eq3A_3553 : vector<8x128xf32>
      %add3A_3555 = arith.addi %select_n3A_3550, %iota3A : vector<8x128xi32>
      %jit3A = arith.constant 2147483647 : i32
      %broadcast_in_dim3A_3556 = vector.broadcast %jit3A : i32 to vector<8x128xi32>
      %select_n3A_3557 = arith.select %eq3A_3554, %add3A_3555, %broadcast_in_dim3A_3556 : vector<8x128xi1>, vector<8x128xi32>
      %swap3A_3558 = arith.constant 0 : index
      %swap3A_3559 = arith.constant 0 : index
      %swap3A_3560 = vector.load %arg3[%swap3A_3558, %swap3A_3559] : memref<1x128xf32, #tpu.memory_space<vmem>>, vector<1x128xf32>
      tpu.vector_store %arg3[%swap3A_3558, %swap3A_3559], %broadcast_in_dim3A_3552 {strides = array<i32>} : memref<1x128xf32, #tpu.memory_space<vmem>>, vector<1x128xf32>,
      %reduce_min3A = arith.constant dense<2147483647> : vector<128xi32>
      %reduce_min3A_3561 = vector.multi_reduction <minsi>, %select_n3A_3557, %reduce_min3A [0] : vector<8x128xi32> to vector<128xi32>
      %broadcast_in_dim3A_3562 = vector.shape_cast %reduce_min3A_3561 : vector<128xi32> to vector<1x128xi32>
      %swap3A_3563 = arith.constant 0 : index
      %swap3A_3564 = arith.constant 0 : index
      %swap3A_3565 = vector.load %arg4[%swap3A_3563, %swap3A_3564] : memref<1x128xi32, #tpu.memory_space<vmem>>, vector<1x128xi32>
      tpu.vector_store %arg4[%swap3A_3563, %swap3A_3564], %broadcast_in_dim3A_3562 {strides = array<i32>} : memref<1x128xi32, #tpu.memory_space<vmem>>, vector<1x128xi32>,
    } else {
    }
    return
  }
  func.func @transform_0(%arg0: i32) -> (i32, i32) {
    %add3A = arith.constant 18 : i32
    %add3A_0 = arith.addi %add3A, %arg0 : i32
    %c0_i32 = arith.constant 0 : i32
    %c0_i32_1 = arith.constant 0 : i32
    return %add3A_0, %c0_i32 : i32, i32
  }
  func.func @transform_1(%arg0: i32) -> (i32, i32) {
    %add3A = arith.constant 34 : i32
    %add3A_0 = arith.addi %add3A, %arg0 : i32
    %c0_i32 = arith.constant 0 : i32
    %c0_i32_1 = arith.constant 0 : i32
    return %add3A_0, %c0_i32 : i32, i32
  }
  func.func @transform_2(%arg0: i32) -> (i32, i32) {
    %c0_i32 = arith.constant 0 : i32
    %c0_i32_0 = arith.constant 0 : i32
    %c0_i32_1 = arith.constant 0 : i32
    return %c0_i32, %c0_i32_0 : i32, i32
  }
  func.func @transform_3(%arg0: i32) -> (i32, i32) {
    %c0_i32 = arith.constant 0 : i32
    %c0_i32_0 = arith.constant 0 : i32
    %c0_i32_1 = arith.constant 0 : i32
    return %c0_i32, %c0_i32_0 : i32, i32
  }
}

</mosaic_0001>

<sc_bundles>
// kernel: kernel.5.cloned.1.call-start
scs
__scs_entry_jumppad:
0x0: {  	(pc) =	sbr.rel $0x88, $3  }
0x1: {  	(tag) =	ssettag $0x0;
	lr =	simm.s32 $0x1  }
0x2: {  	[smem:$0x3FA0] =	sst lr;
	_ =	strace $0xD0000000  }
0x3: {  	_ = 	snop  }
0x4: {  	_ = 	snop  }
0x5: {  	_ = 	snop  }
0x6: {  	_ = 	snop  }
0x7: {  	_ = 	snop  }
__scs_overlays_trampoline_lowered:
0x8: {  	[smem:$0x3FAF] =	sst s0  }
0x9: {  	[smem:$0x3FB0] =	sst s1  }
0xa: {  	[smem:$0x3FB1] =	sst s2  }
0xb: {  	[smem:$0x3FB2] =	sst s3  }
0xc: {  	[smem:$0x3FB3] =	sst s4  }
0xd: {  	[smem:$0x3FB4] =	sst s5  }
0xe: {  	[smem:$0x3FB5] =	sst s6  }
0xf: {  	[smem:$0x3FB6] =	sst s7  }
0x10: {  	[smem:$0x3FB7] =	sst s8  }
0x11: {  	[smem:$0x3FB8] =	sst s9;
	s0 =	simm.s32 @!p0 $0x0  }
0x12: {  	s1 =	sld [smem:$0x3F9E];
	s0 =	simm.s32 @p0 $0x1  }
0x13: {  	[smem:$0x3FB9] =	sst s0;
	s0 =	simm.s32 @!p1 $0x0  }
0x14: {  	s2 =	sld [smem:$0x3F9D];
	s0 =	simm.s32 @p1 $0x1  }
0x15: {  	[smem:$0x3FBA] =	sst s0;
	s0 =	simm.s32 @!p2 $0x0  }
0x16: {  	s3 =	sld [smem:$0x3FDB];
	s0 =	simm.s32 @p2 $0x1  }
0x17: {  	s4 =	simm.s32 $0x1BF5;
	[smem:$0x3FBC] =	sst s0  }
0x18: {  	s0 =	sld [smem:$0x3F9F];
	_ =	swait.ge [sflag:s4], $0x0  }
0x19: {  	s7 =	sld [smem:$0x3FA0]  }
0x1a: {  	s8 =	sadd.s32 $0xFFFFE003, lr  }
0x1b: {  	s9 =	sadd.s32 $0xFFFFFEF7, lr;
	s5 =	simm.s32 $0xFFFFFFFF;
	p2 =	slt.u32 s8, $0xFFFFF086  }
0x1c: {  	p1 =	slt.u32 s9, $0xF7A;
	s5 =	simm.s32 @!p2 $0x0  }
0x1d: {  	s5 =	simm.s32 @p1 $0x1;
	p0 =	seq.s32 s7, s2  }
0x1e: {  	s7 =	smul.u32 @!p0 $0xF7A, s2;
	p2 =	seq.s32 @!p0 s5, $0x0  }
0x1f: {  	s9 =	smul.u32 $0xF7A, s1;
	s8 =	simm.s32 @!p0 $0x1BF5;
	p2 =	por !p2, p0  }
0x20: {  	[sflag:s8] =	ssyncset.s32 @!p0 $0xFFFFF086;
	s6 =	sadd.s32 @!p0 s3, s7;
	s7 =	simm.s32 @!p0 $0x108  }
0x21: {  	s3 =	sadd.s32 s3, s9;
	s6 =	sadd.s32 @!p0 $0x88, s6;
	s7 =	simm.s32 @p2 $0x1082  }
0x22: {  	[simem:s7], [sflag:s8] =	dma.local @!p0 [hbm:s6], $0xF7A  }
0x23: {  	s9 =	sor.u32 $0xD0000000, s2;
	s6 =	simm.s32 $0x108;
	_ =	swait.ge @!p0 [sflag:s8], $0x0  }
0x24: {  	s3 =	sadd.s32 $0x88, s3;
	s6 =	simm.s32 @!p1 $0x1082;
	[sflag:s4] =	ssyncset.s32 $0xFFFFF086  }
0x25: {  	[simem:s6], [sflag:s4] =	dma.local [hbm:s3], $0xF7A  }
0x26: {  	[smem:$0x3FA0] =	sst s1;
	(tag) =	ssettag s2;
	_ =	strace s9  }
0x27: {  	s1 =	sld [smem:$0x3FB0]  }
0x28: {  	s2 =	sld [smem:$0x3FB1]  }
0x29: {  	s4 =	sld [smem:$0x3FB3]  }
0x2a: {  	p0 =	seq.s32 s5, $0x0;
	s5 =	sld [smem:$0x3FB4]  }
0x2b: {  	s6 =	sld [smem:$0x3FB5]  }
0x2c: {  	s7 =	sld [smem:$0x3FB6]  }
0x2d: {  	s3 =	simm.s32 $0x108;
	s8 =	sld [smem:$0x3FB7]  }
0x2e: {  	s3 =	simm.s32 @!p0 $0x1082;
	s9 =	sld [smem:$0x3FB8]  }
0x2f: {  	lr =	sadd.s32 s0, s3;
	s0 =	sld [smem:$0x3FAF]  }
0x30: {  	s3 =	sld [smem:$0x3FB2]  }
0x31: {  	[smem:$0x3FBB] =	sst s10  }
0x32: {  	s10 =	sld [smem:$0x3FB9];
	_ =	sdelay $0x3  }
0x33: {  	p0 =	seq.s32 s10, $0x1;
	s10 =	sld [smem:$0x3FBB];
	_ =	sdelay $0x3  }
0x34: {  	[smem:$0x3FBB] =	sst s10  }
0x35: {  	s10 =	sld [smem:$0x3FBA];
	_ =	sdelay $0x3  }
0x36: {  	p1 =	seq.s32 s10, $0x1;
	s10 =	sld [smem:$0x3FBB];
	_ =	sdelay $0x3  }
0x37: {  	[smem:$0x3FBB] =	sst s10  }
0x38: {  	s10 =	sld [smem:$0x3FBC]  }
0x39: {  	_ = 	snop;
	(pc) =	sbr.ind lr, $3  }
0x3a: {  	_ = 	snop  }
0x3b: {  	_ = 	snop  }
0x3c: {  	p2 =	seq.s32 s10, $0x1;
	s10 =	sld [smem:$0x3FBB]  }
0x3d: {  	_ =	shalt  }
0x3e: {  	_ =	shalt  }
0x3f: {  	_ =	shalt  }
0x40: {  	_ =	shalt  }
0x41: {  	_ =	shalt  }
0x42: {  	_ =	shalt  }
0x43: {  	_ =	shalt  }
0x44: {  	_ =	shalt  }
0x45: {  	_ =	shalt  }
0x46: {  	_ =	shalt  }
0x47: {  	_ =	shalt  }
0x48: {  	_ =	shalt  }
0x49: {  	_ =	shalt  }
0x4a: {  	_ =	shalt  }
0x4b: {  	_ =	shalt  }
0x4c: {  	_ =	shalt  }
0x4d: {  	_ =	shalt  }
0x4e: {  	_ =	shalt  }
0x4f: {  	_ =	shalt  }
0x50: {  	_ =	shalt  }
0x51: {  	_ =	shalt  }
0x52: {  	_ =	shalt  }
0x53: {  	_ =	shalt  }
0x54: {  	_ =	shalt  }
0x55: {  	_ =	shalt  }
0x56: {  	_ =	shalt  }
0x57: {  	_ =	shalt  }
0x58: {  	_ =	shalt  }
0x59: {  	_ =	shalt  }
0x5a: {  	_ =	shalt  }
0x5b: {  	_ =	shalt  }
0x5c: {  	_ =	shalt  }
0x5d: {  	_ =	shalt  }
0x5e: {  	_ =	shalt  }
0x5f: {  	_ =	shalt  }
0x60: {  	_ =	shalt  }
0x61: {  	_ =	shalt  }
0x62: {  	_ =	shalt  }
0x63: {  	_ =	shalt  }
0x64: {  	_ =	shalt  }
0x65: {  	_ =	shalt  }
0x66: {  	_ =	shalt  }
0x67: {  	_ =	shalt  }
0x68: {  	_ =	shalt  }
0x69: {  	_ =	shalt  }
0x6a: {  	_ =	shalt  }
0x6b: {  	_ =	shalt  }
0x6c: {  	_ =	shalt  }
0x6d: {  	_ =	shalt  }
0x6e: {  	_ =	shalt  }
0x6f: {  	_ =	shalt  }
0x70: {  	_ =	shalt  }
0x71: {  	_ =	shalt  }
0x72: {  	_ =	shalt  }
0x73: {  	_ =	shalt  }
0x74: {  	_ =	shalt  }
0x75: {  	_ =	shalt  }
0x76: {  	_ =	shalt  }
0x77: {  	_ =	shalt  }
0x78: {  	_ =	shalt  }
0x79: {  	_ =	shalt  }
0x7a: {  	_ =	shalt  }
0x7b: {  	_ =	shalt  }
0x7c: {  	_ =	shalt  }
0x7d: {  	_ =	shalt  }
0x7e: {  	_ =	shalt  }
0x7f: {  	_ =	shalt  }
0x80: {  	_ =	shalt  }
0x81: {  	_ =	shalt  }
0x82: {  	_ =	shalt  }
0x83: {  	_ =	shalt  }
0x84: {  	_ =	shalt  }
0x85: {  	_ =	shalt  }
0x86: {  	_ =	shalt  }
0x87: {  	_ =	shalt  }
.Lfunc_end0:
.L_simem_size_0:
called_computation_lowered:
.L_overlay_start_0:
0x88: {  	s2 =	sld [smem:$0x3FD9]  }
0x89: {  	s3 =	sld [smem:$0x3FFE];
	_ =	sdelay $0x1  }
0x8a: {  	s1 =	srdreg.scid  }
0x8b: {  	s0 =	sand.u32 $0x1, s1  }
0x8c: {  	s17 =	sshll.u32 s0, $0xA;
	s2 =	sadd.s32 s3, s2  }
0x8d: {  	s2 =	sadd.s32 s2, s17  }
0x8e: {  	[smem:$0x3FC7] =	sst s2  }
0x8f: {  	_ = 	snop  }
0x90: {  	s2 =	sld [smem:$0x3FC9];
	(tm) =	ssettm $0x1  }
0x91: {  	s18 =	sld [smem:$0x3FFB];
	_ =	sdelay $0x3  }
0x92: {  	_ =	strace s18  }
0x93: {  	s3 =	sld [smem:$0x3FFC];
	_ =	sdelay $0x3  }
0x94: {  	_ =	strace s3  }
0x95: {  	s3 =	sld [smem:$0x3FFD];
	_ =	sdelay $0x3  }
0x96: {  	_ =	strace s3  }
0x97: {  	_ =	strace $0x8FFFFFFF  }
0x98: {  	s19 =	sld [smem:$0x3FDB];
	_ =	sdelay $0x1  }
0x99: {  	s4 =	simm.s32 $_scs_section_size  }
0x9a: {  	s5 =	simm.s32 $_size__tile_overlayer_lowered;
	s6 =	simm.s32 $_tile_overlayer_lowered  }
0x9b: {  	s22 =	simm.s32 $0x1BFF;
	s21 =	sshll.u32 s6, $0x1;
	s3 =	sadd.s32 s4, s19  }
0x9c: {  	s7 =	simm.s32 $0x0;
	s20 =	sshll.u32 s5, $0x1;
	s5 =	sadd.s32 s21, s3  }
0x9d: {  	[timem:s7], [sflag:s22] =	dma.local [hbm:s5], s20  }
0x9e: {  	_ =	swait.ge [sflag:s22], s20  }
0x9f: {  	s4 =	ssub.s32 $0x0, s20;
	[sflag:s22] =	ssyncset.done $0x0  }
0xa0: {  	[sflag:s22] =	ssyncadd.s32 s4;
	_ =	sdelay $0x1  }
0xa1: {  	s23 =	simm.s32 $0x1B8B  }
0xa2: {  	_ =	swait.ge [sflag:s23], $0x1  }
0xa3: {  	[sflag:s23] =	ssyncset.done $0x0  }
0xa4: {  	s25 =	simm.s32 $0x1B8E;
	s24 =	sld [smem:$0x3FFE];
	[sflag:s23] =	ssyncadd.s32 $0xFFFFFFFF  }
0xa5: {  	s26 =	simm.s32 $execute0_lowered;
	[smem:$0x3FD2] =	sst s25  }
0xa6: {  	s5 =	sshll.u32 s26, $0x1;
	_ =	strace $0x80000046;
	[dreg:$0x1] =	wrdreg $0xFFFFFFFF  }
0xa7: {  	s28 =	simm.s32 $_size_execute0_lowered;
	s3 =	sadd.s32 s3, s5;
	[dreg:$0x0] =	wrdreg $0x0  }
0xa8: {  	s5 =	sshll.u32 s28, $0x1;
	[dreg:$0x2] =	wrdreg s3  }
0xa9: {  	[dreg:$0x3] =	wrdreg s5  }
0xaa: {  	[dreg:$0x4] =	wrdreg $0xC0  }
0xab: {  	_ =	task [dreg:s7], $0x5FFFF  }
0xac: {  	[dreg:$0x1] =	wrdreg $0xFFFFFFFF  }
0xad: {  	[dreg:$0x0] =	wrdreg $0x60  }
0xae: {  	[dreg:$0x2] =	wrdreg s2  }
0xaf: {  	[dreg:$0x3] =	wrdreg s24  }
0xb0: {  	[dreg:$0x4] =	wrdreg $0xE9000  }
0xb1: {  	[dreg:$0x5] =	wrdreg $0xE9800  }
0xb2: {  	[dreg:$0x6] =	wrdreg $0x9  }
0xb3: {  	_ =	task.clear_ibuf [dreg:s7], $0x7FFFF;
	_ =	strace $0x90000046  }
0xb4: {  	s29 =	simm.s32 $0x9;
	_ =	strace $0x80000048  }
0xb5: {  	_ =	swait.ge [sflag:s29], $0x1  }
0xb6: {  	[sflag:s29] =	ssyncadd.s32 $0xFFFFFFFF  }
0xb7: {  	_ =	strace $0x90000048  }
0xb8: {  	_ =	sfence  }
0xb9: {  	s30 =	sld [smem:$0x0];
	_ =	sdelay $0x2  }
0xba: {  	s31 =	sshll.u32 s1, $0xD;
	s1 =	sshrl.u32 s1, $0x2  }
0xbb: {  	s3 =	sand.u32 $0x4000, s31;
	s1 =	sadd.s32 s1, s30  }
0xbc: {  	s0 =	sor.u32 s3, s0;
	s1 =	sshll.u32 s1, $0x11  }
0xbd: {  	s0 =	sor.u32 s1, s0  }
0xbe: {  	s0 =	sadd.s32 $0x8F2B, s0  }
0xbf: {  	[sflag:s0] =	ssyncadd.remote.s32 $0x1  }
0xc0: {  	_ =	sfence.sel $0xFFFF  }
0xc1: {  	[dreg:$0x0] =	wrdreg $0xFFFFFFFF;
	(pc) =	sbr.abs _section_cstart, $3  }
0xc2: {  	[dreg:$0x1] =	wrdreg $0xFFFFFFFF  }
0xc3: {  	_ =	task.clear_ibuf [dreg:s7], $0x2FFFF;
	_ =	strace $0x9FFFFFFF  }
0xc4: {  	(tm) =	ssettm $0x7FFFFFFF  }
0xc5: {  	_ =	shalt  }
tec
execute0_lowered:
.L_overlay_start_1:
0x0: {  	(tag) =	ssettag $0x1  }
0x1: {  	s4 =	rddreg [dreg:$0x0]  }
0x2: {  	s5 =	rddreg [dreg:$0x1]  }
0x3: {  	s0 =	srdreg.scid;
	s1 =	rddreg [dreg:$0x2]  }
0x4: {  	s2 =	rddreg [dreg:$0x3];
	s22 =	stileid.u32  }
0x5: {  	s3 =	simm.s32 $0x0;
	s19 =	simm.s32 $0x7400;
	s20 =	simm.s32 $0x1  }
0x6: {  	s21 =	simm.s32 $0x2;
	s23 =	simm.s32 $0x3;
	s24 =	simm.s32 $0xE880  }
0x7: {  	s25 =	simm.s32 $0x0;
	s8 =	sand.u32 $0x1, s0;
	s0 =	rddreg [dreg:$0x4]  }
0x8: {  	[smem:$0x7FF] =	sst s3;
	s31 =	sshll.u32 s22, $0x7;
	s15 =	smul.u32 $0xE8, s22  }
0x9: {  	p0 =	sne.s32 s22, $0x0;
	s6 =	sshll.u32 s8, $0x4;
	_ =	strace $0x80000047  }
0xa: {  	s7 =	ssub.s32 $0x2, s8;
	s9 =	sshll.u32 s8, $0x8;
	s14 =	smul.u32 $0xE80, s8  }
0xb: {  	s6 =	sor.u32 s22, s6;
	s10 =	sshrl.u32 s7, $0x1;
	s12 =	sadd.s32 s9, s5  }
0xc: {  	s9 =	sadd.s32 s31, s1;
	s22 =	simm.s32 $0xE800;
	s6 =	smul.u32 $0xE80, s6  }
0xd: {  	s13 =	ssub.s32 s7, s10;
	s10 =	sadd.s32 s31, s2;
	s11 =	sadd.s32 $0xE00, s12  }
0xe: {  	s12 =	sadd.s32 $0x1000, s12;
	s14 =	sadd.s32 s15, s14;
	s13 =	smax.u32 s13, $0x1  }
0xf: {  	s15 =	sadd.s32 $0x1D00, s14;
	s16 =	sadd.s32 $0x3A00, s14;
	s4 =	sadd.s32 s4, s6  }
0x10: {  	s17 =	sadd.s32 $0x5700, s14;
	s18 =	sadd.s32 $0x7400, s14;
	s5 =	sadd.s32 $0x1D000, s4  }
0x11: {  	s6 =	sadd.s32 $0x3A000, s4;
	s7 =	sadd.s32 $0x57000, s4;
	s8 =	sadd.s32 $0x74000, s4  }
.LBB2_1:
0x12: {  	[tilespmem:s3], [sflag:$0x1] =	stream.linear.gather [hbm4b:s4+s3], $0x7400, $0x38;
	[tilespmem:$0xEA00] =	vst v63  }
0x13: {  	_ = 	snop  }
0x14: {  	[tilespmem:s19], [sflag:$0x2] =	stream.linear.gather [hbm4b:s5+s3], $0x7400, $0x38;
	[tilespmem:$0xEA00] =	vst v63  }
0x15: {  	_ =	swait.ge [sflag:s20], $0x7400  }
0x16: {  	[sflag:s20] =	ssyncset.done $0x0  }
0x17: {  	s26 =	simm.s32 $0x40;
	[sflag:s20] =	ssyncadd.s32 $0xFFFF8C00  }
0x18: {  	v2 =	vld [tilespmem:s26+$0xFFFFFFC0]  }
0x19: {  	v4 =	vld [tilespmem:s26+$0xFFFFFFD0]  }
0x1a: {  	v6 =	vld [tilespmem:s26+$0xFFFFFFE0]  }
0x1b: {  	v7 =	vld [tilespmem:s26+$0xFFFFFFF0]  }
0x1c: {  	v8 =	vld [tilespmem:s26+$0x0]  }
0x1d: {  	v10 =	vld [tilespmem:s26+$0x10]  }
0x1e: {  	v11 =	vld [tilespmem:s26+$0x20];
	_ =	sdelay $0x1  }
0x1f: {  	v12 =	vimm.f32 $-Inf;
	s29 =	simm.s32 $0xC0;
	v13 =	vld [tilespmem:s26+$0x30]  }
0x20: {  	v0 =	vimm.s32 $0x0;
	v22 =	vld [tilespmem:s29+$0xFFFFFFC0];
	vm0 =	vgt.f32 v2, v12;
	vm1 =	vgt.f32 v4, v12  }
0x21: {  	v1 =	vld [tilespmem:s29+$0xFFFFFFD0];
	vm2 =	vgt.f32 v6, v12;
	vm3 =	vgt.f32 v7, v12;
	vm4 =	vgt.f32 v8, v12  }
0x22: {  	s26 =	sadd.s32 $0x0, s14;
	v23 =	vld [tilespmem:s29+$0xFFFFFFE0];
	vm5 =	vgt.f32 v10, v12;
	vm6 =	vgt.f32 v11, v12;
	v3 =	vsel vm0, v2, v12  }
0x23: {  	v16 =	vld [tilespmem:s29+$0x0];
	v5 =	vsel vm0, s26, v0;
	v4 =	vsel vm1, v4, v12;
	v6 =	vsel vm2, v6, v12  }
0x24: {  	v9 =	vld [tilespmem:s29+$0x10];
	v7 =	vsel vm3, v7, v12;
	v8 =	vsel vm4, v8, v12;
	vm0 =	vgt.f32 v13, v12  }
0x25: {  	v2 =	vld [tilespmem:s29+$0xFFFFFFF0];
	v10 =	vsel vm5, v10, v12;
	v11 =	vsel vm6, v11, v12;
	v14 =	vsel vm2, s26, v0  }
0x26: {  	v20 =	vld [tilespmem:s29+$0x20];
	v15 =	vsel vm3, s26, v0;
	v17 =	vsel vm4, s26, v0;
	v18 =	vsel vm5, s26, v0  }
0x27: {  	s28 =	simm.s32 $0x1;
	s30 =	simm.s32 $0x2;
	v21 =	vld [tilespmem:s29+$0x30];
	s29 =	simm.s32 $0x140;
	v19 =	vsel vm6, s26, v0;
	v12 =	vsel vm0, v13, v12;
	v13 =	vsel vm1, s26, v0  }
.LBB2_2:
0x28: {  	v24 =	vld [tilespmem:s29+$0xFFFFFFC0];
	p1 =	sne.s32 s30, $0xE7;
	vm1 =	vgt.f32 v22, v3;
	vm2 =	vgt.f32 v1, v4;
	v0 =	vsel vm0, s26, v0;
	s26 =	sadd.s32 s28, s14;
	s28 =	smov.u32 s30  }
0x29: {  	v3 =	vsel vm1, v22, v3;
	v5 =	vsel vm1, s26, v5;
	v4 =	vsel vm2, v1, v4;
	v1 =	vld [tilespmem:s29+$0xFFFFFFD0]  }
0x2a: {  	vm3 =	vgt.f32 v2, v7;
	vm1 =	vgt.f32 v23, v6;
	vm4 =	vgt.f32 v16, v8;
	v25 =	vld [tilespmem:s29+$0xFFFFFFE0]  }
.Ltmp0:
0x2b: {  	v7 =	vsel vm3, v2, v7;
	v6 =	vsel vm1, v23, v6;
	v8 =	vsel vm4, v16, v8;
	v2 =	vld [tilespmem:s29+$0xFFFFFFF0];
	(pc) =	sbr.rel @p1 .LBB2_2-.Ltmp0, $4  }
0x2c: {  	vm5 =	vgt.f32 v9, v10;
	vm6 =	vgt.f32 v20, v11;
	v16 =	vld [tilespmem:s29+$0x0];
	vm0 =	vgt.f32 v21, v12  }
0x2d: {  	v10 =	vsel vm5, v9, v10;
	v11 =	vsel vm6, v20, v11;
	v9 =	vld [tilespmem:s29+$0x10];
	v12 =	vsel vm0, v21, v12;
	v22 =	vmovc v24  }
0x2e: {  	v13 =	vsel vm2, s26, v13;
	v15 =	vsel vm3, s26, v15;
	v14 =	vsel vm1, s26, v14;
	v20 =	vld [tilespmem:s29+$0x20]  }
0x2f: {  	s30 =	sadd.s32 $0x1, s30;
	v17 =	vsel vm4, s26, v17;
	v18 =	vsel vm5, s26, v18;
	v19 =	vsel vm6, s26, v19;
	v21 =	vld [tilespmem:s29+$0x30];
	s29 =	sadd.s32 $0x80, s29;
	v23 =	vmovc v25  }
0x30: {  	s29 =	simm.s32 $0x0  }
0x31: {  	[tilespmem:s29], [sflag:$0x1] =	stream.linear.gather [hbm4b:s6+s29], $0x7400, $0x38;
	[tilespmem:$0xEA00] =	vst v63  }
0x32: {  	_ =	swait.ge [sflag:s21], $0x7400  }
0x33: {  	[sflag:s21] =	ssyncset.done $0x0  }
0x34: {  	s29 =	simm.s32 $0x7440;
	[sflag:s21] =	ssyncadd.s32 $0xFFFF8C00  }
0x35: {  	v24 =	vld [tilespmem:s29+$0xFFFFFFC0]  }
0x36: {  	vm1 =	vgt.f32 v22, v3;
	vm2 =	vgt.f32 v1, v4;
	v0 =	vsel vm0, s26, v0;
	v25 =	vld [tilespmem:s29+$0xFFFFFFD0]  }
0x37: {  	s28 =	sadd.s32 s28, s14;
	vm0 =	vgt.f32 v23, v6;
	v3 =	vsel vm1, v22, v3;
	vm3 =	vgt.f32 v16, v8;
	v26 =	vld [tilespmem:s29+$0xFFFFFFE0]  }
0x38: {  	v5 =	vsel vm1, s28, v5;
	v4 =	vsel vm2, v1, v4;
	v8 =	vsel vm3, v16, v8;
	v16 =	vld [tilespmem:s29+$0xFFFFFFF0]  }
0x39: {  	vm1 =	vgt.f32 v2, v7;
	v6 =	vsel vm0, v23, v6;
	vm5 =	vgt.f32 v20, v11;
	v27 =	vld [tilespmem:s29+$0x0]  }
0x3a: {  	v13 =	vsel vm2, s28, v13;
	vm6 =	vgt.f32 v21, v12;
	v11 =	vsel vm5, v20, v11;
	v20 =	vld [tilespmem:s29+$0x10]  }
0x3b: {  	v14 =	vsel vm0, s28, v14;
	v7 =	vsel vm1, v2, v7;
	v12 =	vsel vm6, v21, v12;
	v21 =	vld [tilespmem:s29+$0x20]  }
0x3c: {  	vm4 =	vgt.f32 v9, v10;
	v15 =	vsel vm1, s28, v15;
	v17 =	vsel vm3, s28, v17  }
0x3d: {  	v10 =	vsel vm4, v9, v10;
	v18 =	vsel vm4, s28, v18;
	v19 =	vsel vm5, s28, v19;
	v28 =	vld [tilespmem:s29+$0x30];
	s29 =	simm.s32 $0x74C0  }
0x3e: {  	v0 =	vsel vm6, s28, v0;
	v22 =	vld [tilespmem:s29+$0xFFFFFFC0];
	vm0 =	vgt.f32 v24, v3;
	vm1 =	vgt.f32 v25, v4  }
0x3f: {  	v1 =	vld [tilespmem:s29+$0xFFFFFFD0];
	vm2 =	vgt.f32 v26, v6;
	vm3 =	vgt.f32 v16, v7;
	vm13 =	vgt.f32 v27, v8  }
0x40: {  	s26 =	sadd.s32 $0x0, s15;
	v23 =	vld [tilespmem:s29+$0xFFFFFFE0];
	vm14 =	vgt.f32 v20, v10;
	vm15 =	vgt.f32 v21, v11;
	v3 =	vsel vm0, v24, v3  }
0x41: {  	v2 =	vld [tilespmem:s29+$0xFFFFFFF0];
	v5 =	vsel vm0, s26, v5;
	v4 =	vsel vm1, v25, v4;
	v6 =	vsel vm2, v26, v6  }
0x42: {  	v9 =	vld [tilespmem:s29+$0x10];
	v7 =	vsel vm3, v16, v7;
	v8 =	vsel vm13, v27, v8;
	vm0 =	vgt.f32 v28, v12  }
0x43: {  	v16 =	vld [tilespmem:s29+$0x0];
	v10 =	vsel vm14, v20, v10;
	v11 =	vsel vm15, v21, v11;
	v13 =	vsel vm1, s26, v13  }
0x44: {  	v20 =	vld [tilespmem:s29+$0x20];
	v14 =	vsel vm2, s26, v14;
	v15 =	vsel vm3, s26, v15;
	v17 =	vsel vm13, s26, v17  }
0x45: {  	s30 =	simm.s32 $0x2;
	s28 =	simm.s32 $0x1;
	v21 =	vld [tilespmem:s29+$0x30];
	s29 =	simm.s32 $0x7540;
	v18 =	vsel vm14, s26, v18;
	v19 =	vsel vm15, s26, v19;
	v12 =	vsel vm0, v28, v12  }
.LBB2_4:
0x46: {  	v24 =	vld [tilespmem:s29+$0xFFFFFFC0];
	p1 =	sne.s32 s30, $0xE7;
	vm1 =	vgt.f32 v22, v3;
	vm2 =	vgt.f32 v1, v4;
	v0 =	vsel vm0, s26, v0;
	s26 =	sadd.s32 s28, s15;
	s28 =	smov.u32 s30  }
0x47: {  	v3 =	vsel vm1, v22, v3;
	v5 =	vsel vm1, s26, v5;
	v4 =	vsel vm2, v1, v4;
	v1 =	vld [tilespmem:s29+$0xFFFFFFD0]  }
0x48: {  	vm3 =	vgt.f32 v2, v7;
	vm1 =	vgt.f32 v23, v6;
	vm4 =	vgt.f32 v16, v8;
	v25 =	vld [tilespmem:s29+$0xFFFFFFE0]  }
.Ltmp1:
0x49: {  	v7 =	vsel vm3, v2, v7;
	v6 =	vsel vm1, v23, v6;
	v8 =	vsel vm4, v16, v8;
	v2 =	vld [tilespmem:s29+$0xFFFFFFF0];
	(pc) =	sbr.rel @p1 .LBB2_4-.Ltmp1, $4  }
0x4a: {  	vm5 =	vgt.f32 v9, v10;
	vm6 =	vgt.f32 v20, v11;
	v16 =	vld [tilespmem:s29+$0x0];
	vm0 =	vgt.f32 v21, v12  }
0x4b: {  	v10 =	vsel vm5, v9, v10;
	v11 =	vsel vm6, v20, v11;
	v9 =	vld [tilespmem:s29+$0x10];
	v12 =	vsel vm0, v21, v12;
	v22 =	vmovc v24  }
0x4c: {  	v13 =	vsel vm2, s26, v13;
	v15 =	vsel vm3, s26, v15;
	v14 =	vsel vm1, s26, v14;
	v20 =	vld [tilespmem:s29+$0x20]  }
0x4d: {  	s30 =	sadd.s32 $0x1, s30;
	v17 =	vsel vm4, s26, v17;
	v18 =	vsel vm5, s26, v18;
	v19 =	vsel vm6, s26, v19;
	v21 =	vld [tilespmem:s29+$0x30];
	s29 =	sadd.s32 $0x80, s29;
	v23 =	vmovc v25  }
0x4e: {  	s29 =	simm.s32 $0x0  }
0x4f: {  	[tilespmem:s19], [sflag:$0x2] =	stream.linear.gather [hbm4b:s7+s29], $0x7400, $0x38;
	[tilespmem:$0xEA00] =	vst v63  }
0x50: {  	_ =	swait.ge [sflag:s20], $0x7400  }
0x51: {  	[sflag:s20] =	ssyncset.done $0x0  }
0x52: {  	s29 =	simm.s32 $0x40;
	[sflag:s20] =	ssyncadd.s32 $0xFFFF8C00  }
0x53: {  	v24 =	vld [tilespmem:s29+$0xFFFFFFC0]  }
0x54: {  	vm1 =	vgt.f32 v22, v3;
	vm2 =	vgt.f32 v1, v4;
	v0 =	vsel vm0, s26, v0;
	v25 =	vld [tilespmem:s29+$0xFFFFFFD0]  }
0x55: {  	s28 =	sadd.s32 s28, s15;
	vm0 =	vgt.f32 v23, v6;
	v3 =	vsel vm1, v22, v3;
	vm3 =	vgt.f32 v16, v8;
	v26 =	vld [tilespmem:s29+$0xFFFFFFE0]  }
0x56: {  	v5 =	vsel vm1, s28, v5;
	v4 =	vsel vm2, v1, v4;
	v8 =	vsel vm3, v16, v8;
	v16 =	vld [tilespmem:s29+$0xFFFFFFF0]  }
0x57: {  	vm1 =	vgt.f32 v2, v7;
	v6 =	vsel vm0, v23, v6;
	vm5 =	vgt.f32 v20, v11;
	v27 =	vld [tilespmem:s29+$0x0]  }
0x58: {  	v13 =	vsel vm2, s28, v13;
	vm6 =	vgt.f32 v21, v12;
	v11 =	vsel vm5, v20, v11;
	v20 =	vld [tilespmem:s29+$0x10]  }
0x59: {  	v14 =	vsel vm0, s28, v14;
	v7 =	vsel vm1, v2, v7;
	v12 =	vsel vm6, v21, v12;
	v21 =	vld [tilespmem:s29+$0x20]  }
0x5a: {  	vm4 =	vgt.f32 v9, v10;
	v15 =	vsel vm1, s28, v15;
	v17 =	vsel vm3, s28, v17  }
0x5b: {  	v10 =	vsel vm4, v9, v10;
	v18 =	vsel vm4, s28, v18;
	v19 =	vsel vm5, s28, v19;
	v28 =	vld [tilespmem:s29+$0x30];
	s29 =	simm.s32 $0xC0  }
0x5c: {  	v0 =	vsel vm6, s28, v0;
	v22 =	vld [tilespmem:s29+$0xFFFFFFC0];
	vm0 =	vgt.f32 v24, v3;
	vm1 =	vgt.f32 v25, v4  }
0x5d: {  	v1 =	vld [tilespmem:s29+$0xFFFFFFD0];
	vm2 =	vgt.f32 v26, v6;
	vm3 =	vgt.f32 v16, v7;
	vm13 =	vgt.f32 v27, v8  }
0x5e: {  	s26 =	sadd.s32 $0x0, s16;
	v23 =	vld [tilespmem:s29+$0xFFFFFFE0];
	vm14 =	vgt.f32 v20, v10;
	vm15 =	vgt.f32 v21, v11;
	v3 =	vsel vm0, v24, v3  }
0x5f: {  	v2 =	vld [tilespmem:s29+$0xFFFFFFF0];
	v5 =	vsel vm0, s26, v5;
	v4 =	vsel vm1, v25, v4;
	v6 =	vsel vm2, v26, v6  }
0x60: {  	v9 =	vld [tilespmem:s29+$0x10];
	v7 =	vsel vm3, v16, v7;
	v8 =	vsel vm13, v27, v8;
	vm0 =	vgt.f32 v28, v12  }
0x61: {  	v16 =	vld [tilespmem:s29+$0x0];
	v10 =	vsel vm14, v20, v10;
	v11 =	vsel vm15, v21, v11;
	v13 =	vsel vm1, s26, v13  }
0x62: {  	v20 =	vld [tilespmem:s29+$0x20];
	v14 =	vsel vm2, s26, v14;
	v15 =	vsel vm3, s26, v15;
	v17 =	vsel vm13, s26, v17  }
0x63: {  	s30 =	simm.s32 $0x2;
	s28 =	simm.s32 $0x1;
	v21 =	vld [tilespmem:s29+$0x30];
	s29 =	simm.s32 $0x140;
	v18 =	vsel vm14, s26, v18;
	v19 =	vsel vm15, s26, v19;
	v12 =	vsel vm0, v28, v12  }
.LBB2_6:
0x64: {  	v24 =	vld [tilespmem:s29+$0xFFFFFFC0];
	p1 =	sne.s32 s30, $0xE7;
	vm1 =	vgt.f32 v22, v3;
	vm2 =	vgt.f32 v1, v4;
	v0 =	vsel vm0, s26, v0;
	s26 =	sadd.s32 s28, s16;
	s28 =	smov.u32 s30  }
0x65: {  	v3 =	vsel vm1, v22, v3;
	v5 =	vsel vm1, s26, v5;
	v4 =	vsel vm2, v1, v4;
	v1 =	vld [tilespmem:s29+$0xFFFFFFD0]  }
0x66: {  	vm3 =	vgt.f32 v2, v7;
	vm1 =	vgt.f32 v23, v6;
	vm4 =	vgt.f32 v16, v8;
	v25 =	vld [tilespmem:s29+$0xFFFFFFE0]  }
.Ltmp2:
0x67: {  	v7 =	vsel vm3, v2, v7;
	v6 =	vsel vm1, v23, v6;
	v8 =	vsel vm4, v16, v8;
	v2 =	vld [tilespmem:s29+$0xFFFFFFF0];
	(pc) =	sbr.rel @p1 .LBB2_6-.Ltmp2, $4  }
0x68: {  	vm5 =	vgt.f32 v9, v10;
	vm6 =	vgt.f32 v20, v11;
	v16 =	vld [tilespmem:s29+$0x0];
	vm0 =	vgt.f32 v21, v12  }
0x69: {  	v10 =	vsel vm5, v9, v10;
	v11 =	vsel vm6, v20, v11;
	v9 =	vld [tilespmem:s29+$0x10];
	v12 =	vsel vm0, v21, v12;
	v22 =	vmovc v24  }
0x6a: {  	v13 =	vsel vm2, s26, v13;
	v15 =	vsel vm3, s26, v15;
	v14 =	vsel vm1, s26, v14;
	v20 =	vld [tilespmem:s29+$0x20]  }
0x6b: {  	s30 =	sadd.s32 $0x1, s30;
	v17 =	vsel vm4, s26, v17;
	v18 =	vsel vm5, s26, v18;
	v19 =	vsel vm6, s26, v19;
	v21 =	vld [tilespmem:s29+$0x30];
	s29 =	sadd.s32 $0x80, s29;
	v23 =	vmovc v25  }
0x6c: {  	s29 =	simm.s32 $0x0  }
0x6d: {  	[tilespmem:s29], [sflag:$0x1] =	stream.linear.gather [hbm4b:s8+s29], $0x7400, $0x38;
	[tilespmem:$0xEA00] =	vst v63  }
0x6e: {  	_ =	swait.ge [sflag:s21], $0x7400  }
0x6f: {  	[sflag:s21] =	ssyncset.done $0x0  }
0x70: {  	s29 =	simm.s32 $0x7440;
	[sflag:s21] =	ssyncadd.s32 $0xFFFF8C00  }
0x71: {  	v24 =	vld [tilespmem:s29+$0xFFFFFFC0]  }
0x72: {  	vm1 =	vgt.f32 v22, v3;
	vm2 =	vgt.f32 v1, v4;
	v0 =	vsel vm0, s26, v0;
	v25 =	vld [tilespmem:s29+$0xFFFFFFD0]  }
0x73: {  	s28 =	sadd.s32 s28, s16;
	vm0 =	vgt.f32 v23, v6;
	v3 =	vsel vm1, v22, v3;
	vm3 =	vgt.f32 v16, v8;
	v26 =	vld [tilespmem:s29+$0xFFFFFFE0]  }
0x74: {  	v5 =	vsel vm1, s28, v5;
	v4 =	vsel vm2, v1, v4;
	v8 =	vsel vm3, v16, v8;
	v16 =	vld [tilespmem:s29+$0xFFFFFFF0]  }
0x75: {  	vm1 =	vgt.f32 v2, v7;
	v6 =	vsel vm0, v23, v6;
	vm5 =	vgt.f32 v20, v11;
	v27 =	vld [tilespmem:s29+$0x0]  }
0x76: {  	v13 =	vsel vm2, s28, v13;
	vm6 =	vgt.f32 v21, v12;
	v11 =	vsel vm5, v20, v11;
	v20 =	vld [tilespmem:s29+$0x10]  }
0x77: {  	v14 =	vsel vm0, s28, v14;
	v7 =	vsel vm1, v2, v7;
	v12 =	vsel vm6, v21, v12;
	v21 =	vld [tilespmem:s29+$0x20]  }
0x78: {  	vm4 =	vgt.f32 v9, v10;
	v15 =	vsel vm1, s28, v15;
	v17 =	vsel vm3, s28, v17  }
0x79: {  	v10 =	vsel vm4, v9, v10;
	v18 =	vsel vm4, s28, v18;
	v19 =	vsel vm5, s28, v19;
	v28 =	vld [tilespmem:s29+$0x30];
	s29 =	simm.s32 $0x74C0  }
0x7a: {  	v0 =	vsel vm6, s28, v0;
	v22 =	vld [tilespmem:s29+$0xFFFFFFC0];
	vm0 =	vgt.f32 v24, v3;
	vm1 =	vgt.f32 v25, v4  }
0x7b: {  	v1 =	vld [tilespmem:s29+$0xFFFFFFD0];
	vm2 =	vgt.f32 v26, v6;
	vm3 =	vgt.f32 v16, v7;
	vm13 =	vgt.f32 v27, v8  }
0x7c: {  	s26 =	sadd.s32 $0x0, s17;
	v23 =	vld [tilespmem:s29+$0xFFFFFFE0];
	vm14 =	vgt.f32 v20, v10;
	vm15 =	vgt.f32 v21, v11;
	v3 =	vsel vm0, v24, v3  }
0x7d: {  	v2 =	vld [tilespmem:s29+$0xFFFFFFF0];
	v5 =	vsel vm0, s26, v5;
	v4 =	vsel vm1, v25, v4;
	v6 =	vsel vm2, v26, v6  }
0x7e: {  	v9 =	vld [tilespmem:s29+$0x10];
	v7 =	vsel vm3, v16, v7;
	v8 =	vsel vm13, v27, v8;
	vm0 =	vgt.f32 v28, v12  }
0x7f: {  	v16 =	vld [tilespmem:s29+$0x0];
	v10 =	vsel vm14, v20, v10;
	v11 =	vsel vm15, v21, v11;
	v13 =	vsel vm1, s26, v13  }
0x80: {  	v20 =	vld [tilespmem:s29+$0x20];
	v14 =	vsel vm2, s26, v14;
	v15 =	vsel vm3, s26, v15;
	v17 =	vsel vm13, s26, v17  }
0x81: {  	s30 =	simm.s32 $0x2;
	s28 =	simm.s32 $0x1;
	v21 =	vld [tilespmem:s29+$0x30];
	s29 =	simm.s32 $0x7540;
	v18 =	vsel vm14, s26, v18;
	v19 =	vsel vm15, s26, v19;
	v12 =	vsel vm0, v28, v12  }
.LBB2_8:
0x82: {  	v24 =	vld [tilespmem:s29+$0xFFFFFFC0];
	p1 =	sne.s32 s30, $0xE7;
	vm1 =	vgt.f32 v22, v3;
	vm2 =	vgt.f32 v1, v4;
	v0 =	vsel vm0, s26, v0;
	s26 =	sadd.s32 s28, s17;
	s28 =	smov.u32 s30  }
0x83: {  	v3 =	vsel vm1, v22, v3;
	v5 =	vsel vm1, s26, v5;
	v4 =	vsel vm2, v1, v4;
	v1 =	vld [tilespmem:s29+$0xFFFFFFD0]  }
0x84: {  	vm3 =	vgt.f32 v2, v7;
	vm1 =	vgt.f32 v23, v6;
	vm4 =	vgt.f32 v16, v8;
	v25 =	vld [tilespmem:s29+$0xFFFFFFE0]  }
.Ltmp3:
0x85: {  	v7 =	vsel vm3, v2, v7;
	v6 =	vsel vm1, v23, v6;
	v8 =	vsel vm4, v16, v8;
	v2 =	vld [tilespmem:s29+$0xFFFFFFF0];
	(pc) =	sbr.rel @p1 .LBB2_8-.Ltmp3, $4  }
0x86: {  	vm5 =	vgt.f32 v9, v10;
	vm6 =	vgt.f32 v20, v11;
	v16 =	vld [tilespmem:s29+$0x0];
	vm0 =	vgt.f32 v21, v12  }
0x87: {  	v10 =	vsel vm5, v9, v10;
	v11 =	vsel vm6, v20, v11;
	v9 =	vld [tilespmem:s29+$0x10];
	v12 =	vsel vm0, v21, v12;
	v22 =	vmovc v24  }
0x88: {  	v13 =	vsel vm2, s26, v13;
	v15 =	vsel vm3, s26, v15;
	v14 =	vsel vm1, s26, v14;
	v20 =	vld [tilespmem:s29+$0x20]  }
0x89: {  	s30 =	sadd.s32 $0x1, s30;
	v17 =	vsel vm4, s26, v17;
	v18 =	vsel vm5, s26, v18;
	v19 =	vsel vm6, s26, v19;
	v21 =	vld [tilespmem:s29+$0x30];
	s29 =	sadd.s32 $0x80, s29;
	v23 =	vmovc v25  }
0x8a: {  	_ =	swait.ge [sflag:s20], $0x7400  }
0x8b: {  	[sflag:s20] =	ssyncset.done $0x0  }
0x8c: {  	s29 =	simm.s32 $0x40;
	[sflag:s20] =	ssyncadd.s32 $0xFFFF8C00  }
0x8d: {  	vm1 =	vgt.f32 v22, v3;
	vm2 =	vgt.f32 v1, v4;
	v0 =	vsel vm0, s26, v0;
	v24 =	vld [tilespmem:s29+$0xFFFFFFC0]  }
0x8e: {  	s28 =	sadd.s32 s28, s17;
	vm0 =	vgt.f32 v23, v6;
	v3 =	vsel vm1, v22, v3;
	v1 =	vsel vm2, v1, v4;
	v4 =	vld [tilespmem:s29+$0xFFFFFFD0]  }
0x8f: {  	v5 =	vsel vm1, s28, v5;
	vm1 =	vgt.f32 v2, v7;
	vm3 =	vgt.f32 v16, v8;
	v25 =	vld [tilespmem:s29+$0xFFFFFFE0]  }
0x90: {  	v26 =	vsel vm0, v23, v6;
	v2 =	vsel vm1, v2, v7;
	v7 =	vsel vm3, v16, v8;
	v8 =	vld [tilespmem:s29+$0xFFFFFFF0]  }
0x91: {  	v29 =	vsel vm0, s28, v14;
	vm4 =	vgt.f32 v9, v10;
	v30 =	vsel vm1, s28, v15;
	v27 =	vld [tilespmem:s29+$0x0]  }
0x92: {  	v17 =	vsel vm3, s28, v17;
	vm5 =	vgt.f32 v20, v11;
	v28 =	vsel vm4, v9, v10;
	v31 =	vld [tilespmem:s29+$0x20]  }
0x93: {  	v32 =	vsel vm4, s28, v18;
	v18 =	vld [tilespmem:s29+$0x30];
	vm6 =	vgt.f32 v21, v12;
	v11 =	vsel vm5, v20, v11  }
0x94: {  	v20 =	vld [tilespmem:s29+$0x10];
	v33 =	vsel vm5, s28, v19;
	s29 =	simm.s32 $0xC0;
	v12 =	vsel vm6, v21, v12;
	v21 =	vsel vm2, s28, v13  }
0x95: {  	v0 =	vsel vm6, s28, v0;
	v22 =	vld [tilespmem:s29+$0xFFFFFFC0];
	vm0 =	vgt.f32 v24, v3;
	vm1 =	vgt.f32 v4, v1  }
0x96: {  	s26 =	sadd.s32 $0x0, s18;
	v10 =	vld [tilespmem:s29+$0xFFFFFFD0];
	vm2 =	vgt.f32 v25, v26;
	vm3 =	vgt.f32 v8, v2;
	vm13 =	vgt.f32 v27, v7  }
0x97: {  	v23 =	vld [tilespmem:s29+$0xFFFFFFE0];
	vm15 =	vgt.f32 v31, v11;
	v16 =	vsel vm0, v24, v3;
	v14 =	vsel vm0, s26, v5  }
0x98: {  	v6 =	vld [tilespmem:s29+$0xFFFFFFF0];
	v13 =	vsel vm1, v4, v1;
	v15 =	vsel vm2, v25, v26;
	v9 =	vsel vm3, v8, v2  }
0x99: {  	v3 =	vsel vm13, v27, v7;
	v7 =	vld [tilespmem:s29+$0x0];
	vm14 =	vgt.f32 v20, v28;
	vm0 =	vgt.f32 v18, v12  }
0x9a: {  	v4 =	vld [tilespmem:s29+$0x10];
	v2 =	vsel vm15, v31, v11;
	v21 =	vsel vm1, s26, v21;
	v19 =	vsel vm13, s26, v17  }
0x9b: {  	v8 =	vld [tilespmem:s29+$0x20];
	v5 =	vsel vm14, v20, v28;
	v1 =	vsel vm0, v18, v12;
	v20 =	vsel vm2, s26, v29  }
0x9c: {  	s30 =	simm.s32 $0x2;
	s28 =	simm.s32 $0x1;
	v11 =	vld [tilespmem:s29+$0x30];
	s29 =	simm.s32 $0x140;
	v18 =	vsel vm3, s26, v30;
	v17 =	vsel vm14, s26, v32;
	v12 =	vsel vm15, s26, v33  }
.LBB2_10:
0x9d: {  	v24 =	vld [tilespmem:s29+$0xFFFFFFC0];
	p1 =	sne.s32 s30, $0xE7;
	vm1 =	vgt.f32 v22, v16;
	vm2 =	vgt.f32 v10, v13;
	v0 =	vsel vm0, s26, v0;
	s26 =	sadd.s32 s28, s18;
	s28 =	smov.u32 s30  }
0x9e: {  	v16 =	vsel vm1, v22, v16;
	v14 =	vsel vm1, s26, v14;
	v13 =	vsel vm2, v10, v13;
	v10 =	vld [tilespmem:s29+$0xFFFFFFD0]  }
0x9f: {  	vm3 =	vgt.f32 v6, v9;
	vm1 =	vgt.f32 v23, v15;
	vm4 =	vgt.f32 v7, v3;
	v25 =	vld [tilespmem:s29+$0xFFFFFFE0]  }
.Ltmp4:
0xa0: {  	v9 =	vsel vm3, v6, v9;
	v15 =	vsel vm1, v23, v15;
	v3 =	vsel vm4, v7, v3;
	v6 =	vld [tilespmem:s29+$0xFFFFFFF0];
	(pc) =	sbr.rel @p1 .LBB2_10-.Ltmp4, $4  }
0xa1: {  	vm5 =	vgt.f32 v4, v5;
	vm6 =	vgt.f32 v8, v2;
	v7 =	vld [tilespmem:s29+$0x0];
	vm0 =	vgt.f32 v11, v1  }
0xa2: {  	v5 =	vsel vm5, v4, v5;
	v2 =	vsel vm6, v8, v2;
	v4 =	vld [tilespmem:s29+$0x10];
	v1 =	vsel vm0, v11, v1;
	v22 =	vmovc v24  }
0xa3: {  	v21 =	vsel vm2, s26, v21;
	v18 =	vsel vm3, s26, v18;
	v20 =	vsel vm1, s26, v20;
	v8 =	vld [tilespmem:s29+$0x20]  }
0xa4: {  	s30 =	sadd.s32 $0x1, s30;
	v19 =	vsel vm4, s26, v19;
	v17 =	vsel vm5, s26, v17;
	v12 =	vsel vm6, s26, v12;
	v11 =	vld [tilespmem:s29+$0x30];
	s29 =	sadd.s32 $0x80, s29;
	v23 =	vmovc v25  }
0xa5: {  	vm1 =	vgt.f32 v22, v16  }
0xa6: {  	s28 =	sadd.s32 s28, s18;
	v16 =	vsel vm1, v22, v16  }
0xa7: {  	vm2 =	vgt.f32 v10, v13;
	v14 =	vsel vm1, s28, v14;
	[tilespmem:$0xE800] =	vst v16  }
0xa8: {  	v10 =	vsel vm2, v10, v13;
	[tilespmem:$0xE880] =	vst v14  }
0xa9: {  	vm10 =	vgt.f32 v23, v15;
	v56 =	vsel vm2, s28, v21;
	[tilespmem:$0xE810] =	vst v10  }
0xaa: {  	v57 =	vsel vm10, v23, v15;
	[tilespmem:$0xE890] =	vst v56  }
0xab: {  	vm11 =	vgt.f32 v6, v9;
	v58 =	vsel vm10, s28, v20;
	[tilespmem:$0xE820] =	vst v57  }
0xac: {  	v6 =	vsel vm11, v6, v9;
	[tilespmem:$0xE8A0] =	vst v58  }
0xad: {  	vm12 =	vgt.f32 v7, v3;
	v59 =	vsel vm11, s28, v18;
	[tilespmem:$0xE830] =	vst v6  }
0xae: {  	v3 =	vsel vm12, v7, v3;
	[tilespmem:$0xE8B0] =	vst v59  }
0xaf: {  	vm13 =	vgt.f32 v4, v5;
	v60 =	vsel vm12, s28, v19;
	[tilespmem:$0xE840] =	vst v3  }
0xb0: {  	v61 =	vsel vm13, v4, v5;
	[tilespmem:$0xE8C0] =	vst v60  }
0xb1: {  	vm14 =	vgt.f32 v8, v2;
	v62 =	vsel vm13, s28, v17;
	[tilespmem:$0xE850] =	vst v61  }
0xb2: {  	v2 =	vsel vm14, v8, v2;
	[tilespmem:$0xE8D0] =	vst v62  }
0xb3: {  	vm15 =	vgt.f32 v11, v1;
	v63 =	vsel vm14, s28, v12;
	[tilespmem:$0xE860] =	vst v2  }
0xb4: {  	v0 =	vsel vm0, s26, v0;
	v1 =	vsel vm15, v11, v1;
	[tilespmem:$0xE8E0] =	vst v63  }
0xb5: {  	v0 =	vsel vm15, s28, v0;
	[tilespmem:$0xE870] =	vst v1  }
0xb6: {  	[tilespmem:$0xE8F0] =	vst v0  }
0xb7: {  	[spmem:s9] =	stream.linear.scatter [tilespmem:s22], [sflag:$0x3], $0x80, $0x38;
	[tilespmem:$0xEA00] =	vst v63  }
0xb8: {  	_ =	swait.ge [sflag:s23], $0x80  }
0xb9: {  	[sflag:s23] =	ssyncset.done $0x0  }
0xba: {  	[sflag:s23] =	ssyncadd.s32 $0xFFFFFF80  }
0xbb: {  	[spmem:s10] =	stream.linear.scatter [tilespmem:s24], [sflag:$0x3], $0x80, $0x38;
	[tilespmem:$0xEA00] =	vst v63  }
0xbc: {  	_ =	swait.ge [sflag:s23], $0x80  }
0xbd: {  	[sflag:s23] =	ssyncset.done $0x0  }
0xbe: {  	[sflag:s23] =	ssyncadd.s32 $0xFFFFFF80  }
0xbf: {  	s26 =	sshrl.u32 @!p0 s1, $0x3;
	s28 =	simm.s32 @!p0 $0x1C03;
	[bflag:$0x0] =	sbarrier.arrive $0xFFFF  }
0xc0: {  	[hbm:s11], [sflag:s28] =	dma.local @!p0 [spmem:s26], $0x100  }
0xc1: {  	s26 =	simm.s32 @!p0 $0x3  }
0xc2: {  	s25 =	sadd.s32 $0x1, s25;
	_ =	swait.ge @!p0 [sflag:s26], $0x100  }
0xc3: {  	p1 =	sne.s32 s25, s13;
	[sflag:s26] =	ssyncset.done @!p0 $0x0  }
.Ltmp5:
0xc4: {  	s29 =	sshrl.u32 @!p0 s2, $0x3;
	[sflag:s26] =	ssyncadd.s32 @!p0 $0xFFFFFF00;
	(pc) =	sbr.rel @p1 .LBB2_1-.Ltmp5, $4  }
0xc5: {  	[hbm:s12], [sflag:s28] =	dma.local @!p0 [spmem:s29], $0x100  }
0xc6: {  	_ =	swait.ge @!p0 [sflag:s26], $0x100  }
0xc7: {  	[sflag:s26] =	ssyncset.done @!p0 $0x0  }
0xc8: {  	[sflag:s26] =	ssyncadd.s32 @!p0 $0xFFFFFF00  }
0xc9: {  	_ =	sfence.sel $0x180000  }
0xca: {  	[bflag:$0x0] =	sbarrier.arrive $0xFFFF  }
0xcb: {  	_ =	strace $0x90000047  }
0xcc: {  	s0 =	sadd.s32 @!p0 $0x100000, s0;
	[bflag:$0x2] =	sbarrier.arrive $0xFFFF  }
0xcd: {  	[sflag:s0] =	ssyncadd.tile.s32 @!p0 $0x1;
	_ =	shalt  }
.Lfunc_end2:
_tile_overlayer_lowered:
.L_overlay_start_2:
0xce: {  	(tag) =	ssettag $0x2  }
0xcf: {  	s0 =	rddreg [dreg:$0x0];
	s2 =	stileid.u32  }
0xd0: {  	s1 =	rddreg [dreg:$0x1];
	p0 =	sne.s32 s2, $0x0  }
0xd1: {  	s3 =	rddreg [dreg:$0x2];
	[bflag:$0x3] =	sbarrier.arrive $0xFFFF;
	s2 =	simm.s32 @!p0 $0x1C03  }
0xd2: {  	[timem:s3], [sflag:s2] =	dma.local @!p0 [hbm:s0], s1  }
0xd3: {  	s0 =	simm.s32 @!p0 $0x3  }
0xd4: {  	_ =	swait.ge @!p0 [sflag:s0], s1  }
0xd5: {  	s1 =	ssub.s32 @!p0 $0x0, s1;
	[sflag:s0] =	ssyncset.done @!p0 $0x0  }
0xd6: {  	[sflag:s0] =	ssyncadd.s32 @!p0 s1  }
0xd7: {  	[bflag:$0x3] =	sbarrier.arrive $0xFFFF  }
0xd8: {  	_ =	shalt  }

</sc_bundles>
